<compile_context>
chip_gen: v7x
topology: tpu7x:2x2x1
jax: 0.10.2.dev20260603
libtpu: 0.0.44.dev20260713+nightly
codegen_flags: <defaults>
</compile_context>

<pallas_src>
import functools

import jax
import jax.numpy as jnp
from jax import lax
from jax.experimental import pallas as pl
from jax.experimental.pallas import tpu as pltpu
from jax.experimental.pallas import tpu_sc as plsc

NUM_EMB = 1000000
DIM = 64
GRP = 128
N_TOTAL = 4096 * 200
NC, NS, L = 2, 16, 16
NW = NC * NS
PER_W = N_TOTAL // NW
TILE = 128
N_TILES = PER_W // TILE
BLK = TILE // L


def _vrsqrt(a):
    i = lax.bitcast_convert_type(a, jnp.int32)
    i = 0x5F3759DF - (i >> 1)
    y = lax.bitcast_convert_type(i, jnp.float32)
    half = a * 0.5
    for _ in range(2):
        y = y * (1.5 - half * y * y)
    return y


def _lane_shuffle(v, idx):
    return lax.gather(
        v, idx.reshape(L, 1),
        lax.GatherDimensionNumbers(offset_dims=(), collapsed_slice_dims=(0,),
                                   start_index_map=(0,)),
        slice_sizes=(1,),
        mode=lax.GatherScatterMode.PROMISE_IN_BOUNDS)


def _normalize_tile(t, idx_v, rows, orows):
    iota = lax.iota(jnp.int32, L)
    perms = [iota ^ sh for sh in (8, 4, 2, 1)]

    def blk_body(blk, _):
        pvec = idx_v[pl.ds(t * TILE + blk * L, L)] & 1
        for j in range(L):
            r = blk * L + j
            pj = _lane_shuffle(pvec, jnp.full((L,), j, jnp.int32)) > 0
            v = [jnp.where(pj,
                           rows[r, pl.ds(DIM + k * L, L)],
                           rows[r, pl.ds(k * L, L)])
                 for k in range(DIM // L)]
            s = (v[0] * v[0] + v[1] * v[1]) + (v[2] * v[2] + v[3] * v[3])
            for pm in perms:
                s = s + _lane_shuffle(s, pm)
            y = _vrsqrt(s * (1.0 / DIM) + 1e-6)
            for k in range(DIM // L):
                orows[r, pl.ds(k * L, L)] = v[k] * y
        return 0

    lax.fori_loop(0, BLK, blk_body, 0)


def _sc_body(w_hbm, xf_hbm, xfh_hbm, out_hbm,
             idx_v, idxh_v, buf0, buf1, ob0, ob1, sg0, sg1, so0, so1):
    wid = lax.axis_index("s") * NC + lax.axis_index("c")
    base = wid * PER_W
    pltpu.sync_copy(xf_hbm.at[pl.ds(base, PER_W)], idx_v)
    pltpu.sync_copy(xfh_hbm.at[pl.ds(base, PER_W)], idxh_v)

    bufs = (buf0, buf1)
    obufs = (ob0, ob1)
    sg = (sg0, sg1)
    so = (so0, so1)

    def start_gather(t, b):
        pltpu.async_copy(w_hbm.at[idxh_v.at[pl.ds(t * TILE, TILE)]],
                         bufs[b], sg[b])

    def wait_gather(b):
        pltpu.make_async_copy(
            w_hbm.at[idxh_v.at[pl.ds(0, TILE)]], bufs[b], sg[b]).wait()

    def wait_out(b):
        pltpu.make_async_copy(
            obufs[b], out_hbm.at[pl.ds(base, TILE)], so[b]).wait()

    start_gather(0, 0)

    def pair_body(i, _):
        for b in (0, 1):
            t = 2 * i + b
            nb = 1 - b

            start_gather((t + 1) % N_TILES, nb)
            wait_gather(b)

            @pl.when(t >= 2)
            def _():
                wait_out(b)

            _normalize_tile(t, idx_v, bufs[b], obufs[b])
            pltpu.async_copy(obufs[b],
                             out_hbm.at[pl.ds(base + t * TILE, TILE)], so[b])
        return 0

    lax.fori_loop(0, N_TILES // 2, pair_body, 0)

    wait_out(0)
    wait_out(1)
    wait_gather(0)


@jax.jit
def _sc_lookup(w2, xf, xfh):
    mesh = plsc.VectorSubcoreMesh(core_axis_name="c", subcore_axis_name="s")
    return pl.kernel(
        _sc_body,
        out_type=jax.ShapeDtypeStruct((N_TOTAL, DIM), jnp.float32),
        mesh=mesh,
        compiler_params=pltpu.CompilerParams(needs_layout_passes=False),
        scratch_types=(
            [pltpu.VMEM((PER_W,), jnp.int32),
             pltpu.VMEM((PER_W,), jnp.int32),
             pltpu.VMEM((TILE, GRP), jnp.float32),
             pltpu.VMEM((TILE, GRP), jnp.float32),
             pltpu.VMEM((TILE, DIM), jnp.float32),
             pltpu.VMEM((TILE, DIM), jnp.float32)]
            + [pltpu.SemaphoreType.DMA] * 4
        ),
    )(w2, xf, xfh)


def kernel(x, weight):
    xf = x.reshape(-1).astype(jnp.int32)
    w2 = weight.reshape(NUM_EMB * DIM // GRP, GRP)
    out = _sc_lookup(w2, xf, xf >> 1)
    return out.reshape(x.shape + (DIM,))

# --- scband reference (transcript-rebuilt; emitter-appended) ---
"""Pipeline reference for scband-mpembedding-8942121910751 (READ-ONLY COPY).

The authoritative reference and input builder live on the scoring server;
editing this copy changes nothing except your own understanding.
"""

import jax, jax.numpy as jnp
import numpy as np

NUM_EMBEDDINGS = 1000000
EMBEDDING_DIM = 64
BATCH = 4096
HIST = 200


def rms_norm(w, eps=1e-6):
    # normalize each row to unit RMS (project to sphere)
    return w * jax.lax.rsqrt(jnp.mean(jnp.square(w), axis=-1, keepdims=True) + eps)


def setup_inputs(seed: int = 0) -> dict:
    key = jax.random.key(seed)
    k1, k2 = jax.random.split(key)
    x = jax.random.randint(k1, (BATCH, HIST), 0, NUM_EMBEDDINGS, dtype=jnp.int64 if jax.config.jax_enable_x64 else jnp.int32)
    weight = jax.random.normal(k2, (NUM_EMBEDDINGS, EMBEDDING_DIM), dtype=jnp.float32)
    return {"x": x, "weight": weight}


def reference(x, weight):
    # eval-mode forward: F.embedding(x, rms_norm(weight))
    w = rms_norm(weight)
    return jnp.take(w, x, axis=0)

if __name__ == "__main__":
    import jax
    _d = setup_inputs()
    print(jax.jit(kernel)(*tuple(_d.values())))

</pallas_src>

<mosaic_0001>
#map = affine_map<(d0, d1) -> (0, 0)>
#map1 = affine_map<(d0, d1) -> (0)>
module attributes {stable_mosaic.version = 14 : i64} {
  func.func @_sc_body(%arg0: i32, %arg1: i32, %arg2: memref<500000x128xf32, #tpu.memory_space<hbm>>, %arg3: memref<819200xi32, #tpu.memory_space<hbm>>, %arg4: memref<819200xi32, #tpu.memory_space<hbm>>, %arg5: memref<819200x64xf32, #tpu.memory_space<hbm>>, %arg6: memref<25600xi32, #tpu.memory_space<vmem>>, %arg7: memref<25600xi32, #tpu.memory_space<vmem>>, %arg8: memref<128x128xf32, #tpu.memory_space<vmem>>, %arg9: memref<128x128xf32, #tpu.memory_space<vmem>>, %arg10: memref<128x64xf32, #tpu.memory_space<vmem>>, %arg11: memref<128x64xf32, #tpu.memory_space<vmem>>, %arg12: memref<!tpu.dma_semaphore, #tpu.memory_space<semaphore_mem>>, %arg13: memref<!tpu.dma_semaphore, #tpu.memory_space<semaphore_mem>>, %arg14: memref<!tpu.dma_semaphore, #tpu.memory_space<semaphore_mem>>, %arg15: memref<!tpu.dma_semaphore, #tpu.memory_space<semaphore_mem>>) attributes {dimension_semantics = [#tpu.dimension_semantics<core_parallel>, #tpu.dimension_semantics<subcore_parallel>], iteration_bounds = array<i64: 2, 16>, scalar_prefetch = 0 : i64, scratch_operands = 10 : i64, tpu.core_type = #tpu.core_type<sc_vector_subcore>, window_params = [{transform_indices = #map}, {transform_indices = #map1}, {transform_indices = #map1}, {transform_indices = #map}]} {
    %mul3A = arith.constant 2 : i32
    %mul3A_0 = arith.muli %arg1, %mul3A : i32
    %add3A = arith.addi %mul3A_0, %arg0 : i32
    %mul3A_1 = arith.constant 25600 : i32
    %mul3A_2 = arith.muli %add3A, %mul3A_1 : i32
    "tpu.region"() ({
      %run_scoped3A = tpu.sem_alloc : memref<!tpu.dma_semaphore, #tpu.memory_space<semaphore_mem>>
      %dma_start3A_25 = tpu.memref_slice %arg3[%mul3A_2] : memref<819200xi32, #tpu.memory_space<hbm>> -> memref<25600xi32, #tpu.memory_space<hbm>>
      %dma_start3A_26 = tpu.memref_slice %arg3[%mul3A_2] : memref<819200xi32, #tpu.memory_space<hbm>> -> memref<25600xi32, #tpu.memory_space<hbm>>
      tpu.enqueue_dma source(%dma_start3A_26 : memref<25600xi32, #tpu.memory_space<hbm>>) target(%arg6 : memref<25600xi32, #tpu.memory_space<vmem>>) target_semaphore(%run_scoped3A : memref<!tpu.dma_semaphore, #tpu.memory_space<semaphore_mem>>)
      %dma_wait3A_27 = tpu.memref_slice %arg3[%mul3A_2] : memref<819200xi32, #tpu.memory_space<hbm>> -> memref<25600xi32, #tpu.memory_space<hbm>>
      %dma_wait3A_28 = tpu.memref_slice %arg3[%mul3A_2] : memref<819200xi32, #tpu.memory_space<hbm>> -> memref<25600xi32, #tpu.memory_space<hbm>>
      tpu.wait_dma2 semaphore(%run_scoped3A : memref<!tpu.dma_semaphore, #tpu.memory_space<semaphore_mem>>) src(%dma_wait3A_28 : memref<25600xi32, #tpu.memory_space<hbm>>) dst(%arg6 : memref<25600xi32, #tpu.memory_space<vmem>>)
      tpu.yield
    }) : () -> ()
    "tpu.region"() ({
      %run_scoped3A = tpu.sem_alloc : memref<!tpu.dma_semaphore, #tpu.memory_space<semaphore_mem>>
      %dma_start3A_25 = tpu.memref_slice %arg4[%mul3A_2] : memref<819200xi32, #tpu.memory_space<hbm>> -> memref<25600xi32, #tpu.memory_space<hbm>>
      %dma_start3A_26 = tpu.memref_slice %arg4[%mul3A_2] : memref<819200xi32, #tpu.memory_space<hbm>> -> memref<25600xi32, #tpu.memory_space<hbm>>
      tpu.enqueue_dma source(%dma_start3A_26 : memref<25600xi32, #tpu.memory_space<hbm>>) target(%arg7 : memref<25600xi32, #tpu.memory_space<vmem>>) target_semaphore(%run_scoped3A : memref<!tpu.dma_semaphore, #tpu.memory_space<semaphore_mem>>)
      %dma_wait3A_27 = tpu.memref_slice %arg4[%mul3A_2] : memref<819200xi32, #tpu.memory_space<hbm>> -> memref<25600xi32, #tpu.memory_space<hbm>>
      %dma_wait3A_28 = tpu.memref_slice %arg4[%mul3A_2] : memref<819200xi32, #tpu.memory_space<hbm>> -> memref<25600xi32, #tpu.memory_space<hbm>>
      tpu.wait_dma2 semaphore(%run_scoped3A : memref<!tpu.dma_semaphore, #tpu.memory_space<semaphore_mem>>) src(%dma_wait3A_28 : memref<25600xi32, #tpu.memory_space<hbm>>) dst(%arg7 : memref<25600xi32, #tpu.memory_space<vmem>>)
      tpu.yield
    }) : () -> ()
    %dma_start3A = arith.constant 0 : i32
    %dma_start3A_3 = tpu.memref_slice %arg7[%dma_start3A] : memref<25600xi32, #tpu.memory_space<vmem>> -> memref<128xi32, #tpu.memory_space<vmem>>
    %dma_start3A_4 = arith.constant 0 : i32
    %dma_start3A_5 = arith.constant 0 : i32
    %dma_start3A_6 = tpu.memref_slice %arg2[%dma_start3A_4, %dma_start3A_5] : memref<500000x128xf32, #tpu.memory_space<hbm>> -> memref<500000x128xf32, #tpu.memory_space<hbm>>
    tpu.enqueue_indirect_dma source(%dma_start3A_6 : memref<500000x128xf32, #tpu.memory_space<hbm>>) target(%arg8 : memref<128x128xf32, #tpu.memory_space<vmem>>) offsets(%dma_start3A_3 : memref<128xi32, #tpu.memory_space<vmem>>) semaphore(%arg12 : memref<!tpu.dma_semaphore, #tpu.memory_space<semaphore_mem>>)
    %scan3A = arith.constant 0 : i32
    %scan3A_7 = arith.constant 0 : i32
    %scan3A_8 = arith.constant 100 : i32
    %scan3A_9 = arith.addi %scan3A_7, %scan3A_8 : i32
    %scan3A_10 = arith.constant 1 : i32
    %scan3A_11 = scf.for %scan3A_25 = %scan3A_7 to %scan3A_9 step %scan3A_10 iter_args(%scan3A_26 = %scan3A) -> (i32)  : i32 {
      %mul3A_27 = arith.constant 2 : i32
      %mul3A_28 = arith.muli %mul3A_27, %scan3A_25 : i32
      %add3A_29 = arith.constant 0 : i32
      %add3A_30 = arith.addi %mul3A_28, %add3A_29 : i32
      %add3A_31 = arith.constant 1 : i32
      %add3A_32 = arith.addi %add3A_30, %add3A_31 : i32
      %jit3A = arith.constant 200 : i32
      %eq3A = arith.constant 0 : i32
      %eq3A_33 = arith.cmpi eq, %jit3A, %eq3A : i32
      %jit3A_34 = arith.constant 1 : i32
      %select_n3A = arith.select %eq3A_33, %jit3A_34, %jit3A : i32
      %rem3A = arith.remsi %add3A_32, %select_n3A : i32
      %ne3A = arith.constant 0 : i32
      %ne3A_35 = arith.cmpi ne, %rem3A, %ne3A : i32
      %lt3A = arith.constant 0 : i32
      %lt3A_36 = arith.cmpi slt, %rem3A, %lt3A : i32
      %lt3A_37 = arith.constant 0 : i32
      %lt3A_38 = arith.cmpi slt, %select_n3A, %lt3A_37 : i32
      %ne3A_39 = arith.xori %lt3A_36, %lt3A_38 : i1
      %and3A = arith.andi %ne3A_39, %ne3A_35 : i1
      %add3A_40 = arith.addi %rem3A, %select_n3A : i32
      %select_n3A_41 = arith.select %and3A, %add3A_40, %rem3A : i32
      %mul3A_42 = arith.constant 128 : i32
      %mul3A_43 = arith.muli %select_n3A_41, %mul3A_42 : i32
      %dma_start3A_44 = tpu.memref_slice %arg7[%mul3A_43] : memref<25600xi32, #tpu.memory_space<vmem>> -> memref<128xi32, #tpu.memory_space<vmem>>
      %dma_start3A_45 = arith.constant 0 : i32
      %dma_start3A_46 = arith.constant 0 : i32
      %dma_start3A_47 = tpu.memref_slice %arg2[%dma_start3A_45, %dma_start3A_46] : memref<500000x128xf32, #tpu.memory_space<hbm>> -> memref<500000x128xf32, #tpu.memory_space<hbm>>
      tpu.enqueue_indirect_dma source(%dma_start3A_47 : memref<500000x128xf32, #tpu.memory_space<hbm>>) target(%arg9 : memref<128x128xf32, #tpu.memory_space<vmem>>) offsets(%dma_start3A_44 : memref<128xi32, #tpu.memory_space<vmem>>) semaphore(%arg13 : memref<!tpu.dma_semaphore, #tpu.memory_space<semaphore_mem>>)
      %dma_wait3A_48 = arith.constant 0 : i32
      %dma_wait3A_49 = tpu.memref_slice %arg7[%dma_wait3A_48] : memref<25600xi32, #tpu.memory_space<vmem>> -> memref<128xi32, #tpu.memory_space<vmem>>
      %dma_wait3A_50 = arith.constant 0 : i32
      %dma_wait3A_51 = arith.constant 0 : i32
      %dma_wait3A_52 = tpu.memref_slice %arg2[%dma_wait3A_50, %dma_wait3A_51] : memref<500000x128xf32, #tpu.memory_space<hbm>> -> memref<500000x128xf32, #tpu.memory_space<hbm>>
      tpu.wait_indirect_dma semaphore(%arg12 : memref<!tpu.dma_semaphore, #tpu.memory_space<semaphore_mem>>) src(%dma_wait3A_52 : memref<500000x128xf32, #tpu.memory_space<hbm>>) dst(%arg8 : memref<128x128xf32, #tpu.memory_space<vmem>>)
      %ge3A = arith.constant 2 : i32
      %ge3A_53 = arith.cmpi sge, %add3A_30, %ge3A : i32
      %convert_element_type3A = arith.extui %ge3A_53 : i1 to i32
      %cond3A = arith.constant 0 : i32
      %cond3A_54 = arith.cmpi ne, %convert_element_type3A, %cond3A : i32
      scf.if %cond3A_54 {
        %dma_wait3A_146 = arith.constant 0 : i32
        %dma_wait3A_147 = tpu.memref_slice %arg5[%mul3A_2, %dma_wait3A_146] : memref<819200x64xf32, #tpu.memory_space<hbm>> -> memref<128x64xf32, #tpu.memory_space<hbm>>
        %dma_wait3A_148 = arith.constant 0 : i32
        %dma_wait3A_149 = tpu.memref_slice %arg5[%mul3A_2, %dma_wait3A_148] : memref<819200x64xf32, #tpu.memory_space<hbm>> -> memref<128x64xf32, #tpu.memory_space<hbm>>
        tpu.wait_dma2 semaphore(%arg14 : memref<!tpu.dma_semaphore, #tpu.memory_space<semaphore_mem>>) src(%arg10 : memref<128x64xf32, #tpu.memory_space<vmem>>) dst(%dma_wait3A_149 : memref<128x64xf32, #tpu.memory_space<hbm>>)
      } else {
      }
      %iota3A = tpu.iota {dimensions = array<i32: 0>} : vector<16xi32>
      %xor3A = arith.constant 8 : i32
      %xor3A_55 = vector.broadcast %xor3A : i32 to vector<16xi32>
      %xor3A_56 = arith.xori %iota3A, %xor3A_55 : vector<16xi32>
      %xor3A_57 = arith.constant 4 : i32
      %xor3A_58 = vector.broadcast %xor3A_57 : i32 to vector<16xi32>
      %xor3A_59 = arith.xori %iota3A, %xor3A_58 : vector<16xi32>
      %xor3A_60 = arith.constant 2 : i32
      %xor3A_61 = vector.broadcast %xor3A_60 : i32 to vector<16xi32>
      %xor3A_62 = arith.xori %iota3A, %xor3A_61 : vector<16xi32>
      %xor3A_63 = arith.constant 1 : i32
      %xor3A_64 = vector.broadcast %xor3A_63 : i32 to vector<16xi32>
      %xor3A_65 = arith.xori %iota3A, %xor3A_64 : vector<16xi32>
      %scan3A_66 = arith.constant 0 : i32
      %scan3A_67 = arith.constant 0 : i32
      %scan3A_68 = arith.constant 8 : i32
      %scan3A_69 = arith.addi %scan3A_67, %scan3A_68 : i32
      %scan3A_70 = arith.constant 1 : i32
      %scan3A_71 = scf.for %scan3A_146 = %scan3A_67 to %scan3A_69 step %scan3A_70 iter_args(%scan3A_147 = %scan3A_66) -> (i32)  : i32 {
        %mul3A_148 = arith.constant 128 : i32
        %mul3A_149 = arith.muli %add3A_30, %mul3A_148 : i32
        %mul3A_150 = arith.constant 16 : i32
        %mul3A_151 = arith.muli %scan3A_146, %mul3A_150 : i32
        %add3A_152 = arith.addi %mul3A_149, %mul3A_151 : i32
        %get3A = arith.index_cast %add3A_152 : i32 to index
        %get3A_153 = tpu.vector_load %arg6[%get3A] {strides = array<i32>} : memref<25600xi32, #tpu.memory_space<vmem>>, vector<16xi32>,
        %and3A_154 = arith.constant 1 : i32
        %and3A_155 = vector.broadcast %and3A_154 : i32 to vector<16xi32>
        %and3A_156 = arith.andi %get3A_153, %and3A_155 : vector<16xi32>
        %mul3A_157 = arith.constant 16 : i32
        %mul3A_158 = arith.muli %scan3A_146, %mul3A_157 : i32
        %add3A_159 = arith.constant 0 : i32
        %add3A_160 = arith.addi %mul3A_158, %add3A_159 : i32
        %broadcast_in_dim3A = arith.constant 0 : i32
        %broadcast_in_dim3A_161 = vector.broadcast %broadcast_in_dim3A : i32 to vector<16xi32>
        %reshape3A = vector.shape_cast %broadcast_in_dim3A_161 : vector<16xi32> to vector<16x1xi32>
        %gather3A = vector.shape_cast %reshape3A : vector<16x1xi32> to vector<16xi32>
        %gather3A_162 = tpu.dynamic_gather %and3A_156[%gather3A] in [0] : vector<16xi32>, vector<16xi32> -> vector<16xi32>
        %gt3A = arith.constant 0 : i32
        %gt3A_163 = vector.broadcast %gt3A : i32 to vector<16xi32>
        %gt3A_164 = arith.cmpi sgt, %gather3A_162, %gt3A_163 : vector<16xi32>
        %get3A_165 = arith.index_cast %add3A_160 : i32 to index
        %get3A_166 = arith.constant 64 : index
        %get3A_167 = tpu.vector_load %arg8[%get3A_165, %get3A_166] {strides = array<i32>} : memref<128x128xf32, #tpu.memory_space<vmem>>, vector<16xf32>,
        %get3A_168 = arith.index_cast %add3A_160 : i32 to index
        %get3A_169 = arith.constant 0 : index
        %get3A_170 = tpu.vector_load %arg8[%get3A_168, %get3A_169] {strides = array<i32>} : memref<128x128xf32, #tpu.memory_space<vmem>>, vector<16xf32>,
        %select_n3A_171 = arith.select %gt3A_164, %get3A_167, %get3A_170 : vector<16xi1>, vector<16xf32>
        %get3A_172 = arith.index_cast %add3A_160 : i32 to index
        %get3A_173 = arith.constant 80 : index
        %get3A_174 = tpu.vector_load %arg8[%get3A_172, %get3A_173] {strides = array<i32>} : memref<128x128xf32, #tpu.memory_space<vmem>>, vector<16xf32>,
        %get3A_175 = arith.index_cast %add3A_160 : i32 to index
        %get3A_176 = arith.constant 16 : index
        %get3A_177 = tpu.vector_load %arg8[%get3A_175, %get3A_176] {strides = array<i32>} : memref<128x128xf32, #tpu.memory_space<vmem>>, vector<16xf32>,
        %select_n3A_178 = arith.select %gt3A_164, %get3A_174, %get3A_177 : vector<16xi1>, vector<16xf32>
        %get3A_179 = arith.index_cast %add3A_160 : i32 to index
        %get3A_180 = arith.constant 96 : index
        %get3A_181 = tpu.vector_load %arg8[%get3A_179, %get3A_180] {strides = array<i32>} : memref<128x128xf32, #tpu.memory_space<vmem>>, vector<16xf32>,
        %get3A_182 = arith.index_cast %add3A_160 : i32 to index
        %get3A_183 = arith.constant 32 : index
        %get3A_184 = tpu.vector_load %arg8[%get3A_182, %get3A_183] {strides = array<i32>} : memref<128x128xf32, #tpu.memory_space<vmem>>, vector<16xf32>,
        %select_n3A_185 = arith.select %gt3A_164, %get3A_181, %get3A_184 : vector<16xi1>, vector<16xf32>
        %get3A_186 = arith.index_cast %add3A_160 : i32 to index
        %get3A_187 = arith.constant 112 : index
        %get3A_188 = tpu.vector_load %arg8[%get3A_186, %get3A_187] {strides = array<i32>} : memref<128x128xf32, #tpu.memory_space<vmem>>, vector<16xf32>,
        %get3A_189 = arith.index_cast %add3A_160 : i32 to index
        %get3A_190 = arith.constant 48 : index
        %get3A_191 = tpu.vector_load %arg8[%get3A_189, %get3A_190] {strides = array<i32>} : memref<128x128xf32, #tpu.memory_space<vmem>>, vector<16xf32>,
        %select_n3A_192 = arith.select %gt3A_164, %get3A_188, %get3A_191 : vector<16xi1>, vector<16xf32>
        %mul3A_193 = arith.mulf %select_n3A_171, %select_n3A_171 : vector<16xf32>
        %mul3A_194 = arith.mulf %select_n3A_178, %select_n3A_178 : vector<16xf32>
        %add3A_195 = arith.addf %mul3A_193, %mul3A_194 : vector<16xf32>
        %mul3A_196 = arith.mulf %select_n3A_185, %select_n3A_185 : vector<16xf32>
        %mul3A_197 = arith.mulf %select_n3A_192, %select_n3A_192 : vector<16xf32>
        %add3A_198 = arith.addf %mul3A_196, %mul3A_197 : vector<16xf32>
        %add3A_199 = arith.addf %add3A_195, %add3A_198 : vector<16xf32>
        %reshape3A_200 = vector.shape_cast %xor3A_56 : vector<16xi32> to vector<16x1xi32>
        %gather3A_201 = vector.shape_cast %reshape3A_200 : vector<16x1xi32> to vector<16xi32>
        %gather3A_202 = tpu.dynamic_gather %add3A_199[%gather3A_201] in [0] : vector<16xf32>, vector<16xi32> -> vector<16xf32>
        %add3A_203 = arith.addf %add3A_199, %gather3A_202 : vector<16xf32>
        %reshape3A_204 = vector.shape_cast %xor3A_59 : vector<16xi32> to vector<16x1xi32>
        %gather3A_205 = vector.shape_cast %reshape3A_204 : vector<16x1xi32> to vector<16xi32>
        %gather3A_206 = tpu.dynamic_gather %add3A_203[%gather3A_205] in [0] : vector<16xf32>, vector<16xi32> -> vector<16xf32>
        %add3A_207 = arith.addf %add3A_203, %gather3A_206 : vector<16xf32>
        %reshape3A_208 = vector.shape_cast %xor3A_62 : vector<16xi32> to vector<16x1xi32>
        %gather3A_209 = vector.shape_cast %reshape3A_208 : vector<16x1xi32> to vector<16xi32>
        %gather3A_210 = tpu.dynamic_gather %add3A_207[%gather3A_209] in [0] : vector<16xf32>, vector<16xi32> -> vector<16xf32>
        %add3A_211 = arith.addf %add3A_207, %gather3A_210 : vector<16xf32>
        %reshape3A_212 = vector.shape_cast %xor3A_65 : vector<16xi32> to vector<16x1xi32>
        %gather3A_213 = vector.shape_cast %reshape3A_212 : vector<16x1xi32> to vector<16xi32>
        %gather3A_214 = tpu.dynamic_gather %add3A_211[%gather3A_213] in [0] : vector<16xf32>, vector<16xi32> -> vector<16xf32>
        %add3A_215 = arith.addf %add3A_211, %gather3A_214 : vector<16xf32>
        %mul3A_216 = arith.constant 1.562500e-02 : f32
        %mul3A_217 = vector.broadcast %mul3A_216 : f32 to vector<16xf32>
        %mul3A_218 = arith.mulf %add3A_215, %mul3A_217 : vector<16xf32>
        %add3A_219 = arith.constant 9.99999997E-7 : f32
        %add3A_220 = vector.broadcast %add3A_219 : f32 to vector<16xf32>
        %add3A_221 = arith.addf %mul3A_218, %add3A_220 : vector<16xf32>
        %bitcast_convert_type3A = tpu.bitcast %add3A_221 : vector<16xf32> -> vector<16xi32>
        %shift_right_arithmetic3A = arith.constant 1 : i32
        %shift_right_arithmetic3A_222 = vector.broadcast %shift_right_arithmetic3A : i32 to vector<16xi32>
        %shift_right_arithmetic3A_223 = arith.shrsi %bitcast_convert_type3A, %shift_right_arithmetic3A_222 : vector<16xi32>
        %sub3A = arith.constant 1597463007 : i32
        %sub3A_224 = vector.broadcast %sub3A : i32 to vector<16xi32>
        %sub3A_225 = arith.subi %sub3A_224, %shift_right_arithmetic3A_223 : vector<16xi32>
        %bitcast_convert_type3A_226 = tpu.bitcast %sub3A_225 : vector<16xi32> -> vector<16xf32>
        %mul3A_227 = arith.constant 5.000000e-01 : f32
        %mul3A_228 = vector.broadcast %mul3A_227 : f32 to vector<16xf32>
        %mul3A_229 = arith.mulf %add3A_221, %mul3A_228 : vector<16xf32>
        %mul3A_230 = arith.mulf %mul3A_229, %bitcast_convert_type3A_226 : vector<16xf32>
        %mul3A_231 = arith.mulf %mul3A_230, %bitcast_convert_type3A_226 : vector<16xf32>
        %sub3A_232 = arith.constant 1.500000e+00 : f32
        %sub3A_233 = vector.broadcast %sub3A_232 : f32 to vector<16xf32>
        %sub3A_234 = arith.subf %sub3A_233, %mul3A_231 : vector<16xf32>
        %mul3A_235 = arith.mulf %bitcast_convert_type3A_226, %sub3A_234 : vector<16xf32>
        %mul3A_236 = arith.mulf %mul3A_229, %mul3A_235 : vector<16xf32>
        %mul3A_237 = arith.mulf %mul3A_236, %mul3A_235 : vector<16xf32>
        %sub3A_238 = arith.constant 1.500000e+00 : f32
        %sub3A_239 = vector.broadcast %sub3A_238 : f32 to vector<16xf32>
        %sub3A_240 = arith.subf %sub3A_239, %mul3A_237 : vector<16xf32>
        %mul3A_241 = arith.mulf %mul3A_235, %sub3A_240 : vector<16xf32>
        %mul3A_242 = arith.mulf %select_n3A_171, %mul3A_241 : vector<16xf32>
        %swap3A = arith.index_cast %add3A_160 : i32 to index
        %swap3A_243 = arith.constant 0 : index
        %swap3A_244 = tpu.vector_load %arg10[%swap3A, %swap3A_243] {strides = array<i32>} : memref<128x64xf32, #tpu.memory_space<vmem>>, vector<16xf32>,
        tpu.vector_store %arg10[%swap3A, %swap3A_243], %mul3A_242 {strides = array<i32>} : memref<128x64xf32, #tpu.memory_space<vmem>>, vector<16xf32>,
        %mul3A_245 = arith.mulf %select_n3A_178, %mul3A_241 : vector<16xf32>
        %swap3A_246 = arith.index_cast %add3A_160 : i32 to index
        %swap3A_247 = arith.constant 16 : index
        %swap3A_248 = tpu.vector_load %arg10[%swap3A_246, %swap3A_247] {strides = array<i32>} : memref<128x64xf32, #tpu.memory_space<vmem>>, vector<16xf32>,
        tpu.vector_store %arg10[%swap3A_246, %swap3A_247], %mul3A_245 {strides = array<i32>} : memref<128x64xf32, #tpu.memory_space<vmem>>, vector<16xf32>,
        %mul3A_249 = arith.mulf %select_n3A_185, %mul3A_241 : vector<16xf32>
        %swap3A_250 = arith.index_cast %add3A_160 : i32 to index
        %swap3A_251 = arith.constant 32 : index
        %swap3A_252 = tpu.vector_load %arg10[%swap3A_250, %swap3A_251] {strides = array<i32>} : memref<128x64xf32, #tpu.memory_space<vmem>>, vector<16xf32>,
        tpu.vector_store %arg10[%swap3A_250, %swap3A_251], %mul3A_249 {strides = array<i32>} : memref<128x64xf32, #tpu.memory_space<vmem>>, vector<16xf32>,
        %mul3A_253 = arith.mulf %select_n3A_192, %mul3A_241 : vector<16xf32>
        %swap3A_254 = arith.index_cast %add3A_160 : i32 to index
        %swap3A_255 = arith.constant 48 : index
        %swap3A_256 = tpu.vector_load %arg10[%swap3A_254, %swap3A_255] {strides = array<i32>} : memref<128x64xf32, #tpu.memory_space<vmem>>, vector<16xf32>,
        tpu.vector_store %arg10[%swap3A_254, %swap3A_255], %mul3A_253 {strides = array<i32>} : memref<128x64xf32, #tpu.memory_space<vmem>>, vector<16xf32>,
        %mul3A_257 = arith.constant 16 : i32
        %mul3A_258 = arith.muli %scan3A_146, %mul3A_257 : i32
        %add3A_259 = arith.constant 1 : i32
        %add3A_260 = arith.addi %mul3A_258, %add3A_259 : i32
        %broadcast_in_dim3A_261 = arith.constant 1 : i32
        %broadcast_in_dim3A_262 = vector.broadcast %broadcast_in_dim3A_261 : i32 to vector<16xi32>
        %reshape3A_263 = vector.shape_cast %broadcast_in_dim3A_262 : vector<16xi32> to vector<16x1xi32>
        %gather3A_264 = vector.shape_cast %reshape3A_263 : vector<16x1xi32> to vector<16xi32>
        %gather3A_265 = tpu.dynamic_gather %and3A_156[%gather3A_264] in [0] : vector<16xi32>, vector<16xi32> -> vector<16xi32>
        %gt3A_266 = arith.constant 0 : i32
        %gt3A_267 = vector.broadcast %gt3A_266 : i32 to vector<16xi32>
        %gt3A_268 = arith.cmpi sgt, %gather3A_265, %gt3A_267 : vector<16xi32>
        %get3A_269 = arith.index_cast %add3A_260 : i32 to index
        %get3A_270 = arith.constant 64 : index
        %get3A_271 = tpu.vector_load %arg8[%get3A_269, %get3A_270] {strides = array<i32>} : memref<128x128xf32, #tpu.memory_space<vmem>>, vector<16xf32>,
        %get3A_272 = arith.index_cast %add3A_260 : i32 to index
        %get3A_273 = arith.constant 0 : index
        %get3A_274 = tpu.vector_load %arg8[%get3A_272, %get3A_273] {strides = array<i32>} : memref<128x128xf32, #tpu.memory_space<vmem>>, vector<16xf32>,
        %select_n3A_275 = arith.select %gt3A_268, %get3A_271, %get3A_274 : vector<16xi1>, vector<16xf32>
        %get3A_276 = arith.index_cast %add3A_260 : i32 to index
        %get3A_277 = arith.constant 80 : index
        %get3A_278 = tpu.vector_load %arg8[%get3A_276, %get3A_277] {strides = array<i32>} : memref<128x128xf32, #tpu.memory_space<vmem>>, vector<16xf32>,
        %get3A_279 = arith.index_cast %add3A_260 : i32 to index
        %get3A_280 = arith.constant 16 : index
        %get3A_281 = tpu.vector_load %arg8[%get3A_279, %get3A_280] {strides = array<i32>} : memref<128x128xf32, #tpu.memory_space<vmem>>, vector<16xf32>,
        %select_n3A_282 = arith.select %gt3A_268, %get3A_278, %get3A_281 : vector<16xi1>, vector<16xf32>
        %get3A_283 = arith.index_cast %add3A_260 : i32 to index
        %get3A_284 = arith.constant 96 : index
        %get3A_285 = tpu.vector_load %arg8[%get3A_283, %get3A_284] {strides = array<i32>} : memref<128x128xf32, #tpu.memory_space<vmem>>, vector<16xf32>,
        %get3A_286 = arith.index_cast %add3A_260 : i32 to index
        %get3A_287 = arith.constant 32 : index
        %get3A_288 = tpu.vector_load %arg8[%get3A_286, %get3A_287] {strides = array<i32>} : memref<128x128xf32, #tpu.memory_space<vmem>>, vector<16xf32>,
        %select_n3A_289 = arith.select %gt3A_268, %get3A_285, %get3A_288 : vector<16xi1>, vector<16xf32>
        %get3A_290 = arith.index_cast %add3A_260 : i32 to index
        %get3A_291 = arith.constant 112 : index
        %get3A_292 = tpu.vector_load %arg8[%get3A_290, %get3A_291] {strides = array<i32>} : memref<128x128xf32, #tpu.memory_space<vmem>>, vector<16xf32>,
        %get3A_293 = arith.index_cast %add3A_260 : i32 to index
        %get3A_294 = arith.constant 48 : index
        %get3A_295 = tpu.vector_load %arg8[%get3A_293, %get3A_294] {strides = array<i32>} : memref<128x128xf32, #tpu.memory_space<vmem>>, vector<16xf32>,
        %select_n3A_296 = arith.select %gt3A_268, %get3A_292, %get3A_295 : vector<16xi1>, vector<16xf32>
        %mul3A_297 = arith.mulf %select_n3A_275, %select_n3A_275 : vector<16xf32>
        %mul3A_298 = arith.mulf %select_n3A_282, %select_n3A_282 : vector<16xf32>
        %add3A_299 = arith.addf %mul3A_297, %mul3A_298 : vector<16xf32>
        %mul3A_300 = arith.mulf %select_n3A_289, %select_n3A_289 : vector<16xf32>
        %mul3A_301 = arith.mulf %select_n3A_296, %select_n3A_296 : vector<16xf32>
        %add3A_302 = arith.addf %mul3A_300, %mul3A_301 : vector<16xf32>
        %add3A_303 = arith.addf %add3A_299, %add3A_302 : vector<16xf32>
        %reshape3A_304 = vector.shape_cast %xor3A_56 : vector<16xi32> to vector<16x1xi32>
        %gather3A_305 = vector.shape_cast %reshape3A_304 : vector<16x1xi32> to vector<16xi32>
        %gather3A_306 = tpu.dynamic_gather %add3A_303[%gather3A_305] in [0] : vector<16xf32>, vector<16xi32> -> vector<16xf32>
        %add3A_307 = arith.addf %add3A_303, %gather3A_306 : vector<16xf32>
        %reshape3A_308 = vector.shape_cast %xor3A_59 : vector<16xi32> to vector<16x1xi32>
        %gather3A_309 = vector.shape_cast %reshape3A_308 : vector<16x1xi32> to vector<16xi32>
        %gather3A_310 = tpu.dynamic_gather %add3A_307[%gather3A_309] in [0] : vector<16xf32>, vector<16xi32> -> vector<16xf32>
        %add3A_311 = arith.addf %add3A_307, %gather3A_310 : vector<16xf32>
        %reshape3A_312 = vector.shape_cast %xor3A_62 : vector<16xi32> to vector<16x1xi32>
        %gather3A_313 = vector.shape_cast %reshape3A_312 : vector<16x1xi32> to vector<16xi32>
        %gather3A_314 = tpu.dynamic_gather %add3A_311[%gather3A_313] in [0] : vector<16xf32>, vector<16xi32> -> vector<16xf32>
        %add3A_315 = arith.addf %add3A_311, %gather3A_314 : vector<16xf32>
        %reshape3A_316 = vector.shape_cast %xor3A_65 : vector<16xi32> to vector<16x1xi32>
        %gather3A_317 = vector.shape_cast %reshape3A_316 : vector<16x1xi32> to vector<16xi32>
        %gather3A_318 = tpu.dynamic_gather %add3A_315[%gather3A_317] in [0] : vector<16xf32>, vector<16xi32> -> vector<16xf32>
        %add3A_319 = arith.addf %add3A_315, %gather3A_318 : vector<16xf32>
        %mul3A_320 = arith.constant 1.562500e-02 : f32
        %mul3A_321 = vector.broadcast %mul3A_320 : f32 to vector<16xf32>
        %mul3A_322 = arith.mulf %add3A_319, %mul3A_321 : vector<16xf32>
        %add3A_323 = arith.constant 9.99999997E-7 : f32
        %add3A_324 = vector.broadcast %add3A_323 : f32 to vector<16xf32>
        %add3A_325 = arith.addf %mul3A_322, %add3A_324 : vector<16xf32>
        %bitcast_convert_type3A_326 = tpu.bitcast %add3A_325 : vector<16xf32> -> vector<16xi32>
        %shift_right_arithmetic3A_327 = arith.constant 1 : i32
        %shift_right_arithmetic3A_328 = vector.broadcast %shift_right_arithmetic3A_327 : i32 to vector<16xi32>
        %shift_right_arithmetic3A_329 = arith.shrsi %bitcast_convert_type3A_326, %shift_right_arithmetic3A_328 : vector<16xi32>
        %sub3A_330 = arith.constant 1597463007 : i32
        %sub3A_331 = vector.broadcast %sub3A_330 : i32 to vector<16xi32>
        %sub3A_332 = arith.subi %sub3A_331, %shift_right_arithmetic3A_329 : vector<16xi32>
        %bitcast_convert_type3A_333 = tpu.bitcast %sub3A_332 : vector<16xi32> -> vector<16xf32>
        %mul3A_334 = arith.constant 5.000000e-01 : f32
        %mul3A_335 = vector.broadcast %mul3A_334 : f32 to vector<16xf32>
        %mul3A_336 = arith.mulf %add3A_325, %mul3A_335 : vector<16xf32>
        %mul3A_337 = arith.mulf %mul3A_336, %bitcast_convert_type3A_333 : vector<16xf32>
        %mul3A_338 = arith.mulf %mul3A_337, %bitcast_convert_type3A_333 : vector<16xf32>
        %sub3A_339 = arith.constant 1.500000e+00 : f32
        %sub3A_340 = vector.broadcast %sub3A_339 : f32 to vector<16xf32>
        %sub3A_341 = arith.subf %sub3A_340, %mul3A_338 : vector<16xf32>
        %mul3A_342 = arith.mulf %bitcast_convert_type3A_333, %sub3A_341 : vector<16xf32>
        %mul3A_343 = arith.mulf %mul3A_336, %mul3A_342 : vector<16xf32>
        %mul3A_344 = arith.mulf %mul3A_343, %mul3A_342 : vector<16xf32>
        %sub3A_345 = arith.constant 1.500000e+00 : f32
        %sub3A_346 = vector.broadcast %sub3A_345 : f32 to vector<16xf32>
        %sub3A_347 = arith.subf %sub3A_346, %mul3A_344 : vector<16xf32>
        %mul3A_348 = arith.mulf %mul3A_342, %sub3A_347 : vector<16xf32>
        %mul3A_349 = arith.mulf %select_n3A_275, %mul3A_348 : vector<16xf32>
        %swap3A_350 = arith.index_cast %add3A_260 : i32 to index
        %swap3A_351 = arith.constant 0 : index
        %swap3A_352 = tpu.vector_load %arg10[%swap3A_350, %swap3A_351] {strides = array<i32>} : memref<128x64xf32, #tpu.memory_space<vmem>>, vector<16xf32>,
        tpu.vector_store %arg10[%swap3A_350, %swap3A_351], %mul3A_349 {strides = array<i32>} : memref<128x64xf32, #tpu.memory_space<vmem>>, vector<16xf32>,
        %mul3A_353 = arith.mulf %select_n3A_282, %mul3A_348 : vector<16xf32>
        %swap3A_354 = arith.index_cast %add3A_260 : i32 to index
        %swap3A_355 = arith.constant 16 : index
        %swap3A_356 = tpu.vector_load %arg10[%swap3A_354, %swap3A_355] {strides = array<i32>} : memref<128x64xf32, #tpu.memory_space<vmem>>, vector<16xf32>,
        tpu.vector_store %arg10[%swap3A_354, %swap3A_355], %mul3A_353 {strides = array<i32>} : memref<128x64xf32, #tpu.memory_space<vmem>>, vector<16xf32>,
        %mul3A_357 = arith.mulf %select_n3A_289, %mul3A_348 : vector<16xf32>
        %swap3A_358 = arith.index_cast %add3A_260 : i32 to index
        %swap3A_359 = arith.constant 32 : index
        %swap3A_360 = tpu.vector_load %arg10[%swap3A_358, %swap3A_359] {strides = array<i32>} : memref<128x64xf32, #tpu.memory_space<vmem>>, vector<16xf32>,
        tpu.vector_store %arg10[%swap3A_358, %swap3A_359], %mul3A_357 {strides = array<i32>} : memref<128x64xf32, #tpu.memory_space<vmem>>, vector<16xf32>,
        %mul3A_361 = arith.mulf %select_n3A_296, %mul3A_348 : vector<16xf32>
        %swap3A_362 = arith.index_cast %add3A_260 : i32 to index
        %swap3A_363 = arith.constant 48 : index
        %swap3A_364 = tpu.vector_load %arg10[%swap3A_362, %swap3A_363] {strides = array<i32>} : memref<128x64xf32, #tpu.memory_space<vmem>>, vector<16xf32>,
        tpu.vector_store %arg10[%swap3A_362, %swap3A_363], %mul3A_361 {strides = array<i32>} : memref<128x64xf32, #tpu.memory_space<vmem>>, vector<16xf32>,
        %mul3A_365 = arith.constant 16 : i32
        %mul3A_366 = arith.muli %scan3A_146, %mul3A_365 : i32
        %add3A_367 = arith.constant 2 : i32
        %add3A_368 = arith.addi %mul3A_366, %add3A_367 : i32
        %broadcast_in_dim3A_369 = arith.constant 2 : i32
        %broadcast_in_dim3A_370 = vector.broadcast %broadcast_in_dim3A_369 : i32 to vector<16xi32>
        %reshape3A_371 = vector.shape_cast %broadcast_in_dim3A_370 : vector<16xi32> to vector<16x1xi32>
        %gather3A_372 = vector.shape_cast %reshape3A_371 : vector<16x1xi32> to vector<16xi32>
        %gather3A_373 = tpu.dynamic_gather %and3A_156[%gather3A_372] in [0] : vector<16xi32>, vector<16xi32> -> vector<16xi32>
        %gt3A_374 = arith.constant 0 : i32
        %gt3A_375 = vector.broadcast %gt3A_374 : i32 to vector<16xi32>
        %gt3A_376 = arith.cmpi sgt, %gather3A_373, %gt3A_375 : vector<16xi32>
        %get3A_377 = arith.index_cast %add3A_368 : i32 to index
        %get3A_378 = arith.constant 64 : index
        %get3A_379 = tpu.vector_load %arg8[%get3A_377, %get3A_378] {strides = array<i32>} : memref<128x128xf32, #tpu.memory_space<vmem>>, vector<16xf32>,
        %get3A_380 = arith.index_cast %add3A_368 : i32 to index
        %get3A_381 = arith.constant 0 : index
        %get3A_382 = tpu.vector_load %arg8[%get3A_380, %get3A_381] {strides = array<i32>} : memref<128x128xf32, #tpu.memory_space<vmem>>, vector<16xf32>,
        %select_n3A_383 = arith.select %gt3A_376, %get3A_379, %get3A_382 : vector<16xi1>, vector<16xf32>
        %get3A_384 = arith.index_cast %add3A_368 : i32 to index
        %get3A_385 = arith.constant 80 : index
        %get3A_386 = tpu.vector_load %arg8[%get3A_384, %get3A_385] {strides = array<i32>} : memref<128x128xf32, #tpu.memory_space<vmem>>, vector<16xf32>,
        %get3A_387 = arith.index_cast %add3A_368 : i32 to index
        %get3A_388 = arith.constant 16 : index
        %get3A_389 = tpu.vector_load %arg8[%get3A_387, %get3A_388] {strides = array<i32>} : memref<128x128xf32, #tpu.memory_space<vmem>>, vector<16xf32>,
        %select_n3A_390 = arith.select %gt3A_376, %get3A_386, %get3A_389 : vector<16xi1>, vector<16xf32>
        %get3A_391 = arith.index_cast %add3A_368 : i32 to index
        %get3A_392 = arith.constant 96 : index
        %get3A_393 = tpu.vector_load %arg8[%get3A_391, %get3A_392] {strides = array<i32>} : memref<128x128xf32, #tpu.memory_space<vmem>>, vector<16xf32>,
        %get3A_394 = arith.index_cast %add3A_368 : i32 to index
        %get3A_395 = arith.constant 32 : index
        %get3A_396 = tpu.vector_load %arg8[%get3A_394, %get3A_395] {strides = array<i32>} : memref<128x128xf32, #tpu.memory_space<vmem>>, vector<16xf32>,
        %select_n3A_397 = arith.select %gt3A_376, %get3A_393, %get3A_396 : vector<16xi1>, vector<16xf32>
        %get3A_398 = arith.index_cast %add3A_368 : i32 to index
        %get3A_399 = arith.constant 112 : index
        %get3A_400 = tpu.vector_load %arg8[%get3A_398, %get3A_399] {strides = array<i32>} : memref<128x128xf32, #tpu.memory_space<vmem>>, vector<16xf32>,
        %get3A_401 = arith.index_cast %add3A_368 : i32 to index
        %get3A_402 = arith.constant 48 : index
        %get3A_403 = tpu.vector_load %arg8[%get3A_401, %get3A_402] {strides = array<i32>} : memref<128x128xf32, #tpu.memory_space<vmem>>, vector<16xf32>,
        %select_n3A_404 = arith.select %gt3A_376, %get3A_400, %get3A_403 : vector<16xi1>, vector<16xf32>
        %mul3A_405 = arith.mulf %select_n3A_383, %select_n3A_383 : vector<16xf32>
        %mul3A_406 = arith.mulf %select_n3A_390, %select_n3A_390 : vector<16xf32>
        %add3A_407 = arith.addf %mul3A_405, %mul3A_406 : vector<16xf32>
        %mul3A_408 = arith.mulf %select_n3A_397, %select_n3A_397 : vector<16xf32>
        %mul3A_409 = arith.mulf %select_n3A_404, %select_n3A_404 : vector<16xf32>
        %add3A_410 = arith.addf %mul3A_408, %mul3A_409 : vector<16xf32>
        %add3A_411 = arith.addf %add3A_407, %add3A_410 : vector<16xf32>
        %reshape3A_412 = vector.shape_cast %xor3A_56 : vector<16xi32> to vector<16x1xi32>
        %gather3A_413 = vector.shape_cast %reshape3A_412 : vector<16x1xi32> to vector<16xi32>
        %gather3A_414 = tpu.dynamic_gather %add3A_411[%gather3A_413] in [0] : vector<16xf32>, vector<16xi32> -> vector<16xf32>
        %add3A_415 = arith.addf %add3A_411, %gather3A_414 : vector<16xf32>
        %reshape3A_416 = vector.shape_cast %xor3A_59 : vector<16xi32> to vector<16x1xi32>
        %gather3A_417 = vector.shape_cast %reshape3A_416 : vector<16x1xi32> to vector<16xi32>
        %gather3A_418 = tpu.dynamic_gather %add3A_415[%gather3A_417] in [0] : vector<16xf32>, vector<16xi32> -> vector<16xf32>
        %add3A_419 = arith.addf %add3A_415, %gather3A_418 : vector<16xf32>
        %reshape3A_420 = vector.shape_cast %xor3A_62 : vector<16xi32> to vector<16x1xi32>
        %gather3A_421 = vector.shape_cast %reshape3A_420 : vector<16x1xi32> to vector<16xi32>
        %gather3A_422 = tpu.dynamic_gather %add3A_419[%gather3A_421] in [0] : vector<16xf32>, vector<16xi32> -> vector<16xf32>
        %add3A_423 = arith.addf %add3A_419, %gather3A_422 : vector<16xf32>
        %reshape3A_424 = vector.shape_cast %xor3A_65 : vector<16xi32> to vector<16x1xi32>
        %gather3A_425 = vector.shape_cast %reshape3A_424 : vector<16x1xi32> to vector<16xi32>
        %gather3A_426 = tpu.dynamic_gather %add3A_423[%gather3A_425] in [0] : vector<16xf32>, vector<16xi32> -> vector<16xf32>
        %add3A_427 = arith.addf %add3A_423, %gather3A_426 : vector<16xf32>
        %mul3A_428 = arith.constant 1.562500e-02 : f32
        %mul3A_429 = vector.broadcast %mul3A_428 : f32 to vector<16xf32>
        %mul3A_430 = arith.mulf %add3A_427, %mul3A_429 : vector<16xf32>
        %add3A_431 = arith.constant 9.99999997E-7 : f32
        %add3A_432 = vector.broadcast %add3A_431 : f32 to vector<16xf32>
        %add3A_433 = arith.addf %mul3A_430, %add3A_432 : vector<16xf32>
        %bitcast_convert_type3A_434 = tpu.bitcast %add3A_433 : vector<16xf32> -> vector<16xi32>
        %shift_right_arithmetic3A_435 = arith.constant 1 : i32
        %shift_right_arithmetic3A_436 = vector.broadcast %shift_right_arithmetic3A_435 : i32 to vector<16xi32>
        %shift_right_arithmetic3A_437 = arith.shrsi %bitcast_convert_type3A_434, %shift_right_arithmetic3A_436 : vector<16xi32>
        %sub3A_438 = arith.constant 1597463007 : i32
        %sub3A_439 = vector.broadcast %sub3A_438 : i32 to vector<16xi32>
        %sub3A_440 = arith.subi %sub3A_439, %shift_right_arithmetic3A_437 : vector<16xi32>
        %bitcast_convert_type3A_441 = tpu.bitcast %sub3A_440 : vector<16xi32> -> vector<16xf32>
        %mul3A_442 = arith.constant 5.000000e-01 : f32
        %mul3A_443 = vector.broadcast %mul3A_442 : f32 to vector<16xf32>
        %mul3A_444 = arith.mulf %add3A_433, %mul3A_443 : vector<16xf32>
        %mul3A_445 = arith.mulf %mul3A_444, %bitcast_convert_type3A_441 : vector<16xf32>
        %mul3A_446 = arith.mulf %mul3A_445, %bitcast_convert_type3A_441 : vector<16xf32>
        %sub3A_447 = arith.constant 1.500000e+00 : f32
        %sub3A_448 = vector.broadcast %sub3A_447 : f32 to vector<16xf32>
        %sub3A_449 = arith.subf %sub3A_448, %mul3A_446 : vector<16xf32>
        %mul3A_450 = arith.mulf %bitcast_convert_type3A_441, %sub3A_449 : vector<16xf32>
        %mul3A_451 = arith.mulf %mul3A_444, %mul3A_450 : vector<16xf32>
        %mul3A_452 = arith.mulf %mul3A_451, %mul3A_450 : vector<16xf32>
        %sub3A_453 = arith.constant 1.500000e+00 : f32
        %sub3A_454 = vector.broadcast %sub3A_453 : f32 to vector<16xf32>
        %sub3A_455 = arith.subf %sub3A_454, %mul3A_452 : vector<16xf32>
        %mul3A_456 = arith.mulf %mul3A_450, %sub3A_455 : vector<16xf32>
        %mul3A_457 = arith.mulf %select_n3A_383, %mul3A_456 : vector<16xf32>
        %swap3A_458 = arith.index_cast %add3A_368 : i32 to index
        %swap3A_459 = arith.constant 0 : index
        %swap3A_460 = tpu.vector_load %arg10[%swap3A_458, %swap3A_459] {strides = array<i32>} : memref<128x64xf32, #tpu.memory_space<vmem>>, vector<16xf32>,
        tpu.vector_store %arg10[%swap3A_458, %swap3A_459], %mul3A_457 {strides = array<i32>} : memref<128x64xf32, #tpu.memory_space<vmem>>, vector<16xf32>,
        %mul3A_461 = arith.mulf %select_n3A_390, %mul3A_456 : vector<16xf32>
        %swap3A_462 = arith.index_cast %add3A_368 : i32 to index
        %swap3A_463 = arith.constant 16 : index
        %swap3A_464 = tpu.vector_load %arg10[%swap3A_462, %swap3A_463] {strides = array<i32>} : memref<128x64xf32, #tpu.memory_space<vmem>>, vector<16xf32>,
        tpu.vector_store %arg10[%swap3A_462, %swap3A_463], %mul3A_461 {strides = array<i32>} : memref<128x64xf32, #tpu.memory_space<vmem>>, vector<16xf32>,
        %mul3A_465 = arith.mulf %select_n3A_397, %mul3A_456 : vector<16xf32>
        %swap3A_466 = arith.index_cast %add3A_368 : i32 to index
        %swap3A_467 = arith.constant 32 : index
        %swap3A_468 = tpu.vector_load %arg10[%swap3A_466, %swap3A_467] {strides = array<i32>} : memref<128x64xf32, #tpu.memory_space<vmem>>, vector<16xf32>,
        tpu.vector_store %arg10[%swap3A_466, %swap3A_467], %mul3A_465 {strides = array<i32>} : memref<128x64xf32, #tpu.memory_space<vmem>>, vector<16xf32>,
        %mul3A_469 = arith.mulf %select_n3A_404, %mul3A_456 : vector<16xf32>
        %swap3A_470 = arith.index_cast %add3A_368 : i32 to index
        %swap3A_471 = arith.constant 48 : index
        %swap3A_472 = tpu.vector_load %arg10[%swap3A_470, %swap3A_471] {strides = array<i32>} : memref<128x64xf32, #tpu.memory_space<vmem>>, vector<16xf32>,
        tpu.vector_store %arg10[%swap3A_470, %swap3A_471], %mul3A_469 {strides = array<i32>} : memref<128x64xf32, #tpu.memory_space<vmem>>, vector<16xf32>,
        %mul3A_473 = arith.constant 16 : i32
        %mul3A_474 = arith.muli %scan3A_146, %mul3A_473 : i32
        %add3A_475 = arith.constant 3 : i32
        %add3A_476 = arith.addi %mul3A_474, %add3A_475 : i32
        %broadcast_in_dim3A_477 = arith.constant 3 : i32
        %broadcast_in_dim3A_478 = vector.broadcast %broadcast_in_dim3A_477 : i32 to vector<16xi32>
        %reshape3A_479 = vector.shape_cast %broadcast_in_dim3A_478 : vector<16xi32> to vector<16x1xi32>
        %gather3A_480 = vector.shape_cast %reshape3A_479 : vector<16x1xi32> to vector<16xi32>
        %gather3A_481 = tpu.dynamic_gather %and3A_156[%gather3A_480] in [0] : vector<16xi32>, vector<16xi32> -> vector<16xi32>
        %gt3A_482 = arith.constant 0 : i32
        %gt3A_483 = vector.broadcast %gt3A_482 : i32 to vector<16xi32>
        %gt3A_484 = arith.cmpi sgt, %gather3A_481, %gt3A_483 : vector<16xi32>
        %get3A_485 = arith.index_cast %add3A_476 : i32 to index
        %get3A_486 = arith.constant 64 : index
        %get3A_487 = tpu.vector_load %arg8[%get3A_485, %get3A_486] {strides = array<i32>} : memref<128x128xf32, #tpu.memory_space<vmem>>, vector<16xf32>,
        %get3A_488 = arith.index_cast %add3A_476 : i32 to index
        %get3A_489 = arith.constant 0 : index
        %get3A_490 = tpu.vector_load %arg8[%get3A_488, %get3A_489] {strides = array<i32>} : memref<128x128xf32, #tpu.memory_space<vmem>>, vector<16xf32>,
        %select_n3A_491 = arith.select %gt3A_484, %get3A_487, %get3A_490 : vector<16xi1>, vector<16xf32>
        %get3A_492 = arith.index_cast %add3A_476 : i32 to index
        %get3A_493 = arith.constant 80 : index
        %get3A_494 = tpu.vector_load %arg8[%get3A_492, %get3A_493] {strides = array<i32>} : memref<128x128xf32, #tpu.memory_space<vmem>>, vector<16xf32>,
        %get3A_495 = arith.index_cast %add3A_476 : i32 to index
        %get3A_496 = arith.constant 16 : index
        %get3A_497 = tpu.vector_load %arg8[%get3A_495, %get3A_496] {strides = array<i32>} : memref<128x128xf32, #tpu.memory_space<vmem>>, vector<16xf32>,
        %select_n3A_498 = arith.select %gt3A_484, %get3A_494, %get3A_497 : vector<16xi1>, vector<16xf32>
        %get3A_499 = arith.index_cast %add3A_476 : i32 to index
        %get3A_500 = arith.constant 96 : index
        %get3A_501 = tpu.vector_load %arg8[%get3A_499, %get3A_500] {strides = array<i32>} : memref<128x128xf32, #tpu.memory_space<vmem>>, vector<16xf32>,
        %get3A_502 = arith.index_cast %add3A_476 : i32 to index
        %get3A_503 = arith.constant 32 : index
        %get3A_504 = tpu.vector_load %arg8[%get3A_502, %get3A_503] {strides = array<i32>} : memref<128x128xf32, #tpu.memory_space<vmem>>, vector<16xf32>,
        %select_n3A_505 = arith.select %gt3A_484, %get3A_501, %get3A_504 : vector<16xi1>, vector<16xf32>
        %get3A_506 = arith.index_cast %add3A_476 : i32 to index
        %get3A_507 = arith.constant 112 : index
        %get3A_508 = tpu.vector_load %arg8[%get3A_506, %get3A_507] {strides = array<i32>} : memref<128x128xf32, #tpu.memory_space<vmem>>, vector<16xf32>,
        %get3A_509 = arith.index_cast %add3A_476 : i32 to index
        %get3A_510 = arith.constant 48 : index
        %get3A_511 = tpu.vector_load %arg8[%get3A_509, %get3A_510] {strides = array<i32>} : memref<128x128xf32, #tpu.memory_space<vmem>>, vector<16xf32>,
        %select_n3A_512 = arith.select %gt3A_484, %get3A_508, %get3A_511 : vector<16xi1>, vector<16xf32>
        %mul3A_513 = arith.mulf %select_n3A_491, %select_n3A_491 : vector<16xf32>
        %mul3A_514 = arith.mulf %select_n3A_498, %select_n3A_498 : vector<16xf32>
        %add3A_515 = arith.addf %mul3A_513, %mul3A_514 : vector<16xf32>
        %mul3A_516 = arith.mulf %select_n3A_505, %select_n3A_505 : vector<16xf32>
        %mul3A_517 = arith.mulf %select_n3A_512, %select_n3A_512 : vector<16xf32>
        %add3A_518 = arith.addf %mul3A_516, %mul3A_517 : vector<16xf32>
        %add3A_519 = arith.addf %add3A_515, %add3A_518 : vector<16xf32>
        %reshape3A_520 = vector.shape_cast %xor3A_56 : vector<16xi32> to vector<16x1xi32>
        %gather3A_521 = vector.shape_cast %reshape3A_520 : vector<16x1xi32> to vector<16xi32>
        %gather3A_522 = tpu.dynamic_gather %add3A_519[%gather3A_521] in [0] : vector<16xf32>, vector<16xi32> -> vector<16xf32>
        %add3A_523 = arith.addf %add3A_519, %gather3A_522 : vector<16xf32>
        %reshape3A_524 = vector.shape_cast %xor3A_59 : vector<16xi32> to vector<16x1xi32>
        %gather3A_525 = vector.shape_cast %reshape3A_524 : vector<16x1xi32> to vector<16xi32>
        %gather3A_526 = tpu.dynamic_gather %add3A_523[%gather3A_525] in [0] : vector<16xf32>, vector<16xi32> -> vector<16xf32>
        %add3A_527 = arith.addf %add3A_523, %gather3A_526 : vector<16xf32>
        %reshape3A_528 = vector.shape_cast %xor3A_62 : vector<16xi32> to vector<16x1xi32>
        %gather3A_529 = vector.shape_cast %reshape3A_528 : vector<16x1xi32> to vector<16xi32>
        %gather3A_530 = tpu.dynamic_gather %add3A_527[%gather3A_529] in [0] : vector<16xf32>, vector<16xi32> -> vector<16xf32>
        %add3A_531 = arith.addf %add3A_527, %gather3A_530 : vector<16xf32>
        %reshape3A_532 = vector.shape_cast %xor3A_65 : vector<16xi32> to vector<16x1xi32>
        %gather3A_533 = vector.shape_cast %reshape3A_532 : vector<16x1xi32> to vector<16xi32>
        %gather3A_534 = tpu.dynamic_gather %add3A_531[%gather3A_533] in [0] : vector<16xf32>, vector<16xi32> -> vector<16xf32>
        %add3A_535 = arith.addf %add3A_531, %gather3A_534 : vector<16xf32>
        %mul3A_536 = arith.constant 1.562500e-02 : f32
        %mul3A_537 = vector.broadcast %mul3A_536 : f32 to vector<16xf32>
        %mul3A_538 = arith.mulf %add3A_535, %mul3A_537 : vector<16xf32>
        %add3A_539 = arith.constant 9.99999997E-7 : f32
        %add3A_540 = vector.broadcast %add3A_539 : f32 to vector<16xf32>
        %add3A_541 = arith.addf %mul3A_538, %add3A_540 : vector<16xf32>
        %bitcast_convert_type3A_542 = tpu.bitcast %add3A_541 : vector<16xf32> -> vector<16xi32>
        %shift_right_arithmetic3A_543 = arith.constant 1 : i32
        %shift_right_arithmetic3A_544 = vector.broadcast %shift_right_arithmetic3A_543 : i32 to vector<16xi32>
        %shift_right_arithmetic3A_545 = arith.shrsi %bitcast_convert_type3A_542, %shift_right_arithmetic3A_544 : vector<16xi32>
        %sub3A_546 = arith.constant 1597463007 : i32
        %sub3A_547 = vector.broadcast %sub3A_546 : i32 to vector<16xi32>
        %sub3A_548 = arith.subi %sub3A_547, %shift_right_arithmetic3A_545 : vector<16xi32>
        %bitcast_convert_type3A_549 = tpu.bitcast %sub3A_548 : vector<16xi32> -> vector<16xf32>
        %mul3A_550 = arith.constant 5.000000e-01 : f32
        %mul3A_551 = vector.broadcast %mul3A_550 : f32 to vector<16xf32>
        %mul3A_552 = arith.mulf %add3A_541, %mul3A_551 : vector<16xf32>
        %mul3A_553 = arith.mulf %mul3A_552, %bitcast_convert_type3A_549 : vector<16xf32>
        %mul3A_554 = arith.mulf %mul3A_553, %bitcast_convert_type3A_549 : vector<16xf32>
        %sub3A_555 = arith.constant 1.500000e+00 : f32
        %sub3A_556 = vector.broadcast %sub3A_555 : f32 to vector<16xf32>
        %sub3A_557 = arith.subf %sub3A_556, %mul3A_554 : vector<16xf32>
        %mul3A_558 = arith.mulf %bitcast_convert_type3A_549, %sub3A_557 : vector<16xf32>
        %mul3A_559 = arith.mulf %mul3A_552, %mul3A_558 : vector<16xf32>
        %mul3A_560 = arith.mulf %mul3A_559, %mul3A_558 : vector<16xf32>
        %sub3A_561 = arith.constant 1.500000e+00 : f32
        %sub3A_562 = vector.broadcast %sub3A_561 : f32 to vector<16xf32>
        %sub3A_563 = arith.subf %sub3A_562, %mul3A_560 : vector<16xf32>
        %mul3A_564 = arith.mulf %mul3A_558, %sub3A_563 : vector<16xf32>
        %mul3A_565 = arith.mulf %select_n3A_491, %mul3A_564 : vector<16xf32>
        %swap3A_566 = arith.index_cast %add3A_476 : i32 to index
        %swap3A_567 = arith.constant 0 : index
        %swap3A_568 = tpu.vector_load %arg10[%swap3A_566, %swap3A_567] {strides = array<i32>} : memref<128x64xf32, #tpu.memory_space<vmem>>, vector<16xf32>,
        tpu.vector_store %arg10[%swap3A_566, %swap3A_567], %mul3A_565 {strides = array<i32>} : memref<128x64xf32, #tpu.memory_space<vmem>>, vector<16xf32>,
        %mul3A_569 = arith.mulf %select_n3A_498, %mul3A_564 : vector<16xf32>
        %swap3A_570 = arith.index_cast %add3A_476 : i32 to index
        %swap3A_571 = arith.constant 16 : index
        %swap3A_572 = tpu.vector_load %arg10[%swap3A_570, %swap3A_571] {strides = array<i32>} : memref<128x64xf32, #tpu.memory_space<vmem>>, vector<16xf32>,
        tpu.vector_store %arg10[%swap3A_570, %swap3A_571], %mul3A_569 {strides = array<i32>} : memref<128x64xf32, #tpu.memory_space<vmem>>, vector<16xf32>,
        %mul3A_573 = arith.mulf %select_n3A_505, %mul3A_564 : vector<16xf32>
        %swap3A_574 = arith.index_cast %add3A_476 : i32 to index
        %swap3A_575 = arith.constant 32 : index
        %swap3A_576 = tpu.vector_load %arg10[%swap3A_574, %swap3A_575] {strides = array<i32>} : memref<128x64xf32, #tpu.memory_space<vmem>>, vector<16xf32>,
        tpu.vector_store %arg10[%swap3A_574, %swap3A_575], %mul3A_573 {strides = array<i32>} : memref<128x64xf32, #tpu.memory_space<vmem>>, vector<16xf32>,
        %mul3A_577 = arith.mulf %select_n3A_512, %mul3A_564 : vector<16xf32>
        %swap3A_578 = arith.index_cast %add3A_476 : i32 to index
        %swap3A_579 = arith.constant 48 : index
        %swap3A_580 = tpu.vector_load %arg10[%swap3A_578, %swap3A_579] {strides = array<i32>} : memref<128x64xf32, #tpu.memory_space<vmem>>, vector<16xf32>,
        tpu.vector_store %arg10[%swap3A_578, %swap3A_579], %mul3A_577 {strides = array<i32>} : memref<128x64xf32, #tpu.memory_space<vmem>>, vector<16xf32>,
        %mul3A_581 = arith.constant 16 : i32
        %mul3A_582 = arith.muli %scan3A_146, %mul3A_581 : i32
        %add3A_583 = arith.constant 4 : i32
        %add3A_584 = arith.addi %mul3A_582, %add3A_583 : i32
        %broadcast_in_dim3A_585 = arith.constant 4 : i32
        %broadcast_in_dim3A_586 = vector.broadcast %broadcast_in_dim3A_585 : i32 to vector<16xi32>
        %reshape3A_587 = vector.shape_cast %broadcast_in_dim3A_586 : vector<16xi32> to vector<16x1xi32>
        %gather3A_588 = vector.shape_cast %reshape3A_587 : vector<16x1xi32> to vector<16xi32>
        %gather3A_589 = tpu.dynamic_gather %and3A_156[%gather3A_588] in [0] : vector<16xi32>, vector<16xi32> -> vector<16xi32>
        %gt3A_590 = arith.constant 0 : i32
        %gt3A_591 = vector.broadcast %gt3A_590 : i32 to vector<16xi32>
        %gt3A_592 = arith.cmpi sgt, %gather3A_589, %gt3A_591 : vector<16xi32>
        %get3A_593 = arith.index_cast %add3A_584 : i32 to index
        %get3A_594 = arith.constant 64 : index
        %get3A_595 = tpu.vector_load %arg8[%get3A_593, %get3A_594] {strides = array<i32>} : memref<128x128xf32, #tpu.memory_space<vmem>>, vector<16xf32>,
        %get3A_596 = arith.index_cast %add3A_584 : i32 to index
        %get3A_597 = arith.constant 0 : index
        %get3A_598 = tpu.vector_load %arg8[%get3A_596, %get3A_597] {strides = array<i32>} : memref<128x128xf32, #tpu.memory_space<vmem>>, vector<16xf32>,
        %select_n3A_599 = arith.select %gt3A_592, %get3A_595, %get3A_598 : vector<16xi1>, vector<16xf32>
        %get3A_600 = arith.index_cast %add3A_584 : i32 to index
        %get3A_601 = arith.constant 80 : index
        %get3A_602 = tpu.vector_load %arg8[%get3A_600, %get3A_601] {strides = array<i32>} : memref<128x128xf32, #tpu.memory_space<vmem>>, vector<16xf32>,
        %get3A_603 = arith.index_cast %add3A_584 : i32 to index
        %get3A_604 = arith.constant 16 : index
        %get3A_605 = tpu.vector_load %arg8[%get3A_603, %get3A_604] {strides = array<i32>} : memref<128x128xf32, #tpu.memory_space<vmem>>, vector<16xf32>,
        %select_n3A_606 = arith.select %gt3A_592, %get3A_602, %get3A_605 : vector<16xi1>, vector<16xf32>
        %get3A_607 = arith.index_cast %add3A_584 : i32 to index
        %get3A_608 = arith.constant 96 : index
        %get3A_609 = tpu.vector_load %arg8[%get3A_607, %get3A_608] {strides = array<i32>} : memref<128x128xf32, #tpu.memory_space<vmem>>, vector<16xf32>,
        %get3A_610 = arith.index_cast %add3A_584 : i32 to index
        %get3A_611 = arith.constant 32 : index
        %get3A_612 = tpu.vector_load %arg8[%get3A_610, %get3A_611] {strides = array<i32>} : memref<128x128xf32, #tpu.memory_space<vmem>>, vector<16xf32>,
        %select_n3A_613 = arith.select %gt3A_592, %get3A_609, %get3A_612 : vector<16xi1>, vector<16xf32>
        %get3A_614 = arith.index_cast %add3A_584 : i32 to index
        %get3A_615 = arith.constant 112 : index
        %get3A_616 = tpu.vector_load %arg8[%get3A_614, %get3A_615] {strides = array<i32>} : memref<128x128xf32, #tpu.memory_space<vmem>>, vector<16xf32>,
        %get3A_617 = arith.index_cast %add3A_584 : i32 to index
        %get3A_618 = arith.constant 48 : index
        %get3A_619 = tpu.vector_load %arg8[%get3A_617, %get3A_618] {strides = array<i32>} : memref<128x128xf32, #tpu.memory_space<vmem>>, vector<16xf32>,
        %select_n3A_620 = arith.select %gt3A_592, %get3A_616, %get3A_619 : vector<16xi1>, vector<16xf32>
        %mul3A_621 = arith.mulf %select_n3A_599, %select_n3A_599 : vector<16xf32>
        %mul3A_622 = arith.mulf %select_n3A_606, %select_n3A_606 : vector<16xf32>
        %add3A_623 = arith.addf %mul3A_621, %mul3A_622 : vector<16xf32>
        %mul3A_624 = arith.mulf %select_n3A_613, %select_n3A_613 : vector<16xf32>
        %mul3A_625 = arith.mulf %select_n3A_620, %select_n3A_620 : vector<16xf32>
        %add3A_626 = arith.addf %mul3A_624, %mul3A_625 : vector<16xf32>
        %add3A_627 = arith.addf %add3A_623, %add3A_626 : vector<16xf32>
        %reshape3A_628 = vector.shape_cast %xor3A_56 : vector<16xi32> to vector<16x1xi32>
        %gather3A_629 = vector.shape_cast %reshape3A_628 : vector<16x1xi32> to vector<16xi32>
        %gather3A_630 = tpu.dynamic_gather %add3A_627[%gather3A_629] in [0] : vector<16xf32>, vector<16xi32> -> vector<16xf32>
        %add3A_631 = arith.addf %add3A_627, %gather3A_630 : vector<16xf32>
        %reshape3A_632 = vector.shape_cast %xor3A_59 : vector<16xi32> to vector<16x1xi32>
        %gather3A_633 = vector.shape_cast %reshape3A_632 : vector<16x1xi32> to vector<16xi32>
        %gather3A_634 = tpu.dynamic_gather %add3A_631[%gather3A_633] in [0] : vector<16xf32>, vector<16xi32> -> vector<16xf32>
        %add3A_635 = arith.addf %add3A_631, %gather3A_634 : vector<16xf32>
        %reshape3A_636 = vector.shape_cast %xor3A_62 : vector<16xi32> to vector<16x1xi32>
        %gather3A_637 = vector.shape_cast %reshape3A_636 : vector<16x1xi32> to vector<16xi32>
        %gather3A_638 = tpu.dynamic_gather %add3A_635[%gather3A_637] in [0] : vector<16xf32>, vector<16xi32> -> vector<16xf32>
        %add3A_639 = arith.addf %add3A_635, %gather3A_638 : vector<16xf32>
        %reshape3A_640 = vector.shape_cast %xor3A_65 : vector<16xi32> to vector<16x1xi32>
        %gather3A_641 = vector.shape_cast %reshape3A_640 : vector<16x1xi32> to vector<16xi32>
        %gather3A_642 = tpu.dynamic_gather %add3A_639[%gather3A_641] in [0] : vector<16xf32>, vector<16xi32> -> vector<16xf32>
        %add3A_643 = arith.addf %add3A_639, %gather3A_642 : vector<16xf32>
        %mul3A_644 = arith.constant 1.562500e-02 : f32
        %mul3A_645 = vector.broadcast %mul3A_644 : f32 to vector<16xf32>
        %mul3A_646 = arith.mulf %add3A_643, %mul3A_645 : vector<16xf32>
        %add3A_647 = arith.constant 9.99999997E-7 : f32
        %add3A_648 = vector.broadcast %add3A_647 : f32 to vector<16xf32>
        %add3A_649 = arith.addf %mul3A_646, %add3A_648 : vector<16xf32>
        %bitcast_convert_type3A_650 = tpu.bitcast %add3A_649 : vector<16xf32> -> vector<16xi32>
        %shift_right_arithmetic3A_651 = arith.constant 1 : i32
        %shift_right_arithmetic3A_652 = vector.broadcast %shift_right_arithmetic3A_651 : i32 to vector<16xi32>
        %shift_right_arithmetic3A_653 = arith.shrsi %bitcast_convert_type3A_650, %shift_right_arithmetic3A_652 : vector<16xi32>
        %sub3A_654 = arith.constant 1597463007 : i32
        %sub3A_655 = vector.broadcast %sub3A_654 : i32 to vector<16xi32>
        %sub3A_656 = arith.subi %sub3A_655, %shift_right_arithmetic3A_653 : vector<16xi32>
        %bitcast_convert_type3A_657 = tpu.bitcast %sub3A_656 : vector<16xi32> -> vector<16xf32>
        %mul3A_658 = arith.constant 5.000000e-01 : f32
        %mul3A_659 = vector.broadcast %mul3A_658 : f32 to vector<16xf32>
        %mul3A_660 = arith.mulf %add3A_649, %mul3A_659 : vector<16xf32>
        %mul3A_661 = arith.mulf %mul3A_660, %bitcast_convert_type3A_657 : vector<16xf32>
        %mul3A_662 = arith.mulf %mul3A_661, %bitcast_convert_type3A_657 : vector<16xf32>
        %sub3A_663 = arith.constant 1.500000e+00 : f32
        %sub3A_664 = vector.broadcast %sub3A_663 : f32 to vector<16xf32>
        %sub3A_665 = arith.subf %sub3A_664, %mul3A_662 : vector<16xf32>
        %mul3A_666 = arith.mulf %bitcast_convert_type3A_657, %sub3A_665 : vector<16xf32>
        %mul3A_667 = arith.mulf %mul3A_660, %mul3A_666 : vector<16xf32>
        %mul3A_668 = arith.mulf %mul3A_667, %mul3A_666 : vector<16xf32>
        %sub3A_669 = arith.constant 1.500000e+00 : f32
        %sub3A_670 = vector.broadcast %sub3A_669 : f32 to vector<16xf32>
        %sub3A_671 = arith.subf %sub3A_670, %mul3A_668 : vector<16xf32>
        %mul3A_672 = arith.mulf %mul3A_666, %sub3A_671 : vector<16xf32>
        %mul3A_673 = arith.mulf %select_n3A_599, %mul3A_672 : vector<16xf32>
        %swap3A_674 = arith.index_cast %add3A_584 : i32 to index
        %swap3A_675 = arith.constant 0 : index
        %swap3A_676 = tpu.vector_load %arg10[%swap3A_674, %swap3A_675] {strides = array<i32>} : memref<128x64xf32, #tpu.memory_space<vmem>>, vector<16xf32>,
        tpu.vector_store %arg10[%swap3A_674, %swap3A_675], %mul3A_673 {strides = array<i32>} : memref<128x64xf32, #tpu.memory_space<vmem>>, vector<16xf32>,
        %mul3A_677 = arith.mulf %select_n3A_606, %mul3A_672 : vector<16xf32>
        %swap3A_678 = arith.index_cast %add3A_584 : i32 to index
        %swap3A_679 = arith.constant 16 : index
        %swap3A_680 = tpu.vector_load %arg10[%swap3A_678, %swap3A_679] {strides = array<i32>} : memref<128x64xf32, #tpu.memory_space<vmem>>, vector<16xf32>,
        tpu.vector_store %arg10[%swap3A_678, %swap3A_679], %mul3A_677 {strides = array<i32>} : memref<128x64xf32, #tpu.memory_space<vmem>>, vector<16xf32>,
        %mul3A_681 = arith.mulf %select_n3A_613, %mul3A_672 : vector<16xf32>
        %swap3A_682 = arith.index_cast %add3A_584 : i32 to index
        %swap3A_683 = arith.constant 32 : index
        %swap3A_684 = tpu.vector_load %arg10[%swap3A_682, %swap3A_683] {strides = array<i32>} : memref<128x64xf32, #tpu.memory_space<vmem>>, vector<16xf32>,
        tpu.vector_store %arg10[%swap3A_682, %swap3A_683], %mul3A_681 {strides = array<i32>} : memref<128x64xf32, #tpu.memory_space<vmem>>, vector<16xf32>,
        %mul3A_685 = arith.mulf %select_n3A_620, %mul3A_672 : vector<16xf32>
        %swap3A_686 = arith.index_cast %add3A_584 : i32 to index
        %swap3A_687 = arith.constant 48 : index
        %swap3A_688 = tpu.vector_load %arg10[%swap3A_686, %swap3A_687] {strides = array<i32>} : memref<128x64xf32, #tpu.memory_space<vmem>>, vector<16xf32>,
        tpu.vector_store %arg10[%swap3A_686, %swap3A_687], %mul3A_685 {strides = array<i32>} : memref<128x64xf32, #tpu.memory_space<vmem>>, vector<16xf32>,
        %mul3A_689 = arith.constant 16 : i32
        %mul3A_690 = arith.muli %scan3A_146, %mul3A_689 : i32
        %add3A_691 = arith.constant 5 : i32
        %add3A_692 = arith.addi %mul3A_690, %add3A_691 : i32
        %broadcast_in_dim3A_693 = arith.constant 5 : i32
        %broadcast_in_dim3A_694 = vector.broadcast %broadcast_in_dim3A_693 : i32 to vector<16xi32>
        %reshape3A_695 = vector.shape_cast %broadcast_in_dim3A_694 : vector<16xi32> to vector<16x1xi32>
        %gather3A_696 = vector.shape_cast %reshape3A_695 : vector<16x1xi32> to vector<16xi32>
        %gather3A_697 = tpu.dynamic_gather %and3A_156[%gather3A_696] in [0] : vector<16xi32>, vector<16xi32> -> vector<16xi32>
        %gt3A_698 = arith.constant 0 : i32
        %gt3A_699 = vector.broadcast %gt3A_698 : i32 to vector<16xi32>
        %gt3A_700 = arith.cmpi sgt, %gather3A_697, %gt3A_699 : vector<16xi32>
        %get3A_701 = arith.index_cast %add3A_692 : i32 to index
        %get3A_702 = arith.constant 64 : index
        %get3A_703 = tpu.vector_load %arg8[%get3A_701, %get3A_702] {strides = array<i32>} : memref<128x128xf32, #tpu.memory_space<vmem>>, vector<16xf32>,
        %get3A_704 = arith.index_cast %add3A_692 : i32 to index
        %get3A_705 = arith.constant 0 : index
        %get3A_706 = tpu.vector_load %arg8[%get3A_704, %get3A_705] {strides = array<i32>} : memref<128x128xf32, #tpu.memory_space<vmem>>, vector<16xf32>,
        %select_n3A_707 = arith.select %gt3A_700, %get3A_703, %get3A_706 : vector<16xi1>, vector<16xf32>
        %get3A_708 = arith.index_cast %add3A_692 : i32 to index
        %get3A_709 = arith.constant 80 : index
        %get3A_710 = tpu.vector_load %arg8[%get3A_708, %get3A_709] {strides = array<i32>} : memref<128x128xf32, #tpu.memory_space<vmem>>, vector<16xf32>,
        %get3A_711 = arith.index_cast %add3A_692 : i32 to index
        %get3A_712 = arith.constant 16 : index
        %get3A_713 = tpu.vector_load %arg8[%get3A_711, %get3A_712] {strides = array<i32>} : memref<128x128xf32, #tpu.memory_space<vmem>>, vector<16xf32>,
        %select_n3A_714 = arith.select %gt3A_700, %get3A_710, %get3A_713 : vector<16xi1>, vector<16xf32>
        %get3A_715 = arith.index_cast %add3A_692 : i32 to index
        %get3A_716 = arith.constant 96 : index
        %get3A_717 = tpu.vector_load %arg8[%get3A_715, %get3A_716] {strides = array<i32>} : memref<128x128xf32, #tpu.memory_space<vmem>>, vector<16xf32>,
        %get3A_718 = arith.index_cast %add3A_692 : i32 to index
        %get3A_719 = arith.constant 32 : index
        %get3A_720 = tpu.vector_load %arg8[%get3A_718, %get3A_719] {strides = array<i32>} : memref<128x128xf32, #tpu.memory_space<vmem>>, vector<16xf32>,
        %select_n3A_721 = arith.select %gt3A_700, %get3A_717, %get3A_720 : vector<16xi1>, vector<16xf32>
        %get3A_722 = arith.index_cast %add3A_692 : i32 to index
        %get3A_723 = arith.constant 112 : index
        %get3A_724 = tpu.vector_load %arg8[%get3A_722, %get3A_723] {strides = array<i32>} : memref<128x128xf32, #tpu.memory_space<vmem>>, vector<16xf32>,
        %get3A_725 = arith.index_cast %add3A_692 : i32 to index
        %get3A_726 = arith.constant 48 : index
        %get3A_727 = tpu.vector_load %arg8[%get3A_725, %get3A_726] {strides = array<i32>} : memref<128x128xf32, #tpu.memory_space<vmem>>, vector<16xf32>,
        %select_n3A_728 = arith.select %gt3A_700, %get3A_724, %get3A_727 : vector<16xi1>, vector<16xf32>
        %mul3A_729 = arith.mulf %select_n3A_707, %select_n3A_707 : vector<16xf32>
        %mul3A_730 = arith.mulf %select_n3A_714, %select_n3A_714 : vector<16xf32>
        %add3A_731 = arith.addf %mul3A_729, %mul3A_730 : vector<16xf32>
        %mul3A_732 = arith.mulf %select_n3A_721, %select_n3A_721 : vector<16xf32>
        %mul3A_733 = arith.mulf %select_n3A_728, %select_n3A_728 : vector<16xf32>
        %add3A_734 = arith.addf %mul3A_732, %mul3A_733 : vector<16xf32>
        %add3A_735 = arith.addf %add3A_731, %add3A_734 : vector<16xf32>
        %reshape3A_736 = vector.shape_cast %xor3A_56 : vector<16xi32> to vector<16x1xi32>
        %gather3A_737 = vector.shape_cast %reshape3A_736 : vector<16x1xi32> to vector<16xi32>
        %gather3A_738 = tpu.dynamic_gather %add3A_735[%gather3A_737] in [0] : vector<16xf32>, vector<16xi32> -> vector<16xf32>
        %add3A_739 = arith.addf %add3A_735, %gather3A_738 : vector<16xf32>
        %reshape3A_740 = vector.shape_cast %xor3A_59 : vector<16xi32> to vector<16x1xi32>
        %gather3A_741 = vector.shape_cast %reshape3A_740 : vector<16x1xi32> to vector<16xi32>
        %gather3A_742 = tpu.dynamic_gather %add3A_739[%gather3A_741] in [0] : vector<16xf32>, vector<16xi32> -> vector<16xf32>
        %add3A_743 = arith.addf %add3A_739, %gather3A_742 : vector<16xf32>
        %reshape3A_744 = vector.shape_cast %xor3A_62 : vector<16xi32> to vector<16x1xi32>
        %gather3A_745 = vector.shape_cast %reshape3A_744 : vector<16x1xi32> to vector<16xi32>
        %gather3A_746 = tpu.dynamic_gather %add3A_743[%gather3A_745] in [0] : vector<16xf32>, vector<16xi32> -> vector<16xf32>
        %add3A_747 = arith.addf %add3A_743, %gather3A_746 : vector<16xf32>
        %reshape3A_748 = vector.shape_cast %xor3A_65 : vector<16xi32> to vector<16x1xi32>
        %gather3A_749 = vector.shape_cast %reshape3A_748 : vector<16x1xi32> to vector<16xi32>
        %gather3A_750 = tpu.dynamic_gather %add3A_747[%gather3A_749] in [0] : vector<16xf32>, vector<16xi32> -> vector<16xf32>
        %add3A_751 = arith.addf %add3A_747, %gather3A_750 : vector<16xf32>
        %mul3A_752 = arith.constant 1.562500e-02 : f32
        %mul3A_753 = vector.broadcast %mul3A_752 : f32 to vector<16xf32>
        %mul3A_754 = arith.mulf %add3A_751, %mul3A_753 : vector<16xf32>
        %add3A_755 = arith.constant 9.99999997E-7 : f32
        %add3A_756 = vector.broadcast %add3A_755 : f32 to vector<16xf32>
        %add3A_757 = arith.addf %mul3A_754, %add3A_756 : vector<16xf32>
        %bitcast_convert_type3A_758 = tpu.bitcast %add3A_757 : vector<16xf32> -> vector<16xi32>
        %shift_right_arithmetic3A_759 = arith.constant 1 : i32
        %shift_right_arithmetic3A_760 = vector.broadcast %shift_right_arithmetic3A_759 : i32 to vector<16xi32>
        %shift_right_arithmetic3A_761 = arith.shrsi %bitcast_convert_type3A_758, %shift_right_arithmetic3A_760 : vector<16xi32>
        %sub3A_762 = arith.constant 1597463007 : i32
        %sub3A_763 = vector.broadcast %sub3A_762 : i32 to vector<16xi32>
        %sub3A_764 = arith.subi %sub3A_763, %shift_right_arithmetic3A_761 : vector<16xi32>
        %bitcast_convert_type3A_765 = tpu.bitcast %sub3A_764 : vector<16xi32> -> vector<16xf32>
        %mul3A_766 = arith.constant 5.000000e-01 : f32
        %mul3A_767 = vector.broadcast %mul3A_766 : f32 to vector<16xf32>
        %mul3A_768 = arith.mulf %add3A_757, %mul3A_767 : vector<16xf32>
        %mul3A_769 = arith.mulf %mul3A_768, %bitcast_convert_type3A_765 : vector<16xf32>
        %mul3A_770 = arith.mulf %mul3A_769, %bitcast_convert_type3A_765 : vector<16xf32>
        %sub3A_771 = arith.constant 1.500000e+00 : f32
        %sub3A_772 = vector.broadcast %sub3A_771 : f32 to vector<16xf32>
        %sub3A_773 = arith.subf %sub3A_772, %mul3A_770 : vector<16xf32>
        %mul3A_774 = arith.mulf %bitcast_convert_type3A_765, %sub3A_773 : vector<16xf32>
        %mul3A_775 = arith.mulf %mul3A_768, %mul3A_774 : vector<16xf32>
        %mul3A_776 = arith.mulf %mul3A_775, %mul3A_774 : vector<16xf32>
        %sub3A_777 = arith.constant 1.500000e+00 : f32
        %sub3A_778 = vector.broadcast %sub3A_777 : f32 to vector<16xf32>
        %sub3A_779 = arith.subf %sub3A_778, %mul3A_776 : vector<16xf32>
        %mul3A_780 = arith.mulf %mul3A_774, %sub3A_779 : vector<16xf32>
        %mul3A_781 = arith.mulf %select_n3A_707, %mul3A_780 : vector<16xf32>
        %swap3A_782 = arith.index_cast %add3A_692 : i32 to index
        %swap3A_783 = arith.constant 0 : index
        %swap3A_784 = tpu.vector_load %arg10[%swap3A_782, %swap3A_783] {strides = array<i32>} : memref<128x64xf32, #tpu.memory_space<vmem>>, vector<16xf32>,
        tpu.vector_store %arg10[%swap3A_782, %swap3A_783], %mul3A_781 {strides = array<i32>} : memref<128x64xf32, #tpu.memory_space<vmem>>, vector<16xf32>,
        %mul3A_785 = arith.mulf %select_n3A_714, %mul3A_780 : vector<16xf32>
        %swap3A_786 = arith.index_cast %add3A_692 : i32 to index
        %swap3A_787 = arith.constant 16 : index
        %swap3A_788 = tpu.vector_load %arg10[%swap3A_786, %swap3A_787] {strides = array<i32>} : memref<128x64xf32, #tpu.memory_space<vmem>>, vector<16xf32>,
        tpu.vector_store %arg10[%swap3A_786, %swap3A_787], %mul3A_785 {strides = array<i32>} : memref<128x64xf32, #tpu.memory_space<vmem>>, vector<16xf32>,
        %mul3A_789 = arith.mulf %select_n3A_721, %mul3A_780 : vector<16xf32>
        %swap3A_790 = arith.index_cast %add3A_692 : i32 to index
        %swap3A_791 = arith.constant 32 : index
        %swap3A_792 = tpu.vector_load %arg10[%swap3A_790, %swap3A_791] {strides = array<i32>} : memref<128x64xf32, #tpu.memory_space<vmem>>, vector<16xf32>,
        tpu.vector_store %arg10[%swap3A_790, %swap3A_791], %mul3A_789 {strides = array<i32>} : memref<128x64xf32, #tpu.memory_space<vmem>>, vector<16xf32>,
        %mul3A_793 = arith.mulf %select_n3A_728, %mul3A_780 : vector<16xf32>
        %swap3A_794 = arith.index_cast %add3A_692 : i32 to index
        %swap3A_795 = arith.constant 48 : index
        %swap3A_796 = tpu.vector_load %arg10[%swap3A_794, %swap3A_795] {strides = array<i32>} : memref<128x64xf32, #tpu.memory_space<vmem>>, vector<16xf32>,
        tpu.vector_store %arg10[%swap3A_794, %swap3A_795], %mul3A_793 {strides = array<i32>} : memref<128x64xf32, #tpu.memory_space<vmem>>, vector<16xf32>,
        %mul3A_797 = arith.constant 16 : i32
        %mul3A_798 = arith.muli %scan3A_146, %mul3A_797 : i32
        %add3A_799 = arith.constant 6 : i32
        %add3A_800 = arith.addi %mul3A_798, %add3A_799 : i32
        %broadcast_in_dim3A_801 = arith.constant 6 : i32
        %broadcast_in_dim3A_802 = vector.broadcast %broadcast_in_dim3A_801 : i32 to vector<16xi32>
        %reshape3A_803 = vector.shape_cast %broadcast_in_dim3A_802 : vector<16xi32> to vector<16x1xi32>
        %gather3A_804 = vector.shape_cast %reshape3A_803 : vector<16x1xi32> to vector<16xi32>
        %gather3A_805 = tpu.dynamic_gather %and3A_156[%gather3A_804] in [0] : vector<16xi32>, vector<16xi32> -> vector<16xi32>
        %gt3A_806 = arith.constant 0 : i32
        %gt3A_807 = vector.broadcast %gt3A_806 : i32 to vector<16xi32>
        %gt3A_808 = arith.cmpi sgt, %gather3A_805, %gt3A_807 : vector<16xi32>
        %get3A_809 = arith.index_cast %add3A_800 : i32 to index
        %get3A_810 = arith.constant 64 : index
        %get3A_811 = tpu.vector_load %arg8[%get3A_809, %get3A_810] {strides = array<i32>} : memref<128x128xf32, #tpu.memory_space<vmem>>, vector<16xf32>,
        %get3A_812 = arith.index_cast %add3A_800 : i32 to index
        %get3A_813 = arith.constant 0 : index
        %get3A_814 = tpu.vector_load %arg8[%get3A_812, %get3A_813] {strides = array<i32>} : memref<128x128xf32, #tpu.memory_space<vmem>>, vector<16xf32>,
        %select_n3A_815 = arith.select %gt3A_808, %get3A_811, %get3A_814 : vector<16xi1>, vector<16xf32>
        %get3A_816 = arith.index_cast %add3A_800 : i32 to index
        %get3A_817 = arith.constant 80 : index
        %get3A_818 = tpu.vector_load %arg8[%get3A_816, %get3A_817] {strides = array<i32>} : memref<128x128xf32, #tpu.memory_space<vmem>>, vector<16xf32>,
        %get3A_819 = arith.index_cast %add3A_800 : i32 to index
        %get3A_820 = arith.constant 16 : index
        %get3A_821 = tpu.vector_load %arg8[%get3A_819, %get3A_820] {strides = array<i32>} : memref<128x128xf32, #tpu.memory_space<vmem>>, vector<16xf32>,
        %select_n3A_822 = arith.select %gt3A_808, %get3A_818, %get3A_821 : vector<16xi1>, vector<16xf32>
        %get3A_823 = arith.index_cast %add3A_800 : i32 to index
        %get3A_824 = arith.constant 96 : index
        %get3A_825 = tpu.vector_load %arg8[%get3A_823, %get3A_824] {strides = array<i32>} : memref<128x128xf32, #tpu.memory_space<vmem>>, vector<16xf32>,
        %get3A_826 = arith.index_cast %add3A_800 : i32 to index
        %get3A_827 = arith.constant 32 : index
        %get3A_828 = tpu.vector_load %arg8[%get3A_826, %get3A_827] {strides = array<i32>} : memref<128x128xf32, #tpu.memory_space<vmem>>, vector<16xf32>,
        %select_n3A_829 = arith.select %gt3A_808, %get3A_825, %get3A_828 : vector<16xi1>, vector<16xf32>
        %get3A_830 = arith.index_cast %add3A_800 : i32 to index
        %get3A_831 = arith.constant 112 : index
        %get3A_832 = tpu.vector_load %arg8[%get3A_830, %get3A_831] {strides = array<i32>} : memref<128x128xf32, #tpu.memory_space<vmem>>, vector<16xf32>,
        %get3A_833 = arith.index_cast %add3A_800 : i32 to index
        %get3A_834 = arith.constant 48 : index
        %get3A_835 = tpu.vector_load %arg8[%get3A_833, %get3A_834] {strides = array<i32>} : memref<128x128xf32, #tpu.memory_space<vmem>>, vector<16xf32>,
        %select_n3A_836 = arith.select %gt3A_808, %get3A_832, %get3A_835 : vector<16xi1>, vector<16xf32>
        %mul3A_837 = arith.mulf %select_n3A_815, %select_n3A_815 : vector<16xf32>
        %mul3A_838 = arith.mulf %select_n3A_822, %select_n3A_822 : vector<16xf32>
        %add3A_839 = arith.addf %mul3A_837, %mul3A_838 : vector<16xf32>
        %mul3A_840 = arith.mulf %select_n3A_829, %select_n3A_829 : vector<16xf32>
        %mul3A_841 = arith.mulf %select_n3A_836, %select_n3A_836 : vector<16xf32>
        %add3A_842 = arith.addf %mul3A_840, %mul3A_841 : vector<16xf32>
        %add3A_843 = arith.addf %add3A_839, %add3A_842 : vector<16xf32>
        %reshape3A_844 = vector.shape_cast %xor3A_56 : vector<16xi32> to vector<16x1xi32>
        %gather3A_845 = vector.shape_cast %reshape3A_844 : vector<16x1xi32> to vector<16xi32>
        %gather3A_846 = tpu.dynamic_gather %add3A_843[%gather3A_845] in [0] : vector<16xf32>, vector<16xi32> -> vector<16xf32>
        %add3A_847 = arith.addf %add3A_843, %gather3A_846 : vector<16xf32>
        %reshape3A_848 = vector.shape_cast %xor3A_59 : vector<16xi32> to vector<16x1xi32>
        %gather3A_849 = vector.shape_cast %reshape3A_848 : vector<16x1xi32> to vector<16xi32>
        %gather3A_850 = tpu.dynamic_gather %add3A_847[%gather3A_849] in [0] : vector<16xf32>, vector<16xi32> -> vector<16xf32>
        %add3A_851 = arith.addf %add3A_847, %gather3A_850 : vector<16xf32>
        %reshape3A_852 = vector.shape_cast %xor3A_62 : vector<16xi32> to vector<16x1xi32>
        %gather3A_853 = vector.shape_cast %reshape3A_852 : vector<16x1xi32> to vector<16xi32>
        %gather3A_854 = tpu.dynamic_gather %add3A_851[%gather3A_853] in [0] : vector<16xf32>, vector<16xi32> -> vector<16xf32>
        %add3A_855 = arith.addf %add3A_851, %gather3A_854 : vector<16xf32>
        %reshape3A_856 = vector.shape_cast %xor3A_65 : vector<16xi32> to vector<16x1xi32>
        %gather3A_857 = vector.shape_cast %reshape3A_856 : vector<16x1xi32> to vector<16xi32>
        %gather3A_858 = tpu.dynamic_gather %add3A_855[%gather3A_857] in [0] : vector<16xf32>, vector<16xi32> -> vector<16xf32>
        %add3A_859 = arith.addf %add3A_855, %gather3A_858 : vector<16xf32>
        %mul3A_860 = arith.constant 1.562500e-02 : f32
        %mul3A_861 = vector.broadcast %mul3A_860 : f32 to vector<16xf32>
        %mul3A_862 = arith.mulf %add3A_859, %mul3A_861 : vector<16xf32>
        %add3A_863 = arith.constant 9.99999997E-7 : f32
        %add3A_864 = vector.broadcast %add3A_863 : f32 to vector<16xf32>
        %add3A_865 = arith.addf %mul3A_862, %add3A_864 : vector<16xf32>
        %bitcast_convert_type3A_866 = tpu.bitcast %add3A_865 : vector<16xf32> -> vector<16xi32>
        %shift_right_arithmetic3A_867 = arith.constant 1 : i32
        %shift_right_arithmetic3A_868 = vector.broadcast %shift_right_arithmetic3A_867 : i32 to vector<16xi32>
        %shift_right_arithmetic3A_869 = arith.shrsi %bitcast_convert_type3A_866, %shift_right_arithmetic3A_868 : vector<16xi32>
        %sub3A_870 = arith.constant 1597463007 : i32
        %sub3A_871 = vector.broadcast %sub3A_870 : i32 to vector<16xi32>
        %sub3A_872 = arith.subi %sub3A_871, %shift_right_arithmetic3A_869 : vector<16xi32>
        %bitcast_convert_type3A_873 = tpu.bitcast %sub3A_872 : vector<16xi32> -> vector<16xf32>
        %mul3A_874 = arith.constant 5.000000e-01 : f32
        %mul3A_875 = vector.broadcast %mul3A_874 : f32 to vector<16xf32>
        %mul3A_876 = arith.mulf %add3A_865, %mul3A_875 : vector<16xf32>
        %mul3A_877 = arith.mulf %mul3A_876, %bitcast_convert_type3A_873 : vector<16xf32>
        %mul3A_878 = arith.mulf %mul3A_877, %bitcast_convert_type3A_873 : vector<16xf32>
        %sub3A_879 = arith.constant 1.500000e+00 : f32
        %sub3A_880 = vector.broadcast %sub3A_879 : f32 to vector<16xf32>
        %sub3A_881 = arith.subf %sub3A_880, %mul3A_878 : vector<16xf32>
        %mul3A_882 = arith.mulf %bitcast_convert_type3A_873, %sub3A_881 : vector<16xf32>
        %mul3A_883 = arith.mulf %mul3A_876, %mul3A_882 : vector<16xf32>
        %mul3A_884 = arith.mulf %mul3A_883, %mul3A_882 : vector<16xf32>
        %sub3A_885 = arith.constant 1.500000e+00 : f32
        %sub3A_886 = vector.broadcast %sub3A_885 : f32 to vector<16xf32>
        %sub3A_887 = arith.subf %sub3A_886, %mul3A_884 : vector<16xf32>
        %mul3A_888 = arith.mulf %mul3A_882, %sub3A_887 : vector<16xf32>
        %mul3A_889 = arith.mulf %select_n3A_815, %mul3A_888 : vector<16xf32>
        %swap3A_890 = arith.index_cast %add3A_800 : i32 to index
        %swap3A_891 = arith.constant 0 : index
        %swap3A_892 = tpu.vector_load %arg10[%swap3A_890, %swap3A_891] {strides = array<i32>} : memref<128x64xf32, #tpu.memory_space<vmem>>, vector<16xf32>,
        tpu.vector_store %arg10[%swap3A_890, %swap3A_891], %mul3A_889 {strides = array<i32>} : memref<128x64xf32, #tpu.memory_space<vmem>>, vector<16xf32>,
        %mul3A_893 = arith.mulf %select_n3A_822, %mul3A_888 : vector<16xf32>
        %swap3A_894 = arith.index_cast %add3A_800 : i32 to index
        %swap3A_895 = arith.constant 16 : index
        %swap3A_896 = tpu.vector_load %arg10[%swap3A_894, %swap3A_895] {strides = array<i32>} : memref<128x64xf32, #tpu.memory_space<vmem>>, vector<16xf32>,
        tpu.vector_store %arg10[%swap3A_894, %swap3A_895], %mul3A_893 {strides = array<i32>} : memref<128x64xf32, #tpu.memory_space<vmem>>, vector<16xf32>,
        %mul3A_897 = arith.mulf %select_n3A_829, %mul3A_888 : vector<16xf32>
        %swap3A_898 = arith.index_cast %add3A_800 : i32 to index
        %swap3A_899 = arith.constant 32 : index
        %swap3A_900 = tpu.vector_load %arg10[%swap3A_898, %swap3A_899] {strides = array<i32>} : memref<128x64xf32, #tpu.memory_space<vmem>>, vector<16xf32>,
        tpu.vector_store %arg10[%swap3A_898, %swap3A_899], %mul3A_897 {strides = array<i32>} : memref<128x64xf32, #tpu.memory_space<vmem>>, vector<16xf32>,
        %mul3A_901 = arith.mulf %select_n3A_836, %mul3A_888 : vector<16xf32>
        %swap3A_902 = arith.index_cast %add3A_800 : i32 to index
        %swap3A_903 = arith.constant 48 : index
        %swap3A_904 = tpu.vector_load %arg10[%swap3A_902, %swap3A_903] {strides = array<i32>} : memref<128x64xf32, #tpu.memory_space<vmem>>, vector<16xf32>,
        tpu.vector_store %arg10[%swap3A_902, %swap3A_903], %mul3A_901 {strides = array<i32>} : memref<128x64xf32, #tpu.memory_space<vmem>>, vector<16xf32>,
        %mul3A_905 = arith.constant 16 : i32
        %mul3A_906 = arith.muli %scan3A_146, %mul3A_905 : i32
        %add3A_907 = arith.constant 7 : i32
        %add3A_908 = arith.addi %mul3A_906, %add3A_907 : i32
        %broadcast_in_dim3A_909 = arith.constant 7 : i32
        %broadcast_in_dim3A_910 = vector.broadcast %broadcast_in_dim3A_909 : i32 to vector<16xi32>
        %reshape3A_911 = vector.shape_cast %broadcast_in_dim3A_910 : vector<16xi32> to vector<16x1xi32>
        %gather3A_912 = vector.shape_cast %reshape3A_911 : vector<16x1xi32> to vector<16xi32>
        %gather3A_913 = tpu.dynamic_gather %and3A_156[%gather3A_912] in [0] : vector<16xi32>, vector<16xi32> -> vector<16xi32>
        %gt3A_914 = arith.constant 0 : i32
        %gt3A_915 = vector.broadcast %gt3A_914 : i32 to vector<16xi32>
        %gt3A_916 = arith.cmpi sgt, %gather3A_913, %gt3A_915 : vector<16xi32>
        %get3A_917 = arith.index_cast %add3A_908 : i32 to index
        %get3A_918 = arith.constant 64 : index
        %get3A_919 = tpu.vector_load %arg8[%get3A_917, %get3A_918] {strides = array<i32>} : memref<128x128xf32, #tpu.memory_space<vmem>>, vector<16xf32>,
        %get3A_920 = arith.index_cast %add3A_908 : i32 to index
        %get3A_921 = arith.constant 0 : index
        %get3A_922 = tpu.vector_load %arg8[%get3A_920, %get3A_921] {strides = array<i32>} : memref<128x128xf32, #tpu.memory_space<vmem>>, vector<16xf32>,
        %select_n3A_923 = arith.select %gt3A_916, %get3A_919, %get3A_922 : vector<16xi1>, vector<16xf32>
        %get3A_924 = arith.index_cast %add3A_908 : i32 to index
        %get3A_925 = arith.constant 80 : index
        %get3A_926 = tpu.vector_load %arg8[%get3A_924, %get3A_925] {strides = array<i32>} : memref<128x128xf32, #tpu.memory_space<vmem>>, vector<16xf32>,
        %get3A_927 = arith.index_cast %add3A_908 : i32 to index
        %get3A_928 = arith.constant 16 : index
        %get3A_929 = tpu.vector_load %arg8[%get3A_927, %get3A_928] {strides = array<i32>} : memref<128x128xf32, #tpu.memory_space<vmem>>, vector<16xf32>,
        %select_n3A_930 = arith.select %gt3A_916, %get3A_926, %get3A_929 : vector<16xi1>, vector<16xf32>
        %get3A_931 = arith.index_cast %add3A_908 : i32 to index
        %get3A_932 = arith.constant 96 : index
        %get3A_933 = tpu.vector_load %arg8[%get3A_931, %get3A_932] {strides = array<i32>} : memref<128x128xf32, #tpu.memory_space<vmem>>, vector<16xf32>,
        %get3A_934 = arith.index_cast %add3A_908 : i32 to index
        %get3A_935 = arith.constant 32 : index
        %get3A_936 = tpu.vector_load %arg8[%get3A_934, %get3A_935] {strides = array<i32>} : memref<128x128xf32, #tpu.memory_space<vmem>>, vector<16xf32>,
        %select_n3A_937 = arith.select %gt3A_916, %get3A_933, %get3A_936 : vector<16xi1>, vector<16xf32>
        %get3A_938 = arith.index_cast %add3A_908 : i32 to index
        %get3A_939 = arith.constant 112 : index
        %get3A_940 = tpu.vector_load %arg8[%get3A_938, %get3A_939] {strides = array<i32>} : memref<128x128xf32, #tpu.memory_space<vmem>>, vector<16xf32>,
        %get3A_941 = arith.index_cast %add3A_908 : i32 to index
        %get3A_942 = arith.constant 48 : index
        %get3A_943 = tpu.vector_load %arg8[%get3A_941, %get3A_942] {strides = array<i32>} : memref<128x128xf32, #tpu.memory_space<vmem>>, vector<16xf32>,
        %select_n3A_944 = arith.select %gt3A_916, %get3A_940, %get3A_943 : vector<16xi1>, vector<16xf32>
        %mul3A_945 = arith.mulf %select_n3A_923, %select_n3A_923 : vector<16xf32>
        %mul3A_946 = arith.mulf %select_n3A_930, %select_n3A_930 : vector<16xf32>
        %add3A_947 = arith.addf %mul3A_945, %mul3A_946 : vector<16xf32>
        %mul3A_948 = arith.mulf %select_n3A_937, %select_n3A_937 : vector<16xf32>
        %mul3A_949 = arith.mulf %select_n3A_944, %select_n3A_944 : vector<16xf32>
        %add3A_950 = arith.addf %mul3A_948, %mul3A_949 : vector<16xf32>
        %add3A_951 = arith.addf %add3A_947, %add3A_950 : vector<16xf32>
        %reshape3A_952 = vector.shape_cast %xor3A_56 : vector<16xi32> to vector<16x1xi32>
        %gather3A_953 = vector.shape_cast %reshape3A_952 : vector<16x1xi32> to vector<16xi32>
        %gather3A_954 = tpu.dynamic_gather %add3A_951[%gather3A_953] in [0] : vector<16xf32>, vector<16xi32> -> vector<16xf32>
        %add3A_955 = arith.addf %add3A_951, %gather3A_954 : vector<16xf32>
        %reshape3A_956 = vector.shape_cast %xor3A_59 : vector<16xi32> to vector<16x1xi32>
        %gather3A_957 = vector.shape_cast %reshape3A_956 : vector<16x1xi32> to vector<16xi32>
        %gather3A_958 = tpu.dynamic_gather %add3A_955[%gather3A_957] in [0] : vector<16xf32>, vector<16xi32> -> vector<16xf32>
        %add3A_959 = arith.addf %add3A_955, %gather3A_958 : vector<16xf32>
        %reshape3A_960 = vector.shape_cast %xor3A_62 : vector<16xi32> to vector<16x1xi32>
        %gather3A_961 = vector.shape_cast %reshape3A_960 : vector<16x1xi32> to vector<16xi32>
        %gather3A_962 = tpu.dynamic_gather %add3A_959[%gather3A_961] in [0] : vector<16xf32>, vector<16xi32> -> vector<16xf32>
        %add3A_963 = arith.addf %add3A_959, %gather3A_962 : vector<16xf32>
        %reshape3A_964 = vector.shape_cast %xor3A_65 : vector<16xi32> to vector<16x1xi32>
        %gather3A_965 = vector.shape_cast %reshape3A_964 : vector<16x1xi32> to vector<16xi32>
        %gather3A_966 = tpu.dynamic_gather %add3A_963[%gather3A_965] in [0] : vector<16xf32>, vector<16xi32> -> vector<16xf32>
        %add3A_967 = arith.addf %add3A_963, %gather3A_966 : vector<16xf32>
        %mul3A_968 = arith.constant 1.562500e-02 : f32
        %mul3A_969 = vector.broadcast %mul3A_968 : f32 to vector<16xf32>
        %mul3A_970 = arith.mulf %add3A_967, %mul3A_969 : vector<16xf32>
        %add3A_971 = arith.constant 9.99999997E-7 : f32
        %add3A_972 = vector.broadcast %add3A_971 : f32 to vector<16xf32>
        %add3A_973 = arith.addf %mul3A_970, %add3A_972 : vector<16xf32>
        %bitcast_convert_type3A_974 = tpu.bitcast %add3A_973 : vector<16xf32> -> vector<16xi32>
        %shift_right_arithmetic3A_975 = arith.constant 1 : i32
        %shift_right_arithmetic3A_976 = vector.broadcast %shift_right_arithmetic3A_975 : i32 to vector<16xi32>
        %shift_right_arithmetic3A_977 = arith.shrsi %bitcast_convert_type3A_974, %shift_right_arithmetic3A_976 : vector<16xi32>
        %sub3A_978 = arith.constant 1597463007 : i32
        %sub3A_979 = vector.broadcast %sub3A_978 : i32 to vector<16xi32>
        %sub3A_980 = arith.subi %sub3A_979, %shift_right_arithmetic3A_977 : vector<16xi32>
        %bitcast_convert_type3A_981 = tpu.bitcast %sub3A_980 : vector<16xi32> -> vector<16xf32>
        %mul3A_982 = arith.constant 5.000000e-01 : f32
        %mul3A_983 = vector.broadcast %mul3A_982 : f32 to vector<16xf32>
        %mul3A_984 = arith.mulf %add3A_973, %mul3A_983 : vector<16xf32>
        %mul3A_985 = arith.mulf %mul3A_984, %bitcast_convert_type3A_981 : vector<16xf32>
        %mul3A_986 = arith.mulf %mul3A_985, %bitcast_convert_type3A_981 : vector<16xf32>
        %sub3A_987 = arith.constant 1.500000e+00 : f32
        %sub3A_988 = vector.broadcast %sub3A_987 : f32 to vector<16xf32>
        %sub3A_989 = arith.subf %sub3A_988, %mul3A_986 : vector<16xf32>
        %mul3A_990 = arith.mulf %bitcast_convert_type3A_981, %sub3A_989 : vector<16xf32>
        %mul3A_991 = arith.mulf %mul3A_984, %mul3A_990 : vector<16xf32>
        %mul3A_992 = arith.mulf %mul3A_991, %mul3A_990 : vector<16xf32>
        %sub3A_993 = arith.constant 1.500000e+00 : f32
        %sub3A_994 = vector.broadcast %sub3A_993 : f32 to vector<16xf32>
        %sub3A_995 = arith.subf %sub3A_994, %mul3A_992 : vector<16xf32>
        %mul3A_996 = arith.mulf %mul3A_990, %sub3A_995 : vector<16xf32>
        %mul3A_997 = arith.mulf %select_n3A_923, %mul3A_996 : vector<16xf32>
        %swap3A_998 = arith.index_cast %add3A_908 : i32 to index
        %swap3A_999 = arith.constant 0 : index
        %swap3A_1000 = tpu.vector_load %arg10[%swap3A_998, %swap3A_999] {strides = array<i32>} : memref<128x64xf32, #tpu.memory_space<vmem>>, vector<16xf32>,
        tpu.vector_store %arg10[%swap3A_998, %swap3A_999], %mul3A_997 {strides = array<i32>} : memref<128x64xf32, #tpu.memory_space<vmem>>, vector<16xf32>,
        %mul3A_1001 = arith.mulf %select_n3A_930, %mul3A_996 : vector<16xf32>
        %swap3A_1002 = arith.index_cast %add3A_908 : i32 to index
        %swap3A_1003 = arith.constant 16 : index
        %swap3A_1004 = tpu.vector_load %arg10[%swap3A_1002, %swap3A_1003] {strides = array<i32>} : memref<128x64xf32, #tpu.memory_space<vmem>>, vector<16xf32>,
        tpu.vector_store %arg10[%swap3A_1002, %swap3A_1003], %mul3A_1001 {strides = array<i32>} : memref<128x64xf32, #tpu.memory_space<vmem>>, vector<16xf32>,
        %mul3A_1005 = arith.mulf %select_n3A_937, %mul3A_996 : vector<16xf32>
        %swap3A_1006 = arith.index_cast %add3A_908 : i32 to index
        %swap3A_1007 = arith.constant 32 : index
        %swap3A_1008 = tpu.vector_load %arg10[%swap3A_1006, %swap3A_1007] {strides = array<i32>} : memref<128x64xf32, #tpu.memory_space<vmem>>, vector<16xf32>,
        tpu.vector_store %arg10[%swap3A_1006, %swap3A_1007], %mul3A_1005 {strides = array<i32>} : memref<128x64xf32, #tpu.memory_space<vmem>>, vector<16xf32>,
        %mul3A_1009 = arith.mulf %select_n3A_944, %mul3A_996 : vector<16xf32>
        %swap3A_1010 = arith.index_cast %add3A_908 : i32 to index
        %swap3A_1011 = arith.constant 48 : index
        %swap3A_1012 = tpu.vector_load %arg10[%swap3A_1010, %swap3A_1011] {strides = array<i32>} : memref<128x64xf32, #tpu.memory_space<vmem>>, vector<16xf32>,
        tpu.vector_store %arg10[%swap3A_1010, %swap3A_1011], %mul3A_1009 {strides = array<i32>} : memref<128x64xf32, #tpu.memory_space<vmem>>, vector<16xf32>,
        %mul3A_1013 = arith.constant 16 : i32
        %mul3A_1014 = arith.muli %scan3A_146, %mul3A_1013 : i32
        %add3A_1015 = arith.constant 8 : i32
        %add3A_1016 = arith.addi %mul3A_1014, %add3A_1015 : i32
        %broadcast_in_dim3A_1017 = arith.constant 8 : i32
        %broadcast_in_dim3A_1018 = vector.broadcast %broadcast_in_dim3A_1017 : i32 to vector<16xi32>
        %reshape3A_1019 = vector.shape_cast %broadcast_in_dim3A_1018 : vector<16xi32> to vector<16x1xi32>
        %gather3A_1020 = vector.shape_cast %reshape3A_1019 : vector<16x1xi32> to vector<16xi32>
        %gather3A_1021 = tpu.dynamic_gather %and3A_156[%gather3A_1020] in [0] : vector<16xi32>, vector<16xi32> -> vector<16xi32>
        %gt3A_1022 = arith.constant 0 : i32
        %gt3A_1023 = vector.broadcast %gt3A_1022 : i32 to vector<16xi32>
        %gt3A_1024 = arith.cmpi sgt, %gather3A_1021, %gt3A_1023 : vector<16xi32>
        %get3A_1025 = arith.index_cast %add3A_1016 : i32 to index
        %get3A_1026 = arith.constant 64 : index
        %get3A_1027 = tpu.vector_load %arg8[%get3A_1025, %get3A_1026] {strides = array<i32>} : memref<128x128xf32, #tpu.memory_space<vmem>>, vector<16xf32>,
        %get3A_1028 = arith.index_cast %add3A_1016 : i32 to index
        %get3A_1029 = arith.constant 0 : index
        %get3A_1030 = tpu.vector_load %arg8[%get3A_1028, %get3A_1029] {strides = array<i32>} : memref<128x128xf32, #tpu.memory_space<vmem>>, vector<16xf32>,
        %select_n3A_1031 = arith.select %gt3A_1024, %get3A_1027, %get3A_1030 : vector<16xi1>, vector<16xf32>
        %get3A_1032 = arith.index_cast %add3A_1016 : i32 to index
        %get3A_1033 = arith.constant 80 : index
        %get3A_1034 = tpu.vector_load %arg8[%get3A_1032, %get3A_1033] {strides = array<i32>} : memref<128x128xf32, #tpu.memory_space<vmem>>, vector<16xf32>,
        %get3A_1035 = arith.index_cast %add3A_1016 : i32 to index
        %get3A_1036 = arith.constant 16 : index
        %get3A_1037 = tpu.vector_load %arg8[%get3A_1035, %get3A_1036] {strides = array<i32>} : memref<128x128xf32, #tpu.memory_space<vmem>>, vector<16xf32>,
        %select_n3A_1038 = arith.select %gt3A_1024, %get3A_1034, %get3A_1037 : vector<16xi1>, vector<16xf32>
        %get3A_1039 = arith.index_cast %add3A_1016 : i32 to index
        %get3A_1040 = arith.constant 96 : index
        %get3A_1041 = tpu.vector_load %arg8[%get3A_1039, %get3A_1040] {strides = array<i32>} : memref<128x128xf32, #tpu.memory_space<vmem>>, vector<16xf32>,
        %get3A_1042 = arith.index_cast %add3A_1016 : i32 to index
        %get3A_1043 = arith.constant 32 : index
        %get3A_1044 = tpu.vector_load %arg8[%get3A_1042, %get3A_1043] {strides = array<i32>} : memref<128x128xf32, #tpu.memory_space<vmem>>, vector<16xf32>,
        %select_n3A_1045 = arith.select %gt3A_1024, %get3A_1041, %get3A_1044 : vector<16xi1>, vector<16xf32>
        %get3A_1046 = arith.index_cast %add3A_1016 : i32 to index
        %get3A_1047 = arith.constant 112 : index
        %get3A_1048 = tpu.vector_load %arg8[%get3A_1046, %get3A_1047] {strides = array<i32>} : memref<128x128xf32, #tpu.memory_space<vmem>>, vector<16xf32>,
        %get3A_1049 = arith.index_cast %add3A_1016 : i32 to index
        %get3A_1050 = arith.constant 48 : index
        %get3A_1051 = tpu.vector_load %arg8[%get3A_1049, %get3A_1050] {strides = array<i32>} : memref<128x128xf32, #tpu.memory_space<vmem>>, vector<16xf32>,
        %select_n3A_1052 = arith.select %gt3A_1024, %get3A_1048, %get3A_1051 : vector<16xi1>, vector<16xf32>
        %mul3A_1053 = arith.mulf %select_n3A_1031, %select_n3A_1031 : vector<16xf32>
        %mul3A_1054 = arith.mulf %select_n3A_1038, %select_n3A_1038 : vector<16xf32>
        %add3A_1055 = arith.addf %mul3A_1053, %mul3A_1054 : vector<16xf32>
        %mul3A_1056 = arith.mulf %select_n3A_1045, %select_n3A_1045 : vector<16xf32>
        %mul3A_1057 = arith.mulf %select_n3A_1052, %select_n3A_1052 : vector<16xf32>
        %add3A_1058 = arith.addf %mul3A_1056, %mul3A_1057 : vector<16xf32>
        %add3A_1059 = arith.addf %add3A_1055, %add3A_1058 : vector<16xf32>
        %reshape3A_1060 = vector.shape_cast %xor3A_56 : vector<16xi32> to vector<16x1xi32>
        %gather3A_1061 = vector.shape_cast %reshape3A_1060 : vector<16x1xi32> to vector<16xi32>
        %gather3A_1062 = tpu.dynamic_gather %add3A_1059[%gather3A_1061] in [0] : vector<16xf32>, vector<16xi32> -> vector<16xf32>
        %add3A_1063 = arith.addf %add3A_1059, %gather3A_1062 : vector<16xf32>
        %reshape3A_1064 = vector.shape_cast %xor3A_59 : vector<16xi32> to vector<16x1xi32>
        %gather3A_1065 = vector.shape_cast %reshape3A_1064 : vector<16x1xi32> to vector<16xi32>
        %gather3A_1066 = tpu.dynamic_gather %add3A_1063[%gather3A_1065] in [0] : vector<16xf32>, vector<16xi32> -> vector<16xf32>
        %add3A_1067 = arith.addf %add3A_1063, %gather3A_1066 : vector<16xf32>
        %reshape3A_1068 = vector.shape_cast %xor3A_62 : vector<16xi32> to vector<16x1xi32>
        %gather3A_1069 = vector.shape_cast %reshape3A_1068 : vector<16x1xi32> to vector<16xi32>
        %gather3A_1070 = tpu.dynamic_gather %add3A_1067[%gather3A_1069] in [0] : vector<16xf32>, vector<16xi32> -> vector<16xf32>
        %add3A_1071 = arith.addf %add3A_1067, %gather3A_1070 : vector<16xf32>
        %reshape3A_1072 = vector.shape_cast %xor3A_65 : vector<16xi32> to vector<16x1xi32>
        %gather3A_1073 = vector.shape_cast %reshape3A_1072 : vector<16x1xi32> to vector<16xi32>
        %gather3A_1074 = tpu.dynamic_gather %add3A_1071[%gather3A_1073] in [0] : vector<16xf32>, vector<16xi32> -> vector<16xf32>
        %add3A_1075 = arith.addf %add3A_1071, %gather3A_1074 : vector<16xf32>
        %mul3A_1076 = arith.constant 1.562500e-02 : f32
        %mul3A_1077 = vector.broadcast %mul3A_1076 : f32 to vector<16xf32>
        %mul3A_1078 = arith.mulf %add3A_1075, %mul3A_1077 : vector<16xf32>
        %add3A_1079 = arith.constant 9.99999997E-7 : f32
        %add3A_1080 = vector.broadcast %add3A_1079 : f32 to vector<16xf32>
        %add3A_1081 = arith.addf %mul3A_1078, %add3A_1080 : vector<16xf32>
        %bitcast_convert_type3A_1082 = tpu.bitcast %add3A_1081 : vector<16xf32> -> vector<16xi32>
        %shift_right_arithmetic3A_1083 = arith.constant 1 : i32
        %shift_right_arithmetic3A_1084 = vector.broadcast %shift_right_arithmetic3A_1083 : i32 to vector<16xi32>
        %shift_right_arithmetic3A_1085 = arith.shrsi %bitcast_convert_type3A_1082, %shift_right_arithmetic3A_1084 : vector<16xi32>
        %sub3A_1086 = arith.constant 1597463007 : i32
        %sub3A_1087 = vector.broadcast %sub3A_1086 : i32 to vector<16xi32>
        %sub3A_1088 = arith.subi %sub3A_1087, %shift_right_arithmetic3A_1085 : vector<16xi32>
        %bitcast_convert_type3A_1089 = tpu.bitcast %sub3A_1088 : vector<16xi32> -> vector<16xf32>
        %mul3A_1090 = arith.constant 5.000000e-01 : f32
        %mul3A_1091 = vector.broadcast %mul3A_1090 : f32 to vector<16xf32>
        %mul3A_1092 = arith.mulf %add3A_1081, %mul3A_1091 : vector<16xf32>
        %mul3A_1093 = arith.mulf %mul3A_1092, %bitcast_convert_type3A_1089 : vector<16xf32>
        %mul3A_1094 = arith.mulf %mul3A_1093, %bitcast_convert_type3A_1089 : vector<16xf32>
        %sub3A_1095 = arith.constant 1.500000e+00 : f32
        %sub3A_1096 = vector.broadcast %sub3A_1095 : f32 to vector<16xf32>
        %sub3A_1097 = arith.subf %sub3A_1096, %mul3A_1094 : vector<16xf32>
        %mul3A_1098 = arith.mulf %bitcast_convert_type3A_1089, %sub3A_1097 : vector<16xf32>
        %mul3A_1099 = arith.mulf %mul3A_1092, %mul3A_1098 : vector<16xf32>
        %mul3A_1100 = arith.mulf %mul3A_1099, %mul3A_1098 : vector<16xf32>
        %sub3A_1101 = arith.constant 1.500000e+00 : f32
        %sub3A_1102 = vector.broadcast %sub3A_1101 : f32 to vector<16xf32>
        %sub3A_1103 = arith.subf %sub3A_1102, %mul3A_1100 : vector<16xf32>
        %mul3A_1104 = arith.mulf %mul3A_1098, %sub3A_1103 : vector<16xf32>
        %mul3A_1105 = arith.mulf %select_n3A_1031, %mul3A_1104 : vector<16xf32>
        %swap3A_1106 = arith.index_cast %add3A_1016 : i32 to index
        %swap3A_1107 = arith.constant 0 : index
        %swap3A_1108 = tpu.vector_load %arg10[%swap3A_1106, %swap3A_1107] {strides = array<i32>} : memref<128x64xf32, #tpu.memory_space<vmem>>, vector<16xf32>,
        tpu.vector_store %arg10[%swap3A_1106, %swap3A_1107], %mul3A_1105 {strides = array<i32>} : memref<128x64xf32, #tpu.memory_space<vmem>>, vector<16xf32>,
        %mul3A_1109 = arith.mulf %select_n3A_1038, %mul3A_1104 : vector<16xf32>
        %swap3A_1110 = arith.index_cast %add3A_1016 : i32 to index
        %swap3A_1111 = arith.constant 16 : index
        %swap3A_1112 = tpu.vector_load %arg10[%swap3A_1110, %swap3A_1111] {strides = array<i32>} : memref<128x64xf32, #tpu.memory_space<vmem>>, vector<16xf32>,
        tpu.vector_store %arg10[%swap3A_1110, %swap3A_1111], %mul3A_1109 {strides = array<i32>} : memref<128x64xf32, #tpu.memory_space<vmem>>, vector<16xf32>,
        %mul3A_1113 = arith.mulf %select_n3A_1045, %mul3A_1104 : vector<16xf32>
        %swap3A_1114 = arith.index_cast %add3A_1016 : i32 to index
        %swap3A_1115 = arith.constant 32 : index
        %swap3A_1116 = tpu.vector_load %arg10[%swap3A_1114, %swap3A_1115] {strides = array<i32>} : memref<128x64xf32, #tpu.memory_space<vmem>>, vector<16xf32>,
        tpu.vector_store %arg10[%swap3A_1114, %swap3A_1115], %mul3A_1113 {strides = array<i32>} : memref<128x64xf32, #tpu.memory_space<vmem>>, vector<16xf32>,
        %mul3A_1117 = arith.mulf %select_n3A_1052, %mul3A_1104 : vector<16xf32>
        %swap3A_1118 = arith.index_cast %add3A_1016 : i32 to index
        %swap3A_1119 = arith.constant 48 : index
        %swap3A_1120 = tpu.vector_load %arg10[%swap3A_1118, %swap3A_1119] {strides = array<i32>} : memref<128x64xf32, #tpu.memory_space<vmem>>, vector<16xf32>,
        tpu.vector_store %arg10[%swap3A_1118, %swap3A_1119], %mul3A_1117 {strides = array<i32>} : memref<128x64xf32, #tpu.memory_space<vmem>>, vector<16xf32>,
        %mul3A_1121 = arith.constant 16 : i32
        %mul3A_1122 = arith.muli %scan3A_146, %mul3A_1121 : i32
        %add3A_1123 = arith.constant 9 : i32
        %add3A_1124 = arith.addi %mul3A_1122, %add3A_1123 : i32
        %broadcast_in_dim3A_1125 = arith.constant 9 : i32
        %broadcast_in_dim3A_1126 = vector.broadcast %broadcast_in_dim3A_1125 : i32 to vector<16xi32>
        %reshape3A_1127 = vector.shape_cast %broadcast_in_dim3A_1126 : vector<16xi32> to vector<16x1xi32>
        %gather3A_1128 = vector.shape_cast %reshape3A_1127 : vector<16x1xi32> to vector<16xi32>
        %gather3A_1129 = tpu.dynamic_gather %and3A_156[%gather3A_1128] in [0] : vector<16xi32>, vector<16xi32> -> vector<16xi32>
        %gt3A_1130 = arith.constant 0 : i32
        %gt3A_1131 = vector.broadcast %gt3A_1130 : i32 to vector<16xi32>
        %gt3A_1132 = arith.cmpi sgt, %gather3A_1129, %gt3A_1131 : vector<16xi32>
        %get3A_1133 = arith.index_cast %add3A_1124 : i32 to index
        %get3A_1134 = arith.constant 64 : index
        %get3A_1135 = tpu.vector_load %arg8[%get3A_1133, %get3A_1134] {strides = array<i32>} : memref<128x128xf32, #tpu.memory_space<vmem>>, vector<16xf32>,
        %get3A_1136 = arith.index_cast %add3A_1124 : i32 to index
        %get3A_1137 = arith.constant 0 : index
        %get3A_1138 = tpu.vector_load %arg8[%get3A_1136, %get3A_1137] {strides = array<i32>} : memref<128x128xf32, #tpu.memory_space<vmem>>, vector<16xf32>,
        %select_n3A_1139 = arith.select %gt3A_1132, %get3A_1135, %get3A_1138 : vector<16xi1>, vector<16xf32>
        %get3A_1140 = arith.index_cast %add3A_1124 : i32 to index
        %get3A_1141 = arith.constant 80 : index
        %get3A_1142 = tpu.vector_load %arg8[%get3A_1140, %get3A_1141] {strides = array<i32>} : memref<128x128xf32, #tpu.memory_space<vmem>>, vector<16xf32>,
        %get3A_1143 = arith.index_cast %add3A_1124 : i32 to index
        %get3A_1144 = arith.constant 16 : index
        %get3A_1145 = tpu.vector_load %arg8[%get3A_1143, %get3A_1144] {strides = array<i32>} : memref<128x128xf32, #tpu.memory_space<vmem>>, vector<16xf32>,
        %select_n3A_1146 = arith.select %gt3A_1132, %get3A_1142, %get3A_1145 : vector<16xi1>, vector<16xf32>
        %get3A_1147 = arith.index_cast %add3A_1124 : i32 to index
        %get3A_1148 = arith.constant 96 : index
        %get3A_1149 = tpu.vector_load %arg8[%get3A_1147, %get3A_1148] {strides = array<i32>} : memref<128x128xf32, #tpu.memory_space<vmem>>, vector<16xf32>,
        %get3A_1150 = arith.index_cast %add3A_1124 : i32 to index
        %get3A_1151 = arith.constant 32 : index
        %get3A_1152 = tpu.vector_load %arg8[%get3A_1150, %get3A_1151] {strides = array<i32>} : memref<128x128xf32, #tpu.memory_space<vmem>>, vector<16xf32>,
        %select_n3A_1153 = arith.select %gt3A_1132, %get3A_1149, %get3A_1152 : vector<16xi1>, vector<16xf32>
        %get3A_1154 = arith.index_cast %add3A_1124 : i32 to index
        %get3A_1155 = arith.constant 112 : index
        %get3A_1156 = tpu.vector_load %arg8[%get3A_1154, %get3A_1155] {strides = array<i32>} : memref<128x128xf32, #tpu.memory_space<vmem>>, vector<16xf32>,
        %get3A_1157 = arith.index_cast %add3A_1124 : i32 to index
        %get3A_1158 = arith.constant 48 : index
        %get3A_1159 = tpu.vector_load %arg8[%get3A_1157, %get3A_1158] {strides = array<i32>} : memref<128x128xf32, #tpu.memory_space<vmem>>, vector<16xf32>,
        %select_n3A_1160 = arith.select %gt3A_1132, %get3A_1156, %get3A_1159 : vector<16xi1>, vector<16xf32>
        %mul3A_1161 = arith.mulf %select_n3A_1139, %select_n3A_1139 : vector<16xf32>
        %mul3A_1162 = arith.mulf %select_n3A_1146, %select_n3A_1146 : vector<16xf32>
        %add3A_1163 = arith.addf %mul3A_1161, %mul3A_1162 : vector<16xf32>
        %mul3A_1164 = arith.mulf %select_n3A_1153, %select_n3A_1153 : vector<16xf32>
        %mul3A_1165 = arith.mulf %select_n3A_1160, %select_n3A_1160 : vector<16xf32>
        %add3A_1166 = arith.addf %mul3A_1164, %mul3A_1165 : vector<16xf32>
        %add3A_1167 = arith.addf %add3A_1163, %add3A_1166 : vector<16xf32>
        %reshape3A_1168 = vector.shape_cast %xor3A_56 : vector<16xi32> to vector<16x1xi32>
        %gather3A_1169 = vector.shape_cast %reshape3A_1168 : vector<16x1xi32> to vector<16xi32>
        %gather3A_1170 = tpu.dynamic_gather %add3A_1167[%gather3A_1169] in [0] : vector<16xf32>, vector<16xi32> -> vector<16xf32>
        %add3A_1171 = arith.addf %add3A_1167, %gather3A_1170 : vector<16xf32>
        %reshape3A_1172 = vector.shape_cast %xor3A_59 : vector<16xi32> to vector<16x1xi32>
        %gather3A_1173 = vector.shape_cast %reshape3A_1172 : vector<16x1xi32> to vector<16xi32>
        %gather3A_1174 = tpu.dynamic_gather %add3A_1171[%gather3A_1173] in [0] : vector<16xf32>, vector<16xi32> -> vector<16xf32>
        %add3A_1175 = arith.addf %add3A_1171, %gather3A_1174 : vector<16xf32>
        %reshape3A_1176 = vector.shape_cast %xor3A_62 : vector<16xi32> to vector<16x1xi32>
        %gather3A_1177 = vector.shape_cast %reshape3A_1176 : vector<16x1xi32> to vector<16xi32>
        %gather3A_1178 = tpu.dynamic_gather %add3A_1175[%gather3A_1177] in [0] : vector<16xf32>, vector<16xi32> -> vector<16xf32>
        %add3A_1179 = arith.addf %add3A_1175, %gather3A_1178 : vector<16xf32>
        %reshape3A_1180 = vector.shape_cast %xor3A_65 : vector<16xi32> to vector<16x1xi32>
        %gather3A_1181 = vector.shape_cast %reshape3A_1180 : vector<16x1xi32> to vector<16xi32>
        %gather3A_1182 = tpu.dynamic_gather %add3A_1179[%gather3A_1181] in [0] : vector<16xf32>, vector<16xi32> -> vector<16xf32>
        %add3A_1183 = arith.addf %add3A_1179, %gather3A_1182 : vector<16xf32>
        %mul3A_1184 = arith.constant 1.562500e-02 : f32
        %mul3A_1185 = vector.broadcast %mul3A_1184 : f32 to vector<16xf32>
        %mul3A_1186 = arith.mulf %add3A_1183, %mul3A_1185 : vector<16xf32>
        %add3A_1187 = arith.constant 9.99999997E-7 : f32
        %add3A_1188 = vector.broadcast %add3A_1187 : f32 to vector<16xf32>
        %add3A_1189 = arith.addf %mul3A_1186, %add3A_1188 : vector<16xf32>
        %bitcast_convert_type3A_1190 = tpu.bitcast %add3A_1189 : vector<16xf32> -> vector<16xi32>
        %shift_right_arithmetic3A_1191 = arith.constant 1 : i32
        %shift_right_arithmetic3A_1192 = vector.broadcast %shift_right_arithmetic3A_1191 : i32 to vector<16xi32>
        %shift_right_arithmetic3A_1193 = arith.shrsi %bitcast_convert_type3A_1190, %shift_right_arithmetic3A_1192 : vector<16xi32>
        %sub3A_1194 = arith.constant 1597463007 : i32
        %sub3A_1195 = vector.broadcast %sub3A_1194 : i32 to vector<16xi32>
        %sub3A_1196 = arith.subi %sub3A_1195, %shift_right_arithmetic3A_1193 : vector<16xi32>
        %bitcast_convert_type3A_1197 = tpu.bitcast %sub3A_1196 : vector<16xi32> -> vector<16xf32>
        %mul3A_1198 = arith.constant 5.000000e-01 : f32
        %mul3A_1199 = vector.broadcast %mul3A_1198 : f32 to vector<16xf32>
        %mul3A_1200 = arith.mulf %add3A_1189, %mul3A_1199 : vector<16xf32>
        %mul3A_1201 = arith.mulf %mul3A_1200, %bitcast_convert_type3A_1197 : vector<16xf32>
        %mul3A_1202 = arith.mulf %mul3A_1201, %bitcast_convert_type3A_1197 : vector<16xf32>
        %sub3A_1203 = arith.constant 1.500000e+00 : f32
        %sub3A_1204 = vector.broadcast %sub3A_1203 : f32 to vector<16xf32>
        %sub3A_1205 = arith.subf %sub3A_1204, %mul3A_1202 : vector<16xf32>
        %mul3A_1206 = arith.mulf %bitcast_convert_type3A_1197, %sub3A_1205 : vector<16xf32>
        %mul3A_1207 = arith.mulf %mul3A_1200, %mul3A_1206 : vector<16xf32>
        %mul3A_1208 = arith.mulf %mul3A_1207, %mul3A_1206 : vector<16xf32>
        %sub3A_1209 = arith.constant 1.500000e+00 : f32
        %sub3A_1210 = vector.broadcast %sub3A_1209 : f32 to vector<16xf32>
        %sub3A_1211 = arith.subf %sub3A_1210, %mul3A_1208 : vector<16xf32>
        %mul3A_1212 = arith.mulf %mul3A_1206, %sub3A_1211 : vector<16xf32>
        %mul3A_1213 = arith.mulf %select_n3A_1139, %mul3A_1212 : vector<16xf32>
        %swap3A_1214 = arith.index_cast %add3A_1124 : i32 to index
        %swap3A_1215 = arith.constant 0 : index
        %swap3A_1216 = tpu.vector_load %arg10[%swap3A_1214, %swap3A_1215] {strides = array<i32>} : memref<128x64xf32, #tpu.memory_space<vmem>>, vector<16xf32>,
        tpu.vector_store %arg10[%swap3A_1214, %swap3A_1215], %mul3A_1213 {strides = array<i32>} : memref<128x64xf32, #tpu.memory_space<vmem>>, vector<16xf32>,
        %mul3A_1217 = arith.mulf %select_n3A_1146, %mul3A_1212 : vector<16xf32>
        %swap3A_1218 = arith.index_cast %add3A_1124 : i32 to index
        %swap3A_1219 = arith.constant 16 : index
        %swap3A_1220 = tpu.vector_load %arg10[%swap3A_1218, %swap3A_1219] {strides = array<i32>} : memref<128x64xf32, #tpu.memory_space<vmem>>, vector<16xf32>,
        tpu.vector_store %arg10[%swap3A_1218, %swap3A_1219], %mul3A_1217 {strides = array<i32>} : memref<128x64xf32, #tpu.memory_space<vmem>>, vector<16xf32>,
        %mul3A_1221 = arith.mulf %select_n3A_1153, %mul3A_1212 : vector<16xf32>
        %swap3A_1222 = arith.index_cast %add3A_1124 : i32 to index
        %swap3A_1223 = arith.constant 32 : index
        %swap3A_1224 = tpu.vector_load %arg10[%swap3A_1222, %swap3A_1223] {strides = array<i32>} : memref<128x64xf32, #tpu.memory_space<vmem>>, vector<16xf32>,
        tpu.vector_store %arg10[%swap3A_1222, %swap3A_1223], %mul3A_1221 {strides = array<i32>} : memref<128x64xf32, #tpu.memory_space<vmem>>, vector<16xf32>,
        %mul3A_1225 = arith.mulf %select_n3A_1160, %mul3A_1212 : vector<16xf32>
        %swap3A_1226 = arith.index_cast %add3A_1124 : i32 to index
        %swap3A_1227 = arith.constant 48 : index
        %swap3A_1228 = tpu.vector_load %arg10[%swap3A_1226, %swap3A_1227] {strides = array<i32>} : memref<128x64xf32, #tpu.memory_space<vmem>>, vector<16xf32>,
        tpu.vector_store %arg10[%swap3A_1226, %swap3A_1227], %mul3A_1225 {strides = array<i32>} : memref<128x64xf32, #tpu.memory_space<vmem>>, vector<16xf32>,
        %mul3A_1229 = arith.constant 16 : i32
        %mul3A_1230 = arith.muli %scan3A_146, %mul3A_1229 : i32
        %add3A_1231 = arith.constant 10 : i32
        %add3A_1232 = arith.addi %mul3A_1230, %add3A_1231 : i32
        %broadcast_in_dim3A_1233 = arith.constant 10 : i32
        %broadcast_in_dim3A_1234 = vector.broadcast %broadcast_in_dim3A_1233 : i32 to vector<16xi32>
        %reshape3A_1235 = vector.shape_cast %broadcast_in_dim3A_1234 : vector<16xi32> to vector<16x1xi32>
        %gather3A_1236 = vector.shape_cast %reshape3A_1235 : vector<16x1xi32> to vector<16xi32>
        %gather3A_1237 = tpu.dynamic_gather %and3A_156[%gather3A_1236] in [0] : vector<16xi32>, vector<16xi32> -> vector<16xi32>
        %gt3A_1238 = arith.constant 0 : i32
        %gt3A_1239 = vector.broadcast %gt3A_1238 : i32 to vector<16xi32>
        %gt3A_1240 = arith.cmpi sgt, %gather3A_1237, %gt3A_1239 : vector<16xi32>
        %get3A_1241 = arith.index_cast %add3A_1232 : i32 to index
        %get3A_1242 = arith.constant 64 : index
        %get3A_1243 = tpu.vector_load %arg8[%get3A_1241, %get3A_1242] {strides = array<i32>} : memref<128x128xf32, #tpu.memory_space<vmem>>, vector<16xf32>,
        %get3A_1244 = arith.index_cast %add3A_1232 : i32 to index
        %get3A_1245 = arith.constant 0 : index
        %get3A_1246 = tpu.vector_load %arg8[%get3A_1244, %get3A_1245] {strides = array<i32>} : memref<128x128xf32, #tpu.memory_space<vmem>>, vector<16xf32>,
        %select_n3A_1247 = arith.select %gt3A_1240, %get3A_1243, %get3A_1246 : vector<16xi1>, vector<16xf32>
        %get3A_1248 = arith.index_cast %add3A_1232 : i32 to index
        %get3A_1249 = arith.constant 80 : index
        %get3A_1250 = tpu.vector_load %arg8[%get3A_1248, %get3A_1249] {strides = array<i32>} : memref<128x128xf32, #tpu.memory_space<vmem>>, vector<16xf32>,
        %get3A_1251 = arith.index_cast %add3A_1232 : i32 to index
        %get3A_1252 = arith.constant 16 : index
        %get3A_1253 = tpu.vector_load %arg8[%get3A_1251, %get3A_1252] {strides = array<i32>} : memref<128x128xf32, #tpu.memory_space<vmem>>, vector<16xf32>,
        %select_n3A_1254 = arith.select %gt3A_1240, %get3A_1250, %get3A_1253 : vector<16xi1>, vector<16xf32>
        %get3A_1255 = arith.index_cast %add3A_1232 : i32 to index
        %get3A_1256 = arith.constant 96 : index
        %get3A_1257 = tpu.vector_load %arg8[%get3A_1255, %get3A_1256] {strides = array<i32>} : memref<128x128xf32, #tpu.memory_space<vmem>>, vector<16xf32>,
        %get3A_1258 = arith.index_cast %add3A_1232 : i32 to index
        %get3A_1259 = arith.constant 32 : index
        %get3A_1260 = tpu.vector_load %arg8[%get3A_1258, %get3A_1259] {strides = array<i32>} : memref<128x128xf32, #tpu.memory_space<vmem>>, vector<16xf32>,
        %select_n3A_1261 = arith.select %gt3A_1240, %get3A_1257, %get3A_1260 : vector<16xi1>, vector<16xf32>
        %get3A_1262 = arith.index_cast %add3A_1232 : i32 to index
        %get3A_1263 = arith.constant 112 : index
        %get3A_1264 = tpu.vector_load %arg8[%get3A_1262, %get3A_1263] {strides = array<i32>} : memref<128x128xf32, #tpu.memory_space<vmem>>, vector<16xf32>,
        %get3A_1265 = arith.index_cast %add3A_1232 : i32 to index
        %get3A_1266 = arith.constant 48 : index
        %get3A_1267 = tpu.vector_load %arg8[%get3A_1265, %get3A_1266] {strides = array<i32>} : memref<128x128xf32, #tpu.memory_space<vmem>>, vector<16xf32>,
        %select_n3A_1268 = arith.select %gt3A_1240, %get3A_1264, %get3A_1267 : vector<16xi1>, vector<16xf32>
        %mul3A_1269 = arith.mulf %select_n3A_1247, %select_n3A_1247 : vector<16xf32>
        %mul3A_1270 = arith.mulf %select_n3A_1254, %select_n3A_1254 : vector<16xf32>
        %add3A_1271 = arith.addf %mul3A_1269, %mul3A_1270 : vector<16xf32>
        %mul3A_1272 = arith.mulf %select_n3A_1261, %select_n3A_1261 : vector<16xf32>
        %mul3A_1273 = arith.mulf %select_n3A_1268, %select_n3A_1268 : vector<16xf32>
        %add3A_1274 = arith.addf %mul3A_1272, %mul3A_1273 : vector<16xf32>
        %add3A_1275 = arith.addf %add3A_1271, %add3A_1274 : vector<16xf32>
        %reshape3A_1276 = vector.shape_cast %xor3A_56 : vector<16xi32> to vector<16x1xi32>
        %gather3A_1277 = vector.shape_cast %reshape3A_1276 : vector<16x1xi32> to vector<16xi32>
        %gather3A_1278 = tpu.dynamic_gather %add3A_1275[%gather3A_1277] in [0] : vector<16xf32>, vector<16xi32> -> vector<16xf32>
        %add3A_1279 = arith.addf %add3A_1275, %gather3A_1278 : vector<16xf32>
        %reshape3A_1280 = vector.shape_cast %xor3A_59 : vector<16xi32> to vector<16x1xi32>
        %gather3A_1281 = vector.shape_cast %reshape3A_1280 : vector<16x1xi32> to vector<16xi32>
        %gather3A_1282 = tpu.dynamic_gather %add3A_1279[%gather3A_1281] in [0] : vector<16xf32>, vector<16xi32> -> vector<16xf32>
        %add3A_1283 = arith.addf %add3A_1279, %gather3A_1282 : vector<16xf32>
        %reshape3A_1284 = vector.shape_cast %xor3A_62 : vector<16xi32> to vector<16x1xi32>
        %gather3A_1285 = vector.shape_cast %reshape3A_1284 : vector<16x1xi32> to vector<16xi32>
        %gather3A_1286 = tpu.dynamic_gather %add3A_1283[%gather3A_1285] in [0] : vector<16xf32>, vector<16xi32> -> vector<16xf32>
        %add3A_1287 = arith.addf %add3A_1283, %gather3A_1286 : vector<16xf32>
        %reshape3A_1288 = vector.shape_cast %xor3A_65 : vector<16xi32> to vector<16x1xi32>
        %gather3A_1289 = vector.shape_cast %reshape3A_1288 : vector<16x1xi32> to vector<16xi32>
        %gather3A_1290 = tpu.dynamic_gather %add3A_1287[%gather3A_1289] in [0] : vector<16xf32>, vector<16xi32> -> vector<16xf32>
        %add3A_1291 = arith.addf %add3A_1287, %gather3A_1290 : vector<16xf32>
        %mul3A_1292 = arith.constant 1.562500e-02 : f32
        %mul3A_1293 = vector.broadcast %mul3A_1292 : f32 to vector<16xf32>
        %mul3A_1294 = arith.mulf %add3A_1291, %mul3A_1293 : vector<16xf32>
        %add3A_1295 = arith.constant 9.99999997E-7 : f32
        %add3A_1296 = vector.broadcast %add3A_1295 : f32 to vector<16xf32>
        %add3A_1297 = arith.addf %mul3A_1294, %add3A_1296 : vector<16xf32>
        %bitcast_convert_type3A_1298 = tpu.bitcast %add3A_1297 : vector<16xf32> -> vector<16xi32>
        %shift_right_arithmetic3A_1299 = arith.constant 1 : i32
        %shift_right_arithmetic3A_1300 = vector.broadcast %shift_right_arithmetic3A_1299 : i32 to vector<16xi32>
        %shift_right_arithmetic3A_1301 = arith.shrsi %bitcast_convert_type3A_1298, %shift_right_arithmetic3A_1300 : vector<16xi32>
        %sub3A_1302 = arith.constant 1597463007 : i32
        %sub3A_1303 = vector.broadcast %sub3A_1302 : i32 to vector<16xi32>
        %sub3A_1304 = arith.subi %sub3A_1303, %shift_right_arithmetic3A_1301 : vector<16xi32>
        %bitcast_convert_type3A_1305 = tpu.bitcast %sub3A_1304 : vector<16xi32> -> vector<16xf32>
        %mul3A_1306 = arith.constant 5.000000e-01 : f32
        %mul3A_1307 = vector.broadcast %mul3A_1306 : f32 to vector<16xf32>
        %mul3A_1308 = arith.mulf %add3A_1297, %mul3A_1307 : vector<16xf32>
        %mul3A_1309 = arith.mulf %mul3A_1308, %bitcast_convert_type3A_1305 : vector<16xf32>
        %mul3A_1310 = arith.mulf %mul3A_1309, %bitcast_convert_type3A_1305 : vector<16xf32>
        %sub3A_1311 = arith.constant 1.500000e+00 : f32
        %sub3A_1312 = vector.broadcast %sub3A_1311 : f32 to vector<16xf32>
        %sub3A_1313 = arith.subf %sub3A_1312, %mul3A_1310 : vector<16xf32>
        %mul3A_1314 = arith.mulf %bitcast_convert_type3A_1305, %sub3A_1313 : vector<16xf32>
        %mul3A_1315 = arith.mulf %mul3A_1308, %mul3A_1314 : vector<16xf32>
        %mul3A_1316 = arith.mulf %mul3A_1315, %mul3A_1314 : vector<16xf32>
        %sub3A_1317 = arith.constant 1.500000e+00 : f32
        %sub3A_1318 = vector.broadcast %sub3A_1317 : f32 to vector<16xf32>
        %sub3A_1319 = arith.subf %sub3A_1318, %mul3A_1316 : vector<16xf32>
        %mul3A_1320 = arith.mulf %mul3A_1314, %sub3A_1319 : vector<16xf32>
        %mul3A_1321 = arith.mulf %select_n3A_1247, %mul3A_1320 : vector<16xf32>
        %swap3A_1322 = arith.index_cast %add3A_1232 : i32 to index
        %swap3A_1323 = arith.constant 0 : index
        %swap3A_1324 = tpu.vector_load %arg10[%swap3A_1322, %swap3A_1323] {strides = array<i32>} : memref<128x64xf32, #tpu.memory_space<vmem>>, vector<16xf32>,
        tpu.vector_store %arg10[%swap3A_1322, %swap3A_1323], %mul3A_1321 {strides = array<i32>} : memref<128x64xf32, #tpu.memory_space<vmem>>, vector<16xf32>,
        %mul3A_1325 = arith.mulf %select_n3A_1254, %mul3A_1320 : vector<16xf32>
        %swap3A_1326 = arith.index_cast %add3A_1232 : i32 to index
        %swap3A_1327 = arith.constant 16 : index
        %swap3A_1328 = tpu.vector_load %arg10[%swap3A_1326, %swap3A_1327] {strides = array<i32>} : memref<128x64xf32, #tpu.memory_space<vmem>>, vector<16xf32>,
        tpu.vector_store %arg10[%swap3A_1326, %swap3A_1327], %mul3A_1325 {strides = array<i32>} : memref<128x64xf32, #tpu.memory_space<vmem>>, vector<16xf32>,
        %mul3A_1329 = arith.mulf %select_n3A_1261, %mul3A_1320 : vector<16xf32>
        %swap3A_1330 = arith.index_cast %add3A_1232 : i32 to index
        %swap3A_1331 = arith.constant 32 : index
        %swap3A_1332 = tpu.vector_load %arg10[%swap3A_1330, %swap3A_1331] {strides = array<i32>} : memref<128x64xf32, #tpu.memory_space<vmem>>, vector<16xf32>,
        tpu.vector_store %arg10[%swap3A_1330, %swap3A_1331], %mul3A_1329 {strides = array<i32>} : memref<128x64xf32, #tpu.memory_space<vmem>>, vector<16xf32>,
        %mul3A_1333 = arith.mulf %select_n3A_1268, %mul3A_1320 : vector<16xf32>
        %swap3A_1334 = arith.index_cast %add3A_1232 : i32 to index
        %swap3A_1335 = arith.constant 48 : index
        %swap3A_1336 = tpu.vector_load %arg10[%swap3A_1334, %swap3A_1335] {strides = array<i32>} : memref<128x64xf32, #tpu.memory_space<vmem>>, vector<16xf32>,
        tpu.vector_store %arg10[%swap3A_1334, %swap3A_1335], %mul3A_1333 {strides = array<i32>} : memref<128x64xf32, #tpu.memory_space<vmem>>, vector<16xf32>,
        %mul3A_1337 = arith.constant 16 : i32
        %mul3A_1338 = arith.muli %scan3A_146, %mul3A_1337 : i32
        %add3A_1339 = arith.constant 11 : i32
        %add3A_1340 = arith.addi %mul3A_1338, %add3A_1339 : i32
        %broadcast_in_dim3A_1341 = arith.constant 11 : i32
        %broadcast_in_dim3A_1342 = vector.broadcast %broadcast_in_dim3A_1341 : i32 to vector<16xi32>
        %reshape3A_1343 = vector.shape_cast %broadcast_in_dim3A_1342 : vector<16xi32> to vector<16x1xi32>
        %gather3A_1344 = vector.shape_cast %reshape3A_1343 : vector<16x1xi32> to vector<16xi32>
        %gather3A_1345 = tpu.dynamic_gather %and3A_156[%gather3A_1344] in [0] : vector<16xi32>, vector<16xi32> -> vector<16xi32>
        %gt3A_1346 = arith.constant 0 : i32
        %gt3A_1347 = vector.broadcast %gt3A_1346 : i32 to vector<16xi32>
        %gt3A_1348 = arith.cmpi sgt, %gather3A_1345, %gt3A_1347 : vector<16xi32>
        %get3A_1349 = arith.index_cast %add3A_1340 : i32 to index
        %get3A_1350 = arith.constant 64 : index
        %get3A_1351 = tpu.vector_load %arg8[%get3A_1349, %get3A_1350] {strides = array<i32>} : memref<128x128xf32, #tpu.memory_space<vmem>>, vector<16xf32>,
        %get3A_1352 = arith.index_cast %add3A_1340 : i32 to index
        %get3A_1353 = arith.constant 0 : index
        %get3A_1354 = tpu.vector_load %arg8[%get3A_1352, %get3A_1353] {strides = array<i32>} : memref<128x128xf32, #tpu.memory_space<vmem>>, vector<16xf32>,
        %select_n3A_1355 = arith.select %gt3A_1348, %get3A_1351, %get3A_1354 : vector<16xi1>, vector<16xf32>
        %get3A_1356 = arith.index_cast %add3A_1340 : i32 to index
        %get3A_1357 = arith.constant 80 : index
        %get3A_1358 = tpu.vector_load %arg8[%get3A_1356, %get3A_1357] {strides = array<i32>} : memref<128x128xf32, #tpu.memory_space<vmem>>, vector<16xf32>,
        %get3A_1359 = arith.index_cast %add3A_1340 : i32 to index
        %get3A_1360 = arith.constant 16 : index
        %get3A_1361 = tpu.vector_load %arg8[%get3A_1359, %get3A_1360] {strides = array<i32>} : memref<128x128xf32, #tpu.memory_space<vmem>>, vector<16xf32>,
        %select_n3A_1362 = arith.select %gt3A_1348, %get3A_1358, %get3A_1361 : vector<16xi1>, vector<16xf32>
        %get3A_1363 = arith.index_cast %add3A_1340 : i32 to index
        %get3A_1364 = arith.constant 96 : index
        %get3A_1365 = tpu.vector_load %arg8[%get3A_1363, %get3A_1364] {strides = array<i32>} : memref<128x128xf32, #tpu.memory_space<vmem>>, vector<16xf32>,
        %get3A_1366 = arith.index_cast %add3A_1340 : i32 to index
        %get3A_1367 = arith.constant 32 : index
        %get3A_1368 = tpu.vector_load %arg8[%get3A_1366, %get3A_1367] {strides = array<i32>} : memref<128x128xf32, #tpu.memory_space<vmem>>, vector<16xf32>,
        %select_n3A_1369 = arith.select %gt3A_1348, %get3A_1365, %get3A_1368 : vector<16xi1>, vector<16xf32>
        %get3A_1370 = arith.index_cast %add3A_1340 : i32 to index
        %get3A_1371 = arith.constant 112 : index
        %get3A_1372 = tpu.vector_load %arg8[%get3A_1370, %get3A_1371] {strides = array<i32>} : memref<128x128xf32, #tpu.memory_space<vmem>>, vector<16xf32>,
        %get3A_1373 = arith.index_cast %add3A_1340 : i32 to index
        %get3A_1374 = arith.constant 48 : index
        %get3A_1375 = tpu.vector_load %arg8[%get3A_1373, %get3A_1374] {strides = array<i32>} : memref<128x128xf32, #tpu.memory_space<vmem>>, vector<16xf32>,
        %select_n3A_1376 = arith.select %gt3A_1348, %get3A_1372, %get3A_1375 : vector<16xi1>, vector<16xf32>
        %mul3A_1377 = arith.mulf %select_n3A_1355, %select_n3A_1355 : vector<16xf32>
        %mul3A_1378 = arith.mulf %select_n3A_1362, %select_n3A_1362 : vector<16xf32>
        %add3A_1379 = arith.addf %mul3A_1377, %mul3A_1378 : vector<16xf32>
        %mul3A_1380 = arith.mulf %select_n3A_1369, %select_n3A_1369 : vector<16xf32>
        %mul3A_1381 = arith.mulf %select_n3A_1376, %select_n3A_1376 : vector<16xf32>
        %add3A_1382 = arith.addf %mul3A_1380, %mul3A_1381 : vector<16xf32>
        %add3A_1383 = arith.addf %add3A_1379, %add3A_1382 : vector<16xf32>
        %reshape3A_1384 = vector.shape_cast %xor3A_56 : vector<16xi32> to vector<16x1xi32>
        %gather3A_1385 = vector.shape_cast %reshape3A_1384 : vector<16x1xi32> to vector<16xi32>
        %gather3A_1386 = tpu.dynamic_gather %add3A_1383[%gather3A_1385] in [0] : vector<16xf32>, vector<16xi32> -> vector<16xf32>
        %add3A_1387 = arith.addf %add3A_1383, %gather3A_1386 : vector<16xf32>
        %reshape3A_1388 = vector.shape_cast %xor3A_59 : vector<16xi32> to vector<16x1xi32>
        %gather3A_1389 = vector.shape_cast %reshape3A_1388 : vector<16x1xi32> to vector<16xi32>
        %gather3A_1390 = tpu.dynamic_gather %add3A_1387[%gather3A_1389] in [0] : vector<16xf32>, vector<16xi32> -> vector<16xf32>
        %add3A_1391 = arith.addf %add3A_1387, %gather3A_1390 : vector<16xf32>
        %reshape3A_1392 = vector.shape_cast %xor3A_62 : vector<16xi32> to vector<16x1xi32>
        %gather3A_1393 = vector.shape_cast %reshape3A_1392 : vector<16x1xi32> to vector<16xi32>
        %gather3A_1394 = tpu.dynamic_gather %add3A_1391[%gather3A_1393] in [0] : vector<16xf32>, vector<16xi32> -> vector<16xf32>
        %add3A_1395 = arith.addf %add3A_1391, %gather3A_1394 : vector<16xf32>
        %reshape3A_1396 = vector.shape_cast %xor3A_65 : vector<16xi32> to vector<16x1xi32>
        %gather3A_1397 = vector.shape_cast %reshape3A_1396 : vector<16x1xi32> to vector<16xi32>
        %gather3A_1398 = tpu.dynamic_gather %add3A_1395[%gather3A_1397] in [0] : vector<16xf32>, vector<16xi32> -> vector<16xf32>
        %add3A_1399 = arith.addf %add3A_1395, %gather3A_1398 : vector<16xf32>
        %mul3A_1400 = arith.constant 1.562500e-02 : f32
        %mul3A_1401 = vector.broadcast %mul3A_1400 : f32 to vector<16xf32>
        %mul3A_1402 = arith.mulf %add3A_1399, %mul3A_1401 : vector<16xf32>
        %add3A_1403 = arith.constant 9.99999997E-7 : f32
        %add3A_1404 = vector.broadcast %add3A_1403 : f32 to vector<16xf32>
        %add3A_1405 = arith.addf %mul3A_1402, %add3A_1404 : vector<16xf32>
        %bitcast_convert_type3A_1406 = tpu.bitcast %add3A_1405 : vector<16xf32> -> vector<16xi32>
        %shift_right_arithmetic3A_1407 = arith.constant 1 : i32
        %shift_right_arithmetic3A_1408 = vector.broadcast %shift_right_arithmetic3A_1407 : i32 to vector<16xi32>
        %shift_right_arithmetic3A_1409 = arith.shrsi %bitcast_convert_type3A_1406, %shift_right_arithmetic3A_1408 : vector<16xi32>
        %sub3A_1410 = arith.constant 1597463007 : i32
        %sub3A_1411 = vector.broadcast %sub3A_1410 : i32 to vector<16xi32>
        %sub3A_1412 = arith.subi %sub3A_1411, %shift_right_arithmetic3A_1409 : vector<16xi32>
        %bitcast_convert_type3A_1413 = tpu.bitcast %sub3A_1412 : vector<16xi32> -> vector<16xf32>
        %mul3A_1414 = arith.constant 5.000000e-01 : f32
        %mul3A_1415 = vector.broadcast %mul3A_1414 : f32 to vector<16xf32>
        %mul3A_1416 = arith.mulf %add3A_1405, %mul3A_1415 : vector<16xf32>
        %mul3A_1417 = arith.mulf %mul3A_1416, %bitcast_convert_type3A_1413 : vector<16xf32>
        %mul3A_1418 = arith.mulf %mul3A_1417, %bitcast_convert_type3A_1413 : vector<16xf32>
        %sub3A_1419 = arith.constant 1.500000e+00 : f32
        %sub3A_1420 = vector.broadcast %sub3A_1419 : f32 to vector<16xf32>
        %sub3A_1421 = arith.subf %sub3A_1420, %mul3A_1418 : vector<16xf32>
        %mul3A_1422 = arith.mulf %bitcast_convert_type3A_1413, %sub3A_1421 : vector<16xf32>
        %mul3A_1423 = arith.mulf %mul3A_1416, %mul3A_1422 : vector<16xf32>
        %mul3A_1424 = arith.mulf %mul3A_1423, %mul3A_1422 : vector<16xf32>
        %sub3A_1425 = arith.constant 1.500000e+00 : f32
        %sub3A_1426 = vector.broadcast %sub3A_1425 : f32 to vector<16xf32>
        %sub3A_1427 = arith.subf %sub3A_1426, %mul3A_1424 : vector<16xf32>
        %mul3A_1428 = arith.mulf %mul3A_1422, %sub3A_1427 : vector<16xf32>
        %mul3A_1429 = arith.mulf %select_n3A_1355, %mul3A_1428 : vector<16xf32>
        %swap3A_1430 = arith.index_cast %add3A_1340 : i32 to index
        %swap3A_1431 = arith.constant 0 : index
        %swap3A_1432 = tpu.vector_load %arg10[%swap3A_1430, %swap3A_1431] {strides = array<i32>} : memref<128x64xf32, #tpu.memory_space<vmem>>, vector<16xf32>,
        tpu.vector_store %arg10[%swap3A_1430, %swap3A_1431], %mul3A_1429 {strides = array<i32>} : memref<128x64xf32, #tpu.memory_space<vmem>>, vector<16xf32>,
        %mul3A_1433 = arith.mulf %select_n3A_1362, %mul3A_1428 : vector<16xf32>
        %swap3A_1434 = arith.index_cast %add3A_1340 : i32 to index
        %swap3A_1435 = arith.constant 16 : index
        %swap3A_1436 = tpu.vector_load %arg10[%swap3A_1434, %swap3A_1435] {strides = array<i32>} : memref<128x64xf32, #tpu.memory_space<vmem>>, vector<16xf32>,
        tpu.vector_store %arg10[%swap3A_1434, %swap3A_1435], %mul3A_1433 {strides = array<i32>} : memref<128x64xf32, #tpu.memory_space<vmem>>, vector<16xf32>,
        %mul3A_1437 = arith.mulf %select_n3A_1369, %mul3A_1428 : vector<16xf32>
        %swap3A_1438 = arith.index_cast %add3A_1340 : i32 to index
        %swap3A_1439 = arith.constant 32 : index
        %swap3A_1440 = tpu.vector_load %arg10[%swap3A_1438, %swap3A_1439] {strides = array<i32>} : memref<128x64xf32, #tpu.memory_space<vmem>>, vector<16xf32>,
        tpu.vector_store %arg10[%swap3A_1438, %swap3A_1439], %mul3A_1437 {strides = array<i32>} : memref<128x64xf32, #tpu.memory_space<vmem>>, vector<16xf32>,
        %mul3A_1441 = arith.mulf %select_n3A_1376, %mul3A_1428 : vector<16xf32>
        %swap3A_1442 = arith.index_cast %add3A_1340 : i32 to index
        %swap3A_1443 = arith.constant 48 : index
        %swap3A_1444 = tpu.vector_load %arg10[%swap3A_1442, %swap3A_1443] {strides = array<i32>} : memref<128x64xf32, #tpu.memory_space<vmem>>, vector<16xf32>,
        tpu.vector_store %arg10[%swap3A_1442, %swap3A_1443], %mul3A_1441 {strides = array<i32>} : memref<128x64xf32, #tpu.memory_space<vmem>>, vector<16xf32>,
        %mul3A_1445 = arith.constant 16 : i32
        %mul3A_1446 = arith.muli %scan3A_146, %mul3A_1445 : i32
        %add3A_1447 = arith.constant 12 : i32
        %add3A_1448 = arith.addi %mul3A_1446, %add3A_1447 : i32
        %broadcast_in_dim3A_1449 = arith.constant 12 : i32
        %broadcast_in_dim3A_1450 = vector.broadcast %broadcast_in_dim3A_1449 : i32 to vector<16xi32>
        %reshape3A_1451 = vector.shape_cast %broadcast_in_dim3A_1450 : vector<16xi32> to vector<16x1xi32>
        %gather3A_1452 = vector.shape_cast %reshape3A_1451 : vector<16x1xi32> to vector<16xi32>
        %gather3A_1453 = tpu.dynamic_gather %and3A_156[%gather3A_1452] in [0] : vector<16xi32>, vector<16xi32> -> vector<16xi32>
        %gt3A_1454 = arith.constant 0 : i32
        %gt3A_1455 = vector.broadcast %gt3A_1454 : i32 to vector<16xi32>
        %gt3A_1456 = arith.cmpi sgt, %gather3A_1453, %gt3A_1455 : vector<16xi32>
        %get3A_1457 = arith.index_cast %add3A_1448 : i32 to index
        %get3A_1458 = arith.constant 64 : index
        %get3A_1459 = tpu.vector_load %arg8[%get3A_1457, %get3A_1458] {strides = array<i32>} : memref<128x128xf32, #tpu.memory_space<vmem>>, vector<16xf32>,
        %get3A_1460 = arith.index_cast %add3A_1448 : i32 to index
        %get3A_1461 = arith.constant 0 : index
        %get3A_1462 = tpu.vector_load %arg8[%get3A_1460, %get3A_1461] {strides = array<i32>} : memref<128x128xf32, #tpu.memory_space<vmem>>, vector<16xf32>,
        %select_n3A_1463 = arith.select %gt3A_1456, %get3A_1459, %get3A_1462 : vector<16xi1>, vector<16xf32>
        %get3A_1464 = arith.index_cast %add3A_1448 : i32 to index
        %get3A_1465 = arith.constant 80 : index
        %get3A_1466 = tpu.vector_load %arg8[%get3A_1464, %get3A_1465] {strides = array<i32>} : memref<128x128xf32, #tpu.memory_space<vmem>>, vector<16xf32>,
        %get3A_1467 = arith.index_cast %add3A_1448 : i32 to index
        %get3A_1468 = arith.constant 16 : index
        %get3A_1469 = tpu.vector_load %arg8[%get3A_1467, %get3A_1468] {strides = array<i32>} : memref<128x128xf32, #tpu.memory_space<vmem>>, vector<16xf32>,
        %select_n3A_1470 = arith.select %gt3A_1456, %get3A_1466, %get3A_1469 : vector<16xi1>, vector<16xf32>
        %get3A_1471 = arith.index_cast %add3A_1448 : i32 to index
        %get3A_1472 = arith.constant 96 : index
        %get3A_1473 = tpu.vector_load %arg8[%get3A_1471, %get3A_1472] {strides = array<i32>} : memref<128x128xf32, #tpu.memory_space<vmem>>, vector<16xf32>,
        %get3A_1474 = arith.index_cast %add3A_1448 : i32 to index
        %get3A_1475 = arith.constant 32 : index
        %get3A_1476 = tpu.vector_load %arg8[%get3A_1474, %get3A_1475] {strides = array<i32>} : memref<128x128xf32, #tpu.memory_space<vmem>>, vector<16xf32>,
        %select_n3A_1477 = arith.select %gt3A_1456, %get3A_1473, %get3A_1476 : vector<16xi1>, vector<16xf32>
        %get3A_1478 = arith.index_cast %add3A_1448 : i32 to index
        %get3A_1479 = arith.constant 112 : index
        %get3A_1480 = tpu.vector_load %arg8[%get3A_1478, %get3A_1479] {strides = array<i32>} : memref<128x128xf32, #tpu.memory_space<vmem>>, vector<16xf32>,
        %get3A_1481 = arith.index_cast %add3A_1448 : i32 to index
        %get3A_1482 = arith.constant 48 : index
        %get3A_1483 = tpu.vector_load %arg8[%get3A_1481, %get3A_1482] {strides = array<i32>} : memref<128x128xf32, #tpu.memory_space<vmem>>, vector<16xf32>,
        %select_n3A_1484 = arith.select %gt3A_1456, %get3A_1480, %get3A_1483 : vector<16xi1>, vector<16xf32>
        %mul3A_1485 = arith.mulf %select_n3A_1463, %select_n3A_1463 : vector<16xf32>
        %mul3A_1486 = arith.mulf %select_n3A_1470, %select_n3A_1470 : vector<16xf32>
        %add3A_1487 = arith.addf %mul3A_1485, %mul3A_1486 : vector<16xf32>
        %mul3A_1488 = arith.mulf %select_n3A_1477, %select_n3A_1477 : vector<16xf32>
        %mul3A_1489 = arith.mulf %select_n3A_1484, %select_n3A_1484 : vector<16xf32>
        %add3A_1490 = arith.addf %mul3A_1488, %mul3A_1489 : vector<16xf32>
        %add3A_1491 = arith.addf %add3A_1487, %add3A_1490 : vector<16xf32>
        %reshape3A_1492 = vector.shape_cast %xor3A_56 : vector<16xi32> to vector<16x1xi32>
        %gather3A_1493 = vector.shape_cast %reshape3A_1492 : vector<16x1xi32> to vector<16xi32>
        %gather3A_1494 = tpu.dynamic_gather %add3A_1491[%gather3A_1493] in [0] : vector<16xf32>, vector<16xi32> -> vector<16xf32>
        %add3A_1495 = arith.addf %add3A_1491, %gather3A_1494 : vector<16xf32>
        %reshape3A_1496 = vector.shape_cast %xor3A_59 : vector<16xi32> to vector<16x1xi32>
        %gather3A_1497 = vector.shape_cast %reshape3A_1496 : vector<16x1xi32> to vector<16xi32>
        %gather3A_1498 = tpu.dynamic_gather %add3A_1495[%gather3A_1497] in [0] : vector<16xf32>, vector<16xi32> -> vector<16xf32>
        %add3A_1499 = arith.addf %add3A_1495, %gather3A_1498 : vector<16xf32>
        %reshape3A_1500 = vector.shape_cast %xor3A_62 : vector<16xi32> to vector<16x1xi32>
        %gather3A_1501 = vector.shape_cast %reshape3A_1500 : vector<16x1xi32> to vector<16xi32>
        %gather3A_1502 = tpu.dynamic_gather %add3A_1499[%gather3A_1501] in [0] : vector<16xf32>, vector<16xi32> -> vector<16xf32>
        %add3A_1503 = arith.addf %add3A_1499, %gather3A_1502 : vector<16xf32>
        %reshape3A_1504 = vector.shape_cast %xor3A_65 : vector<16xi32> to vector<16x1xi32>
        %gather3A_1505 = vector.shape_cast %reshape3A_1504 : vector<16x1xi32> to vector<16xi32>
        %gather3A_1506 = tpu.dynamic_gather %add3A_1503[%gather3A_1505] in [0] : vector<16xf32>, vector<16xi32> -> vector<16xf32>
        %add3A_1507 = arith.addf %add3A_1503, %gather3A_1506 : vector<16xf32>
        %mul3A_1508 = arith.constant 1.562500e-02 : f32
        %mul3A_1509 = vector.broadcast %mul3A_1508 : f32 to vector<16xf32>
        %mul3A_1510 = arith.mulf %add3A_1507, %mul3A_1509 : vector<16xf32>
        %add3A_1511 = arith.constant 9.99999997E-7 : f32
        %add3A_1512 = vector.broadcast %add3A_1511 : f32 to vector<16xf32>
        %add3A_1513 = arith.addf %mul3A_1510, %add3A_1512 : vector<16xf32>
        %bitcast_convert_type3A_1514 = tpu.bitcast %add3A_1513 : vector<16xf32> -> vector<16xi32>
        %shift_right_arithmetic3A_1515 = arith.constant 1 : i32
        %shift_right_arithmetic3A_1516 = vector.broadcast %shift_right_arithmetic3A_1515 : i32 to vector<16xi32>
        %shift_right_arithmetic3A_1517 = arith.shrsi %bitcast_convert_type3A_1514, %shift_right_arithmetic3A_1516 : vector<16xi32>
        %sub3A_1518 = arith.constant 1597463007 : i32
        %sub3A_1519 = vector.broadcast %sub3A_1518 : i32 to vector<16xi32>
        %sub3A_1520 = arith.subi %sub3A_1519, %shift_right_arithmetic3A_1517 : vector<16xi32>
        %bitcast_convert_type3A_1521 = tpu.bitcast %sub3A_1520 : vector<16xi32> -> vector<16xf32>
        %mul3A_1522 = arith.constant 5.000000e-01 : f32
        %mul3A_1523 = vector.broadcast %mul3A_1522 : f32 to vector<16xf32>
        %mul3A_1524 = arith.mulf %add3A_1513, %mul3A_1523 : vector<16xf32>
        %mul3A_1525 = arith.mulf %mul3A_1524, %bitcast_convert_type3A_1521 : vector<16xf32>
        %mul3A_1526 = arith.mulf %mul3A_1525, %bitcast_convert_type3A_1521 : vector<16xf32>
        %sub3A_1527 = arith.constant 1.500000e+00 : f32
        %sub3A_1528 = vector.broadcast %sub3A_1527 : f32 to vector<16xf32>
        %sub3A_1529 = arith.subf %sub3A_1528, %mul3A_1526 : vector<16xf32>
        %mul3A_1530 = arith.mulf %bitcast_convert_type3A_1521, %sub3A_1529 : vector<16xf32>
        %mul3A_1531 = arith.mulf %mul3A_1524, %mul3A_1530 : vector<16xf32>
        %mul3A_1532 = arith.mulf %mul3A_1531, %mul3A_1530 : vector<16xf32>
        %sub3A_1533 = arith.constant 1.500000e+00 : f32
        %sub3A_1534 = vector.broadcast %sub3A_1533 : f32 to vector<16xf32>
        %sub3A_1535 = arith.subf %sub3A_1534, %mul3A_1532 : vector<16xf32>
        %mul3A_1536 = arith.mulf %mul3A_1530, %sub3A_1535 : vector<16xf32>
        %mul3A_1537 = arith.mulf %select_n3A_1463, %mul3A_1536 : vector<16xf32>
        %swap3A_1538 = arith.index_cast %add3A_1448 : i32 to index
        %swap3A_1539 = arith.constant 0 : index
        %swap3A_1540 = tpu.vector_load %arg10[%swap3A_1538, %swap3A_1539] {strides = array<i32>} : memref<128x64xf32, #tpu.memory_space<vmem>>, vector<16xf32>,
        tpu.vector_store %arg10[%swap3A_1538, %swap3A_1539], %mul3A_1537 {strides = array<i32>} : memref<128x64xf32, #tpu.memory_space<vmem>>, vector<16xf32>,
        %mul3A_1541 = arith.mulf %select_n3A_1470, %mul3A_1536 : vector<16xf32>
        %swap3A_1542 = arith.index_cast %add3A_1448 : i32 to index
        %swap3A_1543 = arith.constant 16 : index
        %swap3A_1544 = tpu.vector_load %arg10[%swap3A_1542, %swap3A_1543] {strides = array<i32>} : memref<128x64xf32, #tpu.memory_space<vmem>>, vector<16xf32>,
        tpu.vector_store %arg10[%swap3A_1542, %swap3A_1543], %mul3A_1541 {strides = array<i32>} : memref<128x64xf32, #tpu.memory_space<vmem>>, vector<16xf32>,
        %mul3A_1545 = arith.mulf %select_n3A_1477, %mul3A_1536 : vector<16xf32>
        %swap3A_1546 = arith.index_cast %add3A_1448 : i32 to index
        %swap3A_1547 = arith.constant 32 : index
        %swap3A_1548 = tpu.vector_load %arg10[%swap3A_1546, %swap3A_1547] {strides = array<i32>} : memref<128x64xf32, #tpu.memory_space<vmem>>, vector<16xf32>,
        tpu.vector_store %arg10[%swap3A_1546, %swap3A_1547], %mul3A_1545 {strides = array<i32>} : memref<128x64xf32, #tpu.memory_space<vmem>>, vector<16xf32>,
        %mul3A_1549 = arith.mulf %select_n3A_1484, %mul3A_1536 : vector<16xf32>
        %swap3A_1550 = arith.index_cast %add3A_1448 : i32 to index
        %swap3A_1551 = arith.constant 48 : index
        %swap3A_1552 = tpu.vector_load %arg10[%swap3A_1550, %swap3A_1551] {strides = array<i32>} : memref<128x64xf32, #tpu.memory_space<vmem>>, vector<16xf32>,
        tpu.vector_store %arg10[%swap3A_1550, %swap3A_1551], %mul3A_1549 {strides = array<i32>} : memref<128x64xf32, #tpu.memory_space<vmem>>, vector<16xf32>,
        %mul3A_1553 = arith.constant 16 : i32
        %mul3A_1554 = arith.muli %scan3A_146, %mul3A_1553 : i32
        %add3A_1555 = arith.constant 13 : i32
        %add3A_1556 = arith.addi %mul3A_1554, %add3A_1555 : i32
        %broadcast_in_dim3A_1557 = arith.constant 13 : i32
        %broadcast_in_dim3A_1558 = vector.broadcast %broadcast_in_dim3A_1557 : i32 to vector<16xi32>
        %reshape3A_1559 = vector.shape_cast %broadcast_in_dim3A_1558 : vector<16xi32> to vector<16x1xi32>
        %gather3A_1560 = vector.shape_cast %reshape3A_1559 : vector<16x1xi32> to vector<16xi32>
        %gather3A_1561 = tpu.dynamic_gather %and3A_156[%gather3A_1560] in [0] : vector<16xi32>, vector<16xi32> -> vector<16xi32>
        %gt3A_1562 = arith.constant 0 : i32
        %gt3A_1563 = vector.broadcast %gt3A_1562 : i32 to vector<16xi32>
        %gt3A_1564 = arith.cmpi sgt, %gather3A_1561, %gt3A_1563 : vector<16xi32>
        %get3A_1565 = arith.index_cast %add3A_1556 : i32 to index
        %get3A_1566 = arith.constant 64 : index
        %get3A_1567 = tpu.vector_load %arg8[%get3A_1565, %get3A_1566] {strides = array<i32>} : memref<128x128xf32, #tpu.memory_space<vmem>>, vector<16xf32>,
        %get3A_1568 = arith.index_cast %add3A_1556 : i32 to index
        %get3A_1569 = arith.constant 0 : index
        %get3A_1570 = tpu.vector_load %arg8[%get3A_1568, %get3A_1569] {strides = array<i32>} : memref<128x128xf32, #tpu.memory_space<vmem>>, vector<16xf32>,
        %select_n3A_1571 = arith.select %gt3A_1564, %get3A_1567, %get3A_1570 : vector<16xi1>, vector<16xf32>
        %get3A_1572 = arith.index_cast %add3A_1556 : i32 to index
        %get3A_1573 = arith.constant 80 : index
        %get3A_1574 = tpu.vector_load %arg8[%get3A_1572, %get3A_1573] {strides = array<i32>} : memref<128x128xf32, #tpu.memory_space<vmem>>, vector<16xf32>,
        %get3A_1575 = arith.index_cast %add3A_1556 : i32 to index
        %get3A_1576 = arith.constant 16 : index
        %get3A_1577 = tpu.vector_load %arg8[%get3A_1575, %get3A_1576] {strides = array<i32>} : memref<128x128xf32, #tpu.memory_space<vmem>>, vector<16xf32>,
        %select_n3A_1578 = arith.select %gt3A_1564, %get3A_1574, %get3A_1577 : vector<16xi1>, vector<16xf32>
        %get3A_1579 = arith.index_cast %add3A_1556 : i32 to index
        %get3A_1580 = arith.constant 96 : index
        %get3A_1581 = tpu.vector_load %arg8[%get3A_1579, %get3A_1580] {strides = array<i32>} : memref<128x128xf32, #tpu.memory_space<vmem>>, vector<16xf32>,
        %get3A_1582 = arith.index_cast %add3A_1556 : i32 to index
        %get3A_1583 = arith.constant 32 : index
        %get3A_1584 = tpu.vector_load %arg8[%get3A_1582, %get3A_1583] {strides = array<i32>} : memref<128x128xf32, #tpu.memory_space<vmem>>, vector<16xf32>,
        %select_n3A_1585 = arith.select %gt3A_1564, %get3A_1581, %get3A_1584 : vector<16xi1>, vector<16xf32>
        %get3A_1586 = arith.index_cast %add3A_1556 : i32 to index
        %get3A_1587 = arith.constant 112 : index
        %get3A_1588 = tpu.vector_load %arg8[%get3A_1586, %get3A_1587] {strides = array<i32>} : memref<128x128xf32, #tpu.memory_space<vmem>>, vector<16xf32>,
        %get3A_1589 = arith.index_cast %add3A_1556 : i32 to index
        %get3A_1590 = arith.constant 48 : index
        %get3A_1591 = tpu.vector_load %arg8[%get3A_1589, %get3A_1590] {strides = array<i32>} : memref<128x128xf32, #tpu.memory_space<vmem>>, vector<16xf32>,
        %select_n3A_1592 = arith.select %gt3A_1564, %get3A_1588, %get3A_1591 : vector<16xi1>, vector<16xf32>
        %mul3A_1593 = arith.mulf %select_n3A_1571, %select_n3A_1571 : vector<16xf32>
        %mul3A_1594 = arith.mulf %select_n3A_1578, %select_n3A_1578 : vector<16xf32>
        %add3A_1595 = arith.addf %mul3A_1593, %mul3A_1594 : vector<16xf32>
        %mul3A_1596 = arith.mulf %select_n3A_1585, %select_n3A_1585 : vector<16xf32>
        %mul3A_1597 = arith.mulf %select_n3A_1592, %select_n3A_1592 : vector<16xf32>
        %add3A_1598 = arith.addf %mul3A_1596, %mul3A_1597 : vector<16xf32>
        %add3A_1599 = arith.addf %add3A_1595, %add3A_1598 : vector<16xf32>
        %reshape3A_1600 = vector.shape_cast %xor3A_56 : vector<16xi32> to vector<16x1xi32>
        %gather3A_1601 = vector.shape_cast %reshape3A_1600 : vector<16x1xi32> to vector<16xi32>
        %gather3A_1602 = tpu.dynamic_gather %add3A_1599[%gather3A_1601] in [0] : vector<16xf32>, vector<16xi32> -> vector<16xf32>
        %add3A_1603 = arith.addf %add3A_1599, %gather3A_1602 : vector<16xf32>
        %reshape3A_1604 = vector.shape_cast %xor3A_59 : vector<16xi32> to vector<16x1xi32>
        %gather3A_1605 = vector.shape_cast %reshape3A_1604 : vector<16x1xi32> to vector<16xi32>
        %gather3A_1606 = tpu.dynamic_gather %add3A_1603[%gather3A_1605] in [0] : vector<16xf32>, vector<16xi32> -> vector<16xf32>
        %add3A_1607 = arith.addf %add3A_1603, %gather3A_1606 : vector<16xf32>
        %reshape3A_1608 = vector.shape_cast %xor3A_62 : vector<16xi32> to vector<16x1xi32>
        %gather3A_1609 = vector.shape_cast %reshape3A_1608 : vector<16x1xi32> to vector<16xi32>
        %gather3A_1610 = tpu.dynamic_gather %add3A_1607[%gather3A_1609] in [0] : vector<16xf32>, vector<16xi32> -> vector<16xf32>
        %add3A_1611 = arith.addf %add3A_1607, %gather3A_1610 : vector<16xf32>
        %reshape3A_1612 = vector.shape_cast %xor3A_65 : vector<16xi32> to vector<16x1xi32>
        %gather3A_1613 = vector.shape_cast %reshape3A_1612 : vector<16x1xi32> to vector<16xi32>
        %gather3A_1614 = tpu.dynamic_gather %add3A_1611[%gather3A_1613] in [0] : vector<16xf32>, vector<16xi32> -> vector<16xf32>
        %add3A_1615 = arith.addf %add3A_1611, %gather3A_1614 : vector<16xf32>
        %mul3A_1616 = arith.constant 1.562500e-02 : f32
        %mul3A_1617 = vector.broadcast %mul3A_1616 : f32 to vector<16xf32>
        %mul3A_1618 = arith.mulf %add3A_1615, %mul3A_1617 : vector<16xf32>
        %add3A_1619 = arith.constant 9.99999997E-7 : f32
        %add3A_1620 = vector.broadcast %add3A_1619 : f32 to vector<16xf32>
        %add3A_1621 = arith.addf %mul3A_1618, %add3A_1620 : vector<16xf32>
        %bitcast_convert_type3A_1622 = tpu.bitcast %add3A_1621 : vector<16xf32> -> vector<16xi32>
        %shift_right_arithmetic3A_1623 = arith.constant 1 : i32
        %shift_right_arithmetic3A_1624 = vector.broadcast %shift_right_arithmetic3A_1623 : i32 to vector<16xi32>
        %shift_right_arithmetic3A_1625 = arith.shrsi %bitcast_convert_type3A_1622, %shift_right_arithmetic3A_1624 : vector<16xi32>
        %sub3A_1626 = arith.constant 1597463007 : i32
        %sub3A_1627 = vector.broadcast %sub3A_1626 : i32 to vector<16xi32>
        %sub3A_1628 = arith.subi %sub3A_1627, %shift_right_arithmetic3A_1625 : vector<16xi32>
        %bitcast_convert_type3A_1629 = tpu.bitcast %sub3A_1628 : vector<16xi32> -> vector<16xf32>
        %mul3A_1630 = arith.constant 5.000000e-01 : f32
        %mul3A_1631 = vector.broadcast %mul3A_1630 : f32 to vector<16xf32>
        %mul3A_1632 = arith.mulf %add3A_1621, %mul3A_1631 : vector<16xf32>
        %mul3A_1633 = arith.mulf %mul3A_1632, %bitcast_convert_type3A_1629 : vector<16xf32>
        %mul3A_1634 = arith.mulf %mul3A_1633, %bitcast_convert_type3A_1629 : vector<16xf32>
        %sub3A_1635 = arith.constant 1.500000e+00 : f32
        %sub3A_1636 = vector.broadcast %sub3A_1635 : f32 to vector<16xf32>
        %sub3A_1637 = arith.subf %sub3A_1636, %mul3A_1634 : vector<16xf32>
        %mul3A_1638 = arith.mulf %bitcast_convert_type3A_1629, %sub3A_1637 : vector<16xf32>
        %mul3A_1639 = arith.mulf %mul3A_1632, %mul3A_1638 : vector<16xf32>
        %mul3A_1640 = arith.mulf %mul3A_1639, %mul3A_1638 : vector<16xf32>
        %sub3A_1641 = arith.constant 1.500000e+00 : f32
        %sub3A_1642 = vector.broadcast %sub3A_1641 : f32 to vector<16xf32>
        %sub3A_1643 = arith.subf %sub3A_1642, %mul3A_1640 : vector<16xf32>
        %mul3A_1644 = arith.mulf %mul3A_1638, %sub3A_1643 : vector<16xf32>
        %mul3A_1645 = arith.mulf %select_n3A_1571, %mul3A_1644 : vector<16xf32>
        %swap3A_1646 = arith.index_cast %add3A_1556 : i32 to index
        %swap3A_1647 = arith.constant 0 : index
        %swap3A_1648 = tpu.vector_load %arg10[%swap3A_1646, %swap3A_1647] {strides = array<i32>} : memref<128x64xf32, #tpu.memory_space<vmem>>, vector<16xf32>,
        tpu.vector_store %arg10[%swap3A_1646, %swap3A_1647], %mul3A_1645 {strides = array<i32>} : memref<128x64xf32, #tpu.memory_space<vmem>>, vector<16xf32>,
        %mul3A_1649 = arith.mulf %select_n3A_1578, %mul3A_1644 : vector<16xf32>
        %swap3A_1650 = arith.index_cast %add3A_1556 : i32 to index
        %swap3A_1651 = arith.constant 16 : index
        %swap3A_1652 = tpu.vector_load %arg10[%swap3A_1650, %swap3A_1651] {strides = array<i32>} : memref<128x64xf32, #tpu.memory_space<vmem>>, vector<16xf32>,
        tpu.vector_store %arg10[%swap3A_1650, %swap3A_1651], %mul3A_1649 {strides = array<i32>} : memref<128x64xf32, #tpu.memory_space<vmem>>, vector<16xf32>,
        %mul3A_1653 = arith.mulf %select_n3A_1585, %mul3A_1644 : vector<16xf32>
        %swap3A_1654 = arith.index_cast %add3A_1556 : i32 to index
        %swap3A_1655 = arith.constant 32 : index
        %swap3A_1656 = tpu.vector_load %arg10[%swap3A_1654, %swap3A_1655] {strides = array<i32>} : memref<128x64xf32, #tpu.memory_space<vmem>>, vector<16xf32>,
        tpu.vector_store %arg10[%swap3A_1654, %swap3A_1655], %mul3A_1653 {strides = array<i32>} : memref<128x64xf32, #tpu.memory_space<vmem>>, vector<16xf32>,
        %mul3A_1657 = arith.mulf %select_n3A_1592, %mul3A_1644 : vector<16xf32>
        %swap3A_1658 = arith.index_cast %add3A_1556 : i32 to index
        %swap3A_1659 = arith.constant 48 : index
        %swap3A_1660 = tpu.vector_load %arg10[%swap3A_1658, %swap3A_1659] {strides = array<i32>} : memref<128x64xf32, #tpu.memory_space<vmem>>, vector<16xf32>,
        tpu.vector_store %arg10[%swap3A_1658, %swap3A_1659], %mul3A_1657 {strides = array<i32>} : memref<128x64xf32, #tpu.memory_space<vmem>>, vector<16xf32>,
        %mul3A_1661 = arith.constant 16 : i32
        %mul3A_1662 = arith.muli %scan3A_146, %mul3A_1661 : i32
        %add3A_1663 = arith.constant 14 : i32
        %add3A_1664 = arith.addi %mul3A_1662, %add3A_1663 : i32
        %broadcast_in_dim3A_1665 = arith.constant 14 : i32
        %broadcast_in_dim3A_1666 = vector.broadcast %broadcast_in_dim3A_1665 : i32 to vector<16xi32>
        %reshape3A_1667 = vector.shape_cast %broadcast_in_dim3A_1666 : vector<16xi32> to vector<16x1xi32>
        %gather3A_1668 = vector.shape_cast %reshape3A_1667 : vector<16x1xi32> to vector<16xi32>
        %gather3A_1669 = tpu.dynamic_gather %and3A_156[%gather3A_1668] in [0] : vector<16xi32>, vector<16xi32> -> vector<16xi32>
        %gt3A_1670 = arith.constant 0 : i32
        %gt3A_1671 = vector.broadcast %gt3A_1670 : i32 to vector<16xi32>
        %gt3A_1672 = arith.cmpi sgt, %gather3A_1669, %gt3A_1671 : vector<16xi32>
        %get3A_1673 = arith.index_cast %add3A_1664 : i32 to index
        %get3A_1674 = arith.constant 64 : index
        %get3A_1675 = tpu.vector_load %arg8[%get3A_1673, %get3A_1674] {strides = array<i32>} : memref<128x128xf32, #tpu.memory_space<vmem>>, vector<16xf32>,
        %get3A_1676 = arith.index_cast %add3A_1664 : i32 to index
        %get3A_1677 = arith.constant 0 : index
        %get3A_1678 = tpu.vector_load %arg8[%get3A_1676, %get3A_1677] {strides = array<i32>} : memref<128x128xf32, #tpu.memory_space<vmem>>, vector<16xf32>,
        %select_n3A_1679 = arith.select %gt3A_1672, %get3A_1675, %get3A_1678 : vector<16xi1>, vector<16xf32>
        %get3A_1680 = arith.index_cast %add3A_1664 : i32 to index
        %get3A_1681 = arith.constant 80 : index
        %get3A_1682 = tpu.vector_load %arg8[%get3A_1680, %get3A_1681] {strides = array<i32>} : memref<128x128xf32, #tpu.memory_space<vmem>>, vector<16xf32>,
        %get3A_1683 = arith.index_cast %add3A_1664 : i32 to index
        %get3A_1684 = arith.constant 16 : index
        %get3A_1685 = tpu.vector_load %arg8[%get3A_1683, %get3A_1684] {strides = array<i32>} : memref<128x128xf32, #tpu.memory_space<vmem>>, vector<16xf32>,
        %select_n3A_1686 = arith.select %gt3A_1672, %get3A_1682, %get3A_1685 : vector<16xi1>, vector<16xf32>
        %get3A_1687 = arith.index_cast %add3A_1664 : i32 to index
        %get3A_1688 = arith.constant 96 : index
        %get3A_1689 = tpu.vector_load %arg8[%get3A_1687, %get3A_1688] {strides = array<i32>} : memref<128x128xf32, #tpu.memory_space<vmem>>, vector<16xf32>,
        %get3A_1690 = arith.index_cast %add3A_1664 : i32 to index
        %get3A_1691 = arith.constant 32 : index
        %get3A_1692 = tpu.vector_load %arg8[%get3A_1690, %get3A_1691] {strides = array<i32>} : memref<128x128xf32, #tpu.memory_space<vmem>>, vector<16xf32>,
        %select_n3A_1693 = arith.select %gt3A_1672, %get3A_1689, %get3A_1692 : vector<16xi1>, vector<16xf32>
        %get3A_1694 = arith.index_cast %add3A_1664 : i32 to index
        %get3A_1695 = arith.constant 112 : index
        %get3A_1696 = tpu.vector_load %arg8[%get3A_1694, %get3A_1695] {strides = array<i32>} : memref<128x128xf32, #tpu.memory_space<vmem>>, vector<16xf32>,
        %get3A_1697 = arith.index_cast %add3A_1664 : i32 to index
        %get3A_1698 = arith.constant 48 : index
        %get3A_1699 = tpu.vector_load %arg8[%get3A_1697, %get3A_1698] {strides = array<i32>} : memref<128x128xf32, #tpu.memory_space<vmem>>, vector<16xf32>,
        %select_n3A_1700 = arith.select %gt3A_1672, %get3A_1696, %get3A_1699 : vector<16xi1>, vector<16xf32>
        %mul3A_1701 = arith.mulf %select_n3A_1679, %select_n3A_1679 : vector<16xf32>
        %mul3A_1702 = arith.mulf %select_n3A_1686, %select_n3A_1686 : vector<16xf32>
        %add3A_1703 = arith.addf %mul3A_1701, %mul3A_1702 : vector<16xf32>
        %mul3A_1704 = arith.mulf %select_n3A_1693, %select_n3A_1693 : vector<16xf32>
        %mul3A_1705 = arith.mulf %select_n3A_1700, %select_n3A_1700 : vector<16xf32>
        %add3A_1706 = arith.addf %mul3A_1704, %mul3A_1705 : vector<16xf32>
        %add3A_1707 = arith.addf %add3A_1703, %add3A_1706 : vector<16xf32>
        %reshape3A_1708 = vector.shape_cast %xor3A_56 : vector<16xi32> to vector<16x1xi32>
        %gather3A_1709 = vector.shape_cast %reshape3A_1708 : vector<16x1xi32> to vector<16xi32>
        %gather3A_1710 = tpu.dynamic_gather %add3A_1707[%gather3A_1709] in [0] : vector<16xf32>, vector<16xi32> -> vector<16xf32>
        %add3A_1711 = arith.addf %add3A_1707, %gather3A_1710 : vector<16xf32>
        %reshape3A_1712 = vector.shape_cast %xor3A_59 : vector<16xi32> to vector<16x1xi32>
        %gather3A_1713 = vector.shape_cast %reshape3A_1712 : vector<16x1xi32> to vector<16xi32>
        %gather3A_1714 = tpu.dynamic_gather %add3A_1711[%gather3A_1713] in [0] : vector<16xf32>, vector<16xi32> -> vector<16xf32>
        %add3A_1715 = arith.addf %add3A_1711, %gather3A_1714 : vector<16xf32>
        %reshape3A_1716 = vector.shape_cast %xor3A_62 : vector<16xi32> to vector<16x1xi32>
        %gather3A_1717 = vector.shape_cast %reshape3A_1716 : vector<16x1xi32> to vector<16xi32>
        %gather3A_1718 = tpu.dynamic_gather %add3A_1715[%gather3A_1717] in [0] : vector<16xf32>, vector<16xi32> -> vector<16xf32>
        %add3A_1719 = arith.addf %add3A_1715, %gather3A_1718 : vector<16xf32>
        %reshape3A_1720 = vector.shape_cast %xor3A_65 : vector<16xi32> to vector<16x1xi32>
        %gather3A_1721 = vector.shape_cast %reshape3A_1720 : vector<16x1xi32> to vector<16xi32>
        %gather3A_1722 = tpu.dynamic_gather %add3A_1719[%gather3A_1721] in [0] : vector<16xf32>, vector<16xi32> -> vector<16xf32>
        %add3A_1723 = arith.addf %add3A_1719, %gather3A_1722 : vector<16xf32>
        %mul3A_1724 = arith.constant 1.562500e-02 : f32
        %mul3A_1725 = vector.broadcast %mul3A_1724 : f32 to vector<16xf32>
        %mul3A_1726 = arith.mulf %add3A_1723, %mul3A_1725 : vector<16xf32>
        %add3A_1727 = arith.constant 9.99999997E-7 : f32
        %add3A_1728 = vector.broadcast %add3A_1727 : f32 to vector<16xf32>
        %add3A_1729 = arith.addf %mul3A_1726, %add3A_1728 : vector<16xf32>
        %bitcast_convert_type3A_1730 = tpu.bitcast %add3A_1729 : vector<16xf32> -> vector<16xi32>
        %shift_right_arithmetic3A_1731 = arith.constant 1 : i32
        %shift_right_arithmetic3A_1732 = vector.broadcast %shift_right_arithmetic3A_1731 : i32 to vector<16xi32>
        %shift_right_arithmetic3A_1733 = arith.shrsi %bitcast_convert_type3A_1730, %shift_right_arithmetic3A_1732 : vector<16xi32>
        %sub3A_1734 = arith.constant 1597463007 : i32
        %sub3A_1735 = vector.broadcast %sub3A_1734 : i32 to vector<16xi32>
        %sub3A_1736 = arith.subi %sub3A_1735, %shift_right_arithmetic3A_1733 : vector<16xi32>
        %bitcast_convert_type3A_1737 = tpu.bitcast %sub3A_1736 : vector<16xi32> -> vector<16xf32>
        %mul3A_1738 = arith.constant 5.000000e-01 : f32
        %mul3A_1739 = vector.broadcast %mul3A_1738 : f32 to vector<16xf32>
        %mul3A_1740 = arith.mulf %add3A_1729, %mul3A_1739 : vector<16xf32>
        %mul3A_1741 = arith.mulf %mul3A_1740, %bitcast_convert_type3A_1737 : vector<16xf32>
        %mul3A_1742 = arith.mulf %mul3A_1741, %bitcast_convert_type3A_1737 : vector<16xf32>
        %sub3A_1743 = arith.constant 1.500000e+00 : f32
        %sub3A_1744 = vector.broadcast %sub3A_1743 : f32 to vector<16xf32>
        %sub3A_1745 = arith.subf %sub3A_1744, %mul3A_1742 : vector<16xf32>
        %mul3A_1746 = arith.mulf %bitcast_convert_type3A_1737, %sub3A_1745 : vector<16xf32>
        %mul3A_1747 = arith.mulf %mul3A_1740, %mul3A_1746 : vector<16xf32>
        %mul3A_1748 = arith.mulf %mul3A_1747, %mul3A_1746 : vector<16xf32>
        %sub3A_1749 = arith.constant 1.500000e+00 : f32
        %sub3A_1750 = vector.broadcast %sub3A_1749 : f32 to vector<16xf32>
        %sub3A_1751 = arith.subf %sub3A_1750, %mul3A_1748 : vector<16xf32>
        %mul3A_1752 = arith.mulf %mul3A_1746, %sub3A_1751 : vector<16xf32>
        %mul3A_1753 = arith.mulf %select_n3A_1679, %mul3A_1752 : vector<16xf32>
        %swap3A_1754 = arith.index_cast %add3A_1664 : i32 to index
        %swap3A_1755 = arith.constant 0 : index
        %swap3A_1756 = tpu.vector_load %arg10[%swap3A_1754, %swap3A_1755] {strides = array<i32>} : memref<128x64xf32, #tpu.memory_space<vmem>>, vector<16xf32>,
        tpu.vector_store %arg10[%swap3A_1754, %swap3A_1755], %mul3A_1753 {strides = array<i32>} : memref<128x64xf32, #tpu.memory_space<vmem>>, vector<16xf32>,
        %mul3A_1757 = arith.mulf %select_n3A_1686, %mul3A_1752 : vector<16xf32>
        %swap3A_1758 = arith.index_cast %add3A_1664 : i32 to index
        %swap3A_1759 = arith.constant 16 : index
        %swap3A_1760 = tpu.vector_load %arg10[%swap3A_1758, %swap3A_1759] {strides = array<i32>} : memref<128x64xf32, #tpu.memory_space<vmem>>, vector<16xf32>,
        tpu.vector_store %arg10[%swap3A_1758, %swap3A_1759], %mul3A_1757 {strides = array<i32>} : memref<128x64xf32, #tpu.memory_space<vmem>>, vector<16xf32>,
        %mul3A_1761 = arith.mulf %select_n3A_1693, %mul3A_1752 : vector<16xf32>
        %swap3A_1762 = arith.index_cast %add3A_1664 : i32 to index
        %swap3A_1763 = arith.constant 32 : index
        %swap3A_1764 = tpu.vector_load %arg10[%swap3A_1762, %swap3A_1763] {strides = array<i32>} : memref<128x64xf32, #tpu.memory_space<vmem>>, vector<16xf32>,
        tpu.vector_store %arg10[%swap3A_1762, %swap3A_1763], %mul3A_1761 {strides = array<i32>} : memref<128x64xf32, #tpu.memory_space<vmem>>, vector<16xf32>,
        %mul3A_1765 = arith.mulf %select_n3A_1700, %mul3A_1752 : vector<16xf32>
        %swap3A_1766 = arith.index_cast %add3A_1664 : i32 to index
        %swap3A_1767 = arith.constant 48 : index
        %swap3A_1768 = tpu.vector_load %arg10[%swap3A_1766, %swap3A_1767] {strides = array<i32>} : memref<128x64xf32, #tpu.memory_space<vmem>>, vector<16xf32>,
        tpu.vector_store %arg10[%swap3A_1766, %swap3A_1767], %mul3A_1765 {strides = array<i32>} : memref<128x64xf32, #tpu.memory_space<vmem>>, vector<16xf32>,
        %mul3A_1769 = arith.constant 16 : i32
        %mul3A_1770 = arith.muli %scan3A_146, %mul3A_1769 : i32
        %add3A_1771 = arith.constant 15 : i32
        %add3A_1772 = arith.addi %mul3A_1770, %add3A_1771 : i32
        %broadcast_in_dim3A_1773 = arith.constant 15 : i32
        %broadcast_in_dim3A_1774 = vector.broadcast %broadcast_in_dim3A_1773 : i32 to vector<16xi32>
        %reshape3A_1775 = vector.shape_cast %broadcast_in_dim3A_1774 : vector<16xi32> to vector<16x1xi32>
        %gather3A_1776 = vector.shape_cast %reshape3A_1775 : vector<16x1xi32> to vector<16xi32>
        %gather3A_1777 = tpu.dynamic_gather %and3A_156[%gather3A_1776] in [0] : vector<16xi32>, vector<16xi32> -> vector<16xi32>
        %gt3A_1778 = arith.constant 0 : i32
        %gt3A_1779 = vector.broadcast %gt3A_1778 : i32 to vector<16xi32>
        %gt3A_1780 = arith.cmpi sgt, %gather3A_1777, %gt3A_1779 : vector<16xi32>
        %get3A_1781 = arith.index_cast %add3A_1772 : i32 to index
        %get3A_1782 = arith.constant 64 : index
        %get3A_1783 = tpu.vector_load %arg8[%get3A_1781, %get3A_1782] {strides = array<i32>} : memref<128x128xf32, #tpu.memory_space<vmem>>, vector<16xf32>,
        %get3A_1784 = arith.index_cast %add3A_1772 : i32 to index
        %get3A_1785 = arith.constant 0 : index
        %get3A_1786 = tpu.vector_load %arg8[%get3A_1784, %get3A_1785] {strides = array<i32>} : memref<128x128xf32, #tpu.memory_space<vmem>>, vector<16xf32>,
        %select_n3A_1787 = arith.select %gt3A_1780, %get3A_1783, %get3A_1786 : vector<16xi1>, vector<16xf32>
        %get3A_1788 = arith.index_cast %add3A_1772 : i32 to index
        %get3A_1789 = arith.constant 80 : index
        %get3A_1790 = tpu.vector_load %arg8[%get3A_1788, %get3A_1789] {strides = array<i32>} : memref<128x128xf32, #tpu.memory_space<vmem>>, vector<16xf32>,
        %get3A_1791 = arith.index_cast %add3A_1772 : i32 to index
        %get3A_1792 = arith.constant 16 : index
        %get3A_1793 = tpu.vector_load %arg8[%get3A_1791, %get3A_1792] {strides = array<i32>} : memref<128x128xf32, #tpu.memory_space<vmem>>, vector<16xf32>,
        %select_n3A_1794 = arith.select %gt3A_1780, %get3A_1790, %get3A_1793 : vector<16xi1>, vector<16xf32>
        %get3A_1795 = arith.index_cast %add3A_1772 : i32 to index
        %get3A_1796 = arith.constant 96 : index
        %get3A_1797 = tpu.vector_load %arg8[%get3A_1795, %get3A_1796] {strides = array<i32>} : memref<128x128xf32, #tpu.memory_space<vmem>>, vector<16xf32>,
        %get3A_1798 = arith.index_cast %add3A_1772 : i32 to index
        %get3A_1799 = arith.constant 32 : index
        %get3A_1800 = tpu.vector_load %arg8[%get3A_1798, %get3A_1799] {strides = array<i32>} : memref<128x128xf32, #tpu.memory_space<vmem>>, vector<16xf32>,
        %select_n3A_1801 = arith.select %gt3A_1780, %get3A_1797, %get3A_1800 : vector<16xi1>, vector<16xf32>
        %get3A_1802 = arith.index_cast %add3A_1772 : i32 to index
        %get3A_1803 = arith.constant 112 : index
        %get3A_1804 = tpu.vector_load %arg8[%get3A_1802, %get3A_1803] {strides = array<i32>} : memref<128x128xf32, #tpu.memory_space<vmem>>, vector<16xf32>,
        %get3A_1805 = arith.index_cast %add3A_1772 : i32 to index
        %get3A_1806 = arith.constant 48 : index
        %get3A_1807 = tpu.vector_load %arg8[%get3A_1805, %get3A_1806] {strides = array<i32>} : memref<128x128xf32, #tpu.memory_space<vmem>>, vector<16xf32>,
        %select_n3A_1808 = arith.select %gt3A_1780, %get3A_1804, %get3A_1807 : vector<16xi1>, vector<16xf32>
        %mul3A_1809 = arith.mulf %select_n3A_1787, %select_n3A_1787 : vector<16xf32>
        %mul3A_1810 = arith.mulf %select_n3A_1794, %select_n3A_1794 : vector<16xf32>
        %add3A_1811 = arith.addf %mul3A_1809, %mul3A_1810 : vector<16xf32>
        %mul3A_1812 = arith.mulf %select_n3A_1801, %select_n3A_1801 : vector<16xf32>
        %mul3A_1813 = arith.mulf %select_n3A_1808, %select_n3A_1808 : vector<16xf32>
        %add3A_1814 = arith.addf %mul3A_1812, %mul3A_1813 : vector<16xf32>
        %add3A_1815 = arith.addf %add3A_1811, %add3A_1814 : vector<16xf32>
        %reshape3A_1816 = vector.shape_cast %xor3A_56 : vector<16xi32> to vector<16x1xi32>
        %gather3A_1817 = vector.shape_cast %reshape3A_1816 : vector<16x1xi32> to vector<16xi32>
        %gather3A_1818 = tpu.dynamic_gather %add3A_1815[%gather3A_1817] in [0] : vector<16xf32>, vector<16xi32> -> vector<16xf32>
        %add3A_1819 = arith.addf %add3A_1815, %gather3A_1818 : vector<16xf32>
        %reshape3A_1820 = vector.shape_cast %xor3A_59 : vector<16xi32> to vector<16x1xi32>
        %gather3A_1821 = vector.shape_cast %reshape3A_1820 : vector<16x1xi32> to vector<16xi32>
        %gather3A_1822 = tpu.dynamic_gather %add3A_1819[%gather3A_1821] in [0] : vector<16xf32>, vector<16xi32> -> vector<16xf32>
        %add3A_1823 = arith.addf %add3A_1819, %gather3A_1822 : vector<16xf32>
        %reshape3A_1824 = vector.shape_cast %xor3A_62 : vector<16xi32> to vector<16x1xi32>
        %gather3A_1825 = vector.shape_cast %reshape3A_1824 : vector<16x1xi32> to vector<16xi32>
        %gather3A_1826 = tpu.dynamic_gather %add3A_1823[%gather3A_1825] in [0] : vector<16xf32>, vector<16xi32> -> vector<16xf32>
        %add3A_1827 = arith.addf %add3A_1823, %gather3A_1826 : vector<16xf32>
        %reshape3A_1828 = vector.shape_cast %xor3A_65 : vector<16xi32> to vector<16x1xi32>
        %gather3A_1829 = vector.shape_cast %reshape3A_1828 : vector<16x1xi32> to vector<16xi32>
        %gather3A_1830 = tpu.dynamic_gather %add3A_1827[%gather3A_1829] in [0] : vector<16xf32>, vector<16xi32> -> vector<16xf32>
        %add3A_1831 = arith.addf %add3A_1827, %gather3A_1830 : vector<16xf32>
        %mul3A_1832 = arith.constant 1.562500e-02 : f32
        %mul3A_1833 = vector.broadcast %mul3A_1832 : f32 to vector<16xf32>
        %mul3A_1834 = arith.mulf %add3A_1831, %mul3A_1833 : vector<16xf32>
        %add3A_1835 = arith.constant 9.99999997E-7 : f32
        %add3A_1836 = vector.broadcast %add3A_1835 : f32 to vector<16xf32>
        %add3A_1837 = arith.addf %mul3A_1834, %add3A_1836 : vector<16xf32>
        %bitcast_convert_type3A_1838 = tpu.bitcast %add3A_1837 : vector<16xf32> -> vector<16xi32>
        %shift_right_arithmetic3A_1839 = arith.constant 1 : i32
        %shift_right_arithmetic3A_1840 = vector.broadcast %shift_right_arithmetic3A_1839 : i32 to vector<16xi32>
        %shift_right_arithmetic3A_1841 = arith.shrsi %bitcast_convert_type3A_1838, %shift_right_arithmetic3A_1840 : vector<16xi32>
        %sub3A_1842 = arith.constant 1597463007 : i32
        %sub3A_1843 = vector.broadcast %sub3A_1842 : i32 to vector<16xi32>
        %sub3A_1844 = arith.subi %sub3A_1843, %shift_right_arithmetic3A_1841 : vector<16xi32>
        %bitcast_convert_type3A_1845 = tpu.bitcast %sub3A_1844 : vector<16xi32> -> vector<16xf32>
        %mul3A_1846 = arith.constant 5.000000e-01 : f32
        %mul3A_1847 = vector.broadcast %mul3A_1846 : f32 to vector<16xf32>
        %mul3A_1848 = arith.mulf %add3A_1837, %mul3A_1847 : vector<16xf32>
        %mul3A_1849 = arith.mulf %mul3A_1848, %bitcast_convert_type3A_1845 : vector<16xf32>
        %mul3A_1850 = arith.mulf %mul3A_1849, %bitcast_convert_type3A_1845 : vector<16xf32>
        %sub3A_1851 = arith.constant 1.500000e+00 : f32
        %sub3A_1852 = vector.broadcast %sub3A_1851 : f32 to vector<16xf32>
        %sub3A_1853 = arith.subf %sub3A_1852, %mul3A_1850 : vector<16xf32>
        %mul3A_1854 = arith.mulf %bitcast_convert_type3A_1845, %sub3A_1853 : vector<16xf32>
        %mul3A_1855 = arith.mulf %mul3A_1848, %mul3A_1854 : vector<16xf32>
        %mul3A_1856 = arith.mulf %mul3A_1855, %mul3A_1854 : vector<16xf32>
        %sub3A_1857 = arith.constant 1.500000e+00 : f32
        %sub3A_1858 = vector.broadcast %sub3A_1857 : f32 to vector<16xf32>
        %sub3A_1859 = arith.subf %sub3A_1858, %mul3A_1856 : vector<16xf32>
        %mul3A_1860 = arith.mulf %mul3A_1854, %sub3A_1859 : vector<16xf32>
        %mul3A_1861 = arith.mulf %select_n3A_1787, %mul3A_1860 : vector<16xf32>
        %swap3A_1862 = arith.index_cast %add3A_1772 : i32 to index
        %swap3A_1863 = arith.constant 0 : index
        %swap3A_1864 = tpu.vector_load %arg10[%swap3A_1862, %swap3A_1863] {strides = array<i32>} : memref<128x64xf32, #tpu.memory_space<vmem>>, vector<16xf32>,
        tpu.vector_store %arg10[%swap3A_1862, %swap3A_1863], %mul3A_1861 {strides = array<i32>} : memref<128x64xf32, #tpu.memory_space<vmem>>, vector<16xf32>,
        %mul3A_1865 = arith.mulf %select_n3A_1794, %mul3A_1860 : vector<16xf32>
        %swap3A_1866 = arith.index_cast %add3A_1772 : i32 to index
        %swap3A_1867 = arith.constant 16 : index
        %swap3A_1868 = tpu.vector_load %arg10[%swap3A_1866, %swap3A_1867] {strides = array<i32>} : memref<128x64xf32, #tpu.memory_space<vmem>>, vector<16xf32>,
        tpu.vector_store %arg10[%swap3A_1866, %swap3A_1867], %mul3A_1865 {strides = array<i32>} : memref<128x64xf32, #tpu.memory_space<vmem>>, vector<16xf32>,
        %mul3A_1869 = arith.mulf %select_n3A_1801, %mul3A_1860 : vector<16xf32>
        %swap3A_1870 = arith.index_cast %add3A_1772 : i32 to index
        %swap3A_1871 = arith.constant 32 : index
        %swap3A_1872 = tpu.vector_load %arg10[%swap3A_1870, %swap3A_1871] {strides = array<i32>} : memref<128x64xf32, #tpu.memory_space<vmem>>, vector<16xf32>,
        tpu.vector_store %arg10[%swap3A_1870, %swap3A_1871], %mul3A_1869 {strides = array<i32>} : memref<128x64xf32, #tpu.memory_space<vmem>>, vector<16xf32>,
        %mul3A_1873 = arith.mulf %select_n3A_1808, %mul3A_1860 : vector<16xf32>
        %swap3A_1874 = arith.index_cast %add3A_1772 : i32 to index
        %swap3A_1875 = arith.constant 48 : index
        %swap3A_1876 = tpu.vector_load %arg10[%swap3A_1874, %swap3A_1875] {strides = array<i32>} : memref<128x64xf32, #tpu.memory_space<vmem>>, vector<16xf32>,
        tpu.vector_store %arg10[%swap3A_1874, %swap3A_1875], %mul3A_1873 {strides = array<i32>} : memref<128x64xf32, #tpu.memory_space<vmem>>, vector<16xf32>,
        %scan3A_1877 = arith.constant 0 : i32
        scf.yield %scan3A_1877 : i32
      }
      %scan3A_72 = arith.constant 8 : i32
      %mul3A_73 = arith.constant 128 : i32
      %mul3A_74 = arith.muli %add3A_30, %mul3A_73 : i32
      %add3A_75 = arith.addi %mul3A_2, %mul3A_74 : i32
      %dma_start3A_76 = arith.constant 0 : i32
      %dma_start3A_77 = tpu.memref_slice %arg5[%add3A_75, %dma_start3A_76] : memref<819200x64xf32, #tpu.memory_space<hbm>> -> memref<128x64xf32, #tpu.memory_space<hbm>>
      %dma_start3A_78 = arith.constant 0 : i32
      %dma_start3A_79 = tpu.memref_slice %arg5[%add3A_75, %dma_start3A_78] : memref<819200x64xf32, #tpu.memory_space<hbm>> -> memref<128x64xf32, #tpu.memory_space<hbm>>
      tpu.enqueue_dma source(%arg10 : memref<128x64xf32, #tpu.memory_space<vmem>>) target(%dma_start3A_79 : memref<128x64xf32, #tpu.memory_space<hbm>>) target_semaphore(%arg14 : memref<!tpu.dma_semaphore, #tpu.memory_space<semaphore_mem>>)
      %mul3A_80 = arith.constant 2 : i32
      %mul3A_81 = arith.muli %mul3A_80, %scan3A_25 : i32
      %add3A_82 = arith.constant 1 : i32
      %add3A_83 = arith.addi %mul3A_81, %add3A_82 : i32
      %add3A_84 = arith.constant 1 : i32
      %add3A_85 = arith.addi %add3A_83, %add3A_84 : i32
      %jit3A_86 = arith.constant 200 : i32
      %eq3A_87 = arith.constant 0 : i32
      %eq3A_88 = arith.cmpi eq, %jit3A_86, %eq3A_87 : i32
      %jit3A_89 = arith.constant 1 : i32
      %select_n3A_90 = arith.select %eq3A_88, %jit3A_89, %jit3A_86 : i32
      %rem3A_91 = arith.remsi %add3A_85, %select_n3A_90 : i32
      %ne3A_92 = arith.constant 0 : i32
      %ne3A_93 = arith.cmpi ne, %rem3A_91, %ne3A_92 : i32
      %lt3A_94 = arith.constant 0 : i32
      %lt3A_95 = arith.cmpi slt, %rem3A_91, %lt3A_94 : i32
      %lt3A_96 = arith.constant 0 : i32
      %lt3A_97 = arith.cmpi slt, %select_n3A_90, %lt3A_96 : i32
      %ne3A_98 = arith.xori %lt3A_95, %lt3A_97 : i1
      %and3A_99 = arith.andi %ne3A_98, %ne3A_93 : i1
      %add3A_100 = arith.addi %rem3A_91, %select_n3A_90 : i32
      %select_n3A_101 = arith.select %and3A_99, %add3A_100, %rem3A_91 : i32
      %mul3A_102 = arith.constant 128 : i32
      %mul3A_103 = arith.muli %select_n3A_101, %mul3A_102 : i32
      %dma_start3A_104 = tpu.memref_slice %arg7[%mul3A_103] : memref<25600xi32, #tpu.memory_space<vmem>> -> memref<128xi32, #tpu.memory_space<vmem>>
      %dma_start3A_105 = arith.constant 0 : i32
      %dma_start3A_106 = arith.constant 0 : i32
      %dma_start3A_107 = tpu.memref_slice %arg2[%dma_start3A_105, %dma_start3A_106] : memref<500000x128xf32, #tpu.memory_space<hbm>> -> memref<500000x128xf32, #tpu.memory_space<hbm>>
      tpu.enqueue_indirect_dma source(%dma_start3A_107 : memref<500000x128xf32, #tpu.memory_space<hbm>>) target(%arg8 : memref<128x128xf32, #tpu.memory_space<vmem>>) offsets(%dma_start3A_104 : memref<128xi32, #tpu.memory_space<vmem>>) semaphore(%arg12 : memref<!tpu.dma_semaphore, #tpu.memory_space<semaphore_mem>>)
      %dma_wait3A_108 = arith.constant 0 : i32
      %dma_wait3A_109 = tpu.memref_slice %arg7[%dma_wait3A_108] : memref<25600xi32, #tpu.memory_space<vmem>> -> memref<128xi32, #tpu.memory_space<vmem>>
      %dma_wait3A_110 = arith.constant 0 : i32
      %dma_wait3A_111 = arith.constant 0 : i32
      %dma_wait3A_112 = tpu.memref_slice %arg2[%dma_wait3A_110, %dma_wait3A_111] : memref<500000x128xf32, #tpu.memory_space<hbm>> -> memref<500000x128xf32, #tpu.memory_space<hbm>>
      tpu.wait_indirect_dma semaphore(%arg13 : memref<!tpu.dma_semaphore, #tpu.memory_space<semaphore_mem>>) src(%dma_wait3A_112 : memref<500000x128xf32, #tpu.memory_space<hbm>>) dst(%arg9 : memref<128x128xf32, #tpu.memory_space<vmem>>)
      %ge3A_113 = arith.constant 2 : i32
      %ge3A_114 = arith.cmpi sge, %add3A_83, %ge3A_113 : i32
      %convert_element_type3A_115 = arith.extui %ge3A_114 : i1 to i32
      %cond3A_116 = arith.constant 0 : i32
      %cond3A_117 = arith.cmpi ne, %convert_element_type3A_115, %cond3A_116 : i32
      scf.if %cond3A_117 {
        %dma_wait3A_146 = arith.constant 0 : i32
        %dma_wait3A_147 = tpu.memref_slice %arg5[%mul3A_2, %dma_wait3A_146] : memref<819200x64xf32, #tpu.memory_space<hbm>> -> memref<128x64xf32, #tpu.memory_space<hbm>>
        %dma_wait3A_148 = arith.constant 0 : i32
        %dma_wait3A_149 = tpu.memref_slice %arg5[%mul3A_2, %dma_wait3A_148] : memref<819200x64xf32, #tpu.memory_space<hbm>> -> memref<128x64xf32, #tpu.memory_space<hbm>>
        tpu.wait_dma2 semaphore(%arg15 : memref<!tpu.dma_semaphore, #tpu.memory_space<semaphore_mem>>) src(%arg11 : memref<128x64xf32, #tpu.memory_space<vmem>>) dst(%dma_wait3A_149 : memref<128x64xf32, #tpu.memory_space<hbm>>)
      } else {
      }
      %iota3A_118 = tpu.iota {dimensions = array<i32: 0>} : vector<16xi32>
      %xor3A_119 = arith.constant 8 : i32
      %xor3A_120 = vector.broadcast %xor3A_119 : i32 to vector<16xi32>
      %xor3A_121 = arith.xori %iota3A_118, %xor3A_120 : vector<16xi32>
      %xor3A_122 = arith.constant 4 : i32
      %xor3A_123 = vector.broadcast %xor3A_122 : i32 to vector<16xi32>
      %xor3A_124 = arith.xori %iota3A_118, %xor3A_123 : vector<16xi32>
      %xor3A_125 = arith.constant 2 : i32
      %xor3A_126 = vector.broadcast %xor3A_125 : i32 to vector<16xi32>
      %xor3A_127 = arith.xori %iota3A_118, %xor3A_126 : vector<16xi32>
      %xor3A_128 = arith.constant 1 : i32
      %xor3A_129 = vector.broadcast %xor3A_128 : i32 to vector<16xi32>
      %xor3A_130 = arith.xori %iota3A_118, %xor3A_129 : vector<16xi32>
      %scan3A_131 = arith.constant 0 : i32
      %scan3A_132 = arith.constant 0 : i32
      %scan3A_133 = arith.constant 8 : i32
      %scan3A_134 = arith.addi %scan3A_132, %scan3A_133 : i32
      %scan3A_135 = arith.constant 1 : i32
      %scan3A_136 = scf.for %scan3A_146 = %scan3A_132 to %scan3A_134 step %scan3A_135 iter_args(%scan3A_147 = %scan3A_131) -> (i32)  : i32 {
        %mul3A_148 = arith.constant 128 : i32
        %mul3A_149 = arith.muli %add3A_83, %mul3A_148 : i32
        %mul3A_150 = arith.constant 16 : i32
        %mul3A_151 = arith.muli %scan3A_146, %mul3A_150 : i32
        %add3A_152 = arith.addi %mul3A_149, %mul3A_151 : i32
        %get3A = arith.index_cast %add3A_152 : i32 to index
        %get3A_153 = tpu.vector_load %arg6[%get3A] {strides = array<i32>} : memref<25600xi32, #tpu.memory_space<vmem>>, vector<16xi32>,
        %and3A_154 = arith.constant 1 : i32
        %and3A_155 = vector.broadcast %and3A_154 : i32 to vector<16xi32>
        %and3A_156 = arith.andi %get3A_153, %and3A_155 : vector<16xi32>
        %mul3A_157 = arith.constant 16 : i32
        %mul3A_158 = arith.muli %scan3A_146, %mul3A_157 : i32
        %add3A_159 = arith.constant 0 : i32
        %add3A_160 = arith.addi %mul3A_158, %add3A_159 : i32
        %broadcast_in_dim3A = arith.constant 0 : i32
        %broadcast_in_dim3A_161 = vector.broadcast %broadcast_in_dim3A : i32 to vector<16xi32>
        %reshape3A = vector.shape_cast %broadcast_in_dim3A_161 : vector<16xi32> to vector<16x1xi32>
        %gather3A = vector.shape_cast %reshape3A : vector<16x1xi32> to vector<16xi32>
        %gather3A_162 = tpu.dynamic_gather %and3A_156[%gather3A] in [0] : vector<16xi32>, vector<16xi32> -> vector<16xi32>
        %gt3A = arith.constant 0 : i32
        %gt3A_163 = vector.broadcast %gt3A : i32 to vector<16xi32>
        %gt3A_164 = arith.cmpi sgt, %gather3A_162, %gt3A_163 : vector<16xi32>
        %get3A_165 = arith.index_cast %add3A_160 : i32 to index
        %get3A_166 = arith.constant 64 : index
        %get3A_167 = tpu.vector_load %arg9[%get3A_165, %get3A_166] {strides = array<i32>} : memref<128x128xf32, #tpu.memory_space<vmem>>, vector<16xf32>,
        %get3A_168 = arith.index_cast %add3A_160 : i32 to index
        %get3A_169 = arith.constant 0 : index
        %get3A_170 = tpu.vector_load %arg9[%get3A_168, %get3A_169] {strides = array<i32>} : memref<128x128xf32, #tpu.memory_space<vmem>>, vector<16xf32>,
        %select_n3A_171 = arith.select %gt3A_164, %get3A_167, %get3A_170 : vector<16xi1>, vector<16xf32>
        %get3A_172 = arith.index_cast %add3A_160 : i32 to index
        %get3A_173 = arith.constant 80 : index
        %get3A_174 = tpu.vector_load %arg9[%get3A_172, %get3A_173] {strides = array<i32>} : memref<128x128xf32, #tpu.memory_space<vmem>>, vector<16xf32>,
        %get3A_175 = arith.index_cast %add3A_160 : i32 to index
        %get3A_176 = arith.constant 16 : index
        %get3A_177 = tpu.vector_load %arg9[%get3A_175, %get3A_176] {strides = array<i32>} : memref<128x128xf32, #tpu.memory_space<vmem>>, vector<16xf32>,
        %select_n3A_178 = arith.select %gt3A_164, %get3A_174, %get3A_177 : vector<16xi1>, vector<16xf32>
        %get3A_179 = arith.index_cast %add3A_160 : i32 to index
        %get3A_180 = arith.constant 96 : index
        %get3A_181 = tpu.vector_load %arg9[%get3A_179, %get3A_180] {strides = array<i32>} : memref<128x128xf32, #tpu.memory_space<vmem>>, vector<16xf32>,
        %get3A_182 = arith.index_cast %add3A_160 : i32 to index
        %get3A_183 = arith.constant 32 : index
        %get3A_184 = tpu.vector_load %arg9[%get3A_182, %get3A_183] {strides = array<i32>} : memref<128x128xf32, #tpu.memory_space<vmem>>, vector<16xf32>,
        %select_n3A_185 = arith.select %gt3A_164, %get3A_181, %get3A_184 : vector<16xi1>, vector<16xf32>
        %get3A_186 = arith.index_cast %add3A_160 : i32 to index
        %get3A_187 = arith.constant 112 : index
        %get3A_188 = tpu.vector_load %arg9[%get3A_186, %get3A_187] {strides = array<i32>} : memref<128x128xf32, #tpu.memory_space<vmem>>, vector<16xf32>,
        %get3A_189 = arith.index_cast %add3A_160 : i32 to index
        %get3A_190 = arith.constant 48 : index
        %get3A_191 = tpu.vector_load %arg9[%get3A_189, %get3A_190] {strides = array<i32>} : memref<128x128xf32, #tpu.memory_space<vmem>>, vector<16xf32>,
        %select_n3A_192 = arith.select %gt3A_164, %get3A_188, %get3A_191 : vector<16xi1>, vector<16xf32>
        %mul3A_193 = arith.mulf %select_n3A_171, %select_n3A_171 : vector<16xf32>
        %mul3A_194 = arith.mulf %select_n3A_178, %select_n3A_178 : vector<16xf32>
        %add3A_195 = arith.addf %mul3A_193, %mul3A_194 : vector<16xf32>
        %mul3A_196 = arith.mulf %select_n3A_185, %select_n3A_185 : vector<16xf32>
        %mul3A_197 = arith.mulf %select_n3A_192, %select_n3A_192 : vector<16xf32>
        %add3A_198 = arith.addf %mul3A_196, %mul3A_197 : vector<16xf32>
        %add3A_199 = arith.addf %add3A_195, %add3A_198 : vector<16xf32>
        %reshape3A_200 = vector.shape_cast %xor3A_121 : vector<16xi32> to vector<16x1xi32>
        %gather3A_201 = vector.shape_cast %reshape3A_200 : vector<16x1xi32> to vector<16xi32>
        %gather3A_202 = tpu.dynamic_gather %add3A_199[%gather3A_201] in [0] : vector<16xf32>, vector<16xi32> -> vector<16xf32>
        %add3A_203 = arith.addf %add3A_199, %gather3A_202 : vector<16xf32>
        %reshape3A_204 = vector.shape_cast %xor3A_124 : vector<16xi32> to vector<16x1xi32>
        %gather3A_205 = vector.shape_cast %reshape3A_204 : vector<16x1xi32> to vector<16xi32>
        %gather3A_206 = tpu.dynamic_gather %add3A_203[%gather3A_205] in [0] : vector<16xf32>, vector<16xi32> -> vector<16xf32>
        %add3A_207 = arith.addf %add3A_203, %gather3A_206 : vector<16xf32>
        %reshape3A_208 = vector.shape_cast %xor3A_127 : vector<16xi32> to vector<16x1xi32>
        %gather3A_209 = vector.shape_cast %reshape3A_208 : vector<16x1xi32> to vector<16xi32>
        %gather3A_210 = tpu.dynamic_gather %add3A_207[%gather3A_209] in [0] : vector<16xf32>, vector<16xi32> -> vector<16xf32>
        %add3A_211 = arith.addf %add3A_207, %gather3A_210 : vector<16xf32>
        %reshape3A_212 = vector.shape_cast %xor3A_130 : vector<16xi32> to vector<16x1xi32>
        %gather3A_213 = vector.shape_cast %reshape3A_212 : vector<16x1xi32> to vector<16xi32>
        %gather3A_214 = tpu.dynamic_gather %add3A_211[%gather3A_213] in [0] : vector<16xf32>, vector<16xi32> -> vector<16xf32>
        %add3A_215 = arith.addf %add3A_211, %gather3A_214 : vector<16xf32>
        %mul3A_216 = arith.constant 1.562500e-02 : f32
        %mul3A_217 = vector.broadcast %mul3A_216 : f32 to vector<16xf32>
        %mul3A_218 = arith.mulf %add3A_215, %mul3A_217 : vector<16xf32>
        %add3A_219 = arith.constant 9.99999997E-7 : f32
        %add3A_220 = vector.broadcast %add3A_219 : f32 to vector<16xf32>
        %add3A_221 = arith.addf %mul3A_218, %add3A_220 : vector<16xf32>
        %bitcast_convert_type3A = tpu.bitcast %add3A_221 : vector<16xf32> -> vector<16xi32>
        %shift_right_arithmetic3A = arith.constant 1 : i32
        %shift_right_arithmetic3A_222 = vector.broadcast %shift_right_arithmetic3A : i32 to vector<16xi32>
        %shift_right_arithmetic3A_223 = arith.shrsi %bitcast_convert_type3A, %shift_right_arithmetic3A_222 : vector<16xi32>
        %sub3A = arith.constant 1597463007 : i32
        %sub3A_224 = vector.broadcast %sub3A : i32 to vector<16xi32>
        %sub3A_225 = arith.subi %sub3A_224, %shift_right_arithmetic3A_223 : vector<16xi32>
        %bitcast_convert_type3A_226 = tpu.bitcast %sub3A_225 : vector<16xi32> -> vector<16xf32>
        %mul3A_227 = arith.constant 5.000000e-01 : f32
        %mul3A_228 = vector.broadcast %mul3A_227 : f32 to vector<16xf32>
        %mul3A_229 = arith.mulf %add3A_221, %mul3A_228 : vector<16xf32>
        %mul3A_230 = arith.mulf %mul3A_229, %bitcast_convert_type3A_226 : vector<16xf32>
        %mul3A_231 = arith.mulf %mul3A_230, %bitcast_convert_type3A_226 : vector<16xf32>
        %sub3A_232 = arith.constant 1.500000e+00 : f32
        %sub3A_233 = vector.broadcast %sub3A_232 : f32 to vector<16xf32>
        %sub3A_234 = arith.subf %sub3A_233, %mul3A_231 : vector<16xf32>
        %mul3A_235 = arith.mulf %bitcast_convert_type3A_226, %sub3A_234 : vector<16xf32>
        %mul3A_236 = arith.mulf %mul3A_229, %mul3A_235 : vector<16xf32>
        %mul3A_237 = arith.mulf %mul3A_236, %mul3A_235 : vector<16xf32>
        %sub3A_238 = arith.constant 1.500000e+00 : f32
        %sub3A_239 = vector.broadcast %sub3A_238 : f32 to vector<16xf32>
        %sub3A_240 = arith.subf %sub3A_239, %mul3A_237 : vector<16xf32>
        %mul3A_241 = arith.mulf %mul3A_235, %sub3A_240 : vector<16xf32>
        %mul3A_242 = arith.mulf %select_n3A_171, %mul3A_241 : vector<16xf32>
        %swap3A = arith.index_cast %add3A_160 : i32 to index
        %swap3A_243 = arith.constant 0 : index
        %swap3A_244 = tpu.vector_load %arg11[%swap3A, %swap3A_243] {strides = array<i32>} : memref<128x64xf32, #tpu.memory_space<vmem>>, vector<16xf32>,
        tpu.vector_store %arg11[%swap3A, %swap3A_243], %mul3A_242 {strides = array<i32>} : memref<128x64xf32, #tpu.memory_space<vmem>>, vector<16xf32>,
        %mul3A_245 = arith.mulf %select_n3A_178, %mul3A_241 : vector<16xf32>
        %swap3A_246 = arith.index_cast %add3A_160 : i32 to index
        %swap3A_247 = arith.constant 16 : index
        %swap3A_248 = tpu.vector_load %arg11[%swap3A_246, %swap3A_247] {strides = array<i32>} : memref<128x64xf32, #tpu.memory_space<vmem>>, vector<16xf32>,
        tpu.vector_store %arg11[%swap3A_246, %swap3A_247], %mul3A_245 {strides = array<i32>} : memref<128x64xf32, #tpu.memory_space<vmem>>, vector<16xf32>,
        %mul3A_249 = arith.mulf %select_n3A_185, %mul3A_241 : vector<16xf32>
        %swap3A_250 = arith.index_cast %add3A_160 : i32 to index
        %swap3A_251 = arith.constant 32 : index
        %swap3A_252 = tpu.vector_load %arg11[%swap3A_250, %swap3A_251] {strides = array<i32>} : memref<128x64xf32, #tpu.memory_space<vmem>>, vector<16xf32>,
        tpu.vector_store %arg11[%swap3A_250, %swap3A_251], %mul3A_249 {strides = array<i32>} : memref<128x64xf32, #tpu.memory_space<vmem>>, vector<16xf32>,
        %mul3A_253 = arith.mulf %select_n3A_192, %mul3A_241 : vector<16xf32>
        %swap3A_254 = arith.index_cast %add3A_160 : i32 to index
        %swap3A_255 = arith.constant 48 : index
        %swap3A_256 = tpu.vector_load %arg11[%swap3A_254, %swap3A_255] {strides = array<i32>} : memref<128x64xf32, #tpu.memory_space<vmem>>, vector<16xf32>,
        tpu.vector_store %arg11[%swap3A_254, %swap3A_255], %mul3A_253 {strides = array<i32>} : memref<128x64xf32, #tpu.memory_space<vmem>>, vector<16xf32>,
        %mul3A_257 = arith.constant 16 : i32
        %mul3A_258 = arith.muli %scan3A_146, %mul3A_257 : i32
        %add3A_259 = arith.constant 1 : i32
        %add3A_260 = arith.addi %mul3A_258, %add3A_259 : i32
        %broadcast_in_dim3A_261 = arith.constant 1 : i32
        %broadcast_in_dim3A_262 = vector.broadcast %broadcast_in_dim3A_261 : i32 to vector<16xi32>
        %reshape3A_263 = vector.shape_cast %broadcast_in_dim3A_262 : vector<16xi32> to vector<16x1xi32>
        %gather3A_264 = vector.shape_cast %reshape3A_263 : vector<16x1xi32> to vector<16xi32>
        %gather3A_265 = tpu.dynamic_gather %and3A_156[%gather3A_264] in [0] : vector<16xi32>, vector<16xi32> -> vector<16xi32>
        %gt3A_266 = arith.constant 0 : i32
        %gt3A_267 = vector.broadcast %gt3A_266 : i32 to vector<16xi32>
        %gt3A_268 = arith.cmpi sgt, %gather3A_265, %gt3A_267 : vector<16xi32>
        %get3A_269 = arith.index_cast %add3A_260 : i32 to index
        %get3A_270 = arith.constant 64 : index
        %get3A_271 = tpu.vector_load %arg9[%get3A_269, %get3A_270] {strides = array<i32>} : memref<128x128xf32, #tpu.memory_space<vmem>>, vector<16xf32>,
        %get3A_272 = arith.index_cast %add3A_260 : i32 to index
        %get3A_273 = arith.constant 0 : index
        %get3A_274 = tpu.vector_load %arg9[%get3A_272, %get3A_273] {strides = array<i32>} : memref<128x128xf32, #tpu.memory_space<vmem>>, vector<16xf32>,
        %select_n3A_275 = arith.select %gt3A_268, %get3A_271, %get3A_274 : vector<16xi1>, vector<16xf32>
        %get3A_276 = arith.index_cast %add3A_260 : i32 to index
        %get3A_277 = arith.constant 80 : index
        %get3A_278 = tpu.vector_load %arg9[%get3A_276, %get3A_277] {strides = array<i32>} : memref<128x128xf32, #tpu.memory_space<vmem>>, vector<16xf32>,
        %get3A_279 = arith.index_cast %add3A_260 : i32 to index
        %get3A_280 = arith.constant 16 : index
        %get3A_281 = tpu.vector_load %arg9[%get3A_279, %get3A_280] {strides = array<i32>} : memref<128x128xf32, #tpu.memory_space<vmem>>, vector<16xf32>,
        %select_n3A_282 = arith.select %gt3A_268, %get3A_278, %get3A_281 : vector<16xi1>, vector<16xf32>
        %get3A_283 = arith.index_cast %add3A_260 : i32 to index
        %get3A_284 = arith.constant 96 : index
        %get3A_285 = tpu.vector_load %arg9[%get3A_283, %get3A_284] {strides = array<i32>} : memref<128x128xf32, #tpu.memory_space<vmem>>, vector<16xf32>,
        %get3A_286 = arith.index_cast %add3A_260 : i32 to index
        %get3A_287 = arith.constant 32 : index
        %get3A_288 = tpu.vector_load %arg9[%get3A_286, %get3A_287] {strides = array<i32>} : memref<128x128xf32, #tpu.memory_space<vmem>>, vector<16xf32>,
        %select_n3A_289 = arith.select %gt3A_268, %get3A_285, %get3A_288 : vector<16xi1>, vector<16xf32>
        %get3A_290 = arith.index_cast %add3A_260 : i32 to index
        %get3A_291 = arith.constant 112 : index
        %get3A_292 = tpu.vector_load %arg9[%get3A_290, %get3A_291] {strides = array<i32>} : memref<128x128xf32, #tpu.memory_space<vmem>>, vector<16xf32>,
        %get3A_293 = arith.index_cast %add3A_260 : i32 to index
        %get3A_294 = arith.constant 48 : index
        %get3A_295 = tpu.vector_load %arg9[%get3A_293, %get3A_294] {strides = array<i32>} : memref<128x128xf32, #tpu.memory_space<vmem>>, vector<16xf32>,
        %select_n3A_296 = arith.select %gt3A_268, %get3A_292, %get3A_295 : vector<16xi1>, vector<16xf32>
        %mul3A_297 = arith.mulf %select_n3A_275, %select_n3A_275 : vector<16xf32>
        %mul3A_298 = arith.mulf %select_n3A_282, %select_n3A_282 : vector<16xf32>
        %add3A_299 = arith.addf %mul3A_297, %mul3A_298 : vector<16xf32>
        %mul3A_300 = arith.mulf %select_n3A_289, %select_n3A_289 : vector<16xf32>
        %mul3A_301 = arith.mulf %select_n3A_296, %select_n3A_296 : vector<16xf32>
        %add3A_302 = arith.addf %mul3A_300, %mul3A_301 : vector<16xf32>
        %add3A_303 = arith.addf %add3A_299, %add3A_302 : vector<16xf32>
        %reshape3A_304 = vector.shape_cast %xor3A_121 : vector<16xi32> to vector<16x1xi32>
        %gather3A_305 = vector.shape_cast %reshape3A_304 : vector<16x1xi32> to vector<16xi32>
        %gather3A_306 = tpu.dynamic_gather %add3A_303[%gather3A_305] in [0] : vector<16xf32>, vector<16xi32> -> vector<16xf32>
        %add3A_307 = arith.addf %add3A_303, %gather3A_306 : vector<16xf32>
        %reshape3A_308 = vector.shape_cast %xor3A_124 : vector<16xi32> to vector<16x1xi32>
        %gather3A_309 = vector.shape_cast %reshape3A_308 : vector<16x1xi32> to vector<16xi32>
        %gather3A_310 = tpu.dynamic_gather %add3A_307[%gather3A_309] in [0] : vector<16xf32>, vector<16xi32> -> vector<16xf32>
        %add3A_311 = arith.addf %add3A_307, %gather3A_310 : vector<16xf32>
        %reshape3A_312 = vector.shape_cast %xor3A_127 : vector<16xi32> to vector<16x1xi32>
        %gather3A_313 = vector.shape_cast %reshape3A_312 : vector<16x1xi32> to vector<16xi32>
        %gather3A_314 = tpu.dynamic_gather %add3A_311[%gather3A_313] in [0] : vector<16xf32>, vector<16xi32> -> vector<16xf32>
        %add3A_315 = arith.addf %add3A_311, %gather3A_314 : vector<16xf32>
        %reshape3A_316 = vector.shape_cast %xor3A_130 : vector<16xi32> to vector<16x1xi32>
        %gather3A_317 = vector.shape_cast %reshape3A_316 : vector<16x1xi32> to vector<16xi32>
        %gather3A_318 = tpu.dynamic_gather %add3A_315[%gather3A_317] in [0] : vector<16xf32>, vector<16xi32> -> vector<16xf32>
        %add3A_319 = arith.addf %add3A_315, %gather3A_318 : vector<16xf32>
        %mul3A_320 = arith.constant 1.562500e-02 : f32
        %mul3A_321 = vector.broadcast %mul3A_320 : f32 to vector<16xf32>
        %mul3A_322 = arith.mulf %add3A_319, %mul3A_321 : vector<16xf32>
        %add3A_323 = arith.constant 9.99999997E-7 : f32
        %add3A_324 = vector.broadcast %add3A_323 : f32 to vector<16xf32>
        %add3A_325 = arith.addf %mul3A_322, %add3A_324 : vector<16xf32>
        %bitcast_convert_type3A_326 = tpu.bitcast %add3A_325 : vector<16xf32> -> vector<16xi32>
        %shift_right_arithmetic3A_327 = arith.constant 1 : i32
        %shift_right_arithmetic3A_328 = vector.broadcast %shift_right_arithmetic3A_327 : i32 to vector<16xi32>
        %shift_right_arithmetic3A_329 = arith.shrsi %bitcast_convert_type3A_326, %shift_right_arithmetic3A_328 : vector<16xi32>
        %sub3A_330 = arith.constant 1597463007 : i32
        %sub3A_331 = vector.broadcast %sub3A_330 : i32 to vector<16xi32>
        %sub3A_332 = arith.subi %sub3A_331, %shift_right_arithmetic3A_329 : vector<16xi32>
        %bitcast_convert_type3A_333 = tpu.bitcast %sub3A_332 : vector<16xi32> -> vector<16xf32>
        %mul3A_334 = arith.constant 5.000000e-01 : f32
        %mul3A_335 = vector.broadcast %mul3A_334 : f32 to vector<16xf32>
        %mul3A_336 = arith.mulf %add3A_325, %mul3A_335 : vector<16xf32>
        %mul3A_337 = arith.mulf %mul3A_336, %bitcast_convert_type3A_333 : vector<16xf32>
        %mul3A_338 = arith.mulf %mul3A_337, %bitcast_convert_type3A_333 : vector<16xf32>
        %sub3A_339 = arith.constant 1.500000e+00 : f32
        %sub3A_340 = vector.broadcast %sub3A_339 : f32 to vector<16xf32>
        %sub3A_341 = arith.subf %sub3A_340, %mul3A_338 : vector<16xf32>
        %mul3A_342 = arith.mulf %bitcast_convert_type3A_333, %sub3A_341 : vector<16xf32>
        %mul3A_343 = arith.mulf %mul3A_336, %mul3A_342 : vector<16xf32>
        %mul3A_344 = arith.mulf %mul3A_343, %mul3A_342 : vector<16xf32>
        %sub3A_345 = arith.constant 1.500000e+00 : f32
        %sub3A_346 = vector.broadcast %sub3A_345 : f32 to vector<16xf32>
        %sub3A_347 = arith.subf %sub3A_346, %mul3A_344 : vector<16xf32>
        %mul3A_348 = arith.mulf %mul3A_342, %sub3A_347 : vector<16xf32>
        %mul3A_349 = arith.mulf %select_n3A_275, %mul3A_348 : vector<16xf32>
        %swap3A_350 = arith.index_cast %add3A_260 : i32 to index
        %swap3A_351 = arith.constant 0 : index
        %swap3A_352 = tpu.vector_load %arg11[%swap3A_350, %swap3A_351] {strides = array<i32>} : memref<128x64xf32, #tpu.memory_space<vmem>>, vector<16xf32>,
        tpu.vector_store %arg11[%swap3A_350, %swap3A_351], %mul3A_349 {strides = array<i32>} : memref<128x64xf32, #tpu.memory_space<vmem>>, vector<16xf32>,
        %mul3A_353 = arith.mulf %select_n3A_282, %mul3A_348 : vector<16xf32>
        %swap3A_354 = arith.index_cast %add3A_260 : i32 to index
        %swap3A_355 = arith.constant 16 : index
        %swap3A_356 = tpu.vector_load %arg11[%swap3A_354, %swap3A_355] {strides = array<i32>} : memref<128x64xf32, #tpu.memory_space<vmem>>, vector<16xf32>,
        tpu.vector_store %arg11[%swap3A_354, %swap3A_355], %mul3A_353 {strides = array<i32>} : memref<128x64xf32, #tpu.memory_space<vmem>>, vector<16xf32>,
        %mul3A_357 = arith.mulf %select_n3A_289, %mul3A_348 : vector<16xf32>
        %swap3A_358 = arith.index_cast %add3A_260 : i32 to index
        %swap3A_359 = arith.constant 32 : index
        %swap3A_360 = tpu.vector_load %arg11[%swap3A_358, %swap3A_359] {strides = array<i32>} : memref<128x64xf32, #tpu.memory_space<vmem>>, vector<16xf32>,
        tpu.vector_store %arg11[%swap3A_358, %swap3A_359], %mul3A_357 {strides = array<i32>} : memref<128x64xf32, #tpu.memory_space<vmem>>, vector<16xf32>,
        %mul3A_361 = arith.mulf %select_n3A_296, %mul3A_348 : vector<16xf32>
        %swap3A_362 = arith.index_cast %add3A_260 : i32 to index
        %swap3A_363 = arith.constant 48 : index
        %swap3A_364 = tpu.vector_load %arg11[%swap3A_362, %swap3A_363] {strides = array<i32>} : memref<128x64xf32, #tpu.memory_space<vmem>>, vector<16xf32>,
        tpu.vector_store %arg11[%swap3A_362, %swap3A_363], %mul3A_361 {strides = array<i32>} : memref<128x64xf32, #tpu.memory_space<vmem>>, vector<16xf32>,
        %mul3A_365 = arith.constant 16 : i32
        %mul3A_366 = arith.muli %scan3A_146, %mul3A_365 : i32
        %add3A_367 = arith.constant 2 : i32
        %add3A_368 = arith.addi %mul3A_366, %add3A_367 : i32
        %broadcast_in_dim3A_369 = arith.constant 2 : i32
        %broadcast_in_dim3A_370 = vector.broadcast %broadcast_in_dim3A_369 : i32 to vector<16xi32>
        %reshape3A_371 = vector.shape_cast %broadcast_in_dim3A_370 : vector<16xi32> to vector<16x1xi32>
        %gather3A_372 = vector.shape_cast %reshape3A_371 : vector<16x1xi32> to vector<16xi32>
        %gather3A_373 = tpu.dynamic_gather %and3A_156[%gather3A_372] in [0] : vector<16xi32>, vector<16xi32> -> vector<16xi32>
        %gt3A_374 = arith.constant 0 : i32
        %gt3A_375 = vector.broadcast %gt3A_374 : i32 to vector<16xi32>
        %gt3A_376 = arith.cmpi sgt, %gather3A_373, %gt3A_375 : vector<16xi32>
        %get3A_377 = arith.index_cast %add3A_368 : i32 to index
        %get3A_378 = arith.constant 64 : index
        %get3A_379 = tpu.vector_load %arg9[%get3A_377, %get3A_378] {strides = array<i32>} : memref<128x128xf32, #tpu.memory_space<vmem>>, vector<16xf32>,
        %get3A_380 = arith.index_cast %add3A_368 : i32 to index
        %get3A_381 = arith.constant 0 : index
        %get3A_382 = tpu.vector_load %arg9[%get3A_380, %get3A_381] {strides = array<i32>} : memref<128x128xf32, #tpu.memory_space<vmem>>, vector<16xf32>,
        %select_n3A_383 = arith.select %gt3A_376, %get3A_379, %get3A_382 : vector<16xi1>, vector<16xf32>
        %get3A_384 = arith.index_cast %add3A_368 : i32 to index
        %get3A_385 = arith.constant 80 : index
        %get3A_386 = tpu.vector_load %arg9[%get3A_384, %get3A_385] {strides = array<i32>} : memref<128x128xf32, #tpu.memory_space<vmem>>, vector<16xf32>,
        %get3A_387 = arith.index_cast %add3A_368 : i32 to index
        %get3A_388 = arith.constant 16 : index
        %get3A_389 = tpu.vector_load %arg9[%get3A_387, %get3A_388] {strides = array<i32>} : memref<128x128xf32, #tpu.memory_space<vmem>>, vector<16xf32>,
        %select_n3A_390 = arith.select %gt3A_376, %get3A_386, %get3A_389 : vector<16xi1>, vector<16xf32>
        %get3A_391 = arith.index_cast %add3A_368 : i32 to index
        %get3A_392 = arith.constant 96 : index
        %get3A_393 = tpu.vector_load %arg9[%get3A_391, %get3A_392] {strides = array<i32>} : memref<128x128xf32, #tpu.memory_space<vmem>>, vector<16xf32>,
        %get3A_394 = arith.index_cast %add3A_368 : i32 to index
        %get3A_395 = arith.constant 32 : index
        %get3A_396 = tpu.vector_load %arg9[%get3A_394, %get3A_395] {strides = array<i32>} : memref<128x128xf32, #tpu.memory_space<vmem>>, vector<16xf32>,
        %select_n3A_397 = arith.select %gt3A_376, %get3A_393, %get3A_396 : vector<16xi1>, vector<16xf32>
        %get3A_398 = arith.index_cast %add3A_368 : i32 to index
        %get3A_399 = arith.constant 112 : index
        %get3A_400 = tpu.vector_load %arg9[%get3A_398, %get3A_399] {strides = array<i32>} : memref<128x128xf32, #tpu.memory_space<vmem>>, vector<16xf32>,
        %get3A_401 = arith.index_cast %add3A_368 : i32 to index
        %get3A_402 = arith.constant 48 : index
        %get3A_403 = tpu.vector_load %arg9[%get3A_401, %get3A_402] {strides = array<i32>} : memref<128x128xf32, #tpu.memory_space<vmem>>, vector<16xf32>,
        %select_n3A_404 = arith.select %gt3A_376, %get3A_400, %get3A_403 : vector<16xi1>, vector<16xf32>
        %mul3A_405 = arith.mulf %select_n3A_383, %select_n3A_383 : vector<16xf32>
        %mul3A_406 = arith.mulf %select_n3A_390, %select_n3A_390 : vector<16xf32>
        %add3A_407 = arith.addf %mul3A_405, %mul3A_406 : vector<16xf32>
        %mul3A_408 = arith.mulf %select_n3A_397, %select_n3A_397 : vector<16xf32>
        %mul3A_409 = arith.mulf %select_n3A_404, %select_n3A_404 : vector<16xf32>
        %add3A_410 = arith.addf %mul3A_408, %mul3A_409 : vector<16xf32>
        %add3A_411 = arith.addf %add3A_407, %add3A_410 : vector<16xf32>
        %reshape3A_412 = vector.shape_cast %xor3A_121 : vector<16xi32> to vector<16x1xi32>
        %gather3A_413 = vector.shape_cast %reshape3A_412 : vector<16x1xi32> to vector<16xi32>
        %gather3A_414 = tpu.dynamic_gather %add3A_411[%gather3A_413] in [0] : vector<16xf32>, vector<16xi32> -> vector<16xf32>
        %add3A_415 = arith.addf %add3A_411, %gather3A_414 : vector<16xf32>
        %reshape3A_416 = vector.shape_cast %xor3A_124 : vector<16xi32> to vector<16x1xi32>
        %gather3A_417 = vector.shape_cast %reshape3A_416 : vector<16x1xi32> to vector<16xi32>
        %gather3A_418 = tpu.dynamic_gather %add3A_415[%gather3A_417] in [0] : vector<16xf32>, vector<16xi32> -> vector<16xf32>
        %add3A_419 = arith.addf %add3A_415, %gather3A_418 : vector<16xf32>
        %reshape3A_420 = vector.shape_cast %xor3A_127 : vector<16xi32> to vector<16x1xi32>
        %gather3A_421 = vector.shape_cast %reshape3A_420 : vector<16x1xi32> to vector<16xi32>
        %gather3A_422 = tpu.dynamic_gather %add3A_419[%gather3A_421] in [0] : vector<16xf32>, vector<16xi32> -> vector<16xf32>
        %add3A_423 = arith.addf %add3A_419, %gather3A_422 : vector<16xf32>
        %reshape3A_424 = vector.shape_cast %xor3A_130 : vector<16xi32> to vector<16x1xi32>
        %gather3A_425 = vector.shape_cast %reshape3A_424 : vector<16x1xi32> to vector<16xi32>
        %gather3A_426 = tpu.dynamic_gather %add3A_423[%gather3A_425] in [0] : vector<16xf32>, vector<16xi32> -> vector<16xf32>
        %add3A_427 = arith.addf %add3A_423, %gather3A_426 : vector<16xf32>
        %mul3A_428 = arith.constant 1.562500e-02 : f32
        %mul3A_429 = vector.broadcast %mul3A_428 : f32 to vector<16xf32>
        %mul3A_430 = arith.mulf %add3A_427, %mul3A_429 : vector<16xf32>
        %add3A_431 = arith.constant 9.99999997E-7 : f32
        %add3A_432 = vector.broadcast %add3A_431 : f32 to vector<16xf32>
        %add3A_433 = arith.addf %mul3A_430, %add3A_432 : vector<16xf32>
        %bitcast_convert_type3A_434 = tpu.bitcast %add3A_433 : vector<16xf32> -> vector<16xi32>
        %shift_right_arithmetic3A_435 = arith.constant 1 : i32
        %shift_right_arithmetic3A_436 = vector.broadcast %shift_right_arithmetic3A_435 : i32 to vector<16xi32>
        %shift_right_arithmetic3A_437 = arith.shrsi %bitcast_convert_type3A_434, %shift_right_arithmetic3A_436 : vector<16xi32>
        %sub3A_438 = arith.constant 1597463007 : i32
        %sub3A_439 = vector.broadcast %sub3A_438 : i32 to vector<16xi32>
        %sub3A_440 = arith.subi %sub3A_439, %shift_right_arithmetic3A_437 : vector<16xi32>
        %bitcast_convert_type3A_441 = tpu.bitcast %sub3A_440 : vector<16xi32> -> vector<16xf32>
        %mul3A_442 = arith.constant 5.000000e-01 : f32
        %mul3A_443 = vector.broadcast %mul3A_442 : f32 to vector<16xf32>
        %mul3A_444 = arith.mulf %add3A_433, %mul3A_443 : vector<16xf32>
        %mul3A_445 = arith.mulf %mul3A_444, %bitcast_convert_type3A_441 : vector<16xf32>
        %mul3A_446 = arith.mulf %mul3A_445, %bitcast_convert_type3A_441 : vector<16xf32>
        %sub3A_447 = arith.constant 1.500000e+00 : f32
        %sub3A_448 = vector.broadcast %sub3A_447 : f32 to vector<16xf32>
        %sub3A_449 = arith.subf %sub3A_448, %mul3A_446 : vector<16xf32>
        %mul3A_450 = arith.mulf %bitcast_convert_type3A_441, %sub3A_449 : vector<16xf32>
        %mul3A_451 = arith.mulf %mul3A_444, %mul3A_450 : vector<16xf32>
        %mul3A_452 = arith.mulf %mul3A_451, %mul3A_450 : vector<16xf32>
        %sub3A_453 = arith.constant 1.500000e+00 : f32
        %sub3A_454 = vector.broadcast %sub3A_453 : f32 to vector<16xf32>
        %sub3A_455 = arith.subf %sub3A_454, %mul3A_452 : vector<16xf32>
        %mul3A_456 = arith.mulf %mul3A_450, %sub3A_455 : vector<16xf32>
        %mul3A_457 = arith.mulf %select_n3A_383, %mul3A_456 : vector<16xf32>
        %swap3A_458 = arith.index_cast %add3A_368 : i32 to index
        %swap3A_459 = arith.constant 0 : index
        %swap3A_460 = tpu.vector_load %arg11[%swap3A_458, %swap3A_459] {strides = array<i32>} : memref<128x64xf32, #tpu.memory_space<vmem>>, vector<16xf32>,
        tpu.vector_store %arg11[%swap3A_458, %swap3A_459], %mul3A_457 {strides = array<i32>} : memref<128x64xf32, #tpu.memory_space<vmem>>, vector<16xf32>,
        %mul3A_461 = arith.mulf %select_n3A_390, %mul3A_456 : vector<16xf32>
        %swap3A_462 = arith.index_cast %add3A_368 : i32 to index
        %swap3A_463 = arith.constant 16 : index
        %swap3A_464 = tpu.vector_load %arg11[%swap3A_462, %swap3A_463] {strides = array<i32>} : memref<128x64xf32, #tpu.memory_space<vmem>>, vector<16xf32>,
        tpu.vector_store %arg11[%swap3A_462, %swap3A_463], %mul3A_461 {strides = array<i32>} : memref<128x64xf32, #tpu.memory_space<vmem>>, vector<16xf32>,
        %mul3A_465 = arith.mulf %select_n3A_397, %mul3A_456 : vector<16xf32>
        %swap3A_466 = arith.index_cast %add3A_368 : i32 to index
        %swap3A_467 = arith.constant 32 : index
        %swap3A_468 = tpu.vector_load %arg11[%swap3A_466, %swap3A_467] {strides = array<i32>} : memref<128x64xf32, #tpu.memory_space<vmem>>, vector<16xf32>,
        tpu.vector_store %arg11[%swap3A_466, %swap3A_467], %mul3A_465 {strides = array<i32>} : memref<128x64xf32, #tpu.memory_space<vmem>>, vector<16xf32>,
        %mul3A_469 = arith.mulf %select_n3A_404, %mul3A_456 : vector<16xf32>
        %swap3A_470 = arith.index_cast %add3A_368 : i32 to index
        %swap3A_471 = arith.constant 48 : index
        %swap3A_472 = tpu.vector_load %arg11[%swap3A_470, %swap3A_471] {strides = array<i32>} : memref<128x64xf32, #tpu.memory_space<vmem>>, vector<16xf32>,
        tpu.vector_store %arg11[%swap3A_470, %swap3A_471], %mul3A_469 {strides = array<i32>} : memref<128x64xf32, #tpu.memory_space<vmem>>, vector<16xf32>,
        %mul3A_473 = arith.constant 16 : i32
        %mul3A_474 = arith.muli %scan3A_146, %mul3A_473 : i32
        %add3A_475 = arith.constant 3 : i32
        %add3A_476 = arith.addi %mul3A_474, %add3A_475 : i32
        %broadcast_in_dim3A_477 = arith.constant 3 : i32
        %broadcast_in_dim3A_478 = vector.broadcast %broadcast_in_dim3A_477 : i32 to vector<16xi32>
        %reshape3A_479 = vector.shape_cast %broadcast_in_dim3A_478 : vector<16xi32> to vector<16x1xi32>
        %gather3A_480 = vector.shape_cast %reshape3A_479 : vector<16x1xi32> to vector<16xi32>
        %gather3A_481 = tpu.dynamic_gather %and3A_156[%gather3A_480] in [0] : vector<16xi32>, vector<16xi32> -> vector<16xi32>
        %gt3A_482 = arith.constant 0 : i32
        %gt3A_483 = vector.broadcast %gt3A_482 : i32 to vector<16xi32>
        %gt3A_484 = arith.cmpi sgt, %gather3A_481, %gt3A_483 : vector<16xi32>
        %get3A_485 = arith.index_cast %add3A_476 : i32 to index
        %get3A_486 = arith.constant 64 : index
        %get3A_487 = tpu.vector_load %arg9[%get3A_485, %get3A_486] {strides = array<i32>} : memref<128x128xf32, #tpu.memory_space<vmem>>, vector<16xf32>,
        %get3A_488 = arith.index_cast %add3A_476 : i32 to index
        %get3A_489 = arith.constant 0 : index
        %get3A_490 = tpu.vector_load %arg9[%get3A_488, %get3A_489] {strides = array<i32>} : memref<128x128xf32, #tpu.memory_space<vmem>>, vector<16xf32>,
        %select_n3A_491 = arith.select %gt3A_484, %get3A_487, %get3A_490 : vector<16xi1>, vector<16xf32>
        %get3A_492 = arith.index_cast %add3A_476 : i32 to index
        %get3A_493 = arith.constant 80 : index
        %get3A_494 = tpu.vector_load %arg9[%get3A_492, %get3A_493] {strides = array<i32>} : memref<128x128xf32, #tpu.memory_space<vmem>>, vector<16xf32>,
        %get3A_495 = arith.index_cast %add3A_476 : i32 to index
        %get3A_496 = arith.constant 16 : index
        %get3A_497 = tpu.vector_load %arg9[%get3A_495, %get3A_496] {strides = array<i32>} : memref<128x128xf32, #tpu.memory_space<vmem>>, vector<16xf32>,
        %select_n3A_498 = arith.select %gt3A_484, %get3A_494, %get3A_497 : vector<16xi1>, vector<16xf32>
        %get3A_499 = arith.index_cast %add3A_476 : i32 to index
        %get3A_500 = arith.constant 96 : index
        %get3A_501 = tpu.vector_load %arg9[%get3A_499, %get3A_500] {strides = array<i32>} : memref<128x128xf32, #tpu.memory_space<vmem>>, vector<16xf32>,
        %get3A_502 = arith.index_cast %add3A_476 : i32 to index
        %get3A_503 = arith.constant 32 : index
        %get3A_504 = tpu.vector_load %arg9[%get3A_502, %get3A_503] {strides = array<i32>} : memref<128x128xf32, #tpu.memory_space<vmem>>, vector<16xf32>,
        %select_n3A_505 = arith.select %gt3A_484, %get3A_501, %get3A_504 : vector<16xi1>, vector<16xf32>
        %get3A_506 = arith.index_cast %add3A_476 : i32 to index
        %get3A_507 = arith.constant 112 : index
        %get3A_508 = tpu.vector_load %arg9[%get3A_506, %get3A_507] {strides = array<i32>} : memref<128x128xf32, #tpu.memory_space<vmem>>, vector<16xf32>,
        %get3A_509 = arith.index_cast %add3A_476 : i32 to index
        %get3A_510 = arith.constant 48 : index
        %get3A_511 = tpu.vector_load %arg9[%get3A_509, %get3A_510] {strides = array<i32>} : memref<128x128xf32, #tpu.memory_space<vmem>>, vector<16xf32>,
        %select_n3A_512 = arith.select %gt3A_484, %get3A_508, %get3A_511 : vector<16xi1>, vector<16xf32>
        %mul3A_513 = arith.mulf %select_n3A_491, %select_n3A_491 : vector<16xf32>
        %mul3A_514 = arith.mulf %select_n3A_498, %select_n3A_498 : vector<16xf32>
        %add3A_515 = arith.addf %mul3A_513, %mul3A_514 : vector<16xf32>
        %mul3A_516 = arith.mulf %select_n3A_505, %select_n3A_505 : vector<16xf32>
        %mul3A_517 = arith.mulf %select_n3A_512, %select_n3A_512 : vector<16xf32>
        %add3A_518 = arith.addf %mul3A_516, %mul3A_517 : vector<16xf32>
        %add3A_519 = arith.addf %add3A_515, %add3A_518 : vector<16xf32>
        %reshape3A_520 = vector.shape_cast %xor3A_121 : vector<16xi32> to vector<16x1xi32>
        %gather3A_521 = vector.shape_cast %reshape3A_520 : vector<16x1xi32> to vector<16xi32>
        %gather3A_522 = tpu.dynamic_gather %add3A_519[%gather3A_521] in [0] : vector<16xf32>, vector<16xi32> -> vector<16xf32>
        %add3A_523 = arith.addf %add3A_519, %gather3A_522 : vector<16xf32>
        %reshape3A_524 = vector.shape_cast %xor3A_124 : vector<16xi32> to vector<16x1xi32>
        %gather3A_525 = vector.shape_cast %reshape3A_524 : vector<16x1xi32> to vector<16xi32>
        %gather3A_526 = tpu.dynamic_gather %add3A_523[%gather3A_525] in [0] : vector<16xf32>, vector<16xi32> -> vector<16xf32>
        %add3A_527 = arith.addf %add3A_523, %gather3A_526 : vector<16xf32>
        %reshape3A_528 = vector.shape_cast %xor3A_127 : vector<16xi32> to vector<16x1xi32>
        %gather3A_529 = vector.shape_cast %reshape3A_528 : vector<16x1xi32> to vector<16xi32>
        %gather3A_530 = tpu.dynamic_gather %add3A_527[%gather3A_529] in [0] : vector<16xf32>, vector<16xi32> -> vector<16xf32>
        %add3A_531 = arith.addf %add3A_527, %gather3A_530 : vector<16xf32>
        %reshape3A_532 = vector.shape_cast %xor3A_130 : vector<16xi32> to vector<16x1xi32>
        %gather3A_533 = vector.shape_cast %reshape3A_532 : vector<16x1xi32> to vector<16xi32>
        %gather3A_534 = tpu.dynamic_gather %add3A_531[%gather3A_533] in [0] : vector<16xf32>, vector<16xi32> -> vector<16xf32>
        %add3A_535 = arith.addf %add3A_531, %gather3A_534 : vector<16xf32>
        %mul3A_536 = arith.constant 1.562500e-02 : f32
        %mul3A_537 = vector.broadcast %mul3A_536 : f32 to vector<16xf32>
        %mul3A_538 = arith.mulf %add3A_535, %mul3A_537 : vector<16xf32>
        %add3A_539 = arith.constant 9.99999997E-7 : f32
        %add3A_540 = vector.broadcast %add3A_539 : f32 to vector<16xf32>
        %add3A_541 = arith.addf %mul3A_538, %add3A_540 : vector<16xf32>
        %bitcast_convert_type3A_542 = tpu.bitcast %add3A_541 : vector<16xf32> -> vector<16xi32>
        %shift_right_arithmetic3A_543 = arith.constant 1 : i32
        %shift_right_arithmetic3A_544 = vector.broadcast %shift_right_arithmetic3A_543 : i32 to vector<16xi32>
        %shift_right_arithmetic3A_545 = arith.shrsi %bitcast_convert_type3A_542, %shift_right_arithmetic3A_544 : vector<16xi32>
        %sub3A_546 = arith.constant 1597463007 : i32
        %sub3A_547 = vector.broadcast %sub3A_546 : i32 to vector<16xi32>
        %sub3A_548 = arith.subi %sub3A_547, %shift_right_arithmetic3A_545 : vector<16xi32>
        %bitcast_convert_type3A_549 = tpu.bitcast %sub3A_548 : vector<16xi32> -> vector<16xf32>
        %mul3A_550 = arith.constant 5.000000e-01 : f32
        %mul3A_551 = vector.broadcast %mul3A_550 : f32 to vector<16xf32>
        %mul3A_552 = arith.mulf %add3A_541, %mul3A_551 : vector<16xf32>
        %mul3A_553 = arith.mulf %mul3A_552, %bitcast_convert_type3A_549 : vector<16xf32>
        %mul3A_554 = arith.mulf %mul3A_553, %bitcast_convert_type3A_549 : vector<16xf32>
        %sub3A_555 = arith.constant 1.500000e+00 : f32
        %sub3A_556 = vector.broadcast %sub3A_555 : f32 to vector<16xf32>
        %sub3A_557 = arith.subf %sub3A_556, %mul3A_554 : vector<16xf32>
        %mul3A_558 = arith.mulf %bitcast_convert_type3A_549, %sub3A_557 : vector<16xf32>
        %mul3A_559 = arith.mulf %mul3A_552, %mul3A_558 : vector<16xf32>
        %mul3A_560 = arith.mulf %mul3A_559, %mul3A_558 : vector<16xf32>
        %sub3A_561 = arith.constant 1.500000e+00 : f32
        %sub3A_562 = vector.broadcast %sub3A_561 : f32 to vector<16xf32>
        %sub3A_563 = arith.subf %sub3A_562, %mul3A_560 : vector<16xf32>
        %mul3A_564 = arith.mulf %mul3A_558, %sub3A_563 : vector<16xf32>
        %mul3A_565 = arith.mulf %select_n3A_491, %mul3A_564 : vector<16xf32>
        %swap3A_566 = arith.index_cast %add3A_476 : i32 to index
        %swap3A_567 = arith.constant 0 : index
        %swap3A_568 = tpu.vector_load %arg11[%swap3A_566, %swap3A_567] {strides = array<i32>} : memref<128x64xf32, #tpu.memory_space<vmem>>, vector<16xf32>,
        tpu.vector_store %arg11[%swap3A_566, %swap3A_567], %mul3A_565 {strides = array<i32>} : memref<128x64xf32, #tpu.memory_space<vmem>>, vector<16xf32>,
        %mul3A_569 = arith.mulf %select_n3A_498, %mul3A_564 : vector<16xf32>
        %swap3A_570 = arith.index_cast %add3A_476 : i32 to index
        %swap3A_571 = arith.constant 16 : index
        %swap3A_572 = tpu.vector_load %arg11[%swap3A_570, %swap3A_571] {strides = array<i32>} : memref<128x64xf32, #tpu.memory_space<vmem>>, vector<16xf32>,
        tpu.vector_store %arg11[%swap3A_570, %swap3A_571], %mul3A_569 {strides = array<i32>} : memref<128x64xf32, #tpu.memory_space<vmem>>, vector<16xf32>,
        %mul3A_573 = arith.mulf %select_n3A_505, %mul3A_564 : vector<16xf32>
        %swap3A_574 = arith.index_cast %add3A_476 : i32 to index
        %swap3A_575 = arith.constant 32 : index
        %swap3A_576 = tpu.vector_load %arg11[%swap3A_574, %swap3A_575] {strides = array<i32>} : memref<128x64xf32, #tpu.memory_space<vmem>>, vector<16xf32>,
        tpu.vector_store %arg11[%swap3A_574, %swap3A_575], %mul3A_573 {strides = array<i32>} : memref<128x64xf32, #tpu.memory_space<vmem>>, vector<16xf32>,
        %mul3A_577 = arith.mulf %select_n3A_512, %mul3A_564 : vector<16xf32>
        %swap3A_578 = arith.index_cast %add3A_476 : i32 to index
        %swap3A_579 = arith.constant 48 : index
        %swap3A_580 = tpu.vector_load %arg11[%swap3A_578, %swap3A_579] {strides = array<i32>} : memref<128x64xf32, #tpu.memory_space<vmem>>, vector<16xf32>,
        tpu.vector_store %arg11[%swap3A_578, %swap3A_579], %mul3A_577 {strides = array<i32>} : memref<128x64xf32, #tpu.memory_space<vmem>>, vector<16xf32>,
        %mul3A_581 = arith.constant 16 : i32
        %mul3A_582 = arith.muli %scan3A_146, %mul3A_581 : i32
        %add3A_583 = arith.constant 4 : i32
        %add3A_584 = arith.addi %mul3A_582, %add3A_583 : i32
        %broadcast_in_dim3A_585 = arith.constant 4 : i32
        %broadcast_in_dim3A_586 = vector.broadcast %broadcast_in_dim3A_585 : i32 to vector<16xi32>
        %reshape3A_587 = vector.shape_cast %broadcast_in_dim3A_586 : vector<16xi32> to vector<16x1xi32>
        %gather3A_588 = vector.shape_cast %reshape3A_587 : vector<16x1xi32> to vector<16xi32>
        %gather3A_589 = tpu.dynamic_gather %and3A_156[%gather3A_588] in [0] : vector<16xi32>, vector<16xi32> -> vector<16xi32>
        %gt3A_590 = arith.constant 0 : i32
        %gt3A_591 = vector.broadcast %gt3A_590 : i32 to vector<16xi32>
        %gt3A_592 = arith.cmpi sgt, %gather3A_589, %gt3A_591 : vector<16xi32>
        %get3A_593 = arith.index_cast %add3A_584 : i32 to index
        %get3A_594 = arith.constant 64 : index
        %get3A_595 = tpu.vector_load %arg9[%get3A_593, %get3A_594] {strides = array<i32>} : memref<128x128xf32, #tpu.memory_space<vmem>>, vector<16xf32>,
        %get3A_596 = arith.index_cast %add3A_584 : i32 to index
        %get3A_597 = arith.constant 0 : index
        %get3A_598 = tpu.vector_load %arg9[%get3A_596, %get3A_597] {strides = array<i32>} : memref<128x128xf32, #tpu.memory_space<vmem>>, vector<16xf32>,
        %select_n3A_599 = arith.select %gt3A_592, %get3A_595, %get3A_598 : vector<16xi1>, vector<16xf32>
        %get3A_600 = arith.index_cast %add3A_584 : i32 to index
        %get3A_601 = arith.constant 80 : index
        %get3A_602 = tpu.vector_load %arg9[%get3A_600, %get3A_601] {strides = array<i32>} : memref<128x128xf32, #tpu.memory_space<vmem>>, vector<16xf32>,
        %get3A_603 = arith.index_cast %add3A_584 : i32 to index
        %get3A_604 = arith.constant 16 : index
        %get3A_605 = tpu.vector_load %arg9[%get3A_603, %get3A_604] {strides = array<i32>} : memref<128x128xf32, #tpu.memory_space<vmem>>, vector<16xf32>,
        %select_n3A_606 = arith.select %gt3A_592, %get3A_602, %get3A_605 : vector<16xi1>, vector<16xf32>
        %get3A_607 = arith.index_cast %add3A_584 : i32 to index
        %get3A_608 = arith.constant 96 : index
        %get3A_609 = tpu.vector_load %arg9[%get3A_607, %get3A_608] {strides = array<i32>} : memref<128x128xf32, #tpu.memory_space<vmem>>, vector<16xf32>,
        %get3A_610 = arith.index_cast %add3A_584 : i32 to index
        %get3A_611 = arith.constant 32 : index
        %get3A_612 = tpu.vector_load %arg9[%get3A_610, %get3A_611] {strides = array<i32>} : memref<128x128xf32, #tpu.memory_space<vmem>>, vector<16xf32>,
        %select_n3A_613 = arith.select %gt3A_592, %get3A_609, %get3A_612 : vector<16xi1>, vector<16xf32>
        %get3A_614 = arith.index_cast %add3A_584 : i32 to index
        %get3A_615 = arith.constant 112 : index
        %get3A_616 = tpu.vector_load %arg9[%get3A_614, %get3A_615] {strides = array<i32>} : memref<128x128xf32, #tpu.memory_space<vmem>>, vector<16xf32>,
        %get3A_617 = arith.index_cast %add3A_584 : i32 to index
        %get3A_618 = arith.constant 48 : index
        %get3A_619 = tpu.vector_load %arg9[%get3A_617, %get3A_618] {strides = array<i32>} : memref<128x128xf32, #tpu.memory_space<vmem>>, vector<16xf32>,
        %select_n3A_620 = arith.select %gt3A_592, %get3A_616, %get3A_619 : vector<16xi1>, vector<16xf32>
        %mul3A_621 = arith.mulf %select_n3A_599, %select_n3A_599 : vector<16xf32>
        %mul3A_622 = arith.mulf %select_n3A_606, %select_n3A_606 : vector<16xf32>
        %add3A_623 = arith.addf %mul3A_621, %mul3A_622 : vector<16xf32>
        %mul3A_624 = arith.mulf %select_n3A_613, %select_n3A_613 : vector<16xf32>
        %mul3A_625 = arith.mulf %select_n3A_620, %select_n3A_620 : vector<16xf32>
        %add3A_626 = arith.addf %mul3A_624, %mul3A_625 : vector<16xf32>
        %add3A_627 = arith.addf %add3A_623, %add3A_626 : vector<16xf32>
        %reshape3A_628 = vector.shape_cast %xor3A_121 : vector<16xi32> to vector<16x1xi32>
        %gather3A_629 = vector.shape_cast %reshape3A_628 : vector<16x1xi32> to vector<16xi32>
        %gather3A_630 = tpu.dynamic_gather %add3A_627[%gather3A_629] in [0] : vector<16xf32>, vector<16xi32> -> vector<16xf32>
        %add3A_631 = arith.addf %add3A_627, %gather3A_630 : vector<16xf32>
        %reshape3A_632 = vector.shape_cast %xor3A_124 : vector<16xi32> to vector<16x1xi32>
        %gather3A_633 = vector.shape_cast %reshape3A_632 : vector<16x1xi32> to vector<16xi32>
        %gather3A_634 = tpu.dynamic_gather %add3A_631[%gather3A_633] in [0] : vector<16xf32>, vector<16xi32> -> vector<16xf32>
        %add3A_635 = arith.addf %add3A_631, %gather3A_634 : vector<16xf32>
        %reshape3A_636 = vector.shape_cast %xor3A_127 : vector<16xi32> to vector<16x1xi32>
        %gather3A_637 = vector.shape_cast %reshape3A_636 : vector<16x1xi32> to vector<16xi32>
        %gather3A_638 = tpu.dynamic_gather %add3A_635[%gather3A_637] in [0] : vector<16xf32>, vector<16xi32> -> vector<16xf32>
        %add3A_639 = arith.addf %add3A_635, %gather3A_638 : vector<16xf32>
        %reshape3A_640 = vector.shape_cast %xor3A_130 : vector<16xi32> to vector<16x1xi32>
        %gather3A_641 = vector.shape_cast %reshape3A_640 : vector<16x1xi32> to vector<16xi32>
        %gather3A_642 = tpu.dynamic_gather %add3A_639[%gather3A_641] in [0] : vector<16xf32>, vector<16xi32> -> vector<16xf32>
        %add3A_643 = arith.addf %add3A_639, %gather3A_642 : vector<16xf32>
        %mul3A_644 = arith.constant 1.562500e-02 : f32
        %mul3A_645 = vector.broadcast %mul3A_644 : f32 to vector<16xf32>
        %mul3A_646 = arith.mulf %add3A_643, %mul3A_645 : vector<16xf32>
        %add3A_647 = arith.constant 9.99999997E-7 : f32
        %add3A_648 = vector.broadcast %add3A_647 : f32 to vector<16xf32>
        %add3A_649 = arith.addf %mul3A_646, %add3A_648 : vector<16xf32>
        %bitcast_convert_type3A_650 = tpu.bitcast %add3A_649 : vector<16xf32> -> vector<16xi32>
        %shift_right_arithmetic3A_651 = arith.constant 1 : i32
        %shift_right_arithmetic3A_652 = vector.broadcast %shift_right_arithmetic3A_651 : i32 to vector<16xi32>
        %shift_right_arithmetic3A_653 = arith.shrsi %bitcast_convert_type3A_650, %shift_right_arithmetic3A_652 : vector<16xi32>
        %sub3A_654 = arith.constant 1597463007 : i32
        %sub3A_655 = vector.broadcast %sub3A_654 : i32 to vector<16xi32>
        %sub3A_656 = arith.subi %sub3A_655, %shift_right_arithmetic3A_653 : vector<16xi32>
        %bitcast_convert_type3A_657 = tpu.bitcast %sub3A_656 : vector<16xi32> -> vector<16xf32>
        %mul3A_658 = arith.constant 5.000000e-01 : f32
        %mul3A_659 = vector.broadcast %mul3A_658 : f32 to vector<16xf32>
        %mul3A_660 = arith.mulf %add3A_649, %mul3A_659 : vector<16xf32>
        %mul3A_661 = arith.mulf %mul3A_660, %bitcast_convert_type3A_657 : vector<16xf32>
        %mul3A_662 = arith.mulf %mul3A_661, %bitcast_convert_type3A_657 : vector<16xf32>
        %sub3A_663 = arith.constant 1.500000e+00 : f32
        %sub3A_664 = vector.broadcast %sub3A_663 : f32 to vector<16xf32>
        %sub3A_665 = arith.subf %sub3A_664, %mul3A_662 : vector<16xf32>
        %mul3A_666 = arith.mulf %bitcast_convert_type3A_657, %sub3A_665 : vector<16xf32>
        %mul3A_667 = arith.mulf %mul3A_660, %mul3A_666 : vector<16xf32>
        %mul3A_668 = arith.mulf %mul3A_667, %mul3A_666 : vector<16xf32>
        %sub3A_669 = arith.constant 1.500000e+00 : f32
        %sub3A_670 = vector.broadcast %sub3A_669 : f32 to vector<16xf32>
        %sub3A_671 = arith.subf %sub3A_670, %mul3A_668 : vector<16xf32>
        %mul3A_672 = arith.mulf %mul3A_666, %sub3A_671 : vector<16xf32>
        %mul3A_673 = arith.mulf %select_n3A_599, %mul3A_672 : vector<16xf32>
        %swap3A_674 = arith.index_cast %add3A_584 : i32 to index
        %swap3A_675 = arith.constant 0 : index
        %swap3A_676 = tpu.vector_load %arg11[%swap3A_674, %swap3A_675] {strides = array<i32>} : memref<128x64xf32, #tpu.memory_space<vmem>>, vector<16xf32>,
        tpu.vector_store %arg11[%swap3A_674, %swap3A_675], %mul3A_673 {strides = array<i32>} : memref<128x64xf32, #tpu.memory_space<vmem>>, vector<16xf32>,
        %mul3A_677 = arith.mulf %select_n3A_606, %mul3A_672 : vector<16xf32>
        %swap3A_678 = arith.index_cast %add3A_584 : i32 to index
        %swap3A_679 = arith.constant 16 : index
        %swap3A_680 = tpu.vector_load %arg11[%swap3A_678, %swap3A_679] {strides = array<i32>} : memref<128x64xf32, #tpu.memory_space<vmem>>, vector<16xf32>,
        tpu.vector_store %arg11[%swap3A_678, %swap3A_679], %mul3A_677 {strides = array<i32>} : memref<128x64xf32, #tpu.memory_space<vmem>>, vector<16xf32>,
        %mul3A_681 = arith.mulf %select_n3A_613, %mul3A_672 : vector<16xf32>
        %swap3A_682 = arith.index_cast %add3A_584 : i32 to index
        %swap3A_683 = arith.constant 32 : index
        %swap3A_684 = tpu.vector_load %arg11[%swap3A_682, %swap3A_683] {strides = array<i32>} : memref<128x64xf32, #tpu.memory_space<vmem>>, vector<16xf32>,
        tpu.vector_store %arg11[%swap3A_682, %swap3A_683], %mul3A_681 {strides = array<i32>} : memref<128x64xf32, #tpu.memory_space<vmem>>, vector<16xf32>,
        %mul3A_685 = arith.mulf %select_n3A_620, %mul3A_672 : vector<16xf32>
        %swap3A_686 = arith.index_cast %add3A_584 : i32 to index
        %swap3A_687 = arith.constant 48 : index
        %swap3A_688 = tpu.vector_load %arg11[%swap3A_686, %swap3A_687] {strides = array<i32>} : memref<128x64xf32, #tpu.memory_space<vmem>>, vector<16xf32>,
        tpu.vector_store %arg11[%swap3A_686, %swap3A_687], %mul3A_685 {strides = array<i32>} : memref<128x64xf32, #tpu.memory_space<vmem>>, vector<16xf32>,
        %mul3A_689 = arith.constant 16 : i32
        %mul3A_690 = arith.muli %scan3A_146, %mul3A_689 : i32
        %add3A_691 = arith.constant 5 : i32
        %add3A_692 = arith.addi %mul3A_690, %add3A_691 : i32
        %broadcast_in_dim3A_693 = arith.constant 5 : i32
        %broadcast_in_dim3A_694 = vector.broadcast %broadcast_in_dim3A_693 : i32 to vector<16xi32>
        %reshape3A_695 = vector.shape_cast %broadcast_in_dim3A_694 : vector<16xi32> to vector<16x1xi32>
        %gather3A_696 = vector.shape_cast %reshape3A_695 : vector<16x1xi32> to vector<16xi32>
        %gather3A_697 = tpu.dynamic_gather %and3A_156[%gather3A_696] in [0] : vector<16xi32>, vector<16xi32> -> vector<16xi32>
        %gt3A_698 = arith.constant 0 : i32
        %gt3A_699 = vector.broadcast %gt3A_698 : i32 to vector<16xi32>
        %gt3A_700 = arith.cmpi sgt, %gather3A_697, %gt3A_699 : vector<16xi32>
        %get3A_701 = arith.index_cast %add3A_692 : i32 to index
        %get3A_702 = arith.constant 64 : index
        %get3A_703 = tpu.vector_load %arg9[%get3A_701, %get3A_702] {strides = array<i32>} : memref<128x128xf32, #tpu.memory_space<vmem>>, vector<16xf32>,
        %get3A_704 = arith.index_cast %add3A_692 : i32 to index
        %get3A_705 = arith.constant 0 : index
        %get3A_706 = tpu.vector_load %arg9[%get3A_704, %get3A_705] {strides = array<i32>} : memref<128x128xf32, #tpu.memory_space<vmem>>, vector<16xf32>,
        %select_n3A_707 = arith.select %gt3A_700, %get3A_703, %get3A_706 : vector<16xi1>, vector<16xf32>
        %get3A_708 = arith.index_cast %add3A_692 : i32 to index
        %get3A_709 = arith.constant 80 : index
        %get3A_710 = tpu.vector_load %arg9[%get3A_708, %get3A_709] {strides = array<i32>} : memref<128x128xf32, #tpu.memory_space<vmem>>, vector<16xf32>,
        %get3A_711 = arith.index_cast %add3A_692 : i32 to index
        %get3A_712 = arith.constant 16 : index
        %get3A_713 = tpu.vector_load %arg9[%get3A_711, %get3A_712] {strides = array<i32>} : memref<128x128xf32, #tpu.memory_space<vmem>>, vector<16xf32>,
        %select_n3A_714 = arith.select %gt3A_700, %get3A_710, %get3A_713 : vector<16xi1>, vector<16xf32>
        %get3A_715 = arith.index_cast %add3A_692 : i32 to index
        %get3A_716 = arith.constant 96 : index
        %get3A_717 = tpu.vector_load %arg9[%get3A_715, %get3A_716] {strides = array<i32>} : memref<128x128xf32, #tpu.memory_space<vmem>>, vector<16xf32>,
        %get3A_718 = arith.index_cast %add3A_692 : i32 to index
        %get3A_719 = arith.constant 32 : index
        %get3A_720 = tpu.vector_load %arg9[%get3A_718, %get3A_719] {strides = array<i32>} : memref<128x128xf32, #tpu.memory_space<vmem>>, vector<16xf32>,
        %select_n3A_721 = arith.select %gt3A_700, %get3A_717, %get3A_720 : vector<16xi1>, vector<16xf32>
        %get3A_722 = arith.index_cast %add3A_692 : i32 to index
        %get3A_723 = arith.constant 112 : index
        %get3A_724 = tpu.vector_load %arg9[%get3A_722, %get3A_723] {strides = array<i32>} : memref<128x128xf32, #tpu.memory_space<vmem>>, vector<16xf32>,
        %get3A_725 = arith.index_cast %add3A_692 : i32 to index
        %get3A_726 = arith.constant 48 : index
        %get3A_727 = tpu.vector_load %arg9[%get3A_725, %get3A_726] {strides = array<i32>} : memref<128x128xf32, #tpu.memory_space<vmem>>, vector<16xf32>,
        %select_n3A_728 = arith.select %gt3A_700, %get3A_724, %get3A_727 : vector<16xi1>, vector<16xf32>
        %mul3A_729 = arith.mulf %select_n3A_707, %select_n3A_707 : vector<16xf32>
        %mul3A_730 = arith.mulf %select_n3A_714, %select_n3A_714 : vector<16xf32>
        %add3A_731 = arith.addf %mul3A_729, %mul3A_730 : vector<16xf32>
        %mul3A_732 = arith.mulf %select_n3A_721, %select_n3A_721 : vector<16xf32>
        %mul3A_733 = arith.mulf %select_n3A_728, %select_n3A_728 : vector<16xf32>
        %add3A_734 = arith.addf %mul3A_732, %mul3A_733 : vector<16xf32>
        %add3A_735 = arith.addf %add3A_731, %add3A_734 : vector<16xf32>
        %reshape3A_736 = vector.shape_cast %xor3A_121 : vector<16xi32> to vector<16x1xi32>
        %gather3A_737 = vector.shape_cast %reshape3A_736 : vector<16x1xi32> to vector<16xi32>
        %gather3A_738 = tpu.dynamic_gather %add3A_735[%gather3A_737] in [0] : vector<16xf32>, vector<16xi32> -> vector<16xf32>
        %add3A_739 = arith.addf %add3A_735, %gather3A_738 : vector<16xf32>
        %reshape3A_740 = vector.shape_cast %xor3A_124 : vector<16xi32> to vector<16x1xi32>
        %gather3A_741 = vector.shape_cast %reshape3A_740 : vector<16x1xi32> to vector<16xi32>
        %gather3A_742 = tpu.dynamic_gather %add3A_739[%gather3A_741] in [0] : vector<16xf32>, vector<16xi32> -> vector<16xf32>
        %add3A_743 = arith.addf %add3A_739, %gather3A_742 : vector<16xf32>
        %reshape3A_744 = vector.shape_cast %xor3A_127 : vector<16xi32> to vector<16x1xi32>
        %gather3A_745 = vector.shape_cast %reshape3A_744 : vector<16x1xi32> to vector<16xi32>
        %gather3A_746 = tpu.dynamic_gather %add3A_743[%gather3A_745] in [0] : vector<16xf32>, vector<16xi32> -> vector<16xf32>
        %add3A_747 = arith.addf %add3A_743, %gather3A_746 : vector<16xf32>
        %reshape3A_748 = vector.shape_cast %xor3A_130 : vector<16xi32> to vector<16x1xi32>
        %gather3A_749 = vector.shape_cast %reshape3A_748 : vector<16x1xi32> to vector<16xi32>
        %gather3A_750 = tpu.dynamic_gather %add3A_747[%gather3A_749] in [0] : vector<16xf32>, vector<16xi32> -> vector<16xf32>
        %add3A_751 = arith.addf %add3A_747, %gather3A_750 : vector<16xf32>
        %mul3A_752 = arith.constant 1.562500e-02 : f32
        %mul3A_753 = vector.broadcast %mul3A_752 : f32 to vector<16xf32>
        %mul3A_754 = arith.mulf %add3A_751, %mul3A_753 : vector<16xf32>
        %add3A_755 = arith.constant 9.99999997E-7 : f32
        %add3A_756 = vector.broadcast %add3A_755 : f32 to vector<16xf32>
        %add3A_757 = arith.addf %mul3A_754, %add3A_756 : vector<16xf32>
        %bitcast_convert_type3A_758 = tpu.bitcast %add3A_757 : vector<16xf32> -> vector<16xi32>
        %shift_right_arithmetic3A_759 = arith.constant 1 : i32
        %shift_right_arithmetic3A_760 = vector.broadcast %shift_right_arithmetic3A_759 : i32 to vector<16xi32>
        %shift_right_arithmetic3A_761 = arith.shrsi %bitcast_convert_type3A_758, %shift_right_arithmetic3A_760 : vector<16xi32>
        %sub3A_762 = arith.constant 1597463007 : i32
        %sub3A_763 = vector.broadcast %sub3A_762 : i32 to vector<16xi32>
        %sub3A_764 = arith.subi %sub3A_763, %shift_right_arithmetic3A_761 : vector<16xi32>
        %bitcast_convert_type3A_765 = tpu.bitcast %sub3A_764 : vector<16xi32> -> vector<16xf32>
        %mul3A_766 = arith.constant 5.000000e-01 : f32
        %mul3A_767 = vector.broadcast %mul3A_766 : f32 to vector<16xf32>
        %mul3A_768 = arith.mulf %add3A_757, %mul3A_767 : vector<16xf32>
        %mul3A_769 = arith.mulf %mul3A_768, %bitcast_convert_type3A_765 : vector<16xf32>
        %mul3A_770 = arith.mulf %mul3A_769, %bitcast_convert_type3A_765 : vector<16xf32>
        %sub3A_771 = arith.constant 1.500000e+00 : f32
        %sub3A_772 = vector.broadcast %sub3A_771 : f32 to vector<16xf32>
        %sub3A_773 = arith.subf %sub3A_772, %mul3A_770 : vector<16xf32>
        %mul3A_774 = arith.mulf %bitcast_convert_type3A_765, %sub3A_773 : vector<16xf32>
        %mul3A_775 = arith.mulf %mul3A_768, %mul3A_774 : vector<16xf32>
        %mul3A_776 = arith.mulf %mul3A_775, %mul3A_774 : vector<16xf32>
        %sub3A_777 = arith.constant 1.500000e+00 : f32
        %sub3A_778 = vector.broadcast %sub3A_777 : f32 to vector<16xf32>
        %sub3A_779 = arith.subf %sub3A_778, %mul3A_776 : vector<16xf32>
        %mul3A_780 = arith.mulf %mul3A_774, %sub3A_779 : vector<16xf32>
        %mul3A_781 = arith.mulf %select_n3A_707, %mul3A_780 : vector<16xf32>
        %swap3A_782 = arith.index_cast %add3A_692 : i32 to index
        %swap3A_783 = arith.constant 0 : index
        %swap3A_784 = tpu.vector_load %arg11[%swap3A_782, %swap3A_783] {strides = array<i32>} : memref<128x64xf32, #tpu.memory_space<vmem>>, vector<16xf32>,
        tpu.vector_store %arg11[%swap3A_782, %swap3A_783], %mul3A_781 {strides = array<i32>} : memref<128x64xf32, #tpu.memory_space<vmem>>, vector<16xf32>,
        %mul3A_785 = arith.mulf %select_n3A_714, %mul3A_780 : vector<16xf32>
        %swap3A_786 = arith.index_cast %add3A_692 : i32 to index
        %swap3A_787 = arith.constant 16 : index
        %swap3A_788 = tpu.vector_load %arg11[%swap3A_786, %swap3A_787] {strides = array<i32>} : memref<128x64xf32, #tpu.memory_space<vmem>>, vector<16xf32>,
        tpu.vector_store %arg11[%swap3A_786, %swap3A_787], %mul3A_785 {strides = array<i32>} : memref<128x64xf32, #tpu.memory_space<vmem>>, vector<16xf32>,
        %mul3A_789 = arith.mulf %select_n3A_721, %mul3A_780 : vector<16xf32>
        %swap3A_790 = arith.index_cast %add3A_692 : i32 to index
        %swap3A_791 = arith.constant 32 : index
        %swap3A_792 = tpu.vector_load %arg11[%swap3A_790, %swap3A_791] {strides = array<i32>} : memref<128x64xf32, #tpu.memory_space<vmem>>, vector<16xf32>,
        tpu.vector_store %arg11[%swap3A_790, %swap3A_791], %mul3A_789 {strides = array<i32>} : memref<128x64xf32, #tpu.memory_space<vmem>>, vector<16xf32>,
        %mul3A_793 = arith.mulf %select_n3A_728, %mul3A_780 : vector<16xf32>
        %swap3A_794 = arith.index_cast %add3A_692 : i32 to index
        %swap3A_795 = arith.constant 48 : index
        %swap3A_796 = tpu.vector_load %arg11[%swap3A_794, %swap3A_795] {strides = array<i32>} : memref<128x64xf32, #tpu.memory_space<vmem>>, vector<16xf32>,
        tpu.vector_store %arg11[%swap3A_794, %swap3A_795], %mul3A_793 {strides = array<i32>} : memref<128x64xf32, #tpu.memory_space<vmem>>, vector<16xf32>,
        %mul3A_797 = arith.constant 16 : i32
        %mul3A_798 = arith.muli %scan3A_146, %mul3A_797 : i32
        %add3A_799 = arith.constant 6 : i32
        %add3A_800 = arith.addi %mul3A_798, %add3A_799 : i32
        %broadcast_in_dim3A_801 = arith.constant 6 : i32
        %broadcast_in_dim3A_802 = vector.broadcast %broadcast_in_dim3A_801 : i32 to vector<16xi32>
        %reshape3A_803 = vector.shape_cast %broadcast_in_dim3A_802 : vector<16xi32> to vector<16x1xi32>
        %gather3A_804 = vector.shape_cast %reshape3A_803 : vector<16x1xi32> to vector<16xi32>
        %gather3A_805 = tpu.dynamic_gather %and3A_156[%gather3A_804] in [0] : vector<16xi32>, vector<16xi32> -> vector<16xi32>
        %gt3A_806 = arith.constant 0 : i32
        %gt3A_807 = vector.broadcast %gt3A_806 : i32 to vector<16xi32>
        %gt3A_808 = arith.cmpi sgt, %gather3A_805, %gt3A_807 : vector<16xi32>
        %get3A_809 = arith.index_cast %add3A_800 : i32 to index
        %get3A_810 = arith.constant 64 : index
        %get3A_811 = tpu.vector_load %arg9[%get3A_809, %get3A_810] {strides = array<i32>} : memref<128x128xf32, #tpu.memory_space<vmem>>, vector<16xf32>,
        %get3A_812 = arith.index_cast %add3A_800 : i32 to index
        %get3A_813 = arith.constant 0 : index
        %get3A_814 = tpu.vector_load %arg9[%get3A_812, %get3A_813] {strides = array<i32>} : memref<128x128xf32, #tpu.memory_space<vmem>>, vector<16xf32>,
        %select_n3A_815 = arith.select %gt3A_808, %get3A_811, %get3A_814 : vector<16xi1>, vector<16xf32>
        %get3A_816 = arith.index_cast %add3A_800 : i32 to index
        %get3A_817 = arith.constant 80 : index
        %get3A_818 = tpu.vector_load %arg9[%get3A_816, %get3A_817] {strides = array<i32>} : memref<128x128xf32, #tpu.memory_space<vmem>>, vector<16xf32>,
        %get3A_819 = arith.index_cast %add3A_800 : i32 to index
        %get3A_820 = arith.constant 16 : index
        %get3A_821 = tpu.vector_load %arg9[%get3A_819, %get3A_820] {strides = array<i32>} : memref<128x128xf32, #tpu.memory_space<vmem>>, vector<16xf32>,
        %select_n3A_822 = arith.select %gt3A_808, %get3A_818, %get3A_821 : vector<16xi1>, vector<16xf32>
        %get3A_823 = arith.index_cast %add3A_800 : i32 to index
        %get3A_824 = arith.constant 96 : index
        %get3A_825 = tpu.vector_load %arg9[%get3A_823, %get3A_824] {strides = array<i32>} : memref<128x128xf32, #tpu.memory_space<vmem>>, vector<16xf32>,
        %get3A_826 = arith.index_cast %add3A_800 : i32 to index
        %get3A_827 = arith.constant 32 : index
        %get3A_828 = tpu.vector_load %arg9[%get3A_826, %get3A_827] {strides = array<i32>} : memref<128x128xf32, #tpu.memory_space<vmem>>, vector<16xf32>,
        %select_n3A_829 = arith.select %gt3A_808, %get3A_825, %get3A_828 : vector<16xi1>, vector<16xf32>
        %get3A_830 = arith.index_cast %add3A_800 : i32 to index
        %get3A_831 = arith.constant 112 : index
        %get3A_832 = tpu.vector_load %arg9[%get3A_830, %get3A_831] {strides = array<i32>} : memref<128x128xf32, #tpu.memory_space<vmem>>, vector<16xf32>,
        %get3A_833 = arith.index_cast %add3A_800 : i32 to index
        %get3A_834 = arith.constant 48 : index
        %get3A_835 = tpu.vector_load %arg9[%get3A_833, %get3A_834] {strides = array<i32>} : memref<128x128xf32, #tpu.memory_space<vmem>>, vector<16xf32>,
        %select_n3A_836 = arith.select %gt3A_808, %get3A_832, %get3A_835 : vector<16xi1>, vector<16xf32>
        %mul3A_837 = arith.mulf %select_n3A_815, %select_n3A_815 : vector<16xf32>
        %mul3A_838 = arith.mulf %select_n3A_822, %select_n3A_822 : vector<16xf32>
        %add3A_839 = arith.addf %mul3A_837, %mul3A_838 : vector<16xf32>
        %mul3A_840 = arith.mulf %select_n3A_829, %select_n3A_829 : vector<16xf32>
        %mul3A_841 = arith.mulf %select_n3A_836, %select_n3A_836 : vector<16xf32>
        %add3A_842 = arith.addf %mul3A_840, %mul3A_841 : vector<16xf32>
        %add3A_843 = arith.addf %add3A_839, %add3A_842 : vector<16xf32>
        %reshape3A_844 = vector.shape_cast %xor3A_121 : vector<16xi32> to vector<16x1xi32>
        %gather3A_845 = vector.shape_cast %reshape3A_844 : vector<16x1xi32> to vector<16xi32>
        %gather3A_846 = tpu.dynamic_gather %add3A_843[%gather3A_845] in [0] : vector<16xf32>, vector<16xi32> -> vector<16xf32>
        %add3A_847 = arith.addf %add3A_843, %gather3A_846 : vector<16xf32>
        %reshape3A_848 = vector.shape_cast %xor3A_124 : vector<16xi32> to vector<16x1xi32>
        %gather3A_849 = vector.shape_cast %reshape3A_848 : vector<16x1xi32> to vector<16xi32>
        %gather3A_850 = tpu.dynamic_gather %add3A_847[%gather3A_849] in [0] : vector<16xf32>, vector<16xi32> -> vector<16xf32>
        %add3A_851 = arith.addf %add3A_847, %gather3A_850 : vector<16xf32>
        %reshape3A_852 = vector.shape_cast %xor3A_127 : vector<16xi32> to vector<16x1xi32>
        %gather3A_853 = vector.shape_cast %reshape3A_852 : vector<16x1xi32> to vector<16xi32>
        %gather3A_854 = tpu.dynamic_gather %add3A_851[%gather3A_853] in [0] : vector<16xf32>, vector<16xi32> -> vector<16xf32>
        %add3A_855 = arith.addf %add3A_851, %gather3A_854 : vector<16xf32>
        %reshape3A_856 = vector.shape_cast %xor3A_130 : vector<16xi32> to vector<16x1xi32>
        %gather3A_857 = vector.shape_cast %reshape3A_856 : vector<16x1xi32> to vector<16xi32>
        %gather3A_858 = tpu.dynamic_gather %add3A_855[%gather3A_857] in [0] : vector<16xf32>, vector<16xi32> -> vector<16xf32>
        %add3A_859 = arith.addf %add3A_855, %gather3A_858 : vector<16xf32>
        %mul3A_860 = arith.constant 1.562500e-02 : f32
        %mul3A_861 = vector.broadcast %mul3A_860 : f32 to vector<16xf32>
        %mul3A_862 = arith.mulf %add3A_859, %mul3A_861 : vector<16xf32>
        %add3A_863 = arith.constant 9.99999997E-7 : f32
        %add3A_864 = vector.broadcast %add3A_863 : f32 to vector<16xf32>
        %add3A_865 = arith.addf %mul3A_862, %add3A_864 : vector<16xf32>
        %bitcast_convert_type3A_866 = tpu.bitcast %add3A_865 : vector<16xf32> -> vector<16xi32>
        %shift_right_arithmetic3A_867 = arith.constant 1 : i32
        %shift_right_arithmetic3A_868 = vector.broadcast %shift_right_arithmetic3A_867 : i32 to vector<16xi32>
        %shift_right_arithmetic3A_869 = arith.shrsi %bitcast_convert_type3A_866, %shift_right_arithmetic3A_868 : vector<16xi32>
        %sub3A_870 = arith.constant 1597463007 : i32
        %sub3A_871 = vector.broadcast %sub3A_870 : i32 to vector<16xi32>
        %sub3A_872 = arith.subi %sub3A_871, %shift_right_arithmetic3A_869 : vector<16xi32>
        %bitcast_convert_type3A_873 = tpu.bitcast %sub3A_872 : vector<16xi32> -> vector<16xf32>
        %mul3A_874 = arith.constant 5.000000e-01 : f32
        %mul3A_875 = vector.broadcast %mul3A_874 : f32 to vector<16xf32>
        %mul3A_876 = arith.mulf %add3A_865, %mul3A_875 : vector<16xf32>
        %mul3A_877 = arith.mulf %mul3A_876, %bitcast_convert_type3A_873 : vector<16xf32>
        %mul3A_878 = arith.mulf %mul3A_877, %bitcast_convert_type3A_873 : vector<16xf32>
        %sub3A_879 = arith.constant 1.500000e+00 : f32
        %sub3A_880 = vector.broadcast %sub3A_879 : f32 to vector<16xf32>
        %sub3A_881 = arith.subf %sub3A_880, %mul3A_878 : vector<16xf32>
        %mul3A_882 = arith.mulf %bitcast_convert_type3A_873, %sub3A_881 : vector<16xf32>
        %mul3A_883 = arith.mulf %mul3A_876, %mul3A_882 : vector<16xf32>
        %mul3A_884 = arith.mulf %mul3A_883, %mul3A_882 : vector<16xf32>
        %sub3A_885 = arith.constant 1.500000e+00 : f32
        %sub3A_886 = vector.broadcast %sub3A_885 : f32 to vector<16xf32>
        %sub3A_887 = arith.subf %sub3A_886, %mul3A_884 : vector<16xf32>
        %mul3A_888 = arith.mulf %mul3A_882, %sub3A_887 : vector<16xf32>
        %mul3A_889 = arith.mulf %select_n3A_815, %mul3A_888 : vector<16xf32>
        %swap3A_890 = arith.index_cast %add3A_800 : i32 to index
        %swap3A_891 = arith.constant 0 : index
        %swap3A_892 = tpu.vector_load %arg11[%swap3A_890, %swap3A_891] {strides = array<i32>} : memref<128x64xf32, #tpu.memory_space<vmem>>, vector<16xf32>,
        tpu.vector_store %arg11[%swap3A_890, %swap3A_891], %mul3A_889 {strides = array<i32>} : memref<128x64xf32, #tpu.memory_space<vmem>>, vector<16xf32>,
        %mul3A_893 = arith.mulf %select_n3A_822, %mul3A_888 : vector<16xf32>
        %swap3A_894 = arith.index_cast %add3A_800 : i32 to index
        %swap3A_895 = arith.constant 16 : index
        %swap3A_896 = tpu.vector_load %arg11[%swap3A_894, %swap3A_895] {strides = array<i32>} : memref<128x64xf32, #tpu.memory_space<vmem>>, vector<16xf32>,
        tpu.vector_store %arg11[%swap3A_894, %swap3A_895], %mul3A_893 {strides = array<i32>} : memref<128x64xf32, #tpu.memory_space<vmem>>, vector<16xf32>,
        %mul3A_897 = arith.mulf %select_n3A_829, %mul3A_888 : vector<16xf32>
        %swap3A_898 = arith.index_cast %add3A_800 : i32 to index
        %swap3A_899 = arith.constant 32 : index
        %swap3A_900 = tpu.vector_load %arg11[%swap3A_898, %swap3A_899] {strides = array<i32>} : memref<128x64xf32, #tpu.memory_space<vmem>>, vector<16xf32>,
        tpu.vector_store %arg11[%swap3A_898, %swap3A_899], %mul3A_897 {strides = array<i32>} : memref<128x64xf32, #tpu.memory_space<vmem>>, vector<16xf32>,
        %mul3A_901 = arith.mulf %select_n3A_836, %mul3A_888 : vector<16xf32>
        %swap3A_902 = arith.index_cast %add3A_800 : i32 to index
        %swap3A_903 = arith.constant 48 : index
        %swap3A_904 = tpu.vector_load %arg11[%swap3A_902, %swap3A_903] {strides = array<i32>} : memref<128x64xf32, #tpu.memory_space<vmem>>, vector<16xf32>,
        tpu.vector_store %arg11[%swap3A_902, %swap3A_903], %mul3A_901 {strides = array<i32>} : memref<128x64xf32, #tpu.memory_space<vmem>>, vector<16xf32>,
        %mul3A_905 = arith.constant 16 : i32
        %mul3A_906 = arith.muli %scan3A_146, %mul3A_905 : i32
        %add3A_907 = arith.constant 7 : i32
        %add3A_908 = arith.addi %mul3A_906, %add3A_907 : i32
        %broadcast_in_dim3A_909 = arith.constant 7 : i32
        %broadcast_in_dim3A_910 = vector.broadcast %broadcast_in_dim3A_909 : i32 to vector<16xi32>
        %reshape3A_911 = vector.shape_cast %broadcast_in_dim3A_910 : vector<16xi32> to vector<16x1xi32>
        %gather3A_912 = vector.shape_cast %reshape3A_911 : vector<16x1xi32> to vector<16xi32>
        %gather3A_913 = tpu.dynamic_gather %and3A_156[%gather3A_912] in [0] : vector<16xi32>, vector<16xi32> -> vector<16xi32>
        %gt3A_914 = arith.constant 0 : i32
        %gt3A_915 = vector.broadcast %gt3A_914 : i32 to vector<16xi32>
        %gt3A_916 = arith.cmpi sgt, %gather3A_913, %gt3A_915 : vector<16xi32>
        %get3A_917 = arith.index_cast %add3A_908 : i32 to index
        %get3A_918 = arith.constant 64 : index
        %get3A_919 = tpu.vector_load %arg9[%get3A_917, %get3A_918] {strides = array<i32>} : memref<128x128xf32, #tpu.memory_space<vmem>>, vector<16xf32>,
        %get3A_920 = arith.index_cast %add3A_908 : i32 to index
        %get3A_921 = arith.constant 0 : index
        %get3A_922 = tpu.vector_load %arg9[%get3A_920, %get3A_921] {strides = array<i32>} : memref<128x128xf32, #tpu.memory_space<vmem>>, vector<16xf32>,
        %select_n3A_923 = arith.select %gt3A_916, %get3A_919, %get3A_922 : vector<16xi1>, vector<16xf32>
        %get3A_924 = arith.index_cast %add3A_908 : i32 to index
        %get3A_925 = arith.constant 80 : index
        %get3A_926 = tpu.vector_load %arg9[%get3A_924, %get3A_925] {strides = array<i32>} : memref<128x128xf32, #tpu.memory_space<vmem>>, vector<16xf32>,
        %get3A_927 = arith.index_cast %add3A_908 : i32 to index
        %get3A_928 = arith.constant 16 : index
        %get3A_929 = tpu.vector_load %arg9[%get3A_927, %get3A_928] {strides = array<i32>} : memref<128x128xf32, #tpu.memory_space<vmem>>, vector<16xf32>,
        %select_n3A_930 = arith.select %gt3A_916, %get3A_926, %get3A_929 : vector<16xi1>, vector<16xf32>
        %get3A_931 = arith.index_cast %add3A_908 : i32 to index
        %get3A_932 = arith.constant 96 : index
        %get3A_933 = tpu.vector_load %arg9[%get3A_931, %get3A_932] {strides = array<i32>} : memref<128x128xf32, #tpu.memory_space<vmem>>, vector<16xf32>,
        %get3A_934 = arith.index_cast %add3A_908 : i32 to index
        %get3A_935 = arith.constant 32 : index
        %get3A_936 = tpu.vector_load %arg9[%get3A_934, %get3A_935] {strides = array<i32>} : memref<128x128xf32, #tpu.memory_space<vmem>>, vector<16xf32>,
        %select_n3A_937 = arith.select %gt3A_916, %get3A_933, %get3A_936 : vector<16xi1>, vector<16xf32>
        %get3A_938 = arith.index_cast %add3A_908 : i32 to index
        %get3A_939 = arith.constant 112 : index
        %get3A_940 = tpu.vector_load %arg9[%get3A_938, %get3A_939] {strides = array<i32>} : memref<128x128xf32, #tpu.memory_space<vmem>>, vector<16xf32>,
        %get3A_941 = arith.index_cast %add3A_908 : i32 to index
        %get3A_942 = arith.constant 48 : index
        %get3A_943 = tpu.vector_load %arg9[%get3A_941, %get3A_942] {strides = array<i32>} : memref<128x128xf32, #tpu.memory_space<vmem>>, vector<16xf32>,
        %select_n3A_944 = arith.select %gt3A_916, %get3A_940, %get3A_943 : vector<16xi1>, vector<16xf32>
        %mul3A_945 = arith.mulf %select_n3A_923, %select_n3A_923 : vector<16xf32>
        %mul3A_946 = arith.mulf %select_n3A_930, %select_n3A_930 : vector<16xf32>
        %add3A_947 = arith.addf %mul3A_945, %mul3A_946 : vector<16xf32>
        %mul3A_948 = arith.mulf %select_n3A_937, %select_n3A_937 : vector<16xf32>
        %mul3A_949 = arith.mulf %select_n3A_944, %select_n3A_944 : vector<16xf32>
        %add3A_950 = arith.addf %mul3A_948, %mul3A_949 : vector<16xf32>
        %add3A_951 = arith.addf %add3A_947, %add3A_950 : vector<16xf32>
        %reshape3A_952 = vector.shape_cast %xor3A_121 : vector<16xi32> to vector<16x1xi32>
        %gather3A_953 = vector.shape_cast %reshape3A_952 : vector<16x1xi32> to vector<16xi32>
        %gather3A_954 = tpu.dynamic_gather %add3A_951[%gather3A_953] in [0] : vector<16xf32>, vector<16xi32> -> vector<16xf32>
        %add3A_955 = arith.addf %add3A_951, %gather3A_954 : vector<16xf32>
        %reshape3A_956 = vector.shape_cast %xor3A_124 : vector<16xi32> to vector<16x1xi32>
        %gather3A_957 = vector.shape_cast %reshape3A_956 : vector<16x1xi32> to vector<16xi32>
        %gather3A_958 = tpu.dynamic_gather %add3A_955[%gather3A_957] in [0] : vector<16xf32>, vector<16xi32> -> vector<16xf32>
        %add3A_959 = arith.addf %add3A_955, %gather3A_958 : vector<16xf32>
        %reshape3A_960 = vector.shape_cast %xor3A_127 : vector<16xi32> to vector<16x1xi32>
        %gather3A_961 = vector.shape_cast %reshape3A_960 : vector<16x1xi32> to vector<16xi32>
        %gather3A_962 = tpu.dynamic_gather %add3A_959[%gather3A_961] in [0] : vector<16xf32>, vector<16xi32> -> vector<16xf32>
        %add3A_963 = arith.addf %add3A_959, %gather3A_962 : vector<16xf32>
        %reshape3A_964 = vector.shape_cast %xor3A_130 : vector<16xi32> to vector<16x1xi32>
        %gather3A_965 = vector.shape_cast %reshape3A_964 : vector<16x1xi32> to vector<16xi32>
        %gather3A_966 = tpu.dynamic_gather %add3A_963[%gather3A_965] in [0] : vector<16xf32>, vector<16xi32> -> vector<16xf32>
        %add3A_967 = arith.addf %add3A_963, %gather3A_966 : vector<16xf32>
        %mul3A_968 = arith.constant 1.562500e-02 : f32
        %mul3A_969 = vector.broadcast %mul3A_968 : f32 to vector<16xf32>
        %mul3A_970 = arith.mulf %add3A_967, %mul3A_969 : vector<16xf32>
        %add3A_971 = arith.constant 9.99999997E-7 : f32
        %add3A_972 = vector.broadcast %add3A_971 : f32 to vector<16xf32>
        %add3A_973 = arith.addf %mul3A_970, %add3A_972 : vector<16xf32>
        %bitcast_convert_type3A_974 = tpu.bitcast %add3A_973 : vector<16xf32> -> vector<16xi32>
        %shift_right_arithmetic3A_975 = arith.constant 1 : i32
        %shift_right_arithmetic3A_976 = vector.broadcast %shift_right_arithmetic3A_975 : i32 to vector<16xi32>
        %shift_right_arithmetic3A_977 = arith.shrsi %bitcast_convert_type3A_974, %shift_right_arithmetic3A_976 : vector<16xi32>
        %sub3A_978 = arith.constant 1597463007 : i32
        %sub3A_979 = vector.broadcast %sub3A_978 : i32 to vector<16xi32>
        %sub3A_980 = arith.subi %sub3A_979, %shift_right_arithmetic3A_977 : vector<16xi32>
        %bitcast_convert_type3A_981 = tpu.bitcast %sub3A_980 : vector<16xi32> -> vector<16xf32>
        %mul3A_982 = arith.constant 5.000000e-01 : f32
        %mul3A_983 = vector.broadcast %mul3A_982 : f32 to vector<16xf32>
        %mul3A_984 = arith.mulf %add3A_973, %mul3A_983 : vector<16xf32>
        %mul3A_985 = arith.mulf %mul3A_984, %bitcast_convert_type3A_981 : vector<16xf32>
        %mul3A_986 = arith.mulf %mul3A_985, %bitcast_convert_type3A_981 : vector<16xf32>
        %sub3A_987 = arith.constant 1.500000e+00 : f32
        %sub3A_988 = vector.broadcast %sub3A_987 : f32 to vector<16xf32>
        %sub3A_989 = arith.subf %sub3A_988, %mul3A_986 : vector<16xf32>
        %mul3A_990 = arith.mulf %bitcast_convert_type3A_981, %sub3A_989 : vector<16xf32>
        %mul3A_991 = arith.mulf %mul3A_984, %mul3A_990 : vector<16xf32>
        %mul3A_992 = arith.mulf %mul3A_991, %mul3A_990 : vector<16xf32>
        %sub3A_993 = arith.constant 1.500000e+00 : f32
        %sub3A_994 = vector.broadcast %sub3A_993 : f32 to vector<16xf32>
        %sub3A_995 = arith.subf %sub3A_994, %mul3A_992 : vector<16xf32>
        %mul3A_996 = arith.mulf %mul3A_990, %sub3A_995 : vector<16xf32>
        %mul3A_997 = arith.mulf %select_n3A_923, %mul3A_996 : vector<16xf32>
        %swap3A_998 = arith.index_cast %add3A_908 : i32 to index
        %swap3A_999 = arith.constant 0 : index
        %swap3A_1000 = tpu.vector_load %arg11[%swap3A_998, %swap3A_999] {strides = array<i32>} : memref<128x64xf32, #tpu.memory_space<vmem>>, vector<16xf32>,
        tpu.vector_store %arg11[%swap3A_998, %swap3A_999], %mul3A_997 {strides = array<i32>} : memref<128x64xf32, #tpu.memory_space<vmem>>, vector<16xf32>,
        %mul3A_1001 = arith.mulf %select_n3A_930, %mul3A_996 : vector<16xf32>
        %swap3A_1002 = arith.index_cast %add3A_908 : i32 to index
        %swap3A_1003 = arith.constant 16 : index
        %swap3A_1004 = tpu.vector_load %arg11[%swap3A_1002, %swap3A_1003] {strides = array<i32>} : memref<128x64xf32, #tpu.memory_space<vmem>>, vector<16xf32>,
        tpu.vector_store %arg11[%swap3A_1002, %swap3A_1003], %mul3A_1001 {strides = array<i32>} : memref<128x64xf32, #tpu.memory_space<vmem>>, vector<16xf32>,
        %mul3A_1005 = arith.mulf %select_n3A_937, %mul3A_996 : vector<16xf32>
        %swap3A_1006 = arith.index_cast %add3A_908 : i32 to index
        %swap3A_1007 = arith.constant 32 : index
        %swap3A_1008 = tpu.vector_load %arg11[%swap3A_1006, %swap3A_1007] {strides = array<i32>} : memref<128x64xf32, #tpu.memory_space<vmem>>, vector<16xf32>,
        tpu.vector_store %arg11[%swap3A_1006, %swap3A_1007], %mul3A_1005 {strides = array<i32>} : memref<128x64xf32, #tpu.memory_space<vmem>>, vector<16xf32>,
        %mul3A_1009 = arith.mulf %select_n3A_944, %mul3A_996 : vector<16xf32>
        %swap3A_1010 = arith.index_cast %add3A_908 : i32 to index
        %swap3A_1011 = arith.constant 48 : index
        %swap3A_1012 = tpu.vector_load %arg11[%swap3A_1010, %swap3A_1011] {strides = array<i32>} : memref<128x64xf32, #tpu.memory_space<vmem>>, vector<16xf32>,
        tpu.vector_store %arg11[%swap3A_1010, %swap3A_1011], %mul3A_1009 {strides = array<i32>} : memref<128x64xf32, #tpu.memory_space<vmem>>, vector<16xf32>,
        %mul3A_1013 = arith.constant 16 : i32
        %mul3A_1014 = arith.muli %scan3A_146, %mul3A_1013 : i32
        %add3A_1015 = arith.constant 8 : i32
        %add3A_1016 = arith.addi %mul3A_1014, %add3A_1015 : i32
        %broadcast_in_dim3A_1017 = arith.constant 8 : i32
        %broadcast_in_dim3A_1018 = vector.broadcast %broadcast_in_dim3A_1017 : i32 to vector<16xi32>
        %reshape3A_1019 = vector.shape_cast %broadcast_in_dim3A_1018 : vector<16xi32> to vector<16x1xi32>
        %gather3A_1020 = vector.shape_cast %reshape3A_1019 : vector<16x1xi32> to vector<16xi32>
        %gather3A_1021 = tpu.dynamic_gather %and3A_156[%gather3A_1020] in [0] : vector<16xi32>, vector<16xi32> -> vector<16xi32>
        %gt3A_1022 = arith.constant 0 : i32
        %gt3A_1023 = vector.broadcast %gt3A_1022 : i32 to vector<16xi32>
        %gt3A_1024 = arith.cmpi sgt, %gather3A_1021, %gt3A_1023 : vector<16xi32>
        %get3A_1025 = arith.index_cast %add3A_1016 : i32 to index
        %get3A_1026 = arith.constant 64 : index
        %get3A_1027 = tpu.vector_load %arg9[%get3A_1025, %get3A_1026] {strides = array<i32>} : memref<128x128xf32, #tpu.memory_space<vmem>>, vector<16xf32>,
        %get3A_1028 = arith.index_cast %add3A_1016 : i32 to index
        %get3A_1029 = arith.constant 0 : index
        %get3A_1030 = tpu.vector_load %arg9[%get3A_1028, %get3A_1029] {strides = array<i32>} : memref<128x128xf32, #tpu.memory_space<vmem>>, vector<16xf32>,
        %select_n3A_1031 = arith.select %gt3A_1024, %get3A_1027, %get3A_1030 : vector<16xi1>, vector<16xf32>
        %get3A_1032 = arith.index_cast %add3A_1016 : i32 to index
        %get3A_1033 = arith.constant 80 : index
        %get3A_1034 = tpu.vector_load %arg9[%get3A_1032, %get3A_1033] {strides = array<i32>} : memref<128x128xf32, #tpu.memory_space<vmem>>, vector<16xf32>,
        %get3A_1035 = arith.index_cast %add3A_1016 : i32 to index
        %get3A_1036 = arith.constant 16 : index
        %get3A_1037 = tpu.vector_load %arg9[%get3A_1035, %get3A_1036] {strides = array<i32>} : memref<128x128xf32, #tpu.memory_space<vmem>>, vector<16xf32>,
        %select_n3A_1038 = arith.select %gt3A_1024, %get3A_1034, %get3A_1037 : vector<16xi1>, vector<16xf32>
        %get3A_1039 = arith.index_cast %add3A_1016 : i32 to index
        %get3A_1040 = arith.constant 96 : index
        %get3A_1041 = tpu.vector_load %arg9[%get3A_1039, %get3A_1040] {strides = array<i32>} : memref<128x128xf32, #tpu.memory_space<vmem>>, vector<16xf32>,
        %get3A_1042 = arith.index_cast %add3A_1016 : i32 to index
        %get3A_1043 = arith.constant 32 : index
        %get3A_1044 = tpu.vector_load %arg9[%get3A_1042, %get3A_1043] {strides = array<i32>} : memref<128x128xf32, #tpu.memory_space<vmem>>, vector<16xf32>,
        %select_n3A_1045 = arith.select %gt3A_1024, %get3A_1041, %get3A_1044 : vector<16xi1>, vector<16xf32>
        %get3A_1046 = arith.index_cast %add3A_1016 : i32 to index
        %get3A_1047 = arith.constant 112 : index
        %get3A_1048 = tpu.vector_load %arg9[%get3A_1046, %get3A_1047] {strides = array<i32>} : memref<128x128xf32, #tpu.memory_space<vmem>>, vector<16xf32>,
        %get3A_1049 = arith.index_cast %add3A_1016 : i32 to index
        %get3A_1050 = arith.constant 48 : index
        %get3A_1051 = tpu.vector_load %arg9[%get3A_1049, %get3A_1050] {strides = array<i32>} : memref<128x128xf32, #tpu.memory_space<vmem>>, vector<16xf32>,
        %select_n3A_1052 = arith.select %gt3A_1024, %get3A_1048, %get3A_1051 : vector<16xi1>, vector<16xf32>
        %mul3A_1053 = arith.mulf %select_n3A_1031, %select_n3A_1031 : vector<16xf32>
        %mul3A_1054 = arith.mulf %select_n3A_1038, %select_n3A_1038 : vector<16xf32>
        %add3A_1055 = arith.addf %mul3A_1053, %mul3A_1054 : vector<16xf32>
        %mul3A_1056 = arith.mulf %select_n3A_1045, %select_n3A_1045 : vector<16xf32>
        %mul3A_1057 = arith.mulf %select_n3A_1052, %select_n3A_1052 : vector<16xf32>
        %add3A_1058 = arith.addf %mul3A_1056, %mul3A_1057 : vector<16xf32>
        %add3A_1059 = arith.addf %add3A_1055, %add3A_1058 : vector<16xf32>
        %reshape3A_1060 = vector.shape_cast %xor3A_121 : vector<16xi32> to vector<16x1xi32>
        %gather3A_1061 = vector.shape_cast %reshape3A_1060 : vector<16x1xi32> to vector<16xi32>
        %gather3A_1062 = tpu.dynamic_gather %add3A_1059[%gather3A_1061] in [0] : vector<16xf32>, vector<16xi32> -> vector<16xf32>
        %add3A_1063 = arith.addf %add3A_1059, %gather3A_1062 : vector<16xf32>
        %reshape3A_1064 = vector.shape_cast %xor3A_124 : vector<16xi32> to vector<16x1xi32>
        %gather3A_1065 = vector.shape_cast %reshape3A_1064 : vector<16x1xi32> to vector<16xi32>
        %gather3A_1066 = tpu.dynamic_gather %add3A_1063[%gather3A_1065] in [0] : vector<16xf32>, vector<16xi32> -> vector<16xf32>
        %add3A_1067 = arith.addf %add3A_1063, %gather3A_1066 : vector<16xf32>
        %reshape3A_1068 = vector.shape_cast %xor3A_127 : vector<16xi32> to vector<16x1xi32>
        %gather3A_1069 = vector.shape_cast %reshape3A_1068 : vector<16x1xi32> to vector<16xi32>
        %gather3A_1070 = tpu.dynamic_gather %add3A_1067[%gather3A_1069] in [0] : vector<16xf32>, vector<16xi32> -> vector<16xf32>
        %add3A_1071 = arith.addf %add3A_1067, %gather3A_1070 : vector<16xf32>
        %reshape3A_1072 = vector.shape_cast %xor3A_130 : vector<16xi32> to vector<16x1xi32>
        %gather3A_1073 = vector.shape_cast %reshape3A_1072 : vector<16x1xi32> to vector<16xi32>
        %gather3A_1074 = tpu.dynamic_gather %add3A_1071[%gather3A_1073] in [0] : vector<16xf32>, vector<16xi32> -> vector<16xf32>
        %add3A_1075 = arith.addf %add3A_1071, %gather3A_1074 : vector<16xf32>
        %mul3A_1076 = arith.constant 1.562500e-02 : f32
        %mul3A_1077 = vector.broadcast %mul3A_1076 : f32 to vector<16xf32>
        %mul3A_1078 = arith.mulf %add3A_1075, %mul3A_1077 : vector<16xf32>
        %add3A_1079 = arith.constant 9.99999997E-7 : f32
        %add3A_1080 = vector.broadcast %add3A_1079 : f32 to vector<16xf32>
        %add3A_1081 = arith.addf %mul3A_1078, %add3A_1080 : vector<16xf32>
        %bitcast_convert_type3A_1082 = tpu.bitcast %add3A_1081 : vector<16xf32> -> vector<16xi32>
        %shift_right_arithmetic3A_1083 = arith.constant 1 : i32
        %shift_right_arithmetic3A_1084 = vector.broadcast %shift_right_arithmetic3A_1083 : i32 to vector<16xi32>
        %shift_right_arithmetic3A_1085 = arith.shrsi %bitcast_convert_type3A_1082, %shift_right_arithmetic3A_1084 : vector<16xi32>
        %sub3A_1086 = arith.constant 1597463007 : i32
        %sub3A_1087 = vector.broadcast %sub3A_1086 : i32 to vector<16xi32>
        %sub3A_1088 = arith.subi %sub3A_1087, %shift_right_arithmetic3A_1085 : vector<16xi32>
        %bitcast_convert_type3A_1089 = tpu.bitcast %sub3A_1088 : vector<16xi32> -> vector<16xf32>
        %mul3A_1090 = arith.constant 5.000000e-01 : f32
        %mul3A_1091 = vector.broadcast %mul3A_1090 : f32 to vector<16xf32>
        %mul3A_1092 = arith.mulf %add3A_1081, %mul3A_1091 : vector<16xf32>
        %mul3A_1093 = arith.mulf %mul3A_1092, %bitcast_convert_type3A_1089 : vector<16xf32>
        %mul3A_1094 = arith.mulf %mul3A_1093, %bitcast_convert_type3A_1089 : vector<16xf32>
        %sub3A_1095 = arith.constant 1.500000e+00 : f32
        %sub3A_1096 = vector.broadcast %sub3A_1095 : f32 to vector<16xf32>
        %sub3A_1097 = arith.subf %sub3A_1096, %mul3A_1094 : vector<16xf32>
        %mul3A_1098 = arith.mulf %bitcast_convert_type3A_1089, %sub3A_1097 : vector<16xf32>
        %mul3A_1099 = arith.mulf %mul3A_1092, %mul3A_1098 : vector<16xf32>
        %mul3A_1100 = arith.mulf %mul3A_1099, %mul3A_1098 : vector<16xf32>
        %sub3A_1101 = arith.constant 1.500000e+00 : f32
        %sub3A_1102 = vector.broadcast %sub3A_1101 : f32 to vector<16xf32>
        %sub3A_1103 = arith.subf %sub3A_1102, %mul3A_1100 : vector<16xf32>
        %mul3A_1104 = arith.mulf %mul3A_1098, %sub3A_1103 : vector<16xf32>
        %mul3A_1105 = arith.mulf %select_n3A_1031, %mul3A_1104 : vector<16xf32>
        %swap3A_1106 = arith.index_cast %add3A_1016 : i32 to index
        %swap3A_1107 = arith.constant 0 : index
        %swap3A_1108 = tpu.vector_load %arg11[%swap3A_1106, %swap3A_1107] {strides = array<i32>} : memref<128x64xf32, #tpu.memory_space<vmem>>, vector<16xf32>,
        tpu.vector_store %arg11[%swap3A_1106, %swap3A_1107], %mul3A_1105 {strides = array<i32>} : memref<128x64xf32, #tpu.memory_space<vmem>>, vector<16xf32>,
        %mul3A_1109 = arith.mulf %select_n3A_1038, %mul3A_1104 : vector<16xf32>
        %swap3A_1110 = arith.index_cast %add3A_1016 : i32 to index
        %swap3A_1111 = arith.constant 16 : index
        %swap3A_1112 = tpu.vector_load %arg11[%swap3A_1110, %swap3A_1111] {strides = array<i32>} : memref<128x64xf32, #tpu.memory_space<vmem>>, vector<16xf32>,
        tpu.vector_store %arg11[%swap3A_1110, %swap3A_1111], %mul3A_1109 {strides = array<i32>} : memref<128x64xf32, #tpu.memory_space<vmem>>, vector<16xf32>,
        %mul3A_1113 = arith.mulf %select_n3A_1045, %mul3A_1104 : vector<16xf32>
        %swap3A_1114 = arith.index_cast %add3A_1016 : i32 to index
        %swap3A_1115 = arith.constant 32 : index
        %swap3A_1116 = tpu.vector_load %arg11[%swap3A_1114, %swap3A_1115] {strides = array<i32>} : memref<128x64xf32, #tpu.memory_space<vmem>>, vector<16xf32>,
        tpu.vector_store %arg11[%swap3A_1114, %swap3A_1115], %mul3A_1113 {strides = array<i32>} : memref<128x64xf32, #tpu.memory_space<vmem>>, vector<16xf32>,
        %mul3A_1117 = arith.mulf %select_n3A_1052, %mul3A_1104 : vector<16xf32>
        %swap3A_1118 = arith.index_cast %add3A_1016 : i32 to index
        %swap3A_1119 = arith.constant 48 : index
        %swap3A_1120 = tpu.vector_load %arg11[%swap3A_1118, %swap3A_1119] {strides = array<i32>} : memref<128x64xf32, #tpu.memory_space<vmem>>, vector<16xf32>,
        tpu.vector_store %arg11[%swap3A_1118, %swap3A_1119], %mul3A_1117 {strides = array<i32>} : memref<128x64xf32, #tpu.memory_space<vmem>>, vector<16xf32>,
        %mul3A_1121 = arith.constant 16 : i32
        %mul3A_1122 = arith.muli %scan3A_146, %mul3A_1121 : i32
        %add3A_1123 = arith.constant 9 : i32
        %add3A_1124 = arith.addi %mul3A_1122, %add3A_1123 : i32
        %broadcast_in_dim3A_1125 = arith.constant 9 : i32
        %broadcast_in_dim3A_1126 = vector.broadcast %broadcast_in_dim3A_1125 : i32 to vector<16xi32>
        %reshape3A_1127 = vector.shape_cast %broadcast_in_dim3A_1126 : vector<16xi32> to vector<16x1xi32>
        %gather3A_1128 = vector.shape_cast %reshape3A_1127 : vector<16x1xi32> to vector<16xi32>
        %gather3A_1129 = tpu.dynamic_gather %and3A_156[%gather3A_1128] in [0] : vector<16xi32>, vector<16xi32> -> vector<16xi32>
        %gt3A_1130 = arith.constant 0 : i32
        %gt3A_1131 = vector.broadcast %gt3A_1130 : i32 to vector<16xi32>
        %gt3A_1132 = arith.cmpi sgt, %gather3A_1129, %gt3A_1131 : vector<16xi32>
        %get3A_1133 = arith.index_cast %add3A_1124 : i32 to index
        %get3A_1134 = arith.constant 64 : index
        %get3A_1135 = tpu.vector_load %arg9[%get3A_1133, %get3A_1134] {strides = array<i32>} : memref<128x128xf32, #tpu.memory_space<vmem>>, vector<16xf32>,
        %get3A_1136 = arith.index_cast %add3A_1124 : i32 to index
        %get3A_1137 = arith.constant 0 : index
        %get3A_1138 = tpu.vector_load %arg9[%get3A_1136, %get3A_1137] {strides = array<i32>} : memref<128x128xf32, #tpu.memory_space<vmem>>, vector<16xf32>,
        %select_n3A_1139 = arith.select %gt3A_1132, %get3A_1135, %get3A_1138 : vector<16xi1>, vector<16xf32>
        %get3A_1140 = arith.index_cast %add3A_1124 : i32 to index
        %get3A_1141 = arith.constant 80 : index
        %get3A_1142 = tpu.vector_load %arg9[%get3A_1140, %get3A_1141] {strides = array<i32>} : memref<128x128xf32, #tpu.memory_space<vmem>>, vector<16xf32>,
        %get3A_1143 = arith.index_cast %add3A_1124 : i32 to index
        %get3A_1144 = arith.constant 16 : index
        %get3A_1145 = tpu.vector_load %arg9[%get3A_1143, %get3A_1144] {strides = array<i32>} : memref<128x128xf32, #tpu.memory_space<vmem>>, vector<16xf32>,
        %select_n3A_1146 = arith.select %gt3A_1132, %get3A_1142, %get3A_1145 : vector<16xi1>, vector<16xf32>
        %get3A_1147 = arith.index_cast %add3A_1124 : i32 to index
        %get3A_1148 = arith.constant 96 : index
        %get3A_1149 = tpu.vector_load %arg9[%get3A_1147, %get3A_1148] {strides = array<i32>} : memref<128x128xf32, #tpu.memory_space<vmem>>, vector<16xf32>,
        %get3A_1150 = arith.index_cast %add3A_1124 : i32 to index
        %get3A_1151 = arith.constant 32 : index
        %get3A_1152 = tpu.vector_load %arg9[%get3A_1150, %get3A_1151] {strides = array<i32>} : memref<128x128xf32, #tpu.memory_space<vmem>>, vector<16xf32>,
        %select_n3A_1153 = arith.select %gt3A_1132, %get3A_1149, %get3A_1152 : vector<16xi1>, vector<16xf32>
        %get3A_1154 = arith.index_cast %add3A_1124 : i32 to index
        %get3A_1155 = arith.constant 112 : index
        %get3A_1156 = tpu.vector_load %arg9[%get3A_1154, %get3A_1155] {strides = array<i32>} : memref<128x128xf32, #tpu.memory_space<vmem>>, vector<16xf32>,
        %get3A_1157 = arith.index_cast %add3A_1124 : i32 to index
        %get3A_1158 = arith.constant 48 : index
        %get3A_1159 = tpu.vector_load %arg9[%get3A_1157, %get3A_1158] {strides = array<i32>} : memref<128x128xf32, #tpu.memory_space<vmem>>, vector<16xf32>,
        %select_n3A_1160 = arith.select %gt3A_1132, %get3A_1156, %get3A_1159 : vector<16xi1>, vector<16xf32>
        %mul3A_1161 = arith.mulf %select_n3A_1139, %select_n3A_1139 : vector<16xf32>
        %mul3A_1162 = arith.mulf %select_n3A_1146, %select_n3A_1146 : vector<16xf32>
        %add3A_1163 = arith.addf %mul3A_1161, %mul3A_1162 : vector<16xf32>
        %mul3A_1164 = arith.mulf %select_n3A_1153, %select_n3A_1153 : vector<16xf32>
        %mul3A_1165 = arith.mulf %select_n3A_1160, %select_n3A_1160 : vector<16xf32>
        %add3A_1166 = arith.addf %mul3A_1164, %mul3A_1165 : vector<16xf32>
        %add3A_1167 = arith.addf %add3A_1163, %add3A_1166 : vector<16xf32>
        %reshape3A_1168 = vector.shape_cast %xor3A_121 : vector<16xi32> to vector<16x1xi32>
        %gather3A_1169 = vector.shape_cast %reshape3A_1168 : vector<16x1xi32> to vector<16xi32>
        %gather3A_1170 = tpu.dynamic_gather %add3A_1167[%gather3A_1169] in [0] : vector<16xf32>, vector<16xi32> -> vector<16xf32>
        %add3A_1171 = arith.addf %add3A_1167, %gather3A_1170 : vector<16xf32>
        %reshape3A_1172 = vector.shape_cast %xor3A_124 : vector<16xi32> to vector<16x1xi32>
        %gather3A_1173 = vector.shape_cast %reshape3A_1172 : vector<16x1xi32> to vector<16xi32>
        %gather3A_1174 = tpu.dynamic_gather %add3A_1171[%gather3A_1173] in [0] : vector<16xf32>, vector<16xi32> -> vector<16xf32>
        %add3A_1175 = arith.addf %add3A_1171, %gather3A_1174 : vector<16xf32>
        %reshape3A_1176 = vector.shape_cast %xor3A_127 : vector<16xi32> to vector<16x1xi32>
        %gather3A_1177 = vector.shape_cast %reshape3A_1176 : vector<16x1xi32> to vector<16xi32>
        %gather3A_1178 = tpu.dynamic_gather %add3A_1175[%gather3A_1177] in [0] : vector<16xf32>, vector<16xi32> -> vector<16xf32>
        %add3A_1179 = arith.addf %add3A_1175, %gather3A_1178 : vector<16xf32>
        %reshape3A_1180 = vector.shape_cast %xor3A_130 : vector<16xi32> to vector<16x1xi32>
        %gather3A_1181 = vector.shape_cast %reshape3A_1180 : vector<16x1xi32> to vector<16xi32>
        %gather3A_1182 = tpu.dynamic_gather %add3A_1179[%gather3A_1181] in [0] : vector<16xf32>, vector<16xi32> -> vector<16xf32>
        %add3A_1183 = arith.addf %add3A_1179, %gather3A_1182 : vector<16xf32>
        %mul3A_1184 = arith.constant 1.562500e-02 : f32
        %mul3A_1185 = vector.broadcast %mul3A_1184 : f32 to vector<16xf32>
        %mul3A_1186 = arith.mulf %add3A_1183, %mul3A_1185 : vector<16xf32>
        %add3A_1187 = arith.constant 9.99999997E-7 : f32
        %add3A_1188 = vector.broadcast %add3A_1187 : f32 to vector<16xf32>
        %add3A_1189 = arith.addf %mul3A_1186, %add3A_1188 : vector<16xf32>
        %bitcast_convert_type3A_1190 = tpu.bitcast %add3A_1189 : vector<16xf32> -> vector<16xi32>
        %shift_right_arithmetic3A_1191 = arith.constant 1 : i32
        %shift_right_arithmetic3A_1192 = vector.broadcast %shift_right_arithmetic3A_1191 : i32 to vector<16xi32>
        %shift_right_arithmetic3A_1193 = arith.shrsi %bitcast_convert_type3A_1190, %shift_right_arithmetic3A_1192 : vector<16xi32>
        %sub3A_1194 = arith.constant 1597463007 : i32
        %sub3A_1195 = vector.broadcast %sub3A_1194 : i32 to vector<16xi32>
        %sub3A_1196 = arith.subi %sub3A_1195, %shift_right_arithmetic3A_1193 : vector<16xi32>
        %bitcast_convert_type3A_1197 = tpu.bitcast %sub3A_1196 : vector<16xi32> -> vector<16xf32>
        %mul3A_1198 = arith.constant 5.000000e-01 : f32
        %mul3A_1199 = vector.broadcast %mul3A_1198 : f32 to vector<16xf32>
        %mul3A_1200 = arith.mulf %add3A_1189, %mul3A_1199 : vector<16xf32>
        %mul3A_1201 = arith.mulf %mul3A_1200, %bitcast_convert_type3A_1197 : vector<16xf32>
        %mul3A_1202 = arith.mulf %mul3A_1201, %bitcast_convert_type3A_1197 : vector<16xf32>
        %sub3A_1203 = arith.constant 1.500000e+00 : f32
        %sub3A_1204 = vector.broadcast %sub3A_1203 : f32 to vector<16xf32>
        %sub3A_1205 = arith.subf %sub3A_1204, %mul3A_1202 : vector<16xf32>
        %mul3A_1206 = arith.mulf %bitcast_convert_type3A_1197, %sub3A_1205 : vector<16xf32>
        %mul3A_1207 = arith.mulf %mul3A_1200, %mul3A_1206 : vector<16xf32>
        %mul3A_1208 = arith.mulf %mul3A_1207, %mul3A_1206 : vector<16xf32>
        %sub3A_1209 = arith.constant 1.500000e+00 : f32
        %sub3A_1210 = vector.broadcast %sub3A_1209 : f32 to vector<16xf32>
        %sub3A_1211 = arith.subf %sub3A_1210, %mul3A_1208 : vector<16xf32>
        %mul3A_1212 = arith.mulf %mul3A_1206, %sub3A_1211 : vector<16xf32>
        %mul3A_1213 = arith.mulf %select_n3A_1139, %mul3A_1212 : vector<16xf32>
        %swap3A_1214 = arith.index_cast %add3A_1124 : i32 to index
        %swap3A_1215 = arith.constant 0 : index
        %swap3A_1216 = tpu.vector_load %arg11[%swap3A_1214, %swap3A_1215] {strides = array<i32>} : memref<128x64xf32, #tpu.memory_space<vmem>>, vector<16xf32>,
        tpu.vector_store %arg11[%swap3A_1214, %swap3A_1215], %mul3A_1213 {strides = array<i32>} : memref<128x64xf32, #tpu.memory_space<vmem>>, vector<16xf32>,
        %mul3A_1217 = arith.mulf %select_n3A_1146, %mul3A_1212 : vector<16xf32>
        %swap3A_1218 = arith.index_cast %add3A_1124 : i32 to index
        %swap3A_1219 = arith.constant 16 : index
        %swap3A_1220 = tpu.vector_load %arg11[%swap3A_1218, %swap3A_1219] {strides = array<i32>} : memref<128x64xf32, #tpu.memory_space<vmem>>, vector<16xf32>,
        tpu.vector_store %arg11[%swap3A_1218, %swap3A_1219], %mul3A_1217 {strides = array<i32>} : memref<128x64xf32, #tpu.memory_space<vmem>>, vector<16xf32>,
        %mul3A_1221 = arith.mulf %select_n3A_1153, %mul3A_1212 : vector<16xf32>
        %swap3A_1222 = arith.index_cast %add3A_1124 : i32 to index
        %swap3A_1223 = arith.constant 32 : index
        %swap3A_1224 = tpu.vector_load %arg11[%swap3A_1222, %swap3A_1223] {strides = array<i32>} : memref<128x64xf32, #tpu.memory_space<vmem>>, vector<16xf32>,
        tpu.vector_store %arg11[%swap3A_1222, %swap3A_1223], %mul3A_1221 {strides = array<i32>} : memref<128x64xf32, #tpu.memory_space<vmem>>, vector<16xf32>,
        %mul3A_1225 = arith.mulf %select_n3A_1160, %mul3A_1212 : vector<16xf32>
        %swap3A_1226 = arith.index_cast %add3A_1124 : i32 to index
        %swap3A_1227 = arith.constant 48 : index
        %swap3A_1228 = tpu.vector_load %arg11[%swap3A_1226, %swap3A_1227] {strides = array<i32>} : memref<128x64xf32, #tpu.memory_space<vmem>>, vector<16xf32>,
        tpu.vector_store %arg11[%swap3A_1226, %swap3A_1227], %mul3A_1225 {strides = array<i32>} : memref<128x64xf32, #tpu.memory_space<vmem>>, vector<16xf32>,
        %mul3A_1229 = arith.constant 16 : i32
        %mul3A_1230 = arith.muli %scan3A_146, %mul3A_1229 : i32
        %add3A_1231 = arith.constant 10 : i32
        %add3A_1232 = arith.addi %mul3A_1230, %add3A_1231 : i32
        %broadcast_in_dim3A_1233 = arith.constant 10 : i32
        %broadcast_in_dim3A_1234 = vector.broadcast %broadcast_in_dim3A_1233 : i32 to vector<16xi32>
        %reshape3A_1235 = vector.shape_cast %broadcast_in_dim3A_1234 : vector<16xi32> to vector<16x1xi32>
        %gather3A_1236 = vector.shape_cast %reshape3A_1235 : vector<16x1xi32> to vector<16xi32>
        %gather3A_1237 = tpu.dynamic_gather %and3A_156[%gather3A_1236] in [0] : vector<16xi32>, vector<16xi32> -> vector<16xi32>
        %gt3A_1238 = arith.constant 0 : i32
        %gt3A_1239 = vector.broadcast %gt3A_1238 : i32 to vector<16xi32>
        %gt3A_1240 = arith.cmpi sgt, %gather3A_1237, %gt3A_1239 : vector<16xi32>
        %get3A_1241 = arith.index_cast %add3A_1232 : i32 to index
        %get3A_1242 = arith.constant 64 : index
        %get3A_1243 = tpu.vector_load %arg9[%get3A_1241, %get3A_1242] {strides = array<i32>} : memref<128x128xf32, #tpu.memory_space<vmem>>, vector<16xf32>,
        %get3A_1244 = arith.index_cast %add3A_1232 : i32 to index
        %get3A_1245 = arith.constant 0 : index
        %get3A_1246 = tpu.vector_load %arg9[%get3A_1244, %get3A_1245] {strides = array<i32>} : memref<128x128xf32, #tpu.memory_space<vmem>>, vector<16xf32>,
        %select_n3A_1247 = arith.select %gt3A_1240, %get3A_1243, %get3A_1246 : vector<16xi1>, vector<16xf32>
        %get3A_1248 = arith.index_cast %add3A_1232 : i32 to index
        %get3A_1249 = arith.constant 80 : index
        %get3A_1250 = tpu.vector_load %arg9[%get3A_1248, %get3A_1249] {strides = array<i32>} : memref<128x128xf32, #tpu.memory_space<vmem>>, vector<16xf32>,
        %get3A_1251 = arith.index_cast %add3A_1232 : i32 to index
        %get3A_1252 = arith.constant 16 : index
        %get3A_1253 = tpu.vector_load %arg9[%get3A_1251, %get3A_1252] {strides = array<i32>} : memref<128x128xf32, #tpu.memory_space<vmem>>, vector<16xf32>,
        %select_n3A_1254 = arith.select %gt3A_1240, %get3A_1250, %get3A_1253 : vector<16xi1>, vector<16xf32>
        %get3A_1255 = arith.index_cast %add3A_1232 : i32 to index
        %get3A_1256 = arith.constant 96 : index
        %get3A_1257 = tpu.vector_load %arg9[%get3A_1255, %get3A_1256] {strides = array<i32>} : memref<128x128xf32, #tpu.memory_space<vmem>>, vector<16xf32>,
        %get3A_1258 = arith.index_cast %add3A_1232 : i32 to index
        %get3A_1259 = arith.constant 32 : index
        %get3A_1260 = tpu.vector_load %arg9[%get3A_1258, %get3A_1259] {strides = array<i32>} : memref<128x128xf32, #tpu.memory_space<vmem>>, vector<16xf32>,
        %select_n3A_1261 = arith.select %gt3A_1240, %get3A_1257, %get3A_1260 : vector<16xi1>, vector<16xf32>
        %get3A_1262 = arith.index_cast %add3A_1232 : i32 to index
        %get3A_1263 = arith.constant 112 : index
        %get3A_1264 = tpu.vector_load %arg9[%get3A_1262, %get3A_1263] {strides = array<i32>} : memref<128x128xf32, #tpu.memory_space<vmem>>, vector<16xf32>,
        %get3A_1265 = arith.index_cast %add3A_1232 : i32 to index
        %get3A_1266 = arith.constant 48 : index
        %get3A_1267 = tpu.vector_load %arg9[%get3A_1265, %get3A_1266] {strides = array<i32>} : memref<128x128xf32, #tpu.memory_space<vmem>>, vector<16xf32>,
        %select_n3A_1268 = arith.select %gt3A_1240, %get3A_1264, %get3A_1267 : vector<16xi1>, vector<16xf32>
        %mul3A_1269 = arith.mulf %select_n3A_1247, %select_n3A_1247 : vector<16xf32>
        %mul3A_1270 = arith.mulf %select_n3A_1254, %select_n3A_1254 : vector<16xf32>
        %add3A_1271 = arith.addf %mul3A_1269, %mul3A_1270 : vector<16xf32>
        %mul3A_1272 = arith.mulf %select_n3A_1261, %select_n3A_1261 : vector<16xf32>
        %mul3A_1273 = arith.mulf %select_n3A_1268, %select_n3A_1268 : vector<16xf32>
        %add3A_1274 = arith.addf %mul3A_1272, %mul3A_1273 : vector<16xf32>
        %add3A_1275 = arith.addf %add3A_1271, %add3A_1274 : vector<16xf32>
        %reshape3A_1276 = vector.shape_cast %xor3A_121 : vector<16xi32> to vector<16x1xi32>
        %gather3A_1277 = vector.shape_cast %reshape3A_1276 : vector<16x1xi32> to vector<16xi32>
        %gather3A_1278 = tpu.dynamic_gather %add3A_1275[%gather3A_1277] in [0] : vector<16xf32>, vector<16xi32> -> vector<16xf32>
        %add3A_1279 = arith.addf %add3A_1275, %gather3A_1278 : vector<16xf32>
        %reshape3A_1280 = vector.shape_cast %xor3A_124 : vector<16xi32> to vector<16x1xi32>
        %gather3A_1281 = vector.shape_cast %reshape3A_1280 : vector<16x1xi32> to vector<16xi32>
        %gather3A_1282 = tpu.dynamic_gather %add3A_1279[%gather3A_1281] in [0] : vector<16xf32>, vector<16xi32> -> vector<16xf32>
        %add3A_1283 = arith.addf %add3A_1279, %gather3A_1282 : vector<16xf32>
        %reshape3A_1284 = vector.shape_cast %xor3A_127 : vector<16xi32> to vector<16x1xi32>
        %gather3A_1285 = vector.shape_cast %reshape3A_1284 : vector<16x1xi32> to vector<16xi32>
        %gather3A_1286 = tpu.dynamic_gather %add3A_1283[%gather3A_1285] in [0] : vector<16xf32>, vector<16xi32> -> vector<16xf32>
        %add3A_1287 = arith.addf %add3A_1283, %gather3A_1286 : vector<16xf32>
        %reshape3A_1288 = vector.shape_cast %xor3A_130 : vector<16xi32> to vector<16x1xi32>
        %gather3A_1289 = vector.shape_cast %reshape3A_1288 : vector<16x1xi32> to vector<16xi32>
        %gather3A_1290 = tpu.dynamic_gather %add3A_1287[%gather3A_1289] in [0] : vector<16xf32>, vector<16xi32> -> vector<16xf32>
        %add3A_1291 = arith.addf %add3A_1287, %gather3A_1290 : vector<16xf32>
        %mul3A_1292 = arith.constant 1.562500e-02 : f32
        %mul3A_1293 = vector.broadcast %mul3A_1292 : f32 to vector<16xf32>
        %mul3A_1294 = arith.mulf %add3A_1291, %mul3A_1293 : vector<16xf32>
        %add3A_1295 = arith.constant 9.99999997E-7 : f32
        %add3A_1296 = vector.broadcast %add3A_1295 : f32 to vector<16xf32>
        %add3A_1297 = arith.addf %mul3A_1294, %add3A_1296 : vector<16xf32>
        %bitcast_convert_type3A_1298 = tpu.bitcast %add3A_1297 : vector<16xf32> -> vector<16xi32>
        %shift_right_arithmetic3A_1299 = arith.constant 1 : i32
        %shift_right_arithmetic3A_1300 = vector.broadcast %shift_right_arithmetic3A_1299 : i32 to vector<16xi32>
        %shift_right_arithmetic3A_1301 = arith.shrsi %bitcast_convert_type3A_1298, %shift_right_arithmetic3A_1300 : vector<16xi32>
        %sub3A_1302 = arith.constant 1597463007 : i32
        %sub3A_1303 = vector.broadcast %sub3A_1302 : i32 to vector<16xi32>
        %sub3A_1304 = arith.subi %sub3A_1303, %shift_right_arithmetic3A_1301 : vector<16xi32>
        %bitcast_convert_type3A_1305 = tpu.bitcast %sub3A_1304 : vector<16xi32> -> vector<16xf32>
        %mul3A_1306 = arith.constant 5.000000e-01 : f32
        %mul3A_1307 = vector.broadcast %mul3A_1306 : f32 to vector<16xf32>
        %mul3A_1308 = arith.mulf %add3A_1297, %mul3A_1307 : vector<16xf32>
        %mul3A_1309 = arith.mulf %mul3A_1308, %bitcast_convert_type3A_1305 : vector<16xf32>
        %mul3A_1310 = arith.mulf %mul3A_1309, %bitcast_convert_type3A_1305 : vector<16xf32>
        %sub3A_1311 = arith.constant 1.500000e+00 : f32
        %sub3A_1312 = vector.broadcast %sub3A_1311 : f32 to vector<16xf32>
        %sub3A_1313 = arith.subf %sub3A_1312, %mul3A_1310 : vector<16xf32>
        %mul3A_1314 = arith.mulf %bitcast_convert_type3A_1305, %sub3A_1313 : vector<16xf32>
        %mul3A_1315 = arith.mulf %mul3A_1308, %mul3A_1314 : vector<16xf32>
        %mul3A_1316 = arith.mulf %mul3A_1315, %mul3A_1314 : vector<16xf32>
        %sub3A_1317 = arith.constant 1.500000e+00 : f32
        %sub3A_1318 = vector.broadcast %sub3A_1317 : f32 to vector<16xf32>
        %sub3A_1319 = arith.subf %sub3A_1318, %mul3A_1316 : vector<16xf32>
        %mul3A_1320 = arith.mulf %mul3A_1314, %sub3A_1319 : vector<16xf32>
        %mul3A_1321 = arith.mulf %select_n3A_1247, %mul3A_1320 : vector<16xf32>
        %swap3A_1322 = arith.index_cast %add3A_1232 : i32 to index
        %swap3A_1323 = arith.constant 0 : index
        %swap3A_1324 = tpu.vector_load %arg11[%swap3A_1322, %swap3A_1323] {strides = array<i32>} : memref<128x64xf32, #tpu.memory_space<vmem>>, vector<16xf32>,
        tpu.vector_store %arg11[%swap3A_1322, %swap3A_1323], %mul3A_1321 {strides = array<i32>} : memref<128x64xf32, #tpu.memory_space<vmem>>, vector<16xf32>,
        %mul3A_1325 = arith.mulf %select_n3A_1254, %mul3A_1320 : vector<16xf32>
        %swap3A_1326 = arith.index_cast %add3A_1232 : i32 to index
        %swap3A_1327 = arith.constant 16 : index
        %swap3A_1328 = tpu.vector_load %arg11[%swap3A_1326, %swap3A_1327] {strides = array<i32>} : memref<128x64xf32, #tpu.memory_space<vmem>>, vector<16xf32>,
        tpu.vector_store %arg11[%swap3A_1326, %swap3A_1327], %mul3A_1325 {strides = array<i32>} : memref<128x64xf32, #tpu.memory_space<vmem>>, vector<16xf32>,
        %mul3A_1329 = arith.mulf %select_n3A_1261, %mul3A_1320 : vector<16xf32>
        %swap3A_1330 = arith.index_cast %add3A_1232 : i32 to index
        %swap3A_1331 = arith.constant 32 : index
        %swap3A_1332 = tpu.vector_load %arg11[%swap3A_1330, %swap3A_1331] {strides = array<i32>} : memref<128x64xf32, #tpu.memory_space<vmem>>, vector<16xf32>,
        tpu.vector_store %arg11[%swap3A_1330, %swap3A_1331], %mul3A_1329 {strides = array<i32>} : memref<128x64xf32, #tpu.memory_space<vmem>>, vector<16xf32>,
        %mul3A_1333 = arith.mulf %select_n3A_1268, %mul3A_1320 : vector<16xf32>
        %swap3A_1334 = arith.index_cast %add3A_1232 : i32 to index
        %swap3A_1335 = arith.constant 48 : index
        %swap3A_1336 = tpu.vector_load %arg11[%swap3A_1334, %swap3A_1335] {strides = array<i32>} : memref<128x64xf32, #tpu.memory_space<vmem>>, vector<16xf32>,
        tpu.vector_store %arg11[%swap3A_1334, %swap3A_1335], %mul3A_1333 {strides = array<i32>} : memref<128x64xf32, #tpu.memory_space<vmem>>, vector<16xf32>,
        %mul3A_1337 = arith.constant 16 : i32
        %mul3A_1338 = arith.muli %scan3A_146, %mul3A_1337 : i32
        %add3A_1339 = arith.constant 11 : i32
        %add3A_1340 = arith.addi %mul3A_1338, %add3A_1339 : i32
        %broadcast_in_dim3A_1341 = arith.constant 11 : i32
        %broadcast_in_dim3A_1342 = vector.broadcast %broadcast_in_dim3A_1341 : i32 to vector<16xi32>
        %reshape3A_1343 = vector.shape_cast %broadcast_in_dim3A_1342 : vector<16xi32> to vector<16x1xi32>
        %gather3A_1344 = vector.shape_cast %reshape3A_1343 : vector<16x1xi32> to vector<16xi32>
        %gather3A_1345 = tpu.dynamic_gather %and3A_156[%gather3A_1344] in [0] : vector<16xi32>, vector<16xi32> -> vector<16xi32>
        %gt3A_1346 = arith.constant 0 : i32
        %gt3A_1347 = vector.broadcast %gt3A_1346 : i32 to vector<16xi32>
        %gt3A_1348 = arith.cmpi sgt, %gather3A_1345, %gt3A_1347 : vector<16xi32>
        %get3A_1349 = arith.index_cast %add3A_1340 : i32 to index
        %get3A_1350 = arith.constant 64 : index
        %get3A_1351 = tpu.vector_load %arg9[%get3A_1349, %get3A_1350] {strides = array<i32>} : memref<128x128xf32, #tpu.memory_space<vmem>>, vector<16xf32>,
        %get3A_1352 = arith.index_cast %add3A_1340 : i32 to index
        %get3A_1353 = arith.constant 0 : index
        %get3A_1354 = tpu.vector_load %arg9[%get3A_1352, %get3A_1353] {strides = array<i32>} : memref<128x128xf32, #tpu.memory_space<vmem>>, vector<16xf32>,
        %select_n3A_1355 = arith.select %gt3A_1348, %get3A_1351, %get3A_1354 : vector<16xi1>, vector<16xf32>
        %get3A_1356 = arith.index_cast %add3A_1340 : i32 to index
        %get3A_1357 = arith.constant 80 : index
        %get3A_1358 = tpu.vector_load %arg9[%get3A_1356, %get3A_1357] {strides = array<i32>} : memref<128x128xf32, #tpu.memory_space<vmem>>, vector<16xf32>,
        %get3A_1359 = arith.index_cast %add3A_1340 : i32 to index
        %get3A_1360 = arith.constant 16 : index
        %get3A_1361 = tpu.vector_load %arg9[%get3A_1359, %get3A_1360] {strides = array<i32>} : memref<128x128xf32, #tpu.memory_space<vmem>>, vector<16xf32>,
        %select_n3A_1362 = arith.select %gt3A_1348, %get3A_1358, %get3A_1361 : vector<16xi1>, vector<16xf32>
        %get3A_1363 = arith.index_cast %add3A_1340 : i32 to index
        %get3A_1364 = arith.constant 96 : index
        %get3A_1365 = tpu.vector_load %arg9[%get3A_1363, %get3A_1364] {strides = array<i32>} : memref<128x128xf32, #tpu.memory_space<vmem>>, vector<16xf32>,
        %get3A_1366 = arith.index_cast %add3A_1340 : i32 to index
        %get3A_1367 = arith.constant 32 : index
        %get3A_1368 = tpu.vector_load %arg9[%get3A_1366, %get3A_1367] {strides = array<i32>} : memref<128x128xf32, #tpu.memory_space<vmem>>, vector<16xf32>,
        %select_n3A_1369 = arith.select %gt3A_1348, %get3A_1365, %get3A_1368 : vector<16xi1>, vector<16xf32>
        %get3A_1370 = arith.index_cast %add3A_1340 : i32 to index
        %get3A_1371 = arith.constant 112 : index
        %get3A_1372 = tpu.vector_load %arg9[%get3A_1370, %get3A_1371] {strides = array<i32>} : memref<128x128xf32, #tpu.memory_space<vmem>>, vector<16xf32>,
        %get3A_1373 = arith.index_cast %add3A_1340 : i32 to index
        %get3A_1374 = arith.constant 48 : index
        %get3A_1375 = tpu.vector_load %arg9[%get3A_1373, %get3A_1374] {strides = array<i32>} : memref<128x128xf32, #tpu.memory_space<vmem>>, vector<16xf32>,
        %select_n3A_1376 = arith.select %gt3A_1348, %get3A_1372, %get3A_1375 : vector<16xi1>, vector<16xf32>
        %mul3A_1377 = arith.mulf %select_n3A_1355, %select_n3A_1355 : vector<16xf32>
        %mul3A_1378 = arith.mulf %select_n3A_1362, %select_n3A_1362 : vector<16xf32>
        %add3A_1379 = arith.addf %mul3A_1377, %mul3A_1378 : vector<16xf32>
        %mul3A_1380 = arith.mulf %select_n3A_1369, %select_n3A_1369 : vector<16xf32>
        %mul3A_1381 = arith.mulf %select_n3A_1376, %select_n3A_1376 : vector<16xf32>
        %add3A_1382 = arith.addf %mul3A_1380, %mul3A_1381 : vector<16xf32>
        %add3A_1383 = arith.addf %add3A_1379, %add3A_1382 : vector<16xf32>
        %reshape3A_1384 = vector.shape_cast %xor3A_121 : vector<16xi32> to vector<16x1xi32>
        %gather3A_1385 = vector.shape_cast %reshape3A_1384 : vector<16x1xi32> to vector<16xi32>
        %gather3A_1386 = tpu.dynamic_gather %add3A_1383[%gather3A_1385] in [0] : vector<16xf32>, vector<16xi32> -> vector<16xf32>
        %add3A_1387 = arith.addf %add3A_1383, %gather3A_1386 : vector<16xf32>
        %reshape3A_1388 = vector.shape_cast %xor3A_124 : vector<16xi32> to vector<16x1xi32>
        %gather3A_1389 = vector.shape_cast %reshape3A_1388 : vector<16x1xi32> to vector<16xi32>
        %gather3A_1390 = tpu.dynamic_gather %add3A_1387[%gather3A_1389] in [0] : vector<16xf32>, vector<16xi32> -> vector<16xf32>
        %add3A_1391 = arith.addf %add3A_1387, %gather3A_1390 : vector<16xf32>
        %reshape3A_1392 = vector.shape_cast %xor3A_127 : vector<16xi32> to vector<16x1xi32>
        %gather3A_1393 = vector.shape_cast %reshape3A_1392 : vector<16x1xi32> to vector<16xi32>
        %gather3A_1394 = tpu.dynamic_gather %add3A_1391[%gather3A_1393] in [0] : vector<16xf32>, vector<16xi32> -> vector<16xf32>
        %add3A_1395 = arith.addf %add3A_1391, %gather3A_1394 : vector<16xf32>
        %reshape3A_1396 = vector.shape_cast %xor3A_130 : vector<16xi32> to vector<16x1xi32>
        %gather3A_1397 = vector.shape_cast %reshape3A_1396 : vector<16x1xi32> to vector<16xi32>
        %gather3A_1398 = tpu.dynamic_gather %add3A_1395[%gather3A_1397] in [0] : vector<16xf32>, vector<16xi32> -> vector<16xf32>
        %add3A_1399 = arith.addf %add3A_1395, %gather3A_1398 : vector<16xf32>
        %mul3A_1400 = arith.constant 1.562500e-02 : f32
        %mul3A_1401 = vector.broadcast %mul3A_1400 : f32 to vector<16xf32>
        %mul3A_1402 = arith.mulf %add3A_1399, %mul3A_1401 : vector<16xf32>
        %add3A_1403 = arith.constant 9.99999997E-7 : f32
        %add3A_1404 = vector.broadcast %add3A_1403 : f32 to vector<16xf32>
        %add3A_1405 = arith.addf %mul3A_1402, %add3A_1404 : vector<16xf32>
        %bitcast_convert_type3A_1406 = tpu.bitcast %add3A_1405 : vector<16xf32> -> vector<16xi32>
        %shift_right_arithmetic3A_1407 = arith.constant 1 : i32
        %shift_right_arithmetic3A_1408 = vector.broadcast %shift_right_arithmetic3A_1407 : i32 to vector<16xi32>
        %shift_right_arithmetic3A_1409 = arith.shrsi %bitcast_convert_type3A_1406, %shift_right_arithmetic3A_1408 : vector<16xi32>
        %sub3A_1410 = arith.constant 1597463007 : i32
        %sub3A_1411 = vector.broadcast %sub3A_1410 : i32 to vector<16xi32>
        %sub3A_1412 = arith.subi %sub3A_1411, %shift_right_arithmetic3A_1409 : vector<16xi32>
        %bitcast_convert_type3A_1413 = tpu.bitcast %sub3A_1412 : vector<16xi32> -> vector<16xf32>
        %mul3A_1414 = arith.constant 5.000000e-01 : f32
        %mul3A_1415 = vector.broadcast %mul3A_1414 : f32 to vector<16xf32>
        %mul3A_1416 = arith.mulf %add3A_1405, %mul3A_1415 : vector<16xf32>
        %mul3A_1417 = arith.mulf %mul3A_1416, %bitcast_convert_type3A_1413 : vector<16xf32>
        %mul3A_1418 = arith.mulf %mul3A_1417, %bitcast_convert_type3A_1413 : vector<16xf32>
        %sub3A_1419 = arith.constant 1.500000e+00 : f32
        %sub3A_1420 = vector.broadcast %sub3A_1419 : f32 to vector<16xf32>
        %sub3A_1421 = arith.subf %sub3A_1420, %mul3A_1418 : vector<16xf32>
        %mul3A_1422 = arith.mulf %bitcast_convert_type3A_1413, %sub3A_1421 : vector<16xf32>
        %mul3A_1423 = arith.mulf %mul3A_1416, %mul3A_1422 : vector<16xf32>
        %mul3A_1424 = arith.mulf %mul3A_1423, %mul3A_1422 : vector<16xf32>
        %sub3A_1425 = arith.constant 1.500000e+00 : f32
        %sub3A_1426 = vector.broadcast %sub3A_1425 : f32 to vector<16xf32>
        %sub3A_1427 = arith.subf %sub3A_1426, %mul3A_1424 : vector<16xf32>
        %mul3A_1428 = arith.mulf %mul3A_1422, %sub3A_1427 : vector<16xf32>
        %mul3A_1429 = arith.mulf %select_n3A_1355, %mul3A_1428 : vector<16xf32>
        %swap3A_1430 = arith.index_cast %add3A_1340 : i32 to index
        %swap3A_1431 = arith.constant 0 : index
        %swap3A_1432 = tpu.vector_load %arg11[%swap3A_1430, %swap3A_1431] {strides = array<i32>} : memref<128x64xf32, #tpu.memory_space<vmem>>, vector<16xf32>,
        tpu.vector_store %arg11[%swap3A_1430, %swap3A_1431], %mul3A_1429 {strides = array<i32>} : memref<128x64xf32, #tpu.memory_space<vmem>>, vector<16xf32>,
        %mul3A_1433 = arith.mulf %select_n3A_1362, %mul3A_1428 : vector<16xf32>
        %swap3A_1434 = arith.index_cast %add3A_1340 : i32 to index
        %swap3A_1435 = arith.constant 16 : index
        %swap3A_1436 = tpu.vector_load %arg11[%swap3A_1434, %swap3A_1435] {strides = array<i32>} : memref<128x64xf32, #tpu.memory_space<vmem>>, vector<16xf32>,
        tpu.vector_store %arg11[%swap3A_1434, %swap3A_1435], %mul3A_1433 {strides = array<i32>} : memref<128x64xf32, #tpu.memory_space<vmem>>, vector<16xf32>,
        %mul3A_1437 = arith.mulf %select_n3A_1369, %mul3A_1428 : vector<16xf32>
        %swap3A_1438 = arith.index_cast %add3A_1340 : i32 to index
        %swap3A_1439 = arith.constant 32 : index
        %swap3A_1440 = tpu.vector_load %arg11[%swap3A_1438, %swap3A_1439] {strides = array<i32>} : memref<128x64xf32, #tpu.memory_space<vmem>>, vector<16xf32>,
        tpu.vector_store %arg11[%swap3A_1438, %swap3A_1439], %mul3A_1437 {strides = array<i32>} : memref<128x64xf32, #tpu.memory_space<vmem>>, vector<16xf32>,
        %mul3A_1441 = arith.mulf %select_n3A_1376, %mul3A_1428 : vector<16xf32>
        %swap3A_1442 = arith.index_cast %add3A_1340 : i32 to index
        %swap3A_1443 = arith.constant 48 : index
        %swap3A_1444 = tpu.vector_load %arg11[%swap3A_1442, %swap3A_1443] {strides = array<i32>} : memref<128x64xf32, #tpu.memory_space<vmem>>, vector<16xf32>,
        tpu.vector_store %arg11[%swap3A_1442, %swap3A_1443], %mul3A_1441 {strides = array<i32>} : memref<128x64xf32, #tpu.memory_space<vmem>>, vector<16xf32>,
        %mul3A_1445 = arith.constant 16 : i32
        %mul3A_1446 = arith.muli %scan3A_146, %mul3A_1445 : i32
        %add3A_1447 = arith.constant 12 : i32
        %add3A_1448 = arith.addi %mul3A_1446, %add3A_1447 : i32
        %broadcast_in_dim3A_1449 = arith.constant 12 : i32
        %broadcast_in_dim3A_1450 = vector.broadcast %broadcast_in_dim3A_1449 : i32 to vector<16xi32>
        %reshape3A_1451 = vector.shape_cast %broadcast_in_dim3A_1450 : vector<16xi32> to vector<16x1xi32>
        %gather3A_1452 = vector.shape_cast %reshape3A_1451 : vector<16x1xi32> to vector<16xi32>
        %gather3A_1453 = tpu.dynamic_gather %and3A_156[%gather3A_1452] in [0] : vector<16xi32>, vector<16xi32> -> vector<16xi32>
        %gt3A_1454 = arith.constant 0 : i32
        %gt3A_1455 = vector.broadcast %gt3A_1454 : i32 to vector<16xi32>
        %gt3A_1456 = arith.cmpi sgt, %gather3A_1453, %gt3A_1455 : vector<16xi32>
        %get3A_1457 = arith.index_cast %add3A_1448 : i32 to index
        %get3A_1458 = arith.constant 64 : index
        %get3A_1459 = tpu.vector_load %arg9[%get3A_1457, %get3A_1458] {strides = array<i32>} : memref<128x128xf32, #tpu.memory_space<vmem>>, vector<16xf32>,
        %get3A_1460 = arith.index_cast %add3A_1448 : i32 to index
        %get3A_1461 = arith.constant 0 : index
        %get3A_1462 = tpu.vector_load %arg9[%get3A_1460, %get3A_1461] {strides = array<i32>} : memref<128x128xf32, #tpu.memory_space<vmem>>, vector<16xf32>,
        %select_n3A_1463 = arith.select %gt3A_1456, %get3A_1459, %get3A_1462 : vector<16xi1>, vector<16xf32>
        %get3A_1464 = arith.index_cast %add3A_1448 : i32 to index
        %get3A_1465 = arith.constant 80 : index
        %get3A_1466 = tpu.vector_load %arg9[%get3A_1464, %get3A_1465] {strides = array<i32>} : memref<128x128xf32, #tpu.memory_space<vmem>>, vector<16xf32>,
        %get3A_1467 = arith.index_cast %add3A_1448 : i32 to index
        %get3A_1468 = arith.constant 16 : index
        %get3A_1469 = tpu.vector_load %arg9[%get3A_1467, %get3A_1468] {strides = array<i32>} : memref<128x128xf32, #tpu.memory_space<vmem>>, vector<16xf32>,
        %select_n3A_1470 = arith.select %gt3A_1456, %get3A_1466, %get3A_1469 : vector<16xi1>, vector<16xf32>
        %get3A_1471 = arith.index_cast %add3A_1448 : i32 to index
        %get3A_1472 = arith.constant 96 : index
        %get3A_1473 = tpu.vector_load %arg9[%get3A_1471, %get3A_1472] {strides = array<i32>} : memref<128x128xf32, #tpu.memory_space<vmem>>, vector<16xf32>,
        %get3A_1474 = arith.index_cast %add3A_1448 : i32 to index
        %get3A_1475 = arith.constant 32 : index
        %get3A_1476 = tpu.vector_load %arg9[%get3A_1474, %get3A_1475] {strides = array<i32>} : memref<128x128xf32, #tpu.memory_space<vmem>>, vector<16xf32>,
        %select_n3A_1477 = arith.select %gt3A_1456, %get3A_1473, %get3A_1476 : vector<16xi1>, vector<16xf32>
        %get3A_1478 = arith.index_cast %add3A_1448 : i32 to index
        %get3A_1479 = arith.constant 112 : index
        %get3A_1480 = tpu.vector_load %arg9[%get3A_1478, %get3A_1479] {strides = array<i32>} : memref<128x128xf32, #tpu.memory_space<vmem>>, vector<16xf32>,
        %get3A_1481 = arith.index_cast %add3A_1448 : i32 to index
        %get3A_1482 = arith.constant 48 : index
        %get3A_1483 = tpu.vector_load %arg9[%get3A_1481, %get3A_1482] {strides = array<i32>} : memref<128x128xf32, #tpu.memory_space<vmem>>, vector<16xf32>,
        %select_n3A_1484 = arith.select %gt3A_1456, %get3A_1480, %get3A_1483 : vector<16xi1>, vector<16xf32>
        %mul3A_1485 = arith.mulf %select_n3A_1463, %select_n3A_1463 : vector<16xf32>
        %mul3A_1486 = arith.mulf %select_n3A_1470, %select_n3A_1470 : vector<16xf32>
        %add3A_1487 = arith.addf %mul3A_1485, %mul3A_1486 : vector<16xf32>
        %mul3A_1488 = arith.mulf %select_n3A_1477, %select_n3A_1477 : vector<16xf32>
        %mul3A_1489 = arith.mulf %select_n3A_1484, %select_n3A_1484 : vector<16xf32>
        %add3A_1490 = arith.addf %mul3A_1488, %mul3A_1489 : vector<16xf32>
        %add3A_1491 = arith.addf %add3A_1487, %add3A_1490 : vector<16xf32>
        %reshape3A_1492 = vector.shape_cast %xor3A_121 : vector<16xi32> to vector<16x1xi32>
        %gather3A_1493 = vector.shape_cast %reshape3A_1492 : vector<16x1xi32> to vector<16xi32>
        %gather3A_1494 = tpu.dynamic_gather %add3A_1491[%gather3A_1493] in [0] : vector<16xf32>, vector<16xi32> -> vector<16xf32>
        %add3A_1495 = arith.addf %add3A_1491, %gather3A_1494 : vector<16xf32>
        %reshape3A_1496 = vector.shape_cast %xor3A_124 : vector<16xi32> to vector<16x1xi32>
        %gather3A_1497 = vector.shape_cast %reshape3A_1496 : vector<16x1xi32> to vector<16xi32>
        %gather3A_1498 = tpu.dynamic_gather %add3A_1495[%gather3A_1497] in [0] : vector<16xf32>, vector<16xi32> -> vector<16xf32>
        %add3A_1499 = arith.addf %add3A_1495, %gather3A_1498 : vector<16xf32>
        %reshape3A_1500 = vector.shape_cast %xor3A_127 : vector<16xi32> to vector<16x1xi32>
        %gather3A_1501 = vector.shape_cast %reshape3A_1500 : vector<16x1xi32> to vector<16xi32>
        %gather3A_1502 = tpu.dynamic_gather %add3A_1499[%gather3A_1501] in [0] : vector<16xf32>, vector<16xi32> -> vector<16xf32>
        %add3A_1503 = arith.addf %add3A_1499, %gather3A_1502 : vector<16xf32>
        %reshape3A_1504 = vector.shape_cast %xor3A_130 : vector<16xi32> to vector<16x1xi32>
        %gather3A_1505 = vector.shape_cast %reshape3A_1504 : vector<16x1xi32> to vector<16xi32>
        %gather3A_1506 = tpu.dynamic_gather %add3A_1503[%gather3A_1505] in [0] : vector<16xf32>, vector<16xi32> -> vector<16xf32>
        %add3A_1507 = arith.addf %add3A_1503, %gather3A_1506 : vector<16xf32>
        %mul3A_1508 = arith.constant 1.562500e-02 : f32
        %mul3A_1509 = vector.broadcast %mul3A_1508 : f32 to vector<16xf32>
        %mul3A_1510 = arith.mulf %add3A_1507, %mul3A_1509 : vector<16xf32>
        %add3A_1511 = arith.constant 9.99999997E-7 : f32
        %add3A_1512 = vector.broadcast %add3A_1511 : f32 to vector<16xf32>
        %add3A_1513 = arith.addf %mul3A_1510, %add3A_1512 : vector<16xf32>
        %bitcast_convert_type3A_1514 = tpu.bitcast %add3A_1513 : vector<16xf32> -> vector<16xi32>
        %shift_right_arithmetic3A_1515 = arith.constant 1 : i32
        %shift_right_arithmetic3A_1516 = vector.broadcast %shift_right_arithmetic3A_1515 : i32 to vector<16xi32>
        %shift_right_arithmetic3A_1517 = arith.shrsi %bitcast_convert_type3A_1514, %shift_right_arithmetic3A_1516 : vector<16xi32>
        %sub3A_1518 = arith.constant 1597463007 : i32
        %sub3A_1519 = vector.broadcast %sub3A_1518 : i32 to vector<16xi32>
        %sub3A_1520 = arith.subi %sub3A_1519, %shift_right_arithmetic3A_1517 : vector<16xi32>
        %bitcast_convert_type3A_1521 = tpu.bitcast %sub3A_1520 : vector<16xi32> -> vector<16xf32>
        %mul3A_1522 = arith.constant 5.000000e-01 : f32
        %mul3A_1523 = vector.broadcast %mul3A_1522 : f32 to vector<16xf32>
        %mul3A_1524 = arith.mulf %add3A_1513, %mul3A_1523 : vector<16xf32>
        %mul3A_1525 = arith.mulf %mul3A_1524, %bitcast_convert_type3A_1521 : vector<16xf32>
        %mul3A_1526 = arith.mulf %mul3A_1525, %bitcast_convert_type3A_1521 : vector<16xf32>
        %sub3A_1527 = arith.constant 1.500000e+00 : f32
        %sub3A_1528 = vector.broadcast %sub3A_1527 : f32 to vector<16xf32>
        %sub3A_1529 = arith.subf %sub3A_1528, %mul3A_1526 : vector<16xf32>
        %mul3A_1530 = arith.mulf %bitcast_convert_type3A_1521, %sub3A_1529 : vector<16xf32>
        %mul3A_1531 = arith.mulf %mul3A_1524, %mul3A_1530 : vector<16xf32>
        %mul3A_1532 = arith.mulf %mul3A_1531, %mul3A_1530 : vector<16xf32>
        %sub3A_1533 = arith.constant 1.500000e+00 : f32
        %sub3A_1534 = vector.broadcast %sub3A_1533 : f32 to vector<16xf32>
        %sub3A_1535 = arith.subf %sub3A_1534, %mul3A_1532 : vector<16xf32>
        %mul3A_1536 = arith.mulf %mul3A_1530, %sub3A_1535 : vector<16xf32>
        %mul3A_1537 = arith.mulf %select_n3A_1463, %mul3A_1536 : vector<16xf32>
        %swap3A_1538 = arith.index_cast %add3A_1448 : i32 to index
        %swap3A_1539 = arith.constant 0 : index
        %swap3A_1540 = tpu.vector_load %arg11[%swap3A_1538, %swap3A_1539] {strides = array<i32>} : memref<128x64xf32, #tpu.memory_space<vmem>>, vector<16xf32>,
        tpu.vector_store %arg11[%swap3A_1538, %swap3A_1539], %mul3A_1537 {strides = array<i32>} : memref<128x64xf32, #tpu.memory_space<vmem>>, vector<16xf32>,
        %mul3A_1541 = arith.mulf %select_n3A_1470, %mul3A_1536 : vector<16xf32>
        %swap3A_1542 = arith.index_cast %add3A_1448 : i32 to index
        %swap3A_1543 = arith.constant 16 : index
        %swap3A_1544 = tpu.vector_load %arg11[%swap3A_1542, %swap3A_1543] {strides = array<i32>} : memref<128x64xf32, #tpu.memory_space<vmem>>, vector<16xf32>,
        tpu.vector_store %arg11[%swap3A_1542, %swap3A_1543], %mul3A_1541 {strides = array<i32>} : memref<128x64xf32, #tpu.memory_space<vmem>>, vector<16xf32>,
        %mul3A_1545 = arith.mulf %select_n3A_1477, %mul3A_1536 : vector<16xf32>
        %swap3A_1546 = arith.index_cast %add3A_1448 : i32 to index
        %swap3A_1547 = arith.constant 32 : index
        %swap3A_1548 = tpu.vector_load %arg11[%swap3A_1546, %swap3A_1547] {strides = array<i32>} : memref<128x64xf32, #tpu.memory_space<vmem>>, vector<16xf32>,
        tpu.vector_store %arg11[%swap3A_1546, %swap3A_1547], %mul3A_1545 {strides = array<i32>} : memref<128x64xf32, #tpu.memory_space<vmem>>, vector<16xf32>,
        %mul3A_1549 = arith.mulf %select_n3A_1484, %mul3A_1536 : vector<16xf32>
        %swap3A_1550 = arith.index_cast %add3A_1448 : i32 to index
        %swap3A_1551 = arith.constant 48 : index
        %swap3A_1552 = tpu.vector_load %arg11[%swap3A_1550, %swap3A_1551] {strides = array<i32>} : memref<128x64xf32, #tpu.memory_space<vmem>>, vector<16xf32>,
        tpu.vector_store %arg11[%swap3A_1550, %swap3A_1551], %mul3A_1549 {strides = array<i32>} : memref<128x64xf32, #tpu.memory_space<vmem>>, vector<16xf32>,
        %mul3A_1553 = arith.constant 16 : i32
        %mul3A_1554 = arith.muli %scan3A_146, %mul3A_1553 : i32
        %add3A_1555 = arith.constant 13 : i32
        %add3A_1556 = arith.addi %mul3A_1554, %add3A_1555 : i32
        %broadcast_in_dim3A_1557 = arith.constant 13 : i32
        %broadcast_in_dim3A_1558 = vector.broadcast %broadcast_in_dim3A_1557 : i32 to vector<16xi32>
        %reshape3A_1559 = vector.shape_cast %broadcast_in_dim3A_1558 : vector<16xi32> to vector<16x1xi32>
        %gather3A_1560 = vector.shape_cast %reshape3A_1559 : vector<16x1xi32> to vector<16xi32>
        %gather3A_1561 = tpu.dynamic_gather %and3A_156[%gather3A_1560] in [0] : vector<16xi32>, vector<16xi32> -> vector<16xi32>
        %gt3A_1562 = arith.constant 0 : i32
        %gt3A_1563 = vector.broadcast %gt3A_1562 : i32 to vector<16xi32>
        %gt3A_1564 = arith.cmpi sgt, %gather3A_1561, %gt3A_1563 : vector<16xi32>
        %get3A_1565 = arith.index_cast %add3A_1556 : i32 to index
        %get3A_1566 = arith.constant 64 : index
        %get3A_1567 = tpu.vector_load %arg9[%get3A_1565, %get3A_1566] {strides = array<i32>} : memref<128x128xf32, #tpu.memory_space<vmem>>, vector<16xf32>,
        %get3A_1568 = arith.index_cast %add3A_1556 : i32 to index
        %get3A_1569 = arith.constant 0 : index
        %get3A_1570 = tpu.vector_load %arg9[%get3A_1568, %get3A_1569] {strides = array<i32>} : memref<128x128xf32, #tpu.memory_space<vmem>>, vector<16xf32>,
        %select_n3A_1571 = arith.select %gt3A_1564, %get3A_1567, %get3A_1570 : vector<16xi1>, vector<16xf32>
        %get3A_1572 = arith.index_cast %add3A_1556 : i32 to index
        %get3A_1573 = arith.constant 80 : index
        %get3A_1574 = tpu.vector_load %arg9[%get3A_1572, %get3A_1573] {strides = array<i32>} : memref<128x128xf32, #tpu.memory_space<vmem>>, vector<16xf32>,
        %get3A_1575 = arith.index_cast %add3A_1556 : i32 to index
        %get3A_1576 = arith.constant 16 : index
        %get3A_1577 = tpu.vector_load %arg9[%get3A_1575, %get3A_1576] {strides = array<i32>} : memref<128x128xf32, #tpu.memory_space<vmem>>, vector<16xf32>,
        %select_n3A_1578 = arith.select %gt3A_1564, %get3A_1574, %get3A_1577 : vector<16xi1>, vector<16xf32>
        %get3A_1579 = arith.index_cast %add3A_1556 : i32 to index
        %get3A_1580 = arith.constant 96 : index
        %get3A_1581 = tpu.vector_load %arg9[%get3A_1579, %get3A_1580] {strides = array<i32>} : memref<128x128xf32, #tpu.memory_space<vmem>>, vector<16xf32>,
        %get3A_1582 = arith.index_cast %add3A_1556 : i32 to index
        %get3A_1583 = arith.constant 32 : index
        %get3A_1584 = tpu.vector_load %arg9[%get3A_1582, %get3A_1583] {strides = array<i32>} : memref<128x128xf32, #tpu.memory_space<vmem>>, vector<16xf32>,
        %select_n3A_1585 = arith.select %gt3A_1564, %get3A_1581, %get3A_1584 : vector<16xi1>, vector<16xf32>
        %get3A_1586 = arith.index_cast %add3A_1556 : i32 to index
        %get3A_1587 = arith.constant 112 : index
        %get3A_1588 = tpu.vector_load %arg9[%get3A_1586, %get3A_1587] {strides = array<i32>} : memref<128x128xf32, #tpu.memory_space<vmem>>, vector<16xf32>,
        %get3A_1589 = arith.index_cast %add3A_1556 : i32 to index
        %get3A_1590 = arith.constant 48 : index
        %get3A_1591 = tpu.vector_load %arg9[%get3A_1589, %get3A_1590] {strides = array<i32>} : memref<128x128xf32, #tpu.memory_space<vmem>>, vector<16xf32>,
        %select_n3A_1592 = arith.select %gt3A_1564, %get3A_1588, %get3A_1591 : vector<16xi1>, vector<16xf32>
        %mul3A_1593 = arith.mulf %select_n3A_1571, %select_n3A_1571 : vector<16xf32>
        %mul3A_1594 = arith.mulf %select_n3A_1578, %select_n3A_1578 : vector<16xf32>
        %add3A_1595 = arith.addf %mul3A_1593, %mul3A_1594 : vector<16xf32>
        %mul3A_1596 = arith.mulf %select_n3A_1585, %select_n3A_1585 : vector<16xf32>
        %mul3A_1597 = arith.mulf %select_n3A_1592, %select_n3A_1592 : vector<16xf32>
        %add3A_1598 = arith.addf %mul3A_1596, %mul3A_1597 : vector<16xf32>
        %add3A_1599 = arith.addf %add3A_1595, %add3A_1598 : vector<16xf32>
        %reshape3A_1600 = vector.shape_cast %xor3A_121 : vector<16xi32> to vector<16x1xi32>
        %gather3A_1601 = vector.shape_cast %reshape3A_1600 : vector<16x1xi32> to vector<16xi32>
        %gather3A_1602 = tpu.dynamic_gather %add3A_1599[%gather3A_1601] in [0] : vector<16xf32>, vector<16xi32> -> vector<16xf32>
        %add3A_1603 = arith.addf %add3A_1599, %gather3A_1602 : vector<16xf32>
        %reshape3A_1604 = vector.shape_cast %xor3A_124 : vector<16xi32> to vector<16x1xi32>
        %gather3A_1605 = vector.shape_cast %reshape3A_1604 : vector<16x1xi32> to vector<16xi32>
        %gather3A_1606 = tpu.dynamic_gather %add3A_1603[%gather3A_1605] in [0] : vector<16xf32>, vector<16xi32> -> vector<16xf32>
        %add3A_1607 = arith.addf %add3A_1603, %gather3A_1606 : vector<16xf32>
        %reshape3A_1608 = vector.shape_cast %xor3A_127 : vector<16xi32> to vector<16x1xi32>
        %gather3A_1609 = vector.shape_cast %reshape3A_1608 : vector<16x1xi32> to vector<16xi32>
        %gather3A_1610 = tpu.dynamic_gather %add3A_1607[%gather3A_1609] in [0] : vector<16xf32>, vector<16xi32> -> vector<16xf32>
        %add3A_1611 = arith.addf %add3A_1607, %gather3A_1610 : vector<16xf32>
        %reshape3A_1612 = vector.shape_cast %xor3A_130 : vector<16xi32> to vector<16x1xi32>
        %gather3A_1613 = vector.shape_cast %reshape3A_1612 : vector<16x1xi32> to vector<16xi32>
        %gather3A_1614 = tpu.dynamic_gather %add3A_1611[%gather3A_1613] in [0] : vector<16xf32>, vector<16xi32> -> vector<16xf32>
        %add3A_1615 = arith.addf %add3A_1611, %gather3A_1614 : vector<16xf32>
        %mul3A_1616 = arith.constant 1.562500e-02 : f32
        %mul3A_1617 = vector.broadcast %mul3A_1616 : f32 to vector<16xf32>
        %mul3A_1618 = arith.mulf %add3A_1615, %mul3A_1617 : vector<16xf32>
        %add3A_1619 = arith.constant 9.99999997E-7 : f32
        %add3A_1620 = vector.broadcast %add3A_1619 : f32 to vector<16xf32>
        %add3A_1621 = arith.addf %mul3A_1618, %add3A_1620 : vector<16xf32>
        %bitcast_convert_type3A_1622 = tpu.bitcast %add3A_1621 : vector<16xf32> -> vector<16xi32>
        %shift_right_arithmetic3A_1623 = arith.constant 1 : i32
        %shift_right_arithmetic3A_1624 = vector.broadcast %shift_right_arithmetic3A_1623 : i32 to vector<16xi32>
        %shift_right_arithmetic3A_1625 = arith.shrsi %bitcast_convert_type3A_1622, %shift_right_arithmetic3A_1624 : vector<16xi32>
        %sub3A_1626 = arith.constant 1597463007 : i32
        %sub3A_1627 = vector.broadcast %sub3A_1626 : i32 to vector<16xi32>
        %sub3A_1628 = arith.subi %sub3A_1627, %shift_right_arithmetic3A_1625 : vector<16xi32>
        %bitcast_convert_type3A_1629 = tpu.bitcast %sub3A_1628 : vector<16xi32> -> vector<16xf32>
        %mul3A_1630 = arith.constant 5.000000e-01 : f32
        %mul3A_1631 = vector.broadcast %mul3A_1630 : f32 to vector<16xf32>
        %mul3A_1632 = arith.mulf %add3A_1621, %mul3A_1631 : vector<16xf32>
        %mul3A_1633 = arith.mulf %mul3A_1632, %bitcast_convert_type3A_1629 : vector<16xf32>
        %mul3A_1634 = arith.mulf %mul3A_1633, %bitcast_convert_type3A_1629 : vector<16xf32>
        %sub3A_1635 = arith.constant 1.500000e+00 : f32
        %sub3A_1636 = vector.broadcast %sub3A_1635 : f32 to vector<16xf32>
        %sub3A_1637 = arith.subf %sub3A_1636, %mul3A_1634 : vector<16xf32>
        %mul3A_1638 = arith.mulf %bitcast_convert_type3A_1629, %sub3A_1637 : vector<16xf32>
        %mul3A_1639 = arith.mulf %mul3A_1632, %mul3A_1638 : vector<16xf32>
        %mul3A_1640 = arith.mulf %mul3A_1639, %mul3A_1638 : vector<16xf32>
        %sub3A_1641 = arith.constant 1.500000e+00 : f32
        %sub3A_1642 = vector.broadcast %sub3A_1641 : f32 to vector<16xf32>
        %sub3A_1643 = arith.subf %sub3A_1642, %mul3A_1640 : vector<16xf32>
        %mul3A_1644 = arith.mulf %mul3A_1638, %sub3A_1643 : vector<16xf32>
        %mul3A_1645 = arith.mulf %select_n3A_1571, %mul3A_1644 : vector<16xf32>
        %swap3A_1646 = arith.index_cast %add3A_1556 : i32 to index
        %swap3A_1647 = arith.constant 0 : index
        %swap3A_1648 = tpu.vector_load %arg11[%swap3A_1646, %swap3A_1647] {strides = array<i32>} : memref<128x64xf32, #tpu.memory_space<vmem>>, vector<16xf32>,
        tpu.vector_store %arg11[%swap3A_1646, %swap3A_1647], %mul3A_1645 {strides = array<i32>} : memref<128x64xf32, #tpu.memory_space<vmem>>, vector<16xf32>,
        %mul3A_1649 = arith.mulf %select_n3A_1578, %mul3A_1644 : vector<16xf32>
        %swap3A_1650 = arith.index_cast %add3A_1556 : i32 to index
        %swap3A_1651 = arith.constant 16 : index
        %swap3A_1652 = tpu.vector_load %arg11[%swap3A_1650, %swap3A_1651] {strides = array<i32>} : memref<128x64xf32, #tpu.memory_space<vmem>>, vector<16xf32>,
        tpu.vector_store %arg11[%swap3A_1650, %swap3A_1651], %mul3A_1649 {strides = array<i32>} : memref<128x64xf32, #tpu.memory_space<vmem>>, vector<16xf32>,
        %mul3A_1653 = arith.mulf %select_n3A_1585, %mul3A_1644 : vector<16xf32>
        %swap3A_1654 = arith.index_cast %add3A_1556 : i32 to index
        %swap3A_1655 = arith.constant 32 : index
        %swap3A_1656 = tpu.vector_load %arg11[%swap3A_1654, %swap3A_1655] {strides = array<i32>} : memref<128x64xf32, #tpu.memory_space<vmem>>, vector<16xf32>,
        tpu.vector_store %arg11[%swap3A_1654, %swap3A_1655], %mul3A_1653 {strides = array<i32>} : memref<128x64xf32, #tpu.memory_space<vmem>>, vector<16xf32>,
        %mul3A_1657 = arith.mulf %select_n3A_1592, %mul3A_1644 : vector<16xf32>
        %swap3A_1658 = arith.index_cast %add3A_1556 : i32 to index
        %swap3A_1659 = arith.constant 48 : index
        %swap3A_1660 = tpu.vector_load %arg11[%swap3A_1658, %swap3A_1659] {strides = array<i32>} : memref<128x64xf32, #tpu.memory_space<vmem>>, vector<16xf32>,
        tpu.vector_store %arg11[%swap3A_1658, %swap3A_1659], %mul3A_1657 {strides = array<i32>} : memref<128x64xf32, #tpu.memory_space<vmem>>, vector<16xf32>,
        %mul3A_1661 = arith.constant 16 : i32
        %mul3A_1662 = arith.muli %scan3A_146, %mul3A_1661 : i32
        %add3A_1663 = arith.constant 14 : i32
        %add3A_1664 = arith.addi %mul3A_1662, %add3A_1663 : i32
        %broadcast_in_dim3A_1665 = arith.constant 14 : i32
        %broadcast_in_dim3A_1666 = vector.broadcast %broadcast_in_dim3A_1665 : i32 to vector<16xi32>
        %reshape3A_1667 = vector.shape_cast %broadcast_in_dim3A_1666 : vector<16xi32> to vector<16x1xi32>
        %gather3A_1668 = vector.shape_cast %reshape3A_1667 : vector<16x1xi32> to vector<16xi32>
        %gather3A_1669 = tpu.dynamic_gather %and3A_156[%gather3A_1668] in [0] : vector<16xi32>, vector<16xi32> -> vector<16xi32>
        %gt3A_1670 = arith.constant 0 : i32
        %gt3A_1671 = vector.broadcast %gt3A_1670 : i32 to vector<16xi32>
        %gt3A_1672 = arith.cmpi sgt, %gather3A_1669, %gt3A_1671 : vector<16xi32>
        %get3A_1673 = arith.index_cast %add3A_1664 : i32 to index
        %get3A_1674 = arith.constant 64 : index
        %get3A_1675 = tpu.vector_load %arg9[%get3A_1673, %get3A_1674] {strides = array<i32>} : memref<128x128xf32, #tpu.memory_space<vmem>>, vector<16xf32>,
        %get3A_1676 = arith.index_cast %add3A_1664 : i32 to index
        %get3A_1677 = arith.constant 0 : index
        %get3A_1678 = tpu.vector_load %arg9[%get3A_1676, %get3A_1677] {strides = array<i32>} : memref<128x128xf32, #tpu.memory_space<vmem>>, vector<16xf32>,
        %select_n3A_1679 = arith.select %gt3A_1672, %get3A_1675, %get3A_1678 : vector<16xi1>, vector<16xf32>
        %get3A_1680 = arith.index_cast %add3A_1664 : i32 to index
        %get3A_1681 = arith.constant 80 : index
        %get3A_1682 = tpu.vector_load %arg9[%get3A_1680, %get3A_1681] {strides = array<i32>} : memref<128x128xf32, #tpu.memory_space<vmem>>, vector<16xf32>,
        %get3A_1683 = arith.index_cast %add3A_1664 : i32 to index
        %get3A_1684 = arith.constant 16 : index
        %get3A_1685 = tpu.vector_load %arg9[%get3A_1683, %get3A_1684] {strides = array<i32>} : memref<128x128xf32, #tpu.memory_space<vmem>>, vector<16xf32>,
        %select_n3A_1686 = arith.select %gt3A_1672, %get3A_1682, %get3A_1685 : vector<16xi1>, vector<16xf32>
        %get3A_1687 = arith.index_cast %add3A_1664 : i32 to index
        %get3A_1688 = arith.constant 96 : index
        %get3A_1689 = tpu.vector_load %arg9[%get3A_1687, %get3A_1688] {strides = array<i32>} : memref<128x128xf32, #tpu.memory_space<vmem>>, vector<16xf32>,
        %get3A_1690 = arith.index_cast %add3A_1664 : i32 to index
        %get3A_1691 = arith.constant 32 : index
        %get3A_1692 = tpu.vector_load %arg9[%get3A_1690, %get3A_1691] {strides = array<i32>} : memref<128x128xf32, #tpu.memory_space<vmem>>, vector<16xf32>,
        %select_n3A_1693 = arith.select %gt3A_1672, %get3A_1689, %get3A_1692 : vector<16xi1>, vector<16xf32>
        %get3A_1694 = arith.index_cast %add3A_1664 : i32 to index
        %get3A_1695 = arith.constant 112 : index
        %get3A_1696 = tpu.vector_load %arg9[%get3A_1694, %get3A_1695] {strides = array<i32>} : memref<128x128xf32, #tpu.memory_space<vmem>>, vector<16xf32>,
        %get3A_1697 = arith.index_cast %add3A_1664 : i32 to index
        %get3A_1698 = arith.constant 48 : index
        %get3A_1699 = tpu.vector_load %arg9[%get3A_1697, %get3A_1698] {strides = array<i32>} : memref<128x128xf32, #tpu.memory_space<vmem>>, vector<16xf32>,
        %select_n3A_1700 = arith.select %gt3A_1672, %get3A_1696, %get3A_1699 : vector<16xi1>, vector<16xf32>
        %mul3A_1701 = arith.mulf %select_n3A_1679, %select_n3A_1679 : vector<16xf32>
        %mul3A_1702 = arith.mulf %select_n3A_1686, %select_n3A_1686 : vector<16xf32>
        %add3A_1703 = arith.addf %mul3A_1701, %mul3A_1702 : vector<16xf32>
        %mul3A_1704 = arith.mulf %select_n3A_1693, %select_n3A_1693 : vector<16xf32>
        %mul3A_1705 = arith.mulf %select_n3A_1700, %select_n3A_1700 : vector<16xf32>
        %add3A_1706 = arith.addf %mul3A_1704, %mul3A_1705 : vector<16xf32>
        %add3A_1707 = arith.addf %add3A_1703, %add3A_1706 : vector<16xf32>
        %reshape3A_1708 = vector.shape_cast %xor3A_121 : vector<16xi32> to vector<16x1xi32>
        %gather3A_1709 = vector.shape_cast %reshape3A_1708 : vector<16x1xi32> to vector<16xi32>
        %gather3A_1710 = tpu.dynamic_gather %add3A_1707[%gather3A_1709] in [0] : vector<16xf32>, vector<16xi32> -> vector<16xf32>
        %add3A_1711 = arith.addf %add3A_1707, %gather3A_1710 : vector<16xf32>
        %reshape3A_1712 = vector.shape_cast %xor3A_124 : vector<16xi32> to vector<16x1xi32>
        %gather3A_1713 = vector.shape_cast %reshape3A_1712 : vector<16x1xi32> to vector<16xi32>
        %gather3A_1714 = tpu.dynamic_gather %add3A_1711[%gather3A_1713] in [0] : vector<16xf32>, vector<16xi32> -> vector<16xf32>
        %add3A_1715 = arith.addf %add3A_1711, %gather3A_1714 : vector<16xf32>
        %reshape3A_1716 = vector.shape_cast %xor3A_127 : vector<16xi32> to vector<16x1xi32>
        %gather3A_1717 = vector.shape_cast %reshape3A_1716 : vector<16x1xi32> to vector<16xi32>
        %gather3A_1718 = tpu.dynamic_gather %add3A_1715[%gather3A_1717] in [0] : vector<16xf32>, vector<16xi32> -> vector<16xf32>
        %add3A_1719 = arith.addf %add3A_1715, %gather3A_1718 : vector<16xf32>
        %reshape3A_1720 = vector.shape_cast %xor3A_130 : vector<16xi32> to vector<16x1xi32>
        %gather3A_1721 = vector.shape_cast %reshape3A_1720 : vector<16x1xi32> to vector<16xi32>
        %gather3A_1722 = tpu.dynamic_gather %add3A_1719[%gather3A_1721] in [0] : vector<16xf32>, vector<16xi32> -> vector<16xf32>
        %add3A_1723 = arith.addf %add3A_1719, %gather3A_1722 : vector<16xf32>
        %mul3A_1724 = arith.constant 1.562500e-02 : f32
        %mul3A_1725 = vector.broadcast %mul3A_1724 : f32 to vector<16xf32>
        %mul3A_1726 = arith.mulf %add3A_1723, %mul3A_1725 : vector<16xf32>
        %add3A_1727 = arith.constant 9.99999997E-7 : f32
        %add3A_1728 = vector.broadcast %add3A_1727 : f32 to vector<16xf32>
        %add3A_1729 = arith.addf %mul3A_1726, %add3A_1728 : vector<16xf32>
        %bitcast_convert_type3A_1730 = tpu.bitcast %add3A_1729 : vector<16xf32> -> vector<16xi32>
        %shift_right_arithmetic3A_1731 = arith.constant 1 : i32
        %shift_right_arithmetic3A_1732 = vector.broadcast %shift_right_arithmetic3A_1731 : i32 to vector<16xi32>
        %shift_right_arithmetic3A_1733 = arith.shrsi %bitcast_convert_type3A_1730, %shift_right_arithmetic3A_1732 : vector<16xi32>
        %sub3A_1734 = arith.constant 1597463007 : i32
        %sub3A_1735 = vector.broadcast %sub3A_1734 : i32 to vector<16xi32>
        %sub3A_1736 = arith.subi %sub3A_1735, %shift_right_arithmetic3A_1733 : vector<16xi32>
        %bitcast_convert_type3A_1737 = tpu.bitcast %sub3A_1736 : vector<16xi32> -> vector<16xf32>
        %mul3A_1738 = arith.constant 5.000000e-01 : f32
        %mul3A_1739 = vector.broadcast %mul3A_1738 : f32 to vector<16xf32>
        %mul3A_1740 = arith.mulf %add3A_1729, %mul3A_1739 : vector<16xf32>
        %mul3A_1741 = arith.mulf %mul3A_1740, %bitcast_convert_type3A_1737 : vector<16xf32>
        %mul3A_1742 = arith.mulf %mul3A_1741, %bitcast_convert_type3A_1737 : vector<16xf32>
        %sub3A_1743 = arith.constant 1.500000e+00 : f32
        %sub3A_1744 = vector.broadcast %sub3A_1743 : f32 to vector<16xf32>
        %sub3A_1745 = arith.subf %sub3A_1744, %mul3A_1742 : vector<16xf32>
        %mul3A_1746 = arith.mulf %bitcast_convert_type3A_1737, %sub3A_1745 : vector<16xf32>
        %mul3A_1747 = arith.mulf %mul3A_1740, %mul3A_1746 : vector<16xf32>
        %mul3A_1748 = arith.mulf %mul3A_1747, %mul3A_1746 : vector<16xf32>
        %sub3A_1749 = arith.constant 1.500000e+00 : f32
        %sub3A_1750 = vector.broadcast %sub3A_1749 : f32 to vector<16xf32>
        %sub3A_1751 = arith.subf %sub3A_1750, %mul3A_1748 : vector<16xf32>
        %mul3A_1752 = arith.mulf %mul3A_1746, %sub3A_1751 : vector<16xf32>
        %mul3A_1753 = arith.mulf %select_n3A_1679, %mul3A_1752 : vector<16xf32>
        %swap3A_1754 = arith.index_cast %add3A_1664 : i32 to index
        %swap3A_1755 = arith.constant 0 : index
        %swap3A_1756 = tpu.vector_load %arg11[%swap3A_1754, %swap3A_1755] {strides = array<i32>} : memref<128x64xf32, #tpu.memory_space<vmem>>, vector<16xf32>,
        tpu.vector_store %arg11[%swap3A_1754, %swap3A_1755], %mul3A_1753 {strides = array<i32>} : memref<128x64xf32, #tpu.memory_space<vmem>>, vector<16xf32>,
        %mul3A_1757 = arith.mulf %select_n3A_1686, %mul3A_1752 : vector<16xf32>
        %swap3A_1758 = arith.index_cast %add3A_1664 : i32 to index
        %swap3A_1759 = arith.constant 16 : index
        %swap3A_1760 = tpu.vector_load %arg11[%swap3A_1758, %swap3A_1759] {strides = array<i32>} : memref<128x64xf32, #tpu.memory_space<vmem>>, vector<16xf32>,
        tpu.vector_store %arg11[%swap3A_1758, %swap3A_1759], %mul3A_1757 {strides = array<i32>} : memref<128x64xf32, #tpu.memory_space<vmem>>, vector<16xf32>,
        %mul3A_1761 = arith.mulf %select_n3A_1693, %mul3A_1752 : vector<16xf32>
        %swap3A_1762 = arith.index_cast %add3A_1664 : i32 to index
        %swap3A_1763 = arith.constant 32 : index
        %swap3A_1764 = tpu.vector_load %arg11[%swap3A_1762, %swap3A_1763] {strides = array<i32>} : memref<128x64xf32, #tpu.memory_space<vmem>>, vector<16xf32>,
        tpu.vector_store %arg11[%swap3A_1762, %swap3A_1763], %mul3A_1761 {strides = array<i32>} : memref<128x64xf32, #tpu.memory_space<vmem>>, vector<16xf32>,
        %mul3A_1765 = arith.mulf %select_n3A_1700, %mul3A_1752 : vector<16xf32>
        %swap3A_1766 = arith.index_cast %add3A_1664 : i32 to index
        %swap3A_1767 = arith.constant 48 : index
        %swap3A_1768 = tpu.vector_load %arg11[%swap3A_1766, %swap3A_1767] {strides = array<i32>} : memref<128x64xf32, #tpu.memory_space<vmem>>, vector<16xf32>,
        tpu.vector_store %arg11[%swap3A_1766, %swap3A_1767], %mul3A_1765 {strides = array<i32>} : memref<128x64xf32, #tpu.memory_space<vmem>>, vector<16xf32>,
        %mul3A_1769 = arith.constant 16 : i32
        %mul3A_1770 = arith.muli %scan3A_146, %mul3A_1769 : i32
        %add3A_1771 = arith.constant 15 : i32
        %add3A_1772 = arith.addi %mul3A_1770, %add3A_1771 : i32
        %broadcast_in_dim3A_1773 = arith.constant 15 : i32
        %broadcast_in_dim3A_1774 = vector.broadcast %broadcast_in_dim3A_1773 : i32 to vector<16xi32>
        %reshape3A_1775 = vector.shape_cast %broadcast_in_dim3A_1774 : vector<16xi32> to vector<16x1xi32>
        %gather3A_1776 = vector.shape_cast %reshape3A_1775 : vector<16x1xi32> to vector<16xi32>
        %gather3A_1777 = tpu.dynamic_gather %and3A_156[%gather3A_1776] in [0] : vector<16xi32>, vector<16xi32> -> vector<16xi32>
        %gt3A_1778 = arith.constant 0 : i32
        %gt3A_1779 = vector.broadcast %gt3A_1778 : i32 to vector<16xi32>
        %gt3A_1780 = arith.cmpi sgt, %gather3A_1777, %gt3A_1779 : vector<16xi32>
        %get3A_1781 = arith.index_cast %add3A_1772 : i32 to index
        %get3A_1782 = arith.constant 64 : index
        %get3A_1783 = tpu.vector_load %arg9[%get3A_1781, %get3A_1782] {strides = array<i32>} : memref<128x128xf32, #tpu.memory_space<vmem>>, vector<16xf32>,
        %get3A_1784 = arith.index_cast %add3A_1772 : i32 to index
        %get3A_1785 = arith.constant 0 : index
        %get3A_1786 = tpu.vector_load %arg9[%get3A_1784, %get3A_1785] {strides = array<i32>} : memref<128x128xf32, #tpu.memory_space<vmem>>, vector<16xf32>,
        %select_n3A_1787 = arith.select %gt3A_1780, %get3A_1783, %get3A_1786 : vector<16xi1>, vector<16xf32>
        %get3A_1788 = arith.index_cast %add3A_1772 : i32 to index
        %get3A_1789 = arith.constant 80 : index
        %get3A_1790 = tpu.vector_load %arg9[%get3A_1788, %get3A_1789] {strides = array<i32>} : memref<128x128xf32, #tpu.memory_space<vmem>>, vector<16xf32>,
        %get3A_1791 = arith.index_cast %add3A_1772 : i32 to index
        %get3A_1792 = arith.constant 16 : index
        %get3A_1793 = tpu.vector_load %arg9[%get3A_1791, %get3A_1792] {strides = array<i32>} : memref<128x128xf32, #tpu.memory_space<vmem>>, vector<16xf32>,
        %select_n3A_1794 = arith.select %gt3A_1780, %get3A_1790, %get3A_1793 : vector<16xi1>, vector<16xf32>
        %get3A_1795 = arith.index_cast %add3A_1772 : i32 to index
        %get3A_1796 = arith.constant 96 : index
        %get3A_1797 = tpu.vector_load %arg9[%get3A_1795, %get3A_1796] {strides = array<i32>} : memref<128x128xf32, #tpu.memory_space<vmem>>, vector<16xf32>,
        %get3A_1798 = arith.index_cast %add3A_1772 : i32 to index
        %get3A_1799 = arith.constant 32 : index
        %get3A_1800 = tpu.vector_load %arg9[%get3A_1798, %get3A_1799] {strides = array<i32>} : memref<128x128xf32, #tpu.memory_space<vmem>>, vector<16xf32>,
        %select_n3A_1801 = arith.select %gt3A_1780, %get3A_1797, %get3A_1800 : vector<16xi1>, vector<16xf32>
        %get3A_1802 = arith.index_cast %add3A_1772 : i32 to index
        %get3A_1803 = arith.constant 112 : index
        %get3A_1804 = tpu.vector_load %arg9[%get3A_1802, %get3A_1803] {strides = array<i32>} : memref<128x128xf32, #tpu.memory_space<vmem>>, vector<16xf32>,
        %get3A_1805 = arith.index_cast %add3A_1772 : i32 to index
        %get3A_1806 = arith.constant 48 : index
        %get3A_1807 = tpu.vector_load %arg9[%get3A_1805, %get3A_1806] {strides = array<i32>} : memref<128x128xf32, #tpu.memory_space<vmem>>, vector<16xf32>,
        %select_n3A_1808 = arith.select %gt3A_1780, %get3A_1804, %get3A_1807 : vector<16xi1>, vector<16xf32>
        %mul3A_1809 = arith.mulf %select_n3A_1787, %select_n3A_1787 : vector<16xf32>
        %mul3A_1810 = arith.mulf %select_n3A_1794, %select_n3A_1794 : vector<16xf32>
        %add3A_1811 = arith.addf %mul3A_1809, %mul3A_1810 : vector<16xf32>
        %mul3A_1812 = arith.mulf %select_n3A_1801, %select_n3A_1801 : vector<16xf32>
        %mul3A_1813 = arith.mulf %select_n3A_1808, %select_n3A_1808 : vector<16xf32>
        %add3A_1814 = arith.addf %mul3A_1812, %mul3A_1813 : vector<16xf32>
        %add3A_1815 = arith.addf %add3A_1811, %add3A_1814 : vector<16xf32>
        %reshape3A_1816 = vector.shape_cast %xor3A_121 : vector<16xi32> to vector<16x1xi32>
        %gather3A_1817 = vector.shape_cast %reshape3A_1816 : vector<16x1xi32> to vector<16xi32>
        %gather3A_1818 = tpu.dynamic_gather %add3A_1815[%gather3A_1817] in [0] : vector<16xf32>, vector<16xi32> -> vector<16xf32>
        %add3A_1819 = arith.addf %add3A_1815, %gather3A_1818 : vector<16xf32>
        %reshape3A_1820 = vector.shape_cast %xor3A_124 : vector<16xi32> to vector<16x1xi32>
        %gather3A_1821 = vector.shape_cast %reshape3A_1820 : vector<16x1xi32> to vector<16xi32>
        %gather3A_1822 = tpu.dynamic_gather %add3A_1819[%gather3A_1821] in [0] : vector<16xf32>, vector<16xi32> -> vector<16xf32>
        %add3A_1823 = arith.addf %add3A_1819, %gather3A_1822 : vector<16xf32>
        %reshape3A_1824 = vector.shape_cast %xor3A_127 : vector<16xi32> to vector<16x1xi32>
        %gather3A_1825 = vector.shape_cast %reshape3A_1824 : vector<16x1xi32> to vector<16xi32>
        %gather3A_1826 = tpu.dynamic_gather %add3A_1823[%gather3A_1825] in [0] : vector<16xf32>, vector<16xi32> -> vector<16xf32>
        %add3A_1827 = arith.addf %add3A_1823, %gather3A_1826 : vector<16xf32>
        %reshape3A_1828 = vector.shape_cast %xor3A_130 : vector<16xi32> to vector<16x1xi32>
        %gather3A_1829 = vector.shape_cast %reshape3A_1828 : vector<16x1xi32> to vector<16xi32>
        %gather3A_1830 = tpu.dynamic_gather %add3A_1827[%gather3A_1829] in [0] : vector<16xf32>, vector<16xi32> -> vector<16xf32>
        %add3A_1831 = arith.addf %add3A_1827, %gather3A_1830 : vector<16xf32>
        %mul3A_1832 = arith.constant 1.562500e-02 : f32
        %mul3A_1833 = vector.broadcast %mul3A_1832 : f32 to vector<16xf32>
        %mul3A_1834 = arith.mulf %add3A_1831, %mul3A_1833 : vector<16xf32>
        %add3A_1835 = arith.constant 9.99999997E-7 : f32
        %add3A_1836 = vector.broadcast %add3A_1835 : f32 to vector<16xf32>
        %add3A_1837 = arith.addf %mul3A_1834, %add3A_1836 : vector<16xf32>
        %bitcast_convert_type3A_1838 = tpu.bitcast %add3A_1837 : vector<16xf32> -> vector<16xi32>
        %shift_right_arithmetic3A_1839 = arith.constant 1 : i32
        %shift_right_arithmetic3A_1840 = vector.broadcast %shift_right_arithmetic3A_1839 : i32 to vector<16xi32>
        %shift_right_arithmetic3A_1841 = arith.shrsi %bitcast_convert_type3A_1838, %shift_right_arithmetic3A_1840 : vector<16xi32>
        %sub3A_1842 = arith.constant 1597463007 : i32
        %sub3A_1843 = vector.broadcast %sub3A_1842 : i32 to vector<16xi32>
        %sub3A_1844 = arith.subi %sub3A_1843, %shift_right_arithmetic3A_1841 : vector<16xi32>
        %bitcast_convert_type3A_1845 = tpu.bitcast %sub3A_1844 : vector<16xi32> -> vector<16xf32>
        %mul3A_1846 = arith.constant 5.000000e-01 : f32
        %mul3A_1847 = vector.broadcast %mul3A_1846 : f32 to vector<16xf32>
        %mul3A_1848 = arith.mulf %add3A_1837, %mul3A_1847 : vector<16xf32>
        %mul3A_1849 = arith.mulf %mul3A_1848, %bitcast_convert_type3A_1845 : vector<16xf32>
        %mul3A_1850 = arith.mulf %mul3A_1849, %bitcast_convert_type3A_1845 : vector<16xf32>
        %sub3A_1851 = arith.constant 1.500000e+00 : f32
        %sub3A_1852 = vector.broadcast %sub3A_1851 : f32 to vector<16xf32>
        %sub3A_1853 = arith.subf %sub3A_1852, %mul3A_1850 : vector<16xf32>
        %mul3A_1854 = arith.mulf %bitcast_convert_type3A_1845, %sub3A_1853 : vector<16xf32>
        %mul3A_1855 = arith.mulf %mul3A_1848, %mul3A_1854 : vector<16xf32>
        %mul3A_1856 = arith.mulf %mul3A_1855, %mul3A_1854 : vector<16xf32>
        %sub3A_1857 = arith.constant 1.500000e+00 : f32
        %sub3A_1858 = vector.broadcast %sub3A_1857 : f32 to vector<16xf32>
        %sub3A_1859 = arith.subf %sub3A_1858, %mul3A_1856 : vector<16xf32>
        %mul3A_1860 = arith.mulf %mul3A_1854, %sub3A_1859 : vector<16xf32>
        %mul3A_1861 = arith.mulf %select_n3A_1787, %mul3A_1860 : vector<16xf32>
        %swap3A_1862 = arith.index_cast %add3A_1772 : i32 to index
        %swap3A_1863 = arith.constant 0 : index
        %swap3A_1864 = tpu.vector_load %arg11[%swap3A_1862, %swap3A_1863] {strides = array<i32>} : memref<128x64xf32, #tpu.memory_space<vmem>>, vector<16xf32>,
        tpu.vector_store %arg11[%swap3A_1862, %swap3A_1863], %mul3A_1861 {strides = array<i32>} : memref<128x64xf32, #tpu.memory_space<vmem>>, vector<16xf32>,
        %mul3A_1865 = arith.mulf %select_n3A_1794, %mul3A_1860 : vector<16xf32>
        %swap3A_1866 = arith.index_cast %add3A_1772 : i32 to index
        %swap3A_1867 = arith.constant 16 : index
        %swap3A_1868 = tpu.vector_load %arg11[%swap3A_1866, %swap3A_1867] {strides = array<i32>} : memref<128x64xf32, #tpu.memory_space<vmem>>, vector<16xf32>,
        tpu.vector_store %arg11[%swap3A_1866, %swap3A_1867], %mul3A_1865 {strides = array<i32>} : memref<128x64xf32, #tpu.memory_space<vmem>>, vector<16xf32>,
        %mul3A_1869 = arith.mulf %select_n3A_1801, %mul3A_1860 : vector<16xf32>
        %swap3A_1870 = arith.index_cast %add3A_1772 : i32 to index
        %swap3A_1871 = arith.constant 32 : index
        %swap3A_1872 = tpu.vector_load %arg11[%swap3A_1870, %swap3A_1871] {strides = array<i32>} : memref<128x64xf32, #tpu.memory_space<vmem>>, vector<16xf32>,
        tpu.vector_store %arg11[%swap3A_1870, %swap3A_1871], %mul3A_1869 {strides = array<i32>} : memref<128x64xf32, #tpu.memory_space<vmem>>, vector<16xf32>,
        %mul3A_1873 = arith.mulf %select_n3A_1808, %mul3A_1860 : vector<16xf32>
        %swap3A_1874 = arith.index_cast %add3A_1772 : i32 to index
        %swap3A_1875 = arith.constant 48 : index
        %swap3A_1876 = tpu.vector_load %arg11[%swap3A_1874, %swap3A_1875] {strides = array<i32>} : memref<128x64xf32, #tpu.memory_space<vmem>>, vector<16xf32>,
        tpu.vector_store %arg11[%swap3A_1874, %swap3A_1875], %mul3A_1873 {strides = array<i32>} : memref<128x64xf32, #tpu.memory_space<vmem>>, vector<16xf32>,
        %scan3A_1877 = arith.constant 0 : i32
        scf.yield %scan3A_1877 : i32
      }
      %scan3A_137 = arith.constant 8 : i32
      %mul3A_138 = arith.constant 128 : i32
      %mul3A_139 = arith.muli %add3A_83, %mul3A_138 : i32
      %add3A_140 = arith.addi %mul3A_2, %mul3A_139 : i32
      %dma_start3A_141 = arith.constant 0 : i32
      %dma_start3A_142 = tpu.memref_slice %arg5[%add3A_140, %dma_start3A_141] : memref<819200x64xf32, #tpu.memory_space<hbm>> -> memref<128x64xf32, #tpu.memory_space<hbm>>
      %dma_start3A_143 = arith.constant 0 : i32
      %dma_start3A_144 = tpu.memref_slice %arg5[%add3A_140, %dma_start3A_143] : memref<819200x64xf32, #tpu.memory_space<hbm>> -> memref<128x64xf32, #tpu.memory_space<hbm>>
      tpu.enqueue_dma source(%arg11 : memref<128x64xf32, #tpu.memory_space<vmem>>) target(%dma_start3A_144 : memref<128x64xf32, #tpu.memory_space<hbm>>) target_semaphore(%arg15 : memref<!tpu.dma_semaphore, #tpu.memory_space<semaphore_mem>>)
      %scan3A_145 = arith.constant 0 : i32
      scf.yield %scan3A_145 : i32
    }
    %scan3A_12 = arith.constant 100 : i32
    %dma_wait3A = arith.constant 0 : i32
    %dma_wait3A_13 = tpu.memref_slice %arg5[%mul3A_2, %dma_wait3A] : memref<819200x64xf32, #tpu.memory_space<hbm>> -> memref<128x64xf32, #tpu.memory_space<hbm>>
    %dma_wait3A_14 = arith.constant 0 : i32
    %dma_wait3A_15 = tpu.memref_slice %arg5[%mul3A_2, %dma_wait3A_14] : memref<819200x64xf32, #tpu.memory_space<hbm>> -> memref<128x64xf32, #tpu.memory_space<hbm>>
    tpu.wait_dma2 semaphore(%arg14 : memref<!tpu.dma_semaphore, #tpu.memory_space<semaphore_mem>>) src(%arg10 : memref<128x64xf32, #tpu.memory_space<vmem>>) dst(%dma_wait3A_15 : memref<128x64xf32, #tpu.memory_space<hbm>>)
    %dma_wait3A_16 = arith.constant 0 : i32
    %dma_wait3A_17 = tpu.memref_slice %arg5[%mul3A_2, %dma_wait3A_16] : memref<819200x64xf32, #tpu.memory_space<hbm>> -> memref<128x64xf32, #tpu.memory_space<hbm>>
    %dma_wait3A_18 = arith.constant 0 : i32
    %dma_wait3A_19 = tpu.memref_slice %arg5[%mul3A_2, %dma_wait3A_18] : memref<819200x64xf32, #tpu.memory_space<hbm>> -> memref<128x64xf32, #tpu.memory_space<hbm>>
    tpu.wait_dma2 semaphore(%arg15 : memref<!tpu.dma_semaphore, #tpu.memory_space<semaphore_mem>>) src(%arg11 : memref<128x64xf32, #tpu.memory_space<vmem>>) dst(%dma_wait3A_19 : memref<128x64xf32, #tpu.memory_space<hbm>>)
    %dma_wait3A_20 = arith.constant 0 : i32
    %dma_wait3A_21 = tpu.memref_slice %arg7[%dma_wait3A_20] : memref<25600xi32, #tpu.memory_space<vmem>> -> memref<128xi32, #tpu.memory_space<vmem>>
    %dma_wait3A_22 = arith.constant 0 : i32
    %dma_wait3A_23 = arith.constant 0 : i32
    %dma_wait3A_24 = tpu.memref_slice %arg2[%dma_wait3A_22, %dma_wait3A_23] : memref<500000x128xf32, #tpu.memory_space<hbm>> -> memref<500000x128xf32, #tpu.memory_space<hbm>>
    tpu.wait_indirect_dma semaphore(%arg12 : memref<!tpu.dma_semaphore, #tpu.memory_space<semaphore_mem>>) src(%dma_wait3A_24 : memref<500000x128xf32, #tpu.memory_space<hbm>>) dst(%arg8 : memref<128x128xf32, #tpu.memory_space<vmem>>)
    return
  }
}

</mosaic_0001>

<sc_bundles>
// kernel: _sc_lookup.3.cloned.1.call-start
scs
__scs_entry_jumppad:
0x0: {  	(pc) =	sbr.rel $0x88, $3  }
0x1: {  	(tag) =	ssettag $0x0;
	lr =	simm.s32 $0x1  }
0x2: {  	[smem:$0x3F9E] =	sst lr;
	_ =	strace $0xD0000000  }
0x3: {  	_ = 	snop  }
0x4: {  	_ = 	snop  }
0x5: {  	_ = 	snop  }
0x6: {  	_ = 	snop  }
0x7: {  	_ = 	snop  }
__scs_overlays_trampoline_lowered:
0x8: {  	[smem:$0x3FAD] =	sst s0  }
0x9: {  	[smem:$0x3FAE] =	sst s1  }
0xa: {  	[smem:$0x3FAF] =	sst s2  }
0xb: {  	[smem:$0x3FB0] =	sst s3  }
0xc: {  	[smem:$0x3FB1] =	sst s4  }
0xd: {  	[smem:$0x3FB2] =	sst s5  }
0xe: {  	[smem:$0x3FB3] =	sst s6  }
0xf: {  	[smem:$0x3FB4] =	sst s7  }
0x10: {  	[smem:$0x3FB5] =	sst s8  }
0x11: {  	[smem:$0x3FB6] =	sst s9;
	s0 =	simm.s32 @!p0 $0x0  }
0x12: {  	s1 =	sld [smem:$0x3F9C];
	s0 =	simm.s32 @p0 $0x1  }
0x13: {  	[smem:$0x3FB7] =	sst s0;
	s0 =	simm.s32 @!p1 $0x0  }
0x14: {  	s2 =	sld [smem:$0x3F9B];
	s0 =	simm.s32 @p1 $0x1  }
0x15: {  	[smem:$0x3FB8] =	sst s0;
	s0 =	simm.s32 @!p2 $0x0  }
0x16: {  	s3 =	sld [smem:$0x3FDB];
	s0 =	simm.s32 @p2 $0x1  }
0x17: {  	s4 =	simm.s32 $0x1BF5;
	[smem:$0x3FBA] =	sst s0  }
0x18: {  	s0 =	sld [smem:$0x3F9D];
	_ =	swait.ge [sflag:s4], $0x0  }
0x19: {  	s7 =	sld [smem:$0x3F9E]  }
0x1a: {  	s8 =	sadd.s32 $0xFFFFE003, lr  }
0x1b: {  	s9 =	sadd.s32 $0xFFFFFEF7, lr;
	s5 =	simm.s32 $0xFFFFFFFF;
	p2 =	slt.u32 s8, $0xFFFFF086  }
0x1c: {  	p1 =	slt.u32 s9, $0xF7A;
	s5 =	simm.s32 @!p2 $0x0  }
0x1d: {  	s5 =	simm.s32 @p1 $0x1;
	p0 =	seq.s32 s7, s2  }
0x1e: {  	s7 =	smul.u32 @!p0 $0xF7A, s2;
	p2 =	seq.s32 @!p0 s5, $0x0  }
0x1f: {  	s9 =	smul.u32 $0xF7A, s1;
	s8 =	simm.s32 @!p0 $0x1BF5;
	p2 =	por !p2, p0  }
0x20: {  	[sflag:s8] =	ssyncset.s32 @!p0 $0xFFFFF086;
	s6 =	sadd.s32 @!p0 s3, s7;
	s7 =	simm.s32 @!p0 $0x108  }
0x21: {  	s3 =	sadd.s32 s3, s9;
	s6 =	sadd.s32 @!p0 $0x88, s6;
	s7 =	simm.s32 @p2 $0x1082  }
0x22: {  	[simem:s7], [sflag:s8] =	dma.local @!p0 [hbm:s6], $0xF7A  }
0x23: {  	s9 =	sor.u32 $0xD0000000, s2;
	s6 =	simm.s32 $0x108;
	_ =	swait.ge @!p0 [sflag:s8], $0x0  }
0x24: {  	s3 =	sadd.s32 $0x88, s3;
	s6 =	simm.s32 @!p1 $0x1082;
	[sflag:s4] =	ssyncset.s32 $0xFFFFF086  }
0x25: {  	[simem:s6], [sflag:s4] =	dma.local [hbm:s3], $0xF7A  }
0x26: {  	[smem:$0x3F9E] =	sst s1;
	(tag) =	ssettag s2;
	_ =	strace s9  }
0x27: {  	s1 =	sld [smem:$0x3FAE]  }
0x28: {  	s2 =	sld [smem:$0x3FAF]  }
0x29: {  	s4 =	sld [smem:$0x3FB1]  }
0x2a: {  	p0 =	seq.s32 s5, $0x0;
	s5 =	sld [smem:$0x3FB2]  }
0x2b: {  	s6 =	sld [smem:$0x3FB3]  }
0x2c: {  	s7 =	sld [smem:$0x3FB4]  }
0x2d: {  	s3 =	simm.s32 $0x108;
	s8 =	sld [smem:$0x3FB5]  }
0x2e: {  	s3 =	simm.s32 @!p0 $0x1082;
	s9 =	sld [smem:$0x3FB6]  }
0x2f: {  	lr =	sadd.s32 s0, s3;
	s0 =	sld [smem:$0x3FAD]  }
0x30: {  	s3 =	sld [smem:$0x3FB0]  }
0x31: {  	[smem:$0x3FB9] =	sst s10  }
0x32: {  	s10 =	sld [smem:$0x3FB7];
	_ =	sdelay $0x3  }
0x33: {  	p0 =	seq.s32 s10, $0x1;
	s10 =	sld [smem:$0x3FB9];
	_ =	sdelay $0x3  }
0x34: {  	[smem:$0x3FB9] =	sst s10  }
0x35: {  	s10 =	sld [smem:$0x3FB8];
	_ =	sdelay $0x3  }
0x36: {  	p1 =	seq.s32 s10, $0x1;
	s10 =	sld [smem:$0x3FB9];
	_ =	sdelay $0x3  }
0x37: {  	[smem:$0x3FB9] =	sst s10  }
0x38: {  	s10 =	sld [smem:$0x3FBA]  }
0x39: {  	_ = 	snop;
	(pc) =	sbr.ind lr, $3  }
0x3a: {  	_ = 	snop  }
0x3b: {  	_ = 	snop  }
0x3c: {  	p2 =	seq.s32 s10, $0x1;
	s10 =	sld [smem:$0x3FB9]  }
0x3d: {  	_ =	shalt  }
0x3e: {  	_ =	shalt  }
0x3f: {  	_ =	shalt  }
0x40: {  	_ =	shalt  }
0x41: {  	_ =	shalt  }
0x42: {  	_ =	shalt  }
0x43: {  	_ =	shalt  }
0x44: {  	_ =	shalt  }
0x45: {  	_ =	shalt  }
0x46: {  	_ =	shalt  }
0x47: {  	_ =	shalt  }
0x48: {  	_ =	shalt  }
0x49: {  	_ =	shalt  }
0x4a: {  	_ =	shalt  }
0x4b: {  	_ =	shalt  }
0x4c: {  	_ =	shalt  }
0x4d: {  	_ =	shalt  }
0x4e: {  	_ =	shalt  }
0x4f: {  	_ =	shalt  }
0x50: {  	_ =	shalt  }
0x51: {  	_ =	shalt  }
0x52: {  	_ =	shalt  }
0x53: {  	_ =	shalt  }
0x54: {  	_ =	shalt  }
0x55: {  	_ =	shalt  }
0x56: {  	_ =	shalt  }
0x57: {  	_ =	shalt  }
0x58: {  	_ =	shalt  }
0x59: {  	_ =	shalt  }
0x5a: {  	_ =	shalt  }
0x5b: {  	_ =	shalt  }
0x5c: {  	_ =	shalt  }
0x5d: {  	_ =	shalt  }
0x5e: {  	_ =	shalt  }
0x5f: {  	_ =	shalt  }
0x60: {  	_ =	shalt  }
0x61: {  	_ =	shalt  }
0x62: {  	_ =	shalt  }
0x63: {  	_ =	shalt  }
0x64: {  	_ =	shalt  }
0x65: {  	_ =	shalt  }
0x66: {  	_ =	shalt  }
0x67: {  	_ =	shalt  }
0x68: {  	_ =	shalt  }
0x69: {  	_ =	shalt  }
0x6a: {  	_ =	shalt  }
0x6b: {  	_ =	shalt  }
0x6c: {  	_ =	shalt  }
0x6d: {  	_ =	shalt  }
0x6e: {  	_ =	shalt  }
0x6f: {  	_ =	shalt  }
0x70: {  	_ =	shalt  }
0x71: {  	_ =	shalt  }
0x72: {  	_ =	shalt  }
0x73: {  	_ =	shalt  }
0x74: {  	_ =	shalt  }
0x75: {  	_ =	shalt  }
0x76: {  	_ =	shalt  }
0x77: {  	_ =	shalt  }
0x78: {  	_ =	shalt  }
0x79: {  	_ =	shalt  }
0x7a: {  	_ =	shalt  }
0x7b: {  	_ =	shalt  }
0x7c: {  	_ =	shalt  }
0x7d: {  	_ =	shalt  }
0x7e: {  	_ =	shalt  }
0x7f: {  	_ =	shalt  }
0x80: {  	_ =	shalt  }
0x81: {  	_ =	shalt  }
0x82: {  	_ =	shalt  }
0x83: {  	_ =	shalt  }
0x84: {  	_ =	shalt  }
0x85: {  	_ =	shalt  }
0x86: {  	_ =	shalt  }
0x87: {  	_ =	shalt  }
.Lfunc_end0:
.L_simem_size_0:
called_computation_lowered:
.L_overlay_start_0:
0x88: {  	s2 =	sld [smem:$0x3FD9]  }
0x89: {  	s3 =	sld [smem:$0x3FFE];
	_ =	sdelay $0x1  }
0x8a: {  	s1 =	srdreg.scid  }
0x8b: {  	s0 =	sand.u32 $0x1, s1  }
0x8c: {  	s17 =	sshll.u32 s0, $0xA;
	s2 =	sadd.s32 s3, s2  }
0x8d: {  	s2 =	sadd.s32 s2, s17  }
0x8e: {  	[smem:$0x3FC5] =	sst s2  }
0x8f: {  	_ = 	snop  }
0x90: {  	s2 =	sld [smem:$0x3FC9]  }
0x91: {  	s18 =	sld [smem:$0x3FC8]  }
0x92: {  	s4 =	sld [smem:$0x3FC7];
	(tm) =	ssettm $0x1  }
0x93: {  	s5 =	sld [smem:$0x3FFB];
	_ =	sdelay $0x3  }
0x94: {  	_ =	strace s5  }
0x95: {  	s5 =	sld [smem:$0x3FFC];
	_ =	sdelay $0x3  }
0x96: {  	_ =	strace s5  }
0x97: {  	s5 =	sld [smem:$0x3FFD];
	_ =	sdelay $0x3  }
0x98: {  	_ =	strace s5  }
0x99: {  	_ =	strace $0x8FFFFFFF  }
0x9a: {  	s19 =	sld [smem:$0x3FDB];
	_ =	sdelay $0x1  }
0x9b: {  	s6 =	simm.s32 $_scs_section_size  }
0x9c: {  	s7 =	simm.s32 $_size__tile_overlayer_lowered;
	s8 =	simm.s32 $_tile_overlayer_lowered  }
0x9d: {  	s22 =	simm.s32 $0x1BFF;
	s21 =	sshll.u32 s8, $0x1;
	s5 =	sadd.s32 s6, s19  }
0x9e: {  	s9 =	simm.s32 $0x0;
	s20 =	sshll.u32 s7, $0x1;
	s7 =	sadd.s32 s21, s5  }
0x9f: {  	[timem:s9], [sflag:s22] =	dma.local [hbm:s7], s20  }
0xa0: {  	_ =	swait.ge [sflag:s22], s20  }
0xa1: {  	s6 =	ssub.s32 $0x0, s20;
	[sflag:s22] =	ssyncset.done $0x0  }
0xa2: {  	[sflag:s22] =	ssyncadd.s32 s6;
	_ =	sdelay $0x1  }
0xa3: {  	s23 =	simm.s32 $0x1B8B  }
0xa4: {  	_ =	swait.ge [sflag:s23], $0x1  }
0xa5: {  	[sflag:s23] =	ssyncset.done $0x0  }
0xa6: {  	s25 =	simm.s32 $0x1B8E;
	s24 =	sld [smem:$0x3FFE];
	[sflag:s23] =	ssyncadd.s32 $0xFFFFFFFF  }
0xa7: {  	s26 =	simm.s32 $execute0_lowered;
	[smem:$0x3FD2] =	sst s25  }
0xa8: {  	s7 =	sshll.u32 s26, $0x1;
	_ =	strace $0x80000046;
	[dreg:$0x1] =	wrdreg $0xFFFFFFFF  }
0xa9: {  	s28 =	simm.s32 $_size_execute0_lowered;
	s5 =	sadd.s32 s5, s7;
	[dreg:$0x0] =	wrdreg $0x0  }
0xaa: {  	s7 =	sshll.u32 s28, $0x1;
	[dreg:$0x2] =	wrdreg s5  }
0xab: {  	[dreg:$0x3] =	wrdreg s7  }
0xac: {  	[dreg:$0x4] =	wrdreg $0xC0  }
0xad: {  	_ =	task [dreg:s9], $0x5FFFF  }
0xae: {  	[dreg:$0x1] =	wrdreg $0xFFFFFFFF  }
0xaf: {  	[dreg:$0x0] =	wrdreg $0x60  }
0xb0: {  	[dreg:$0x2] =	wrdreg s2  }
0xb1: {  	[dreg:$0x3] =	wrdreg s18  }
0xb2: {  	[dreg:$0x4] =	wrdreg s4  }
0xb3: {  	[dreg:$0x5] =	wrdreg s24  }
0xb4: {  	[dreg:$0x6] =	wrdreg $0x9  }
0xb5: {  	_ =	task.clear_ibuf [dreg:s9], $0x7FFFF;
	_ =	strace $0x90000046  }
0xb6: {  	s29 =	simm.s32 $0x9;
	_ =	strace $0x80000048  }
0xb7: {  	_ =	swait.ge [sflag:s29], $0x1  }
0xb8: {  	[sflag:s29] =	ssyncadd.s32 $0xFFFFFFFF  }
0xb9: {  	_ =	strace $0x90000048  }
0xba: {  	_ =	sfence  }
0xbb: {  	s30 =	sld [smem:$0x0];
	_ =	sdelay $0x2  }
0xbc: {  	s31 =	sshll.u32 s1, $0xD;
	s1 =	sshrl.u32 s1, $0x2  }
0xbd: {  	s3 =	sand.u32 $0x4000, s31;
	s1 =	sadd.s32 s1, s30  }
0xbe: {  	s0 =	sor.u32 s3, s0;
	s1 =	sshll.u32 s1, $0x11  }
0xbf: {  	s0 =	sor.u32 s1, s0  }
0xc0: {  	s0 =	sadd.s32 $0x8F2B, s0  }
0xc1: {  	[sflag:s0] =	ssyncadd.remote.s32 $0x1  }
0xc2: {  	_ =	sfence.sel $0xFFFF  }
0xc3: {  	[dreg:$0x0] =	wrdreg $0xFFFFFFFF;
	(pc) =	sbr.abs _section_cstart, $3  }
0xc4: {  	[dreg:$0x1] =	wrdreg $0xFFFFFFFF  }
0xc5: {  	_ =	task.clear_ibuf [dreg:s9], $0x2FFFF;
	_ =	strace $0x9FFFFFFF  }
0xc6: {  	(tm) =	ssettm $0x7FFFFFFF  }
0xc7: {  	_ =	shalt  }
tec
execute0_lowered:
.L_overlay_start_1:
0x0: {  	(tag) =	ssettag $0x1  }
0x1: {  	v0 =	vimm.s32 $0x1;
	v1 =	vimm.s32 $0x76543210;
	v2 =	vimm.s32 $0xFEDCBA98  }
0x2: {  	v3 =	vimm.s32 $0xBA98FEDC;
	v4 =	vimm.s32 $0x32107654;
	v5 =	vimm.s32 $0xDCFE98BA  }
0x3: {  	v6 =	vimm.s32 $0x54761032;
	v7 =	vimm.s32 $0xEFCDAB89;
	v8 =	vimm.s32 $0x67452301  }
0x4: {  	s0 =	rddreg [dreg:$0x0];
	v10 =	vimm.s32 $0x6;
	v11 =	vimm.s32 $0x7;
	v12 =	vimm.s32 $0x8  }
0x5: {  	s5 =	rddreg [dreg:$0x1];
	v13 =	vimm.s32 $0x9;
	v14 =	vimm.s32 $0xA;
	v15 =	vimm.s32 $0xB  }
0x6: {  	s6 =	rddreg [dreg:$0x2];
	s2 =	srdreg.scid;
	v16 =	vimm.s32 $0xC;
	v17 =	vimm.s32 $0xD;
	v18 =	vimm.s32 $0xE  }
0x7: {  	s1 =	stileid.u32;
	s4 =	rddreg [dreg:$0x3];
	s3 =	simm.s32 $0x0;
	v19 =	vimm.s32 $0xF;
	v1 =	vunpack.c.l.s4.s8 v1;
	v2 =	vunpack.c.l.s4.s8 v2  }
0x8: {  	s11 =	simm.s32 $0xC800;
	s12 =	simm.s32 $0x80;
	s13 =	simm.s32 $0x10800;
	v3 =	vunpack.c.l.s4.s8 v3;
	v4 =	vunpack.c.l.s4.s8 v4;
	v5 =	vunpack.c.l.s4.s8 v5  }
0x9: {  	s14 =	simm.s32 $0x1;
	s15 =	simm.s32 $0x14800;
	s16 =	simm.s32 $0x2;
	v6 =	vunpack.c.l.s4.s8 v6;
	v7 =	vunpack.c.l.s4.s8 v7;
	v8 =	vunpack.c.l.s4.s8 v8  }
0xa: {  	s17 =	simm.s32 $0x18800;
	s18 =	simm.s32 $0x3;
	s19 =	simm.s32 $0x4;
	v3 =	vunpack.c.0.s8.s32 v3;
	v4 =	vunpack.c.0.s8.s32 v4;
	v5 =	vunpack.c.0.s8.s32 v5  }
0xb: {  	s20 =	simm.s32 $0x0;
	s7 =	sand.u32 $0x1, s2;
	s8 =	sshll.u32 s1, $0x1;
	v6 =	vunpack.c.0.s8.s32 v6;
	v2 =	vunpack.c.0.s8.s32 v2;
	v7 =	vunpack.c.0.s8.s32 v7  }
0xc: {  	s2 =	rddreg [dreg:$0x4];
	s8 =	sor.u32 s7, s8;
	s7 =	ssub.s32 $0x2, s7;
	v8 =	vunpack.c.0.s8.s32 v8;
	v9 =	vunpack.c.0.s8.s32 v1;
	v1 =	vimm.s32 $0x0  }
0xd: {  	[smem:$0x7FF] =	sst s3;
	s9 =	smul.u32 $0xC80, s8;
	s10 =	sshrl.u32 s7, $0x1;
	v3 =	vcombine.low v4, v3;
	v4 =	vcombine.low v6, v5;
	v2 =	vand.u32 $0xF, v2  }
0xe: {  	s4 =	sadd.s32 $0x400, s4;
	_ =	strace $0x80000047;
	s10 =	ssub.s32 s7, s10;
	v5 =	vcombine.low v8, v7;
	v6 =	vimm.s32 $0x2;
	v7 =	vimm.s32 $0x3  }
0xf: {  	s7 =	smul.u32 $0x320000, s8;
	s5 =	sadd.s32 s5, s9;
	s6 =	sadd.s32 s6, s9;
	v8 =	vimm.s32 $0x4;
	v2 =	vcombine.low v2, v9;
	v9 =	vimm.s32 $0x5  }
0x10: {  	s8 =	smax.u32 s10, $0x1;
	s9 =	simm.s32 $0x5;
	s10 =	simm.s32 $0x6400;
	v3 =	vand.u32 $0xF, v3;
	v4 =	vand.u32 $0xF, v4;
	v5 =	vand.u32 $0xF, v5  }
.LBB2_1:
0x11: {  	[tilespmem:s3], [sflag:$0x5] =	stream.linear.gather [hbm4b:s5+s3], $0x6400, $0x38;
	[tilespmem:$0x1C800] =	vst v63  }
0x12: {  	_ =	swait.ge [sflag:s9], $0x6400  }
0x13: {  	[sflag:s9] =	ssyncset.done $0x0  }
0x14: {  	[sflag:s9] =	ssyncadd.s32 $0xFFFF9C00  }
0x15: {  	[tilespmem:s10], [sflag:$0x5] =	stream.linear.gather [hbm4b:s6+s3], $0x6400, $0x38;
	[tilespmem:$0x1C800] =	vst v63  }
0x16: {  	_ =	swait.ge [sflag:s9], $0x6400  }
0x17: {  	s21 =	simm.s32 $0x80;
	[sflag:s9] =	ssyncset.done $0x0  }
0x18: {  	s22 =	simm.s32 $0x0;
	s23 =	simm.s32 $0x0;
	[sflag:s9] =	ssyncadd.s32 $0xFFFF9C00  }
0x19: {  	[tilespmem:s11], [sflag:$0x1] =	stream.indirect.gather [hbm4b:s0+s12], $0x80, s10, s12, $0xb8;
	[tilespmem:$0x1C800] =	vst v63  }
.LBB2_2:
0x1a: {  	s24 =	sshllo.u32 s23, $0x1  }
0x1b: {  	s25 =	sshll.u32 s24, $0x7  }
0x1c: {  	s25 =	sand.u32 $0x3FFFFF80, s25  }
0x1d: {  	s25 =	sadd.s32 $0x6400, s25  }
0x1e: {  	[tilespmem:s13], [sflag:$0x2] =	stream.indirect.gather [hbm4b:s0+s12], $0x80, s25, s12, $0xb8;
	[tilespmem:$0x1C800] =	vst v63  }
0x1f: {  	_ =	swait.ge [sflag:s14], $0x4000  }
0x20: {  	p0 =	seq.s32 s23, $0x0;
	[sflag:s14] =	ssyncset.done $0x0  }
0x21: {  	s25 =	simm.s32 @!p0 $0x3;
	[sflag:s14] =	ssyncadd.s32 $0xFFFFC000  }
0x22: {  	_ =	swait.ge @!p0 [sflag:s25], $0x4000  }
0x23: {  	[sflag:s25] =	ssyncset.done @!p0 $0x0  }
0x24: {  	[sflag:s25] =	ssyncadd.s32 @!p0 $0xFFFFC000;
	s25 =	simm.s32 $0x0  }
0x25: {  	v21 =	vld [tilespmem:s25+$0xC840]  }
0x26: {  	v25 =	vld [tilespmem:s25+$0xC800]  }
0x27: {  	v27 =	vld [tilespmem:s25+$0xC850]  }
0x28: {  	v28 =	vld [tilespmem:s25+$0xC810]  }
0x29: {  	v30 =	vld [tilespmem:s25+$0xC860]  }
0x2a: {  	v31 =	vld [tilespmem:s25+$0xC820]  }
0x2b: {  	v32 =	vld [tilespmem:s25+$0xC870]  }
0x2c: {  	v35 =	vld [tilespmem:s25+$0xC830]  }
0x2d: {  	v23 =	vld [tilespmem:s25+$0xC8C0]  }
0x2e: {  	v26 =	vld [tilespmem:s25+$0xC880]  }
0x2f: {  	v22 =	vld [tilespmem:s25+$0xC8D0]  }
0x30: {  	v24 =	vld [tilespmem:s25+$0xC890]  }
0x31: {  	v29 =	vld [tilespmem:s25+$0xC8E0]  }
0x32: {  	v34 =	vld [tilespmem:s25+$0xC8A0]  }
0x33: {  	v33 =	vld [tilespmem:s25+$0xC8F0]  }
0x34: {  	v20 =	vld [tilespmem:s22+$0x0]  }
0x35: {  	s26 =	sshll.u32 s23, $0x1;
	s28 =	simm.s32 $0x2000;
	s29 =	smov.u32 s22;
	v45 =	vld [tilespmem:s25+$0xC8B0]  }
.LBB2_3:
0x36: {  	p1 =	sne.s32 s28, $0xE000;
	v36 =	vld [tilespmem:s25+$0xC940]  }
0x37: {  	v46 =	vld [tilespmem:s25+$0xC900]  }
0x38: {  	v47 =	vld [tilespmem:s25+$0xC950]  }
0x39: {  	v20 =	vand.u32 $0x1, v20;
	v48 =	vld [tilespmem:s25+$0xC910]  }
0x3a: {  	v37 =	vperm.xlane v20, v1;
	v38 =	vperm.xlane v20, v0;
	v49 =	vld [tilespmem:s25+$0xC960]  }
0x3b: {  	v50 =	vperm.xlane v20, v6;
	v52 =	vperm.xlane v20, v7;
	v51 =	vld [tilespmem:s25+$0xC920]  }
0x3c: {  	v54 =	vperm.xlane v20, v8;
	vm0 =	vgt.s32 v37, $0x0;
	vm1 =	vgt.s32 v38, $0x0;
	v53 =	vld [tilespmem:s25+$0xC970]  }
0x3d: {  	v42 =	vsel vm0, v21, v25;
	v43 =	vsel vm0, v27, v28;
	v40 =	vsel vm0, v30, v31;
	v21 =	vld [tilespmem:s25+$0xC930]  }
0x3e: {  	v44 =	vsel vm0, v32, v35;
	v25 =	vmul.f32 v42, v42;
	v27 =	vmul.f32 v43, v43;
	v28 =	vld [tilespmem:s25+$0xC9C0]  }
0x3f: {  	v39 =	vsel vm1, v23, v26;
	v30 =	vmul.f32 v40, v40;
	v31 =	vmul.f32 v44, v44;
	v23 =	vld [tilespmem:s25+$0xC980]  }
0x40: {  	v41 =	vsel vm1, v22, v24;
	v37 =	vsel vm1, v29, v34;
	v38 =	vsel vm1, v33, v45;
	v22 =	vld [tilespmem:s25+$0xC9D0]  }
0x41: {  	v26 =	vmul.f32 v39, v39;
	v24 =	vadd.f32 v27, v25;
	v25 =	vadd.f32 v31, v30;
	v27 =	vld [tilespmem:s25+$0xC990]  }
0x42: {  	vm0 =	vgt.s32 v50, $0x0;
	v29 =	vmul.f32 v41, v41;
	v32 =	vmul.f32 v37, v37;
	v33 =	vld [tilespmem:s25+$0xC9E0]  }
0x43: {  	v30 =	vsel vm0, v36, v46;
	v24 =	vadd.f32 v25, v24;
	v25 =	vmul.f32 v38, v38;
	v34 =	vld [tilespmem:s25+$0xC9A0]  }
0x44: {  	v35 =	vsel vm0, v47, v48;
	v26 =	vadd.f32 v29, v26;
	v31 =	vsel vm0, v49, v51;
	v29 =	vld [tilespmem:s25+$0xC9F0]  }
0x45: {  	v36 =	vsel vm0, v53, v21;
	v45 =	vperm.xlane v24, v2;
	v25 =	vadd.f32 v25, v32;
	v21 =	vld [tilespmem:s25+$0xC9B0]  }
0x46: {  	v46 =	vmul.f32 v35, v35;
	vm0 =	vgt.s32 v52, $0x0;
	v32 =	vmul.f32 v30, v30;
	v47 =	vld [tilespmem:s25+$0xCA40]  }
0x47: {  	v24 =	vadd.f32 v24, v45;
	v26 =	vadd.f32 v25, v26;
	v45 =	vmul.f32 v31, v31;
	v48 =	vld [tilespmem:s25+$0xCA00]  }
0x48: {  	v49 =	vmul.f32 v36, v36;
	v46 =	vadd.f32 v46, v32;
	v25 =	vsel vm0, v28, v23;
	v23 =	vld [tilespmem:s25+$0xCA50]  }
0x49: {  	v32 =	vsel vm0, v22, v27;
	v28 =	vperm.xlane v24, v3;
	v50 =	vperm.xlane v26, v2;
	v22 =	vld [tilespmem:s25+$0xCA10]  }
0x4a: {  	v27 =	vadd.f32 v49, v45;
	v33 =	vsel vm0, v33, v34;
	v34 =	vsel vm0, v29, v21;
	v29 =	vld [tilespmem:s25+$0xCA60]  }
0x4b: {  	v21 =	vadd.f32 v24, v28;
	v24 =	vadd.f32 v26, v50;
	v26 =	vmul.f32 v25, v25;
	v28 =	vld [tilespmem:s25+$0xCA20]  }
0x4c: {  	v45 =	vmul.f32 v32, v32;
	v27 =	vadd.f32 v27, v46;
	v46 =	vmul.f32 v33, v33;
	v49 =	vld [tilespmem:s25+$0xCA70]  }
0x4d: {  	vm0 =	vgt.s32 v54, $0x0;
	v50 =	vperm.xlane v21, v4;
	v51 =	vperm.xlane v24, v3;
	v52 =	vld [tilespmem:s25+$0xCA30]  }
0x4e: {  	v53 =	vperm.xlane v27, v2;
	v26 =	vadd.f32 v45, v26;
	v45 =	vmul.f32 v34, v34  }
0x4f: {  	v50 =	vadd.f32 v21, v50;
	v51 =	vadd.f32 v24, v51;
	v21 =	vsel vm0, v47, v48  }
0x50: {  	v27 =	vadd.f32 v27, v53;
	v24 =	vadd.f32 v45, v46;
	v22 =	vsel vm0, v23, v22  }
0x51: {  	v45 =	vperm.xlane v50, v5;
	v46 =	vperm.xlane v51, v4;
	v23 =	vsel vm0, v29, v28  }
0x52: {  	v28 =	vperm.xlane v27, v3;
	v26 =	vadd.f32 v24, v26;
	v24 =	vsel vm0, v49, v52  }
0x53: {  	v29 =	vadd.f32 v50, v45;
	v45 =	vadd.f32 v51, v46;
	v46 =	vmul.f32 v21, v21  }
0x54: {  	v47 =	vmul.f32 v22, v22;
	v27 =	vadd.f32 v27, v28;
	v28 =	vperm.xlane v26, v2  }
0x55: {  	v29 =	vmul.f32 $1.562500000e-02, v29;
	v48 =	vperm.xlane v45, v5  }
0x56: {  	v49 =	vperm.xlane v27, v4;
	v26 =	vadd.f32 v26, v28;
	v28 =	vmul.f32 v23, v23  }
0x57: {  	v29 =	vadd.f32 $9.999999970e-07, v29;
	v45 =	vadd.f32 v45, v48;
	v48 =	vmul.f32 v24, v24  }
0x58: {  	v46 =	vadd.f32 v47, v46;
	v27 =	vadd.f32 v27, v49;
	v49 =	vperm.xlane v26, v3  }
0x59: {  	v47 =	vshra.s32 v29, $0x1;
	v29 =	vmul.f32 $5.000000000e-01, v29;
	v45 =	vmul.f32 $1.562500000e-02, v45  }
0x5a: {  	v50 =	vperm.xlane v27, v5;
	v26 =	vadd.f32 v26, v49;
	v47 =	vsub.s32 $0x5F3759DF, v47  }
0x5b: {  	v28 =	vadd.f32 v48, v28;
	v49 =	vmul.f32 v47, v29;
	v45 =	vadd.f32 $9.999999970e-07, v45;
	v48 =	vld [tilespmem:s25+$0xCAC0]  }
0x5c: {  	v51 =	vperm.xlane v20, v9;
	v27 =	vadd.f32 v27, v50;
	v50 =	vperm.xlane v26, v4;
	v52 =	vld [tilespmem:s25+$0xCA80]  }
0x5d: {  	v49 =	vmul.f32 v47, v49;
	v53 =	vshra.s32 v45, $0x1;
	v45 =	vmul.f32 $5.000000000e-01, v45;
	v54 =	vld [tilespmem:s25+$0xCAD0]  }
0x5e: {  	v27 =	vmul.f32 $1.562500000e-02, v27;
	v50 =	vadd.f32 v26, v50;
	v53 =	vsub.s32 $0x5F3759DF, v53;
	v55 =	vld [tilespmem:s25+$0xCA90]  }
0x5f: {  	v46 =	vadd.f32 v28, v46;
	v26 =	vsub.f32 $1.500000000e+00, v49;
	v49 =	vmul.f32 v53, v45;
	v28 =	vld [tilespmem:s25+$0xCAE0]  }
0x60: {  	vm0 =	vgt.s32 v51, $0x0;
	v27 =	vadd.f32 $9.999999970e-07, v27;
	v56 =	vperm.xlane v50, v5;
	v51 =	vld [tilespmem:s25+$0xCAA0]  }
0x61: {  	v47 =	vmul.f32 v47, v26;
	v49 =	vmul.f32 v53, v49;
	v26 =	vsel vm0, v48, v52;
	v48 =	vld [tilespmem:s25+$0xCAF0]  }
0x62: {  	v57 =	vmul.f32 $5.000000000e-01, v27;
	v52 =	vshra.s32 v27, $0x1;
	v27 =	vadd.f32 v50, v56;
	v50 =	vld [tilespmem:s25+$0xCAB0]  }
0x63: {  	v29 =	vmul.f32 v47, v29;
	v49 =	vsub.f32 $1.500000000e+00, v49;
	v52 =	vsub.s32 $0x5F3759DF, v52  }
0x64: {  	v56 =	vmul.f32 v52, v57;
	v58 =	vmul.f32 $1.562500000e-02, v27;
	v27 =	vsel vm0, v54, v55  }
0x65: {  	v29 =	vmul.f32 v29, v47;
	v49 =	vmul.f32 v53, v49;
	v28 =	vsel vm0, v28, v51  }
0x66: {  	v54 =	vperm.xlane v46, v2;
	v51 =	vmul.f32 v52, v56;
	v53 =	vadd.f32 $9.999999970e-07, v58  }
0x67: {  	v55 =	vsub.f32 $1.500000000e+00, v29;
	v45 =	vmul.f32 v49, v45;
	v29 =	vsel vm0, v48, v50  }
0x68: {  	v48 =	vsub.f32 $1.500000000e+00, v51;
	v50 =	vshra.s32 v53, $0x1;
	v51 =	vmul.f32 $5.000000000e-01, v53  }
0x69: {  	v47 =	vmul.f32 v55, v47;
	v45 =	vmul.f32 v45, v49;
	v50 =	vsub.s32 $0x5F3759DF, v50  }
0x6a: {  	v46 =	vadd.f32 v46, v54;
	v48 =	vmul.f32 v52, v48;
	v52 =	vmul.f32 v50, v51  }
0x6b: {  	v42 =	vmul.f32 v47, v42;
	v43 =	vmul.f32 v47, v43;
	v45 =	vsub.f32 $1.500000000e+00, v45  }
0x6c: {  	v40 =	vmul.f32 v47, v40;
	v44 =	vmul.f32 v47, v44  }
0x6d: {  	[tilespmem:s25+$0x14800] =	vst v42;
	v42 =	vmul.f32 v45, v49;
	v45 =	vmul.f32 v48, v57  }
0x6e: {  	v47 =	vperm.xlane v46, v3;
	[tilespmem:s25+$0x14810] =	vst v43;
	v43 =	vmul.f32 v50, v52  }
0x6f: {  	[tilespmem:s25+$0x14820] =	vst v40;
	v39 =	vmul.f32 v42, v39;
	v40 =	vmul.f32 v42, v41;
	v41 =	vld [tilespmem:s25+$0xCB40]  }
0x70: {  	v37 =	vmul.f32 v42, v37;
	v38 =	vmul.f32 v42, v38;
	[tilespmem:s25+$0x14830] =	vst v44;
	v42 =	vsub.f32 $1.500000000e+00, v43;
	v43 =	vld [tilespmem:s25+$0xCB00]  }
0x71: {  	v44 =	vadd.f32 v46, v47;
	[tilespmem:s25+$0x14880] =	vst v39;
	v39 =	vmul.f32 v45, v48;
	v45 =	vmul.f32 v26, v26;
	v46 =	vld [tilespmem:s25+$0xCB50]  }
0x72: {  	[tilespmem:s25+$0x14890] =	vst v40;
	v40 =	vmul.f32 v50, v42;
	v42 =	vmul.f32 v27, v27;
	v47 =	vld [tilespmem:s25+$0xCB10]  }
0x73: {  	v49 =	vmul.f32 v28, v28;
	[tilespmem:s25+$0x148A0] =	vst v37;
	v37 =	vsub.f32 $1.500000000e+00, v39;
	v39 =	vperm.xlane v44, v4;
	v50 =	vld [tilespmem:s25+$0xCB60]  }
0x74: {  	[tilespmem:s25+$0x148B0] =	vst v38;
	v38 =	vmul.f32 v40, v51;
	v42 =	vadd.f32 v42, v45;
	v45 =	vmul.f32 v29, v29;
	v51 =	vld [tilespmem:s25+$0xCB20]  }
0x75: {  	v37 =	vmul.f32 v37, v48;
	v44 =	vadd.f32 v44, v39;
	v39 =	vperm.xlane v20, v10;
	v48 =	vld [tilespmem:s25+$0xCB70]  }
0x76: {  	v52 =	vperm.xlane v20, v11;
	v38 =	vmul.f32 v38, v40;
	v45 =	vadd.f32 v45, v49;
	v49 =	vld [tilespmem:s25+$0xCB30]  }
0x77: {  	v30 =	vmul.f32 v37, v30;
	v35 =	vmul.f32 v37, v35;
	vm0 =	vgt.s32 v39, $0x0;
	v53 =	vld [tilespmem:s25+$0xCBC0]  }
0x78: {  	v31 =	vmul.f32 v37, v31;
	v36 =	vmul.f32 v37, v36;
	v37 =	vsub.f32 $1.500000000e+00, v38;
	v38 =	vld [tilespmem:s25+$0xCB80]  }
0x79: {  	v45 =	vadd.f32 v45, v42;
	v39 =	vsel vm0, v41, v43;
	[tilespmem:s25+$0x14900] =	vst v30;
	v30 =	vperm.xlane v44, v5;
	v54 =	vld [tilespmem:s25+$0xCBD0]  }
0x7a: {  	v42 =	vsel vm0, v46, v47;
	v41 =	vsel vm0, v50, v51;
	[tilespmem:s25+$0x14910] =	vst v35;
	v35 =	vmul.f32 v37, v40;
	v37 =	vld [tilespmem:s25+$0xCB90]  }
0x7b: {  	[tilespmem:s25+$0x14920] =	vst v31;
	v30 =	vadd.f32 v44, v30;
	v31 =	vperm.xlane v45, v2;
	v43 =	vsel vm0, v48, v49;
	v40 =	vld [tilespmem:s25+$0xCBE0]  }
0x7c: {  	vm0 =	vgt.s32 v52, $0x0;
	[tilespmem:s25+$0x14930] =	vst v36;
	v25 =	vmul.f32 v35, v25;
	v32 =	vmul.f32 v35, v32;
	v36 =	vld [tilespmem:s25+$0xCBA0]  }
0x7d: {  	v33 =	vmul.f32 v35, v33;
	v44 =	vmul.f32 v35, v34;
	v31 =	vadd.f32 v45, v31;
	v45 =	vld [tilespmem:s25+$0xCBF0]  }
0x7e: {  	v34 =	vsel vm0, v53, v38;
	[tilespmem:s25+$0x14980] =	vst v25;
	v25 =	vmul.f32 $1.562500000e-02, v30;
	v30 =	vmul.f32 v39, v39;
	v38 =	vld [tilespmem:s25+$0xCBB0]  }
0x7f: {  	v46 =	vmul.f32 v42, v42;
	[tilespmem:s25+$0x14990] =	vst v32;
	v32 =	vperm.xlane v31, v3;
	v35 =	vsel vm0, v54, v37  }
0x80: {  	v37 =	vmul.f32 v43, v43;
	[tilespmem:s25+$0x149A0] =	vst v33;
	v25 =	vadd.f32 $9.999999970e-07, v25;
	v33 =	vmul.f32 v41, v41  }
0x81: {  	v30 =	vadd.f32 v46, v30;
	[tilespmem:s25+$0x149B0] =	vst v44;
	v31 =	vadd.f32 v31, v32;
	v36 =	vsel vm0, v40, v36  }
0x82: {  	v32 =	vshra.s32 v25, $0x1;
	v25 =	vmul.f32 $5.000000000e-01, v25;
	v33 =	vadd.f32 v37, v33;
	v37 =	vld [tilespmem:s25+$0xCC40]  }
0x83: {  	v32 =	vsub.s32 $0x5F3759DF, v32;
	v44 =	vperm.xlane v31, v4;
	v40 =	vsel vm0, v45, v38;
	v38 =	vld [tilespmem:s25+$0xCC00]  }
0x84: {  	v45 =	vmul.f32 v32, v25;
	v30 =	vadd.f32 v33, v30;
	v33 =	vmul.f32 v34, v34;
	v46 =	vld [tilespmem:s25+$0xCC50]  }
0x85: {  	v47 =	vmul.f32 v36, v36;
	v31 =	vadd.f32 v31, v44;
	v44 =	vmul.f32 v35, v35;
	v48 =	vld [tilespmem:s25+$0xCC10]  }
0x86: {  	v45 =	vmul.f32 v32, v45;
	v49 =	vperm.xlane v30, v2;
	v50 =	vld [tilespmem:s25+$0xCC60]  }
0x87: {  	v51 =	vperm.xlane v31, v5;
	v33 =	vadd.f32 v44, v33;
	v44 =	vmul.f32 v40, v40;
	v52 =	vld [tilespmem:s25+$0xCC20]  }
0x88: {  	v45 =	vsub.f32 $1.500000000e+00, v45;
	v49 =	vadd.f32 v30, v49;
	v30 =	vperm.xlane v20, v12;
	v53 =	vld [tilespmem:s25+$0xCC70]  }
0x89: {  	v31 =	vadd.f32 v31, v51;
	v44 =	vadd.f32 v44, v47;
	v47 =	vld [tilespmem:s25+$0xCC30];
	v51 =	vperm.xlane v20, v13  }
0x8a: {  	v45 =	vmul.f32 v32, v45;
	v32 =	vperm.xlane v49, v3;
	vm0 =	vgt.s32 v30, $0x0  }
0x8b: {  	v54 =	vmul.f32 $1.562500000e-02, v31;
	v44 =	vadd.f32 v44, v33;
	v30 =	vsel vm0, v37, v38  }
0x8c: {  	v31 =	vsel vm0, v46, v48;
	v25 =	vmul.f32 v45, v25;
	v37 =	vadd.f32 v49, v32;
	v38 =	vld [tilespmem:s25+$0xCCC0]  }
0x8d: {  	v32 =	vsel vm0, v50, v52;
	v46 =	vadd.f32 $9.999999970e-07, v54;
	v48 =	vperm.xlane v44, v2;
	v49 =	vld [tilespmem:s25+$0xCC80]  }
0x8e: {  	v25 =	vmul.f32 v25, v45;
	v50 =	vperm.xlane v37, v4;
	v33 =	vsel vm0, v53, v47  }
0x8f: {  	v47 =	vshra.s32 v46, $0x1;
	v46 =	vmul.f32 $5.000000000e-01, v46;
	v44 =	vadd.f32 v44, v48;
	v48 =	vld [tilespmem:s25+$0xCCD0]  }
0x90: {  	v25 =	vsub.f32 $1.500000000e+00, v25;
	v47 =	vsub.s32 $0x5F3759DF, v47;
	v37 =	vadd.f32 v37, v50;
	v50 =	vld [tilespmem:s25+$0xCC90]  }
0x91: {  	vm0 =	vgt.s32 v51, $0x0;
	v52 =	vmul.f32 v47, v46;
	v53 =	vperm.xlane v44, v3;
	v51 =	vld [tilespmem:s25+$0xCCE0]  }
0x92: {  	v45 =	vmul.f32 v25, v45;
	v54 =	vperm.xlane v37, v5;
	v25 =	vsel vm0, v38, v49;
	v38 =	vld [tilespmem:s25+$0xCCA0]  }
0x93: {  	v49 =	vmul.f32 v47, v52;
	v44 =	vadd.f32 v44, v53;
	v52 =	vmul.f32 v30, v30  }
0x94: {  	v21 =	vmul.f32 v45, v21;
	v22 =	vmul.f32 v45, v22;
	v37 =	vadd.f32 v37, v54  }
0x95: {  	v23 =	vmul.f32 v45, v23;
	v24 =	vmul.f32 v45, v24;
	v45 =	vsub.f32 $1.500000000e+00, v49  }
0x96: {  	v49 =	vperm.xlane v44, v4;
	[tilespmem:s25+$0x14A00] =	vst v21;
	v37 =	vmul.f32 $1.562500000e-02, v37;
	v21 =	vsel vm0, v48, v50;
	v48 =	vld [tilespmem:s25+$0xCCF0]  }
0x97: {  	[tilespmem:s25+$0x14A10] =	vst v22;
	v45 =	vmul.f32 v47, v45;
	v47 =	vmul.f32 v31, v31;
	v22 =	vsel vm0, v51, v38;
	v38 =	vld [tilespmem:s25+$0xCCB0]  }
0x98: {  	[tilespmem:s25+$0x14A20] =	vst v23;
	v23 =	vadd.f32 $9.999999970e-07, v37;
	v37 =	vadd.f32 v44, v49;
	v44 =	vmul.f32 v32, v32  }
0x99: {  	[tilespmem:s25+$0x14A30] =	vst v24;
	v24 =	vmul.f32 v45, v46;
	v46 =	vadd.f32 v47, v52;
	v47 =	vmul.f32 v33, v33  }
0x9a: {  	v49 =	vshra.s32 v23, $0x1;
	v50 =	vmul.f32 $5.000000000e-01, v23;
	v23 =	vperm.xlane v37, v5  }
0x9b: {  	v24 =	vmul.f32 v24, v45;
	v49 =	vsub.s32 $0x5F3759DF, v49;
	v44 =	vadd.f32 v47, v44  }
0x9c: {  	v47 =	vmul.f32 v49, v50;
	v37 =	vadd.f32 v37, v23;
	v23 =	vsel vm0, v48, v38  }
0x9d: {  	v24 =	vsub.f32 $1.500000000e+00, v24;
	v38 =	vadd.f32 v44, v46;
	v44 =	vmul.f32 v25, v25  }
0x9e: {  	v46 =	vmul.f32 v49, v47;
	v37 =	vmul.f32 $1.562500000e-02, v37  }
0x9f: {  	v24 =	vmul.f32 v24, v45;
	v45 =	vperm.xlane v38, v2  }
0xa0: {  	v47 =	vmul.f32 v21, v21;
	v46 =	vsub.f32 $1.500000000e+00, v46;
	v37 =	vadd.f32 $9.999999970e-07, v37;
	v48 =	vld [tilespmem:s25+$0xCD40]  }
0xa1: {  	v26 =	vmul.f32 v24, v26;
	v27 =	vmul.f32 v24, v27;
	v38 =	vadd.f32 v38, v45;
	v45 =	vld [tilespmem:s25+$0xCD00]  }
0xa2: {  	v28 =	vmul.f32 v24, v28;
	v24 =	vmul.f32 v24, v29;
	v29 =	vshra.s32 v37, $0x1;
	v51 =	vld [tilespmem:s25+$0xCD50]  }
0xa3: {  	[tilespmem:s25+$0x14A80] =	vst v26;
	v26 =	vmul.f32 v49, v46;
	v46 =	vsub.s32 $0x5F3759DF, v29;
	v49 =	vmul.f32 $5.000000000e-01, v37;
	v29 =	vld [tilespmem:s25+$0xCD10]  }
0xa4: {  	v37 =	vadd.f32 v47, v44;
	v44 =	vmul.f32 v22, v22;
	[tilespmem:s25+$0x14A90] =	vst v27;
	v27 =	vperm.xlane v38, v3;
	v47 =	vld [tilespmem:s25+$0xCD60]  }
0xa5: {  	[tilespmem:s25+$0x14AA0] =	vst v28;
	v28 =	vmul.f32 v26, v50;
	v50 =	vmul.f32 v46, v49;
	v52 =	vld [tilespmem:s25+$0xCD20]  }
0xa6: {  	[tilespmem:s25+$0x14AB0] =	vst v24;
	v27 =	vadd.f32 v38, v27;
	v24 =	vmul.f32 v23, v23;
	v38 =	vperm.xlane v20, v14;
	v53 =	vld [tilespmem:s25+$0xCD70]  }
0xa7: {  	v28 =	vmul.f32 v28, v26;
	v50 =	vmul.f32 v46, v50;
	v54 =	vld [tilespmem:s25+$0xCD30]  }
0xa8: {  	v55 =	vperm.xlane v27, v4;
	v44 =	vadd.f32 v24, v44;
	vm0 =	vgt.s32 v38, $0x0  }
0xa9: {  	v28 =	vsub.f32 $1.500000000e+00, v28;
	v38 =	vsub.f32 $1.500000000e+00, v50;
	v24 =	vsel vm0, v48, v45  }
0xaa: {  	v29 =	vsel vm0, v51, v29;
	v27 =	vadd.f32 v27, v55;
	v44 =	vadd.f32 v44, v37  }
0xab: {  	v37 =	vsel vm0, v47, v52;
	v26 =	vmul.f32 v28, v26;
	v28 =	vmul.f32 v46, v38  }
0xac: {  	v45 =	vperm.xlane v27, v5;
	v46 =	vperm.xlane v44, v2;
	v38 =	vsel vm0, v53, v54  }
0xad: {  	v39 =	vmul.f32 v26, v39;
	v42 =	vmul.f32 v26, v42  }
0xae: {  	v41 =	vmul.f32 v26, v41;
	v26 =	vmul.f32 v26, v43;
	v27 =	vadd.f32 v27, v45  }
0xaf: {  	v43 =	vadd.f32 v44, v46;
	v44 =	vmul.f32 v24, v24;
	[tilespmem:s25+$0x14B00] =	vst v39;
	v39 =	vmul.f32 v28, v49;
	v45 =	vld [tilespmem:s25+$0xCDC0]  }
0xb0: {  	[tilespmem:s25+$0x14B10] =	vst v42;
	v27 =	vmul.f32 $1.562500000e-02, v27;
	v42 =	vmul.f32 v29, v29;
	v46 =	vld [tilespmem:s25+$0xCD80]  }
0xb1: {  	[tilespmem:s25+$0x14B20] =	vst v41;
	v39 =	vmul.f32 v39, v28;
	v41 =	vperm.xlane v43, v3;
	v47 =	vld [tilespmem:s25+$0xCDD0]  }
0xb2: {  	v48 =	vmul.f32 v38, v38;
	[tilespmem:s25+$0x14B30] =	vst v26;
	v26 =	vadd.f32 $9.999999970e-07, v27;
	v27 =	vmul.f32 v37, v37;
	v49 =	vld [tilespmem:s25+$0xCD90]  }
0xb3: {  	v39 =	vsub.f32 $1.500000000e+00, v39;
	v41 =	vadd.f32 v43, v41;
	v43 =	vperm.xlane v20, v15;
	v50 =	vld [tilespmem:s25+$0xCDE0]  }
0xb4: {  	v51 =	vshra.s32 v26, $0x1;
	v52 =	vmul.f32 $5.000000000e-01, v26;
	v26 =	vadd.f32 v42, v44;
	v42 =	vld [tilespmem:s25+$0xCDA0]  }
0xb5: {  	v28 =	vmul.f32 v39, v28;
	v39 =	vsub.s32 $0x5F3759DF, v51;
	v44 =	vperm.xlane v41, v4;
	v51 =	vld [tilespmem:s25+$0xCDF0]  }
0xb6: {  	v27 =	vadd.f32 v48, v27;
	vm0 =	vgt.s32 v43, $0x0;
	v53 =	vmul.f32 v39, v52;
	v43 =	vld [tilespmem:s25+$0xCDB0]  }
0xb7: {  	v34 =	vmul.f32 v28, v34;
	v35 =	vmul.f32 v28, v35;
	v41 =	vadd.f32 v41, v44  }
0xb8: {  	v36 =	vmul.f32 v28, v36;
	v28 =	vmul.f32 v28, v40;
	v40 =	vadd.f32 v27, v26  }
0xb9: {  	v26 =	vsel vm0, v45, v46;
	v44 =	vmul.f32 v39, v53;
	[tilespmem:s25+$0x14B80] =	vst v34;
	v48 =	vperm.xlane v41, v5  }
0xba: {  	v45 =	vperm.xlane v40, v2;
	v34 =	vsel vm0, v47, v49;
	v27 =	vsel vm0, v50, v42;
	[tilespmem:s25+$0x14B90] =	vst v35  }
0xbb: {  	[tilespmem:s25+$0x14BA0] =	vst v36;
	v36 =	vsub.f32 $1.500000000e+00, v44;
	v41 =	vadd.f32 v41, v48;
	v35 =	vsel vm0, v51, v43  }
0xbc: {  	v42 =	vmul.f32 v34, v34;
	[tilespmem:s25+$0x14BB0] =	vst v28;
	v28 =	vadd.f32 v40, v45;
	v40 =	vmul.f32 v26, v26;
	v43 =	vld [tilespmem:s25+$0xCE40]  }
0xbd: {  	v39 =	vmul.f32 v39, v36;
	v36 =	vmul.f32 $1.562500000e-02, v41;
	v41 =	vld [tilespmem:s25+$0xCE00]  }
0xbe: {  	v44 =	vperm.xlane v28, v3;
	v40 =	vadd.f32 v42, v40;
	v42 =	vmul.f32 v27, v27;
	v45 =	vld [tilespmem:s25+$0xCE50]  }
0xbf: {  	v47 =	vmul.f32 v35, v35;
	v46 =	vmul.f32 v39, v52;
	v36 =	vadd.f32 $9.999999970e-07, v36;
	v48 =	vld [tilespmem:s25+$0xCE10]  }
0xc0: {  	v50 =	vperm.xlane v20, v17;
	v28 =	vadd.f32 v28, v44;
	v44 =	vperm.xlane v20, v16;
	v49 =	vld [tilespmem:s25+$0xCE60]  }
0xc1: {  	v46 =	vmul.f32 v46, v39;
	v51 =	vshra.s32 v36, $0x1;
	v52 =	vmul.f32 $5.000000000e-01, v36;
	v53 =	vld [tilespmem:s25+$0xCE20]  }
0xc2: {  	v42 =	vadd.f32 v47, v42;
	v51 =	vsub.s32 $0x5F3759DF, v51;
	v36 =	vperm.xlane v28, v4  }
0xc3: {  	vm0 =	vgt.s32 v44, $0x0;
	v46 =	vsub.f32 $1.500000000e+00, v46;
	v47 =	vmul.f32 v51, v52;
	v44 =	vld [tilespmem:s25+$0xCE70]  }
0xc4: {  	v42 =	vadd.f32 v42, v40;
	v28 =	vadd.f32 v28, v36;
	v36 =	vsel vm0, v43, v41;
	v41 =	vld [tilespmem:s25+$0xCE30]  }
0xc5: {  	v43 =	vmul.f32 v46, v39;
	v46 =	vmul.f32 v51, v47;
	v39 =	vsel vm0, v45, v48;
	v45 =	vld [tilespmem:s25+$0xCEC0]  }
0xc6: {  	v48 =	vperm.xlane v42, v2;
	v47 =	vperm.xlane v28, v5;
	v40 =	vsel vm0, v49, v53;
	v49 =	vld [tilespmem:s25+$0xCE80]  }
0xc7: {  	v30 =	vmul.f32 v43, v30;
	v53 =	vmul.f32 v43, v31;
	v31 =	vsub.f32 $1.500000000e+00, v46  }
0xc8: {  	v32 =	vmul.f32 v43, v32;
	v33 =	vmul.f32 v43, v33;
	v28 =	vadd.f32 v28, v47;
	v43 =	vld [tilespmem:s25+$0xCED0]  }
0xc9: {  	[tilespmem:s25+$0x14C00] =	vst v30;
	v46 =	vmul.f32 v51, v31;
	v30 =	vadd.f32 v42, v48;
	v31 =	vsel vm0, v44, v41;
	v41 =	vld [tilespmem:s25+$0xCE90]  }
0xca: {  	v44 =	vmul.f32 v36, v36;
	vm0 =	vgt.s32 v50, $0x0;
	[tilespmem:s25+$0x14C10] =	vst v53;
	v42 =	vmul.f32 $1.562500000e-02, v28;
	v47 =	vld [tilespmem:s25+$0xCEE0]  }
0xcb: {  	[tilespmem:s25+$0x14C20] =	vst v32;
	v32 =	vmul.f32 v46, v52;
	v48 =	vperm.xlane v30, v3;
	v28 =	vsel vm0, v45, v49;
	v45 =	vld [tilespmem:s25+$0xCEA0]  }
0xcc: {  	v49 =	vmul.f32 v40, v40;
	[tilespmem:s25+$0x14C30] =	vst v33;
	v33 =	vadd.f32 $9.999999970e-07, v42;
	v42 =	vmul.f32 v39, v39;
	v50 =	vld [tilespmem:s25+$0xCEF0]  }
0xcd: {  	v32 =	vmul.f32 v32, v46;
	v48 =	vadd.f32 v30, v48;
	v30 =	vmul.f32 v31, v31;
	v51 =	vld [tilespmem:s25+$0xCEB0]  }
0xce: {  	v52 =	vshra.s32 v33, $0x1;
	v53 =	vmul.f32 $5.000000000e-01, v33;
	v33 =	vadd.f32 v42, v44  }
0xcf: {  	v32 =	vsub.f32 $1.500000000e+00, v32;
	v42 =	vsub.s32 $0x5F3759DF, v52;
	v44 =	vperm.xlane v48, v4  }
0xd0: {  	v49 =	vadd.f32 v30, v49;
	v30 =	vsel vm0, v43, v41;
	v52 =	vmul.f32 v42, v53  }
0xd1: {  	v41 =	vmul.f32 v32, v46;
	v43 =	vadd.f32 v48, v44;
	v32 =	vsel vm0, v47, v45  }
0xd2: {  	v45 =	vadd.f32 v49, v33;
	v44 =	vmul.f32 v42, v52;
	v33 =	vsel vm0, v50, v51  }
0xd3: {  	v25 =	vmul.f32 v41, v25;
	v21 =	vmul.f32 v41, v21  }
0xd4: {  	v22 =	vmul.f32 v41, v22;
	v23 =	vmul.f32 v41, v23;
	v41 =	vsub.f32 $1.500000000e+00, v44  }
0xd5: {  	v44 =	vperm.xlane v45, v2;
	[tilespmem:s25+$0x14C80] =	vst v25;
	v25 =	vperm.xlane v43, v5  }
0xd6: {  	[tilespmem:s25+$0x14C90] =	vst v21;
	v21 =	vmul.f32 v42, v41;
	v41 =	vmul.f32 v28, v28  }
0xd7: {  	v42 =	vmul.f32 v30, v30;
	[tilespmem:s25+$0x14CA0] =	vst v22;
	v22 =	vadd.f32 v43, v25;
	v25 =	vadd.f32 v45, v44;
	v43 =	vld [tilespmem:s25+$0xCF40]  }
0xd8: {  	v44 =	vmul.f32 v32, v32;
	[tilespmem:s25+$0x14CB0] =	vst v23;
	v23 =	vmul.f32 v21, v53;
	v45 =	vld [tilespmem:s25+$0xCF00]  }
0xd9: {  	v41 =	vadd.f32 v42, v41;
	v22 =	vmul.f32 $1.562500000e-02, v22;
	v46 =	vperm.xlane v25, v3;
	v42 =	vld [tilespmem:s25+$0xCF50]  }
0xda: {  	v47 =	vmul.f32 v33, v33;
	v23 =	vmul.f32 v23, v21;
	v48 =	vld [tilespmem:s25+$0xCF10]  }
0xdb: {  	v22 =	vadd.f32 $9.999999970e-07, v22;
	v25 =	vadd.f32 v25, v46;
	v46 =	vperm.xlane v20, v18;
	v49 =	vld [tilespmem:s25+$0xCF60]  }
0xdc: {  	v50 =	vperm.xlane v20, v19;
	v44 =	vadd.f32 v47, v44;
	v23 =	vsub.f32 $1.500000000e+00, v23;
	v47 =	vld [tilespmem:s25+$0xCF20]  }
0xdd: {  	v20 =	vshra.s32 v22, $0x1;
	v22 =	vmul.f32 $5.000000000e-01, v22;
	v51 =	vperm.xlane v25, v4;
	v52 =	vld [tilespmem:s25+$0xCF70]  }
0xde: {  	v41 =	vadd.f32 v44, v41;
	v21 =	vmul.f32 v23, v21;
	v53 =	vsub.s32 $0x5F3759DF, v20;
	v44 =	vld [tilespmem:s25+$0xCF30]  }
0xdf: {  	vm0 =	vgt.s32 v46, $0x0;
	v23 =	vmul.f32 v53, v22;
	v51 =	vadd.f32 v25, v51  }
0xe0: {  	v20 =	vsel vm0, v43, v45;
	v24 =	vmul.f32 v21, v24;
	v25 =	vmul.f32 v21, v29  }
0xe1: {  	v29 =	vmul.f32 v21, v37;
	v37 =	vmul.f32 v21, v38;
	v21 =	vsel vm0, v42, v48;
	v38 =	vld [tilespmem:s25+$0xCFC0]  }
0xe2: {  	v42 =	vperm.xlane v51, v5;
	[tilespmem:s25+$0x14D00] =	vst v24;
	v24 =	vmul.f32 v53, v23;
	v23 =	vsel vm0, v49, v47;
	v43 =	vld [tilespmem:s25+$0xCF80]  }
0xe3: {  	v45 =	vperm.xlane v41, v2;
	[tilespmem:s25+$0x14D10] =	vst v25;
	v25 =	vsel vm0, v52, v44;
	v44 =	vmul.f32 v20, v20;
	v46 =	vld [tilespmem:s25+$0xCFD0]  }
0xe4: {  	[tilespmem:s25+$0x14D20] =	vst v29;
	v24 =	vsub.f32 $1.500000000e+00, v24;
	v29 =	vadd.f32 v51, v42;
	v42 =	vmul.f32 v21, v21;
	v47 =	vld [tilespmem:s25+$0xCF90]  }
0xe5: {  	[tilespmem:s25+$0x14D30] =	vst v37;
	v37 =	vadd.f32 v41, v45;
	v41 =	vmul.f32 v23, v23;
	v45 =	vmul.f32 v25, v25;
	v48 =	vld [tilespmem:s25+$0xCFE0]  }
0xe6: {  	v49 =	vmul.f32 v53, v24;
	v24 =	vmul.f32 $1.562500000e-02, v29;
	v29 =	vadd.f32 v42, v44;
	v42 =	vld [tilespmem:s25+$0xCFA0]  }
0xe7: {  	vm0 =	vgt.s32 v50, $0x0;
	v44 =	vperm.xlane v37, v3;
	v41 =	vadd.f32 v45, v41;
	v45 =	vld [tilespmem:s25+$0xCFF0]  }
0xe8: {  	v50 =	vmul.f32 v49, v22;
	v51 =	vadd.f32 $9.999999970e-07, v24;
	v22 =	vsel vm0, v38, v43;
	v38 =	vld [tilespmem:s25+$0xCFB0]  }
0xe9: {  	v37 =	vadd.f32 v37, v44;
	v41 =	vadd.f32 v41, v29;
	v24 =	vsel vm0, v46, v47  }
0xea: {  	v29 =	vmul.f32 v50, v49;
	v43 =	vshra.s32 v51, $0x1;
	v44 =	vmul.f32 $5.000000000e-01, v51  }
0xeb: {  	v43 =	vsub.s32 $0x5F3759DF, v43;
	v46 =	vperm.xlane v37, v4;
	v47 =	vperm.xlane v41, v2  }
0xec: {  	v50 =	vsub.f32 $1.500000000e+00, v29;
	v51 =	vmul.f32 v43, v44;
	v29 =	vsel vm0, v48, v42  }
0xed: {  	v42 =	vadd.f32 v37, v46;
	v41 =	vadd.f32 v41, v47;
	v37 =	vsel vm0, v45, v38  }
0xee: {  	v38 =	vmul.f32 v50, v49;
	v45 =	vmul.f32 v43, v51  }
0xef: {  	v46 =	vperm.xlane v42, v5;
	v47 =	vperm.xlane v41, v3  }
0xf0: {  	v26 =	vmul.f32 v38, v26;
	v34 =	vmul.f32 v38, v34;
	v45 =	vsub.f32 $1.500000000e+00, v45  }
0xf1: {  	v27 =	vmul.f32 v38, v27;
	v35 =	vmul.f32 v38, v35;
	v38 =	vadd.f32 v42, v46  }
0xf2: {  	v41 =	vadd.f32 v41, v47;
	v42 =	vmul.f32 v22, v22;
	[tilespmem:s25+$0x14D80] =	vst v26;
	v26 =	vmul.f32 v43, v45  }
0xf3: {  	[tilespmem:s25+$0x14D90] =	vst v34;
	v34 =	vmul.f32 $1.562500000e-02, v38;
	v38 =	vmul.f32 v24, v24  }
0xf4: {  	v43 =	vperm.xlane v41, v4;
	[tilespmem:s25+$0x14DA0] =	vst v27;
	v27 =	vmul.f32 v26, v44  }
0xf5: {  	v44 =	vmul.f32 v37, v37;
	[tilespmem:s25+$0x14DB0] =	vst v35;
	v34 =	vadd.f32 $9.999999970e-07, v34;
	v35 =	vmul.f32 v29, v29  }
0xf6: {  	v41 =	vadd.f32 v41, v43;
	v38 =	vadd.f32 v38, v42;
	v27 =	vmul.f32 v27, v26  }
0xf7: {  	v42 =	vshra.s32 v34, $0x1;
	v34 =	vmul.f32 $5.000000000e-01, v34;
	v35 =	vadd.f32 v44, v35  }
0xf8: {  	v43 =	vperm.xlane v41, v5;
	v27 =	vsub.f32 $1.500000000e+00, v27;
	v42 =	vsub.s32 $0x5F3759DF, v42  }
0xf9: {  	v44 =	vmul.f32 v42, v34;
	v35 =	vadd.f32 v35, v38  }
0xfa: {  	v26 =	vmul.f32 v27, v26;
	v27 =	vadd.f32 v41, v43  }
0xfb: {  	v38 =	vmul.f32 v42, v44;
	v41 =	vperm.xlane v35, v2  }
0xfc: {  	v36 =	vmul.f32 v26, v36;
	v39 =	vmul.f32 v26, v39  }
0xfd: {  	v40 =	vmul.f32 v26, v40;
	v26 =	vmul.f32 v26, v31;
	v31 =	vsub.f32 $1.500000000e+00, v38  }
0xfe: {  	v27 =	vmul.f32 $1.562500000e-02, v27;
	v35 =	vadd.f32 v35, v41;
	[tilespmem:s25+$0x14E00] =	vst v36  }
0xff: {  	[tilespmem:s25+$0x14E10] =	vst v39;
	v31 =	vmul.f32 v42, v31  }
0x100: {  	v27 =	vadd.f32 $9.999999970e-07, v27;
	v36 =	vperm.xlane v35, v3;
	[tilespmem:s25+$0x14E20] =	vst v40  }
0x101: {  	[tilespmem:s25+$0x14E30] =	vst v26;
	v26 =	vmul.f32 v31, v34  }
0x102: {  	v34 =	vshra.s32 v27, $0x1;
	v27 =	vmul.f32 $5.000000000e-01, v27;
	v35 =	vadd.f32 v35, v36  }
0x103: {  	v34 =	vsub.s32 $0x5F3759DF, v34;
	v26 =	vmul.f32 v26, v31  }
0x104: {  	v36 =	vmul.f32 v34, v27;
	v38 =	vperm.xlane v35, v4  }
0x105: {  	v26 =	vsub.f32 $1.500000000e+00, v26  }
0x106: {  	v36 =	vmul.f32 v34, v36;
	v35 =	vadd.f32 v35, v38  }
0x107: {  	v26 =	vmul.f32 v26, v31  }
0x108: {  	v31 =	vsub.f32 $1.500000000e+00, v36;
	v36 =	vperm.xlane v35, v5  }
0x109: {  	v28 =	vmul.f32 v26, v28;
	v30 =	vmul.f32 v26, v30  }
0x10a: {  	v32 =	vmul.f32 v26, v32;
	v26 =	vmul.f32 v26, v33;
	v33 =	vadd.f32 v35, v36  }
0x10b: {  	[tilespmem:s25+$0x14E80] =	vst v28;
	v28 =	vmul.f32 v34, v31  }
0x10c: {  	[tilespmem:s25+$0x14E90] =	vst v30;
	v30 =	vmul.f32 $1.562500000e-02, v33  }
0x10d: {  	[tilespmem:s25+$0x14EA0] =	vst v32;
	v27 =	vmul.f32 v28, v27  }
0x10e: {  	[tilespmem:s25+$0x14EB0] =	vst v26;
	v26 =	vadd.f32 $9.999999970e-07, v30  }
0x10f: {  	v27 =	vmul.f32 v27, v28  }
0x110: {  	v30 =	vshra.s32 v26, $0x1;
	v26 =	vmul.f32 $5.000000000e-01, v26  }
0x111: {  	v27 =	vsub.f32 $1.500000000e+00, v27;
	v30 =	vsub.s32 $0x5F3759DF, v30  }
0x112: {  	v31 =	vmul.f32 v30, v26  }
0x113: {  	v27 =	vmul.f32 v27, v28  }
0x114: {  	v28 =	vmul.f32 v30, v31  }
0x115: {  	v20 =	vmul.f32 v27, v20;
	v21 =	vmul.f32 v27, v21  }
0x116: {  	v23 =	vmul.f32 v27, v23;
	v27 =	vmul.f32 v27, v25;
	v25 =	vsub.f32 $1.500000000e+00, v28  }
0x117: {  	[tilespmem:s25+$0x14F00] =	vst v20  }
0x118: {  	s30 =	sshra.s32 s28, $0x2;
	[tilespmem:s25+$0x14F10] =	vst v21;
	v20 =	vmul.f32 v30, v25  }
0x119: {  	v21 =	vld [tilespmem:s30+$0xC840];
	[tilespmem:s25+$0x14F20] =	vst v23  }
0x11a: {  	v25 =	vld [tilespmem:s30+$0xC800];
	[tilespmem:s25+$0x14F30] =	vst v27;
	v23 =	vmul.f32 v20, v26  }
0x11b: {  	v27 =	vld [tilespmem:s30+$0xC850]  }
0x11c: {  	v28 =	vld [tilespmem:s30+$0xC810];
	v23 =	vmul.f32 v23, v20  }
0x11d: {  	v30 =	vld [tilespmem:s30+$0xC860]  }
0x11e: {  	v31 =	vld [tilespmem:s30+$0xC820];
	v23 =	vsub.f32 $1.500000000e+00, v23  }
0x11f: {  	v32 =	vld [tilespmem:s30+$0xC870]  }
0x120: {  	v35 =	vld [tilespmem:s30+$0xC830];
	v20 =	vmul.f32 v23, v20  }
0x121: {  	v23 =	vld [tilespmem:s30+$0xC8C0]  }
0x122: {  	v26 =	vld [tilespmem:s30+$0xC880];
	v33 =	vmul.f32 v20, v22;
	v34 =	vmul.f32 v20, v24  }
0x123: {  	v36 =	vmul.f32 v20, v29;
	v20 =	vmul.f32 v20, v37;
	v22 =	vld [tilespmem:s30+$0xC8D0]  }
0x124: {  	v24 =	vld [tilespmem:s30+$0xC890];
	[tilespmem:s25+$0x14F80] =	vst v33  }
.Ltmp0:
0x125: {  	v29 =	vld [tilespmem:s30+$0xC8E0];
	[tilespmem:s25+$0x14F90] =	vst v34;
	(pc) =	sbr.rel @p1 .LBB2_3-.Ltmp0, $4  }
0x126: {  	v34 =	vld [tilespmem:s30+$0xC8A0];
	[tilespmem:s25+$0x14FA0] =	vst v36  }
0x127: {  	s29 =	sadd.s32 $0x10, s29;
	v33 =	vld [tilespmem:s30+$0xC8F0];
	[tilespmem:s25+$0x14FB0] =	vst v20;
	s25 =	smov.u32 s30  }
0x128: {  	v20 =	vld [tilespmem:s29+$0x0]  }
0x129: {  	s28 =	sadd.s32 $0x2000, s28;
	v45 =	vld [tilespmem:s25+$0xC8B0]  }
0x12a: {  	_ =	sdelay $0x2  }
0x12b: {  	v20 =	vand.u32 $0x1, v20  }
0x12c: {  	v36 =	vperm.xlane v20, v1;
	_ =	sdelay $0x1  }
0x12d: {  	v37 =	vperm.xlane v20, v0;
	vm0 =	vgt.s32 v36, $0x0  }
0x12e: {  	v40 =	vsel vm0, v21, v25;
	v39 =	vsel vm0, v27, v28;
	v38 =	vsel vm0, v30, v31  }
0x12f: {  	v41 =	vld [tilespmem:s25+$0xC950];
	v36 =	vsel vm0, v32, v35;
	v21 =	vmul.f32 v40, v40;
	v25 =	vmul.f32 v39, v39  }
0x130: {  	v42 =	vld [tilespmem:s25+$0xC930];
	v28 =	vmul.f32 v38, v38;
	v30 =	vmul.f32 v36, v36  }
0x131: {  	v43 =	vld [tilespmem:s25+$0xC9D0];
	vm13 =	vgt.s32 v37, $0x0  }
0x132: {  	v44 =	vld [tilespmem:s25+$0xC990];
	v37 =	vsel vm13, v23, v26;
	v21 =	vadd.f32 v25, v21;
	v25 =	vadd.f32 v30, v28  }
0x133: {  	v61 =	vld [tilespmem:s25+$0xC9E0];
	v35 =	vsel vm13, v22, v24;
	v34 =	vsel vm13, v29, v34;
	v33 =	vsel vm13, v33, v45  }
0x134: {  	v48 =	vld [tilespmem:s25+$0xC9A0];
	v23 =	vmul.f32 v37, v37;
	v26 =	vmul.f32 v34, v34;
	v21 =	vadd.f32 v25, v21  }
0x135: {  	v27 =	vld [tilespmem:s25+$0xC940];
	v30 =	vmul.f32 v33, v33;
	v25 =	vmul.f32 v35, v35  }
0x136: {  	v31 =	vld [tilespmem:s25+$0xC900];
	v59 =	vperm.xlane v21, v2  }
0x137: {  	v22 =	vld [tilespmem:s25+$0xC960];
	v26 =	vadd.f32 v30, v26;
	v23 =	vadd.f32 v25, v23  }
0x138: {  	v24 =	vld [tilespmem:s25+$0xC920];
	v21 =	vadd.f32 v21, v59  }
0x139: {  	v60 =	vperm.xlane v20, v6;
	v28 =	vld [tilespmem:s25+$0xC910];
	v23 =	vadd.f32 v26, v23  }
0x13a: {  	v47 =	vperm.xlane v20, v7;
	v29 =	vld [tilespmem:s25+$0xC970];
	v26 =	vperm.xlane v21, v3  }
0x13b: {  	v30 =	vld [tilespmem:s25+$0xC980];
	v46 =	vperm.xlane v23, v2  }
0x13c: {  	vm14 =	vgt.s32 v60, $0x0;
	vm15 =	vgt.s32 v47, $0x0;
	v25 =	vld [tilespmem:s25+$0xC9C0];
	v21 =	vadd.f32 v21, v26  }
0x13d: {  	v62 =	vld [tilespmem:s25+$0xC9B0];
	v32 =	vsel vm14, v27, v31;
	v27 =	vsel vm14, v22, v24;
	v23 =	vadd.f32 v23, v46  }
0x13e: {  	v22 =	vld [tilespmem:s25+$0xC9F0];
	v31 =	vsel vm14, v41, v28;
	v28 =	vmul.f32 v32, v32;
	v24 =	vperm.xlane v21, v4  }
0x13f: {  	v26 =	vsel vm14, v29, v42;
	v29 =	vmul.f32 v31, v31;
	v63 =	vperm.xlane v23, v3  }
0x140: {  	v50 =	vmul.f32 v26, v26;
	v21 =	vadd.f32 v21, v24;
	v24 =	vmul.f32 v27, v27  }
0x141: {  	v49 =	vadd.f32 v29, v28;
	v28 =	vsel vm15, v25, v30;
	v23 =	vadd.f32 v23, v63  }
0x142: {  	v29 =	vsel vm15, v43, v44;
	v51 =	vperm.xlane v21, v5;
	v24 =	vadd.f32 v50, v24  }
0x143: {  	v30 =	vsel vm15, v61, v48;
	v25 =	vsel vm15, v22, v62;
	v22 =	vperm.xlane v23, v4  }
0x144: {  	v52 =	vmul.f32 v28, v28;
	v21 =	vadd.f32 v21, v51;
	v24 =	vadd.f32 v24, v49  }
0x145: {  	v53 =	vmul.f32 v29, v29;
	v54 =	vmul.f32 v30, v30;
	v22 =	vadd.f32 v23, v22  }
0x146: {  	v21 =	vmul.f32 $1.562500000e-02, v21;
	v23 =	vperm.xlane v24, v2  }
0x147: {  	v55 =	vmul.f32 v25, v25;
	v41 =	vadd.f32 v53, v52;
	v56 =	vperm.xlane v22, v5  }
0x148: {  	v21 =	vadd.f32 $9.999999970e-07, v21;
	v23 =	vadd.f32 v24, v23  }
0x149: {  	v24 =	vadd.f32 v55, v54;
	v22 =	vadd.f32 v22, v56  }
0x14a: {  	v57 =	vshra.s32 v21, $0x1;
	v21 =	vmul.f32 $5.000000000e-01, v21;
	v58 =	vperm.xlane v23, v3  }
0x14b: {  	v45 =	vld [tilespmem:s25+$0xCA40];
	v24 =	vadd.f32 v24, v41;
	v22 =	vmul.f32 $1.562500000e-02, v22;
	v41 =	vsub.s32 $0x5F3759DF, v57  }
0x14c: {  	v42 =	vld [tilespmem:s25+$0xCA10];
	v59 =	vmul.f32 v41, v21;
	v23 =	vadd.f32 v23, v58  }
0x14d: {  	v60 =	vperm.xlane v20, v8;
	v43 =	vld [tilespmem:s25+$0xCA00];
	v61 =	vperm.xlane v24, v2;
	v22 =	vadd.f32 $9.999999970e-07, v22  }
0x14e: {  	v44 =	vld [tilespmem:s25+$0xCA50];
	v47 =	vmul.f32 v41, v59;
	v62 =	vperm.xlane v23, v4  }
0x14f: {  	v46 =	vadd.f32 v24, v61;
	v24 =	vshra.s32 v22, $0x1;
	v53 =	vmul.f32 $5.000000000e-01, v22  }
0x150: {  	v50 =	vld [tilespmem:s25+$0xCA20];
	v54 =	vsub.s32 $0x5F3759DF, v24;
	v22 =	vsub.f32 $1.500000000e+00, v47;
	v63 =	vadd.f32 v23, v62  }
0x151: {  	vm4 =	vgt.s32 v60, $0x0;
	v49 =	vld [tilespmem:s25+$0xCA60];
	v57 =	vperm.xlane v46, v3;
	v58 =	vmul.f32 v54, v53  }
0x152: {  	v24 =	vsel vm4, v45, v43;
	v41 =	vmul.f32 v41, v22;
	v59 =	vperm.xlane v63, v5  }
0x153: {  	v52 =	vld [tilespmem:s25+$0xCA30];
	v23 =	vsel vm4, v44, v42;
	v60 =	vadd.f32 v46, v57;
	v43 =	vmul.f32 v54, v58  }
0x154: {  	v51 =	vld [tilespmem:s25+$0xCA70];
	v47 =	vmul.f32 v24, v24;
	v61 =	vmul.f32 v41, v21;
	v42 =	vadd.f32 v63, v59  }
0x155: {  	v62 =	vmul.f32 v23, v23;
	v46 =	vperm.xlane v60, v4;
	v43 =	vsub.f32 $1.500000000e+00, v43  }
0x156: {  	v22 =	vsel vm4, v49, v50;
	v45 =	vmul.f32 v61, v41;
	v42 =	vmul.f32 $1.562500000e-02, v42  }
0x157: {  	v47 =	vadd.f32 v62, v47;
	v44 =	vadd.f32 v60, v46;
	v43 =	vmul.f32 v54, v43  }
0x158: {  	v63 =	vmul.f32 v22, v22;
	v45 =	vsub.f32 $1.500000000e+00, v45;
	v42 =	vadd.f32 $9.999999970e-07, v42  }
0x159: {  	v21 =	vsel vm4, v51, v52;
	v55 =	vperm.xlane v44, v5;
	v53 =	vmul.f32 v43, v53  }
0x15a: {  	v52 =	vmul.f32 v21, v21;
	v41 =	vmul.f32 v45, v41;
	v57 =	vshra.s32 v42, $0x1  }
0x15b: {  	v42 =	vmul.f32 $5.000000000e-01, v42;
	v44 =	vadd.f32 v44, v55;
	v53 =	vmul.f32 v53, v43  }
0x15c: {  	v46 =	vadd.f32 v52, v63;
	v57 =	vsub.s32 $0x5F3759DF, v57;
	v40 =	vmul.f32 v41, v40  }
0x15d: {  	v48 =	vld [tilespmem:s25+$0xCAC0];
	v59 =	vmul.f32 v57, v42;
	v60 =	vmul.f32 $1.562500000e-02, v44;
	v61 =	vsub.f32 $1.500000000e+00, v53  }
0x15e: {  	v56 =	vld [tilespmem:s25+$0xCAE0];
	v52 =	vadd.f32 v46, v47;
	v39 =	vmul.f32 v41, v39;
	v38 =	vmul.f32 v41, v38  }
0x15f: {  	v50 =	vld [tilespmem:s25+$0xCA80];
	[tilespmem:s25+$0x14800] =	vst v40;
	v62 =	vmul.f32 v57, v59;
	v63 =	vadd.f32 $9.999999970e-07, v60;
	v40 =	vmul.f32 v61, v43  }
0x160: {  	v51 =	vld [tilespmem:s25+$0xCAD0];
	v36 =	vmul.f32 v41, v36;
	v60 =	vperm.xlane v52, v2  }
0x161: {  	v54 =	vld [tilespmem:s25+$0xCA90];
	[tilespmem:s25+$0x14810] =	vst v39;
	v53 =	vsub.f32 $1.500000000e+00, v62;
	v39 =	vmul.f32 $5.000000000e-01, v63;
	v37 =	vmul.f32 v40, v37  }
0x162: {  	v58 =	vld [tilespmem:s25+$0xCAB0];
	v59 =	vshra.s32 v63, $0x1;
	v35 =	vmul.f32 v40, v35;
	v62 =	vperm.xlane v20, v9  }
0x163: {  	v55 =	vld [tilespmem:s25+$0xCAF0];
	[tilespmem:s25+$0x14820] =	vst v38;
	v38 =	vadd.f32 v52, v60;
	v34 =	vmul.f32 v40, v34;
	v44 =	vsub.s32 $0x5F3759DF, v59  }
0x164: {  	v45 =	vld [tilespmem:s25+$0xCAA0];
	v46 =	vmul.f32 v57, v53;
	v61 =	vmul.f32 v44, v39;
	vm5 =	vgt.s32 v62, $0x0  }
0x165: {  	v33 =	vmul.f32 v40, v33;
	[tilespmem:s25+$0x14880] =	vst v37;
	v52 =	vperm.xlane v38, v3;
	v37 =	vsel vm5, v48, v50  }
0x166: {  	[tilespmem:s25+$0x14830] =	vst v36;
	v36 =	vsel vm5, v51, v54;
	v63 =	vmul.f32 v46, v42;
	v41 =	vmul.f32 v44, v61  }
0x167: {  	v50 =	vld [tilespmem:s25+$0xCB20];
	v59 =	vadd.f32 v38, v52;
	v60 =	vmul.f32 v37, v37;
	v62 =	vmul.f32 v36, v36  }
0x168: {  	[tilespmem:s25+$0x148B0] =	vst v33;
	v33 =	vsel vm5, v55, v58;
	v38 =	vld [tilespmem:s25+$0xCB60];
	v53 =	vsub.f32 $1.500000000e+00, v41;
	v57 =	vmul.f32 v63, v46  }
0x169: {  	v47 =	vld [tilespmem:s25+$0xCB00];
	[tilespmem:s25+$0x14890] =	vst v35;
	v41 =	vsel vm5, v56, v45;
	v63 =	vperm.xlane v59, v4;
	v35 =	vadd.f32 v62, v60  }
0x16a: {  	v43 =	vld [tilespmem:s25+$0xCB40];
	v60 =	vperm.xlane v20, v10;
	v40 =	vmul.f32 v44, v53;
	v61 =	vsub.f32 $1.500000000e+00, v57  }
0x16b: {  	v49 =	vld [tilespmem:s25+$0xCB10];
	v56 =	vmul.f32 v41, v41;
	v57 =	vmul.f32 v33, v33;
	v48 =	vadd.f32 v59, v63  }
0x16c: {  	v42 =	vld [tilespmem:s25+$0xCB50];
	vm6 =	vgt.s32 v60, $0x0;
	v39 =	vmul.f32 v40, v39;
	v44 =	vmul.f32 v61, v46  }
0x16d: {  	v58 =	vld [tilespmem:s25+$0xCB30];
	v38 =	vsel vm6, v38, v50;
	v61 =	vperm.xlane v20, v11;
	v63 =	vperm.xlane v48, v5  }
0x16e: {  	v46 =	vld [tilespmem:s25+$0xCB70];
	v59 =	vadd.f32 v57, v56;
	v60 =	vmul.f32 v38, v38;
	v32 =	vmul.f32 v44, v32  }
0x16f: {  	[tilespmem:s25+$0x148A0] =	vst v34;
	v34 =	vsel vm6, v43, v47;
	v39 =	vmul.f32 v39, v40;
	v27 =	vmul.f32 v44, v27  }
0x170: {  	v51 =	vld [tilespmem:s25+$0xCB80];
	v31 =	vmul.f32 v44, v31;
	v62 =	vadd.f32 v59, v35;
	v26 =	vmul.f32 v44, v26;
	[tilespmem:s25+$0x14900] =	vst v32  }
0x171: {  	v55 =	vld [tilespmem:s25+$0xCBD0];
	v35 =	vsel vm6, v42, v49;
	v39 =	vsub.f32 $1.500000000e+00, v39;
	[tilespmem:s25+$0x14920] =	vst v27;
	v27 =	vadd.f32 v48, v63  }
0x172: {  	v45 =	vld [tilespmem:s25+$0xCBC0];
	vm7 =	vgt.s32 v61, $0x0;
	v59 =	vmul.f32 v35, v35;
	[tilespmem:s25+$0x14910] =	vst v31;
	v57 =	vperm.xlane v62, v2  }
0x173: {  	[tilespmem:s25+$0x14930] =	vst v26;
	v32 =	vld [tilespmem:s25+$0xCBF0];
	v42 =	vsel vm6, v46, v58;
	v31 =	vmul.f32 v39, v40;
	v26 =	vmul.f32 $1.562500000e-02, v27  }
0x174: {  	v40 =	vadd.f32 v62, v57;
	v27 =	vmul.f32 v34, v34;
	v61 =	vmul.f32 v42, v42;
	v62 =	vld [tilespmem:s25+$0xCBB0]  }
0x175: {  	v56 =	vld [tilespmem:s25+$0xCB90];
	v28 =	vmul.f32 v31, v28;
	v29 =	vmul.f32 v31, v29  }
0x176: {  	v58 =	vperm.xlane v40, v3;
	v27 =	vadd.f32 v59, v27;
	v63 =	vadd.f32 v61, v60  }
0x177: {  	v43 =	vld [tilespmem:s25+$0xCBE0];
	v30 =	vmul.f32 v31, v30;
	v25 =	vmul.f32 v31, v25;
	[tilespmem:s25+$0x14980] =	vst v28;
	v28 =	vadd.f32 $9.999999970e-07, v26  }
0x178: {  	v44 =	vld [tilespmem:s25+$0xCBA0];
	v31 =	vadd.f32 v40, v58;
	v26 =	vsel vm7, v45, v51;
	v27 =	vadd.f32 v63, v27  }
0x179: {  	v57 =	vmul.f32 v26, v26;
	v32 =	vsel vm7, v32, v62;
	v52 =	vshra.s32 v28, $0x1  }
0x17a: {  	v53 =	vmul.f32 $5.000000000e-01, v28;
	v54 =	vperm.xlane v31, v4;
	v28 =	vsel vm7, v55, v56  }
0x17b: {  	[tilespmem:s25+$0x14990] =	vst v29;
	v59 =	vperm.xlane v27, v2;
	v60 =	vmul.f32 v32, v32;
	v56 =	vsub.s32 $0x5F3759DF, v52  }
0x17c: {  	[tilespmem:s25+$0x149A0] =	vst v30;
	v30 =	vmul.f32 v28, v28;
	v29 =	vmul.f32 v56, v53  }
0x17d: {  	v58 =	vadd.f32 v31, v54;
	v31 =	vsel vm7, v43, v44;
	v27 =	vadd.f32 v27, v59  }
0x17e: {  	[tilespmem:s25+$0x149B0] =	vst v25;
	v44 =	vmul.f32 v31, v31;
	v25 =	vmul.f32 v56, v29  }
0x17f: {  	v30 =	vadd.f32 v30, v57;
	v29 =	vperm.xlane v58, v5;
	v62 =	vperm.xlane v27, v3  }
0x180: {  	v46 =	vld [tilespmem:s25+$0xCC50];
	v44 =	vadd.f32 v60, v44;
	v25 =	vsub.f32 $1.500000000e+00, v25  }
0x181: {  	v61 =	vld [tilespmem:s25+$0xCC00];
	v45 =	vperm.xlane v20, v13;
	v29 =	vadd.f32 v58, v29;
	v27 =	vadd.f32 v27, v62  }
0x182: {  	v40 =	vld [tilespmem:s25+$0xCC40];
	v57 =	vperm.xlane v20, v12;
	v30 =	vadd.f32 v44, v30;
	v25 =	vmul.f32 v56, v25  }
0x183: {  	v39 =	vld [tilespmem:s25+$0xCC60];
	v29 =	vmul.f32 $1.562500000e-02, v29;
	v59 =	vperm.xlane v27, v4  }
0x184: {  	v63 =	vld [tilespmem:s25+$0xCC10];
	v58 =	vperm.xlane v30, v2;
	v47 =	vmul.f32 v25, v53  }
0x185: {  	vm9 =	vgt.s32 v45, $0x0;
	vm8 =	vgt.s32 v57, $0x0;
	v44 =	vld [tilespmem:s25+$0xCC20];
	v29 =	vadd.f32 $9.999999970e-07, v29  }
0x186: {  	v50 =	vld [tilespmem:s25+$0xCC70];
	v51 =	vadd.f32 v27, v59;
	v49 =	vadd.f32 v30, v58;
	v47 =	vmul.f32 v47, v25  }
0x187: {  	v52 =	vld [tilespmem:s25+$0xCC30];
	v30 =	vsel vm8, v40, v61;
	v60 =	vshra.s32 v29, $0x1;
	v54 =	vmul.f32 $5.000000000e-01, v29  }
0x188: {  	v40 =	vld [tilespmem:s25+$0xCCC0];
	v53 =	vsub.s32 $0x5F3759DF, v60;
	v57 =	vperm.xlane v49, v3;
	v61 =	vsub.f32 $1.500000000e+00, v47  }
0x189: {  	v29 =	vsel vm8, v46, v63;
	v63 =	vld [tilespmem:s25+$0xCC80];
	v58 =	vperm.xlane v51, v5;
	v62 =	vmul.f32 v53, v54  }
0x18a: {  	v27 =	vsel vm8, v39, v44;
	v60 =	vadd.f32 v49, v57;
	v39 =	vmul.f32 v61, v25  }
0x18b: {  	v48 =	vmul.f32 v30, v30;
	v49 =	vld [tilespmem:s25+$0xCCD0];
	v59 =	vmul.f32 v53, v62;
	v61 =	vadd.f32 v51, v58  }
0x18c: {  	v25 =	vsel vm8, v50, v52;
	v50 =	vld [tilespmem:s25+$0xCC90];
	v62 =	vperm.xlane v60, v4;
	v24 =	vmul.f32 v39, v24  }
0x18d: {  	v43 =	vsub.f32 $1.500000000e+00, v59;
	v45 =	vmul.f32 v39, v23;
	v47 =	vmul.f32 $1.562500000e-02, v61  }
0x18e: {  	v23 =	vsel vm9, v40, v63;
	v22 =	vmul.f32 v39, v22;
	v63 =	vmul.f32 v29, v29  }
0x18f: {  	v46 =	vld [tilespmem:s25+$0xCCE0];
	v21 =	vmul.f32 v39, v21;
	v40 =	vadd.f32 v60, v62;
	v60 =	vmul.f32 v27, v27  }
0x190: {  	v52 =	vld [tilespmem:s25+$0xCCA0];
	v43 =	vmul.f32 v53, v43;
	v47 =	vadd.f32 $9.999999970e-07, v47;
	[tilespmem:s25+$0x14A00] =	vst v24;
	v24 =	vmul.f32 v25, v25  }
0x191: {  	v63 =	vadd.f32 v63, v48;
	v62 =	vperm.xlane v40, v5;
	v39 =	vsel vm9, v49, v50  }
0x192: {  	v53 =	vmul.f32 v43, v54;
	v61 =	vshra.s32 v47, $0x1;
	v47 =	vmul.f32 $5.000000000e-01, v47  }
0x193: {  	v24 =	vadd.f32 v24, v60;
	v60 =	vmul.f32 v23, v23;
	v49 =	vmul.f32 v39, v39  }
0x194: {  	v54 =	vsub.s32 $0x5F3759DF, v61;
	v59 =	vadd.f32 v40, v62;
	v53 =	vmul.f32 v53, v43  }
0x195: {  	v55 =	vld [tilespmem:s25+$0xCCF0];
	[tilespmem:s25+$0x14A20] =	vst v22;
	v40 =	vsel vm9, v46, v52;
	v57 =	vmul.f32 v54, v47;
	v22 =	vadd.f32 v24, v63  }
0x196: {  	v58 =	vld [tilespmem:s25+$0xCCB0];
	[tilespmem:s25+$0x14A30] =	vst v21;
	v63 =	vmul.f32 v40, v40;
	v21 =	vmul.f32 $1.562500000e-02, v59;
	v53 =	vsub.f32 $1.500000000e+00, v53  }
0x197: {  	[tilespmem:s25+$0x14A10] =	vst v45;
	v24 =	vmul.f32 v54, v57;
	v45 =	vperm.xlane v22, v2  }
0x198: {  	v56 =	vadd.f32 v49, v60;
	v21 =	vadd.f32 $9.999999970e-07, v21;
	v43 =	vmul.f32 v53, v43  }
0x199: {  	v60 =	vperm.xlane v20, v14;
	v24 =	vsub.f32 $1.500000000e+00, v24;
	v22 =	vadd.f32 v22, v45  }
0x19a: {  	v48 =	vmul.f32 $5.000000000e-01, v21;
	v21 =	vshra.s32 v21, $0x1;
	v61 =	vmul.f32 v43, v37  }
0x19b: {  	v51 =	vld [tilespmem:s25+$0xCD00];
	v36 =	vmul.f32 v43, v36;
	v37 =	vsel vm9, v55, v58;
	v24 =	vmul.f32 v54, v24  }
0x19c: {  	v46 =	vld [tilespmem:s25+$0xCD40];
	v62 =	vperm.xlane v22, v3;
	v21 =	vsub.s32 $0x5F3759DF, v21;
	v55 =	vmul.f32 v37, v37  }
0x19d: {  	v44 =	vld [tilespmem:s25+$0xCD60];
	v57 =	vmul.f32 v21, v48;
	v54 =	vmul.f32 v24, v47  }
0x19e: {  	v59 =	vld [tilespmem:s25+$0xCD20];
	v41 =	vmul.f32 v43, v41;
	v22 =	vadd.f32 v22, v62;
	v58 =	vadd.f32 v55, v63  }
0x19f: {  	vm10 =	vgt.s32 v60, $0x0;
	[tilespmem:s25+$0x14A90] =	vst v36;
	v49 =	vmul.f32 v21, v57;
	v36 =	vmul.f32 v54, v24  }
0x1a0: {  	v50 =	vld [tilespmem:s25+$0xCD10];
	v33 =	vmul.f32 v43, v33;
	[tilespmem:s25+$0x14A80] =	vst v61;
	v61 =	vperm.xlane v22, v4;
	v43 =	vadd.f32 v58, v56  }
0x1a1: {  	v45 =	vld [tilespmem:s25+$0xCD50];
	[tilespmem:s25+$0x14AA0] =	vst v41;
	v41 =	vsel vm10, v46, v51;
	v49 =	vsub.f32 $1.500000000e+00, v49;
	v36 =	vsub.f32 $1.500000000e+00, v36  }
0x1a2: {  	v62 =	vld [tilespmem:s25+$0xCD70];
	v60 =	vmul.f32 v41, v41;
	v22 =	vadd.f32 v22, v61;
	v56 =	vperm.xlane v43, v2  }
0x1a3: {  	[tilespmem:s25+$0x14AB0] =	vst v33;
	v33 =	vsel vm10, v44, v59;
	v63 =	vld [tilespmem:s25+$0xCD30];
	v21 =	vmul.f32 v21, v49;
	v24 =	vmul.f32 v36, v24  }
0x1a4: {  	v47 =	vmul.f32 v33, v33;
	v57 =	vperm.xlane v22, v5  }
0x1a5: {  	v43 =	vadd.f32 v43, v56;
	v59 =	vmul.f32 v21, v48;
	v34 =	vmul.f32 v24, v34  }
0x1a6: {  	v35 =	vmul.f32 v24, v35;
	v38 =	vmul.f32 v24, v38;
	v22 =	vadd.f32 v22, v57  }
0x1a7: {  	v36 =	vsel vm10, v45, v50;
	v24 =	vmul.f32 v24, v42;
	v58 =	vperm.xlane v43, v3  }
0x1a8: {  	[tilespmem:s25+$0x14B00] =	vst v34;
	v34 =	vsel vm10, v62, v63;
	v22 =	vmul.f32 $1.562500000e-02, v22;
	v63 =	vmul.f32 v59, v21  }
0x1a9: {  	v61 =	vmul.f32 v36, v36;
	v42 =	vadd.f32 v43, v58;
	v62 =	vmul.f32 v34, v34  }
0x1aa: {  	[tilespmem:s25+$0x14B30] =	vst v24;
	v22 =	vadd.f32 $9.999999970e-07, v22;
	v24 =	vsub.f32 $1.500000000e+00, v63  }
0x1ab: {  	[tilespmem:s25+$0x14B10] =	vst v35;
	v35 =	vadd.f32 v61, v60;
	v52 =	vperm.xlane v42, v4;
	v53 =	vadd.f32 v62, v47  }
0x1ac: {  	v55 =	vshra.s32 v22, $0x1;
	v22 =	vmul.f32 $5.000000000e-01, v22;
	v21 =	vmul.f32 v24, v21  }
0x1ad: {  	v54 =	vadd.f32 v42, v52;
	v35 =	vadd.f32 v53, v35;
	v24 =	vsub.s32 $0x5F3759DF, v55  }
0x1ae: {  	v57 =	vmul.f32 v24, v22  }
0x1af: {  	v56 =	vperm.xlane v54, v5;
	v58 =	vperm.xlane v35, v2  }
0x1b0: {  	v28 =	vmul.f32 v21, v28;
	v48 =	vmul.f32 v24, v57  }
0x1b1: {  	[tilespmem:s25+$0x14B20] =	vst v38;
	v26 =	vmul.f32 v21, v26;
	v38 =	vadd.f32 v54, v56;
	v35 =	vadd.f32 v35, v58  }
0x1b2: {  	v31 =	vmul.f32 v21, v31;
	v21 =	vmul.f32 v21, v32;
	[tilespmem:s25+$0x14B90] =	vst v28;
	v28 =	vsub.f32 $1.500000000e+00, v48  }
0x1b3: {  	[tilespmem:s25+$0x14B80] =	vst v26;
	v26 =	vmul.f32 $1.562500000e-02, v38;
	v59 =	vperm.xlane v35, v3  }
0x1b4: {  	[tilespmem:s25+$0x14BB0] =	vst v21;
	v21 =	vmul.f32 v24, v28  }
0x1b5: {  	v26 =	vadd.f32 $9.999999970e-07, v26;
	v24 =	vadd.f32 v35, v59  }
0x1b6: {  	v46 =	vld [tilespmem:s25+$0xCDC0];
	v22 =	vmul.f32 v21, v22  }
0x1b7: {  	v51 =	vld [tilespmem:s25+$0xCDF0];
	[tilespmem:s25+$0x14BA0] =	vst v31;
	v31 =	vshra.s32 v26, $0x1;
	v32 =	vmul.f32 $5.000000000e-01, v26;
	v26 =	vperm.xlane v24, v4  }
0x1b8: {  	v49 =	vld [tilespmem:s25+$0xCDD0];
	v31 =	vsub.s32 $0x5F3759DF, v31;
	v22 =	vmul.f32 v22, v21  }
0x1b9: {  	v43 =	vld [tilespmem:s25+$0xCD80];
	v60 =	vmul.f32 v31, v32;
	v24 =	vadd.f32 v24, v26  }
0x1ba: {  	v61 =	vperm.xlane v20, v15;
	v42 =	vld [tilespmem:s25+$0xCD90];
	v22 =	vsub.f32 $1.500000000e+00, v22  }
0x1bb: {  	v44 =	vld [tilespmem:s25+$0xCDB0];
	v26 =	vmul.f32 v31, v60;
	v62 =	vperm.xlane v24, v5  }
0x1bc: {  	v45 =	vld [tilespmem:s25+$0xCDE0];
	v60 =	vmul.f32 v22, v21  }
0x1bd: {  	vm11 =	vgt.s32 v61, $0x0;
	v47 =	vld [tilespmem:s25+$0xCDA0];
	v63 =	vsub.f32 $1.500000000e+00, v26;
	v21 =	vadd.f32 v24, v62  }
0x1be: {  	v26 =	vsel vm11, v46, v43;
	v22 =	vmul.f32 v60, v30  }
0x1bf: {  	v24 =	vsel vm11, v49, v42;
	v31 =	vmul.f32 v31, v63;
	v30 =	vmul.f32 $1.562500000e-02, v21  }
0x1c0: {  	v61 =	vmul.f32 v26, v26;
	v62 =	vmul.f32 v24, v24  }
0x1c1: {  	v50 =	vld [tilespmem:s25+$0xCE10];
	v29 =	vmul.f32 v60, v29;
	v32 =	vmul.f32 v31, v32;
	v30 =	vadd.f32 $9.999999970e-07, v30  }
0x1c2: {  	v52 =	vld [tilespmem:s25+$0xCE60];
	v27 =	vmul.f32 v60, v27;
	v21 =	vsel vm11, v45, v47;
	[tilespmem:s25+$0x14C00] =	vst v22;
	v22 =	vsel vm11, v51, v44  }
0x1c3: {  	v53 =	vld [tilespmem:s25+$0xCE20];
	[tilespmem:s25+$0x14C10] =	vst v29;
	v32 =	vmul.f32 v32, v31;
	v29 =	vshra.s32 v30, $0x1;
	v30 =	vmul.f32 $5.000000000e-01, v30  }
0x1c4: {  	v55 =	vld [tilespmem:s25+$0xCE70];
	v63 =	vmul.f32 v21, v21;
	v51 =	vmul.f32 v22, v22;
	v29 =	vsub.s32 $0x5F3759DF, v29  }
0x1c5: {  	v54 =	vld [tilespmem:s25+$0xCEE0];
	v25 =	vmul.f32 v60, v25;
	[tilespmem:s25+$0x14C20] =	vst v27;
	v32 =	vsub.f32 $1.500000000e+00, v32;
	v27 =	vmul.f32 v29, v30  }
0x1c6: {  	v48 =	vld [tilespmem:s25+$0xCE30];
	v45 =	vadd.f32 v62, v61;
	v44 =	vadd.f32 v51, v63  }
0x1c7: {  	v38 =	vld [tilespmem:s25+$0xCE50];
	[tilespmem:s25+$0x14C30] =	vst v25;
	v31 =	vmul.f32 v32, v31;
	v25 =	vmul.f32 v29, v27  }
0x1c8: {  	v28 =	vld [tilespmem:s25+$0xCE40];
	v27 =	vadd.f32 v44, v45  }
0x1c9: {  	v35 =	vld [tilespmem:s25+$0xCE00];
	v23 =	vmul.f32 v31, v23;
	v25 =	vsub.f32 $1.500000000e+00, v25  }
0x1ca: {  	v43 =	vld [tilespmem:s25+$0xCEC0];
	v57 =	vperm.xlane v27, v2  }
0x1cb: {  	v42 =	vld [tilespmem:s25+$0xCE80];
	[tilespmem:s25+$0x14C80] =	vst v23;
	v23 =	vperm.xlane v20, v16;
	v29 =	vmul.f32 v29, v25  }
0x1cc: {  	v46 =	vld [tilespmem:s25+$0xCED0];
	v32 =	vmul.f32 v31, v39;
	v40 =	vmul.f32 v31, v40;
	v58 =	vadd.f32 v27, v57  }
0x1cd: {  	v49 =	vld [tilespmem:s25+$0xCE90];
	v25 =	vmul.f32 v31, v37;
	vm12 =	vgt.s32 v23, $0x0;
	v30 =	vmul.f32 v29, v30  }
0x1ce: {  	v47 =	vld [tilespmem:s25+$0xCEA0];
	v31 =	vperm.xlane v58, v3;
	v28 =	vsel vm12, v28, v35;
	v27 =	vsel vm12, v38, v50  }
0x1cf: {  	v51 =	vld [tilespmem:s25+$0xCFA0];
	[tilespmem:s25+$0x14CB0] =	vst v25;
	v25 =	vsel vm12, v52, v53;
	v23 =	vsel vm12, v55, v48;
	v30 =	vmul.f32 v30, v29  }
0x1d0: {  	v44 =	vld [tilespmem:s25+$0xCEF0];
	v59 =	vmul.f32 v28, v28;
	v60 =	vmul.f32 v27, v27;
	v31 =	vadd.f32 v58, v31  }
0x1d1: {  	v45 =	vld [tilespmem:s25+$0xCEB0];
	v61 =	vmul.f32 v25, v25;
	v48 =	vmul.f32 v23, v23  }
0x1d2: {  	v62 =	vperm.xlane v20, v17;
	v39 =	vld [tilespmem:s25+$0xCF20];
	v30 =	vsub.f32 $1.500000000e+00, v30;
	v63 =	vperm.xlane v31, v4  }
0x1d3: {  	[tilespmem:s25+$0x14C90] =	vst v32;
	v37 =	vld [tilespmem:s25+$0xCF40];
	v38 =	vadd.f32 v60, v59;
	v32 =	vadd.f32 v48, v61  }
0x1d4: {  	vm13 =	vgt.s32 v62, $0x0;
	[tilespmem:s25+$0x14CA0] =	vst v40;
	v40 =	vld [tilespmem:s25+$0xCF50];
	v56 =	vmul.f32 v30, v29;
	v57 =	vadd.f32 v31, v63  }
0x1d5: {  	v35 =	vld [tilespmem:s25+$0xCF00];
	v30 =	vsel vm13, v43, v42;
	v38 =	vadd.f32 v32, v38;
	v31 =	vsel vm13, v46, v49  }
0x1d6: {  	v53 =	vld [tilespmem:s25+$0xCF60];
	v32 =	vsel vm13, v54, v47;
	v60 =	vmul.f32 v30, v30;
	v61 =	vmul.f32 v31, v31  }
0x1d7: {  	v52 =	vld [tilespmem:s25+$0xCF70];
	v29 =	vsel vm13, v44, v45;
	v62 =	vmul.f32 v32, v32;
	v58 =	vperm.xlane v57, v5  }
0x1d8: {  	v42 =	vld [tilespmem:s25+$0xCF30];
	v54 =	vmul.f32 v29, v29;
	v59 =	vperm.xlane v38, v2  }
0x1d9: {  	v50 =	vld [tilespmem:s25+$0xCF10];
	v41 =	vmul.f32 v56, v41;
	v36 =	vmul.f32 v56, v36;
	v43 =	vadd.f32 v57, v58  }
0x1da: {  	v46 =	vld [tilespmem:s25+$0xCFC0];
	v33 =	vmul.f32 v56, v33;
	v38 =	vadd.f32 v38, v59;
	v57 =	vperm.xlane v20, v18  }
0x1db: {  	v47 =	vld [tilespmem:s25+$0xCF80];
	v34 =	vmul.f32 v56, v34;
	v56 =	vadd.f32 v61, v60;
	v63 =	vmul.f32 $1.562500000e-02, v43  }
0x1dc: {  	v49 =	vld [tilespmem:s25+$0xCFD0];
	[tilespmem:s25+$0x14D20] =	vst v33;
	v55 =	vperm.xlane v38, v3;
	v43 =	vadd.f32 v54, v62;
	vm14 =	vgt.s32 v57, $0x0  }
0x1dd: {  	v44 =	vld [tilespmem:s25+$0xCF90];
	[tilespmem:s25+$0x14D30] =	vst v34;
	v35 =	vsel vm14, v37, v35;
	v33 =	vsel vm14, v53, v39;
	v34 =	vsel vm14, v52, v42  }
0x1de: {  	v60 =	vld [tilespmem:s25+$0xCFB0];
	[tilespmem:s25+$0x14D10] =	vst v36;
	v36 =	vadd.f32 $9.999999970e-07, v63;
	v58 =	vadd.f32 v43, v56;
	v43 =	vperm.xlane v20, v19  }
0x1df: {  	[tilespmem:s25+$0x14D00] =	vst v41;
	v41 =	vld [tilespmem:s25+$0xCFE0];
	v20 =	vsel vm14, v40, v50;
	v40 =	vmul.f32 v35, v35;
	v61 =	vmul.f32 v33, v33  }
0x1e0: {  	v39 =	vld [tilespmem:s25+$0xCFF0];
	v45 =	vadd.f32 v38, v55;
	v62 =	vmul.f32 v34, v34;
	v42 =	vmul.f32 v20, v20  }
0x1e1: {  	v48 =	vmul.f32 $5.000000000e-01, v36;
	v59 =	vperm.xlane v58, v2;
	v36 =	vshra.s32 v36, $0x1  }
0x1e2: {  	v63 =	vperm.xlane v45, v4;
	v53 =	vadd.f32 v62, v61;
	vm15 =	vgt.s32 v43, $0x0  }
0x1e3: {  	v55 =	vsub.s32 $0x5F3759DF, v36;
	v40 =	vadd.f32 v42, v40;
	v43 =	vsel vm15, v46, v47  }
0x1e4: {  	v37 =	vsel vm15, v49, v44;
	v38 =	vsel vm15, v41, v51;
	v56 =	vadd.f32 v58, v59  }
0x1e5: {  	v36 =	vsel vm15, v39, v60;
	v57 =	vmul.f32 v43, v43;
	v58 =	vmul.f32 v37, v37  }
0x1e6: {  	v59 =	vmul.f32 v38, v38;
	v40 =	vadd.f32 v53, v40;
	v60 =	vmul.f32 v36, v36  }
0x1e7: {  	v61 =	vmul.f32 v55, v48;
	v45 =	vadd.f32 v45, v63;
	v62 =	vperm.xlane v56, v3  }
0x1e8: {  	v39 =	vadd.f32 v58, v57;
	v63 =	vperm.xlane v40, v2;
	v50 =	vadd.f32 v60, v59  }
0x1e9: {  	v51 =	vmul.f32 v55, v61;
	v52 =	vadd.f32 v56, v62  }
0x1ea: {  	v53 =	vperm.xlane v45, v5;
	v40 =	vadd.f32 v40, v63;
	v39 =	vadd.f32 v50, v39  }
0x1eb: {  	v54 =	vsub.f32 $1.500000000e+00, v51;
	v56 =	vperm.xlane v52, v4  }
0x1ec: {  	v45 =	vadd.f32 v45, v53;
	v57 =	vperm.xlane v40, v3;
	v58 =	vperm.xlane v39, v2  }
0x1ed: {  	v41 =	vmul.f32 v55, v54;
	v42 =	vadd.f32 v52, v56  }
0x1ee: {  	v59 =	vmul.f32 $1.562500000e-02, v45;
	v40 =	vadd.f32 v40, v57;
	v39 =	vadd.f32 v39, v58  }
0x1ef: {  	v60 =	vmul.f32 v41, v48;
	v61 =	vperm.xlane v42, v5  }
0x1f0: {  	v44 =	vadd.f32 $9.999999970e-07, v59;
	v62 =	vperm.xlane v40, v4;
	v63 =	vperm.xlane v39, v3  }
0x1f1: {  	v45 =	vmul.f32 v60, v41;
	v42 =	vadd.f32 v42, v61  }
0x1f2: {  	v51 =	vshra.s32 v44, $0x1;
	v40 =	vadd.f32 v40, v62;
	v39 =	vadd.f32 v39, v63  }
0x1f3: {  	v44 =	vmul.f32 $5.000000000e-01, v44;
	v46 =	vsub.s32 $0x5F3759DF, v51;
	v42 =	vmul.f32 $1.562500000e-02, v42  }
0x1f4: {  	v45 =	vsub.f32 $1.500000000e+00, v45;
	v47 =	vperm.xlane v40, v5;
	v48 =	vperm.xlane v39, v4  }
0x1f5: {  	v52 =	vmul.f32 v46, v44;
	v42 =	vadd.f32 $9.999999970e-07, v42  }
0x1f6: {  	v41 =	vmul.f32 v45, v41;
	v40 =	vadd.f32 v40, v47;
	v39 =	vadd.f32 v39, v48  }
0x1f7: {  	v53 =	vmul.f32 v46, v52;
	v54 =	vshra.s32 v42, $0x1;
	v42 =	vmul.f32 $5.000000000e-01, v42  }
0x1f8: {  	v47 =	vsub.s32 $0x5F3759DF, v54;
	v40 =	vmul.f32 $1.562500000e-02, v40;
	v48 =	vperm.xlane v39, v5  }
0x1f9: {  	v45 =	vsub.f32 $1.500000000e+00, v53;
	v55 =	vmul.f32 v47, v42  }
0x1fa: {  	v26 =	vmul.f32 v41, v26;
	v40 =	vadd.f32 $9.999999970e-07, v40;
	v39 =	vadd.f32 v39, v48  }
0x1fb: {  	v45 =	vmul.f32 v46, v45;
	v56 =	vmul.f32 v47, v55  }
0x1fc: {  	v57 =	vshra.s32 v40, $0x1;
	v40 =	vmul.f32 $5.000000000e-01, v40;
	v39 =	vmul.f32 $1.562500000e-02, v39  }
0x1fd: {  	v44 =	vmul.f32 v45, v44;
	v46 =	vsub.f32 $1.500000000e+00, v56;
	v48 =	vsub.s32 $0x5F3759DF, v57  }
0x1fe: {  	v24 =	vmul.f32 v41, v24;
	v58 =	vmul.f32 v48, v40;
	v39 =	vadd.f32 $9.999999970e-07, v39  }
0x1ff: {  	v44 =	vmul.f32 v44, v45;
	v46 =	vmul.f32 v47, v46  }
0x200: {  	v59 =	vmul.f32 v48, v58;
	v60 =	vshra.s32 v39, $0x1;
	v39 =	vmul.f32 $5.000000000e-01, v39  }
0x201: {  	v44 =	vsub.f32 $1.500000000e+00, v44;
	v42 =	vmul.f32 v46, v42;
	v49 =	vsub.s32 $0x5F3759DF, v60  }
0x202: {  	v21 =	vmul.f32 v41, v21;
	v47 =	vsub.f32 $1.500000000e+00, v59;
	v61 =	vmul.f32 v49, v39  }
0x203: {  	v44 =	vmul.f32 v44, v45;
	v42 =	vmul.f32 v42, v46  }
0x204: {  	[tilespmem:s25+$0x14D80] =	vst v26;
	v26 =	vmul.f32 v48, v47;
	v62 =	vmul.f32 v49, v61  }
0x205: {  	v22 =	vmul.f32 v41, v22;
	[tilespmem:s25+$0x14D90] =	vst v24;
	v24 =	vmul.f32 v44, v28;
	v28 =	vsub.f32 $1.500000000e+00, v42  }
0x206: {  	[tilespmem:s25+$0x14DA0] =	vst v21;
	v21 =	vmul.f32 v44, v27;
	v27 =	vmul.f32 v26, v40;
	v63 =	vsub.f32 $1.500000000e+00, v62  }
0x207: {  	[tilespmem:s25+$0x14DB0] =	vst v22;
	v22 =	vmul.f32 v44, v25;
	v25 =	vmul.f32 v28, v46  }
0x208: {  	[tilespmem:s25+$0x14E00] =	vst v24;
	v24 =	vmul.f32 v27, v26;
	v27 =	vmul.f32 v49, v63  }
0x209: {  	v23 =	vmul.f32 v44, v23;
	[tilespmem:s25+$0x14E10] =	vst v21  }
0x20a: {  	[tilespmem:s25+$0x14E20] =	vst v22;
	v21 =	vmul.f32 v25, v30;
	v22 =	vsub.f32 $1.500000000e+00, v24;
	v24 =	vmul.f32 v27, v39  }
0x20b: {  	[tilespmem:s25+$0x14E30] =	vst v23;
	v23 =	vmul.f32 v25, v31;
	v28 =	vmul.f32 v25, v32  }
0x20c: {  	[tilespmem:s25+$0x14E80] =	vst v21;
	v21 =	vmul.f32 v22, v26;
	v22 =	vmul.f32 v24, v27  }
0x20d: {  	[tilespmem:s25+$0x14E90] =	vst v23;
	v24 =	vmul.f32 v25, v29  }
0x20e: {  	[tilespmem:s25+$0x14EA0] =	vst v28;
	v23 =	vmul.f32 v21, v35;
	v22 =	vsub.f32 $1.500000000e+00, v22  }
0x20f: {  	[tilespmem:s25+$0x14EB0] =	vst v24;
	v20 =	vmul.f32 v21, v20  }
0x210: {  	v24 =	vmul.f32 v21, v33;
	[tilespmem:s25+$0x14F00] =	vst v23;
	v22 =	vmul.f32 v22, v27  }
0x211: {  	v21 =	vmul.f32 v21, v34;
	[tilespmem:s25+$0x14F10] =	vst v20  }
0x212: {  	[tilespmem:s25+$0x14F20] =	vst v24;
	v20 =	vmul.f32 v22, v43  }
0x213: {  	[tilespmem:s25+$0x14F30] =	vst v21;
	v21 =	vmul.f32 v22, v37  }
0x214: {  	s28 =	sshll.u32 s23, $0xF;
	v23 =	vmul.f32 v22, v38;
	[tilespmem:s25+$0x14F80] =	vst v20  }
0x215: {  	s28 =	sadd.s32 s7, s28;
	v20 =	vmul.f32 v22, v36;
	[tilespmem:s25+$0x14F90] =	vst v21  }
0x216: {  	s31 =	sadd.s32 $0x2, s26;
	s28 =	sshrl.u32 s28, $0x3;
	[tilespmem:s25+$0x14FA0] =	vst v23  }
0x217: {  	p1 =	seq.s32 s31, $0xC8;
	s30 =	sadd.s32 s4, s28;
	[tilespmem:s25+$0x14FB0] =	vst v20;
	s25 =	sshll.u32 s31, $0x9  }
0x218: {  	[hbm4b:s30+s3] =	stream.linear.scatter [tilespmem:s15], [sflag:$0x3], $0x4000, $0x38;
	[tilespmem:$0x1C800] =	vst v63  }
0x219: {  	s25 =	simm.s32 @p1 $0x0  }
0x21a: {  	s25 =	sshrl.u32 s25, $0x2  }
0x21b: {  	s25 =	sadd.s32 $0x6400, s25  }
0x21c: {  	[tilespmem:s11], [sflag:$0x1] =	stream.indirect.gather [hbm4b:s0+s12], $0x80, s25, s12, $0xb8;
	[tilespmem:$0x1C800] =	vst v63  }
0x21d: {  	_ =	swait.ge [sflag:s16], $0x4000  }
0x21e: {  	[sflag:s16] =	ssyncset.done $0x0  }
0x21f: {  	s25 =	simm.s32 @!p0 $0x4;
	[sflag:s16] =	ssyncadd.s32 $0xFFFFC000  }
0x220: {  	_ =	swait.ge @!p0 [sflag:s25], $0x4000  }
0x221: {  	[sflag:s25] =	ssyncset.done @!p0 $0x0  }
0x222: {  	[sflag:s25] =	ssyncadd.s32 @!p0 $0xFFFFC000;
	s25 =	simm.s32 $0x0  }
0x223: {  	v21 =	vld [tilespmem:s25+$0x10840]  }
0x224: {  	v25 =	vld [tilespmem:s25+$0x10800]  }
0x225: {  	v27 =	vld [tilespmem:s25+$0x10850]  }
0x226: {  	v28 =	vld [tilespmem:s25+$0x10810]  }
0x227: {  	v30 =	vld [tilespmem:s25+$0x10860]  }
0x228: {  	v31 =	vld [tilespmem:s25+$0x10820]  }
0x229: {  	v32 =	vld [tilespmem:s25+$0x10870]  }
0x22a: {  	v35 =	vld [tilespmem:s25+$0x10830]  }
0x22b: {  	v23 =	vld [tilespmem:s25+$0x108C0]  }
0x22c: {  	v26 =	vld [tilespmem:s25+$0x10880]  }
0x22d: {  	v22 =	vld [tilespmem:s25+$0x108D0]  }
0x22e: {  	v24 =	vld [tilespmem:s25+$0x10890]  }
0x22f: {  	v29 =	vld [tilespmem:s25+$0x108E0]  }
0x230: {  	v34 =	vld [tilespmem:s25+$0x108A0]  }
0x231: {  	v33 =	vld [tilespmem:s25+$0x108F0]  }
0x232: {  	v20 =	vld [tilespmem:s21+$0x0]  }
0x233: {  	s26 =	simm.s32 $0x2000;
	s28 =	smov.u32 s21;
	v45 =	vld [tilespmem:s25+$0x108B0]  }
.LBB2_5:
0x234: {  	p0 =	sne.s32 s26, $0xE000;
	v36 =	vld [tilespmem:s25+$0x10940]  }
0x235: {  	v46 =	vld [tilespmem:s25+$0x10900]  }
0x236: {  	v47 =	vld [tilespmem:s25+$0x10950]  }
0x237: {  	v20 =	vand.u32 $0x1, v20;
	v48 =	vld [tilespmem:s25+$0x10910]  }
0x238: {  	v37 =	vperm.xlane v20, v1;
	v38 =	vperm.xlane v20, v0;
	v49 =	vld [tilespmem:s25+$0x10960]  }
0x239: {  	v50 =	vperm.xlane v20, v6;
	v52 =	vperm.xlane v20, v7;
	v51 =	vld [tilespmem:s25+$0x10920]  }
0x23a: {  	v54 =	vperm.xlane v20, v8;
	vm0 =	vgt.s32 v37, $0x0;
	vm1 =	vgt.s32 v38, $0x0;
	v53 =	vld [tilespmem:s25+$0x10970]  }
0x23b: {  	v42 =	vsel vm0, v21, v25;
	v43 =	vsel vm0, v27, v28;
	v40 =	vsel vm0, v30, v31;
	v21 =	vld [tilespmem:s25+$0x10930]  }
0x23c: {  	v44 =	vsel vm0, v32, v35;
	v25 =	vmul.f32 v42, v42;
	v27 =	vmul.f32 v43, v43;
	v28 =	vld [tilespmem:s25+$0x109C0]  }
0x23d: {  	v39 =	vsel vm1, v23, v26;
	v30 =	vmul.f32 v40, v40;
	v31 =	vmul.f32 v44, v44;
	v23 =	vld [tilespmem:s25+$0x10980]  }
0x23e: {  	v41 =	vsel vm1, v22, v24;
	v37 =	vsel vm1, v29, v34;
	v38 =	vsel vm1, v33, v45;
	v22 =	vld [tilespmem:s25+$0x109D0]  }
0x23f: {  	v26 =	vmul.f32 v39, v39;
	v24 =	vadd.f32 v27, v25;
	v25 =	vadd.f32 v31, v30;
	v27 =	vld [tilespmem:s25+$0x10990]  }
0x240: {  	vm0 =	vgt.s32 v50, $0x0;
	v29 =	vmul.f32 v41, v41;
	v32 =	vmul.f32 v37, v37;
	v33 =	vld [tilespmem:s25+$0x109E0]  }
0x241: {  	v30 =	vsel vm0, v36, v46;
	v24 =	vadd.f32 v25, v24;
	v25 =	vmul.f32 v38, v38;
	v34 =	vld [tilespmem:s25+$0x109A0]  }
0x242: {  	v35 =	vsel vm0, v47, v48;
	v26 =	vadd.f32 v29, v26;
	v31 =	vsel vm0, v49, v51;
	v29 =	vld [tilespmem:s25+$0x109F0]  }
0x243: {  	v36 =	vsel vm0, v53, v21;
	v45 =	vperm.xlane v24, v2;
	v25 =	vadd.f32 v25, v32;
	v21 =	vld [tilespmem:s25+$0x109B0]  }
0x244: {  	v46 =	vmul.f32 v35, v35;
	vm0 =	vgt.s32 v52, $0x0;
	v32 =	vmul.f32 v30, v30;
	v47 =	vld [tilespmem:s25+$0x10A40]  }
0x245: {  	v24 =	vadd.f32 v24, v45;
	v26 =	vadd.f32 v25, v26;
	v45 =	vmul.f32 v31, v31;
	v48 =	vld [tilespmem:s25+$0x10A00]  }
0x246: {  	v49 =	vmul.f32 v36, v36;
	v46 =	vadd.f32 v46, v32;
	v25 =	vsel vm0, v28, v23;
	v23 =	vld [tilespmem:s25+$0x10A50]  }
0x247: {  	v32 =	vsel vm0, v22, v27;
	v28 =	vperm.xlane v24, v3;
	v50 =	vperm.xlane v26, v2;
	v22 =	vld [tilespmem:s25+$0x10A10]  }
0x248: {  	v27 =	vadd.f32 v49, v45;
	v33 =	vsel vm0, v33, v34;
	v34 =	vsel vm0, v29, v21;
	v29 =	vld [tilespmem:s25+$0x10A60]  }
0x249: {  	v21 =	vadd.f32 v24, v28;
	v24 =	vadd.f32 v26, v50;
	v26 =	vmul.f32 v25, v25;
	v28 =	vld [tilespmem:s25+$0x10A20]  }
0x24a: {  	v45 =	vmul.f32 v32, v32;
	v27 =	vadd.f32 v27, v46;
	v46 =	vmul.f32 v33, v33;
	v49 =	vld [tilespmem:s25+$0x10A70]  }
0x24b: {  	vm0 =	vgt.s32 v54, $0x0;
	v50 =	vperm.xlane v21, v4;
	v51 =	vperm.xlane v24, v3;
	v52 =	vld [tilespmem:s25+$0x10A30]  }
0x24c: {  	v53 =	vperm.xlane v27, v2;
	v26 =	vadd.f32 v45, v26;
	v45 =	vmul.f32 v34, v34  }
0x24d: {  	v50 =	vadd.f32 v21, v50;
	v51 =	vadd.f32 v24, v51;
	v21 =	vsel vm0, v47, v48  }
0x24e: {  	v27 =	vadd.f32 v27, v53;
	v24 =	vadd.f32 v45, v46;
	v22 =	vsel vm0, v23, v22  }
0x24f: {  	v45 =	vperm.xlane v50, v5;
	v46 =	vperm.xlane v51, v4;
	v23 =	vsel vm0, v29, v28  }
0x250: {  	v28 =	vperm.xlane v27, v3;
	v26 =	vadd.f32 v24, v26;
	v24 =	vsel vm0, v49, v52  }
0x251: {  	v29 =	vadd.f32 v50, v45;
	v45 =	vadd.f32 v51, v46;
	v46 =	vmul.f32 v21, v21  }
0x252: {  	v47 =	vmul.f32 v22, v22;
	v27 =	vadd.f32 v27, v28;
	v28 =	vperm.xlane v26, v2  }
0x253: {  	v29 =	vmul.f32 $1.562500000e-02, v29;
	v48 =	vperm.xlane v45, v5  }
0x254: {  	v49 =	vperm.xlane v27, v4;
	v26 =	vadd.f32 v26, v28;
	v28 =	vmul.f32 v23, v23  }
0x255: {  	v29 =	vadd.f32 $9.999999970e-07, v29;
	v45 =	vadd.f32 v45, v48;
	v48 =	vmul.f32 v24, v24  }
0x256: {  	v46 =	vadd.f32 v47, v46;
	v27 =	vadd.f32 v27, v49;
	v49 =	vperm.xlane v26, v3  }
0x257: {  	v47 =	vshra.s32 v29, $0x1;
	v29 =	vmul.f32 $5.000000000e-01, v29;
	v45 =	vmul.f32 $1.562500000e-02, v45  }
0x258: {  	v50 =	vperm.xlane v27, v5;
	v26 =	vadd.f32 v26, v49;
	v47 =	vsub.s32 $0x5F3759DF, v47  }
0x259: {  	v28 =	vadd.f32 v48, v28;
	v49 =	vmul.f32 v47, v29;
	v45 =	vadd.f32 $9.999999970e-07, v45;
	v48 =	vld [tilespmem:s25+$0x10AC0]  }
0x25a: {  	v51 =	vperm.xlane v20, v9;
	v27 =	vadd.f32 v27, v50;
	v50 =	vperm.xlane v26, v4;
	v52 =	vld [tilespmem:s25+$0x10A80]  }
0x25b: {  	v49 =	vmul.f32 v47, v49;
	v53 =	vshra.s32 v45, $0x1;
	v45 =	vmul.f32 $5.000000000e-01, v45;
	v54 =	vld [tilespmem:s25+$0x10AD0]  }
0x25c: {  	v27 =	vmul.f32 $1.562500000e-02, v27;
	v50 =	vadd.f32 v26, v50;
	v53 =	vsub.s32 $0x5F3759DF, v53;
	v55 =	vld [tilespmem:s25+$0x10A90]  }
0x25d: {  	v46 =	vadd.f32 v28, v46;
	v26 =	vsub.f32 $1.500000000e+00, v49;
	v49 =	vmul.f32 v53, v45;
	v28 =	vld [tilespmem:s25+$0x10AE0]  }
0x25e: {  	vm0 =	vgt.s32 v51, $0x0;
	v27 =	vadd.f32 $9.999999970e-07, v27;
	v56 =	vperm.xlane v50, v5;
	v51 =	vld [tilespmem:s25+$0x10AA0]  }
0x25f: {  	v47 =	vmul.f32 v47, v26;
	v49 =	vmul.f32 v53, v49;
	v26 =	vsel vm0, v48, v52;
	v48 =	vld [tilespmem:s25+$0x10AF0]  }
0x260: {  	v57 =	vmul.f32 $5.000000000e-01, v27;
	v52 =	vshra.s32 v27, $0x1;
	v27 =	vadd.f32 v50, v56;
	v50 =	vld [tilespmem:s25+$0x10AB0]  }
0x261: {  	v29 =	vmul.f32 v47, v29;
	v49 =	vsub.f32 $1.500000000e+00, v49;
	v52 =	vsub.s32 $0x5F3759DF, v52  }
0x262: {  	v56 =	vmul.f32 v52, v57;
	v58 =	vmul.f32 $1.562500000e-02, v27;
	v27 =	vsel vm0, v54, v55  }
0x263: {  	v29 =	vmul.f32 v29, v47;
	v49 =	vmul.f32 v53, v49;
	v28 =	vsel vm0, v28, v51  }
0x264: {  	v54 =	vperm.xlane v46, v2;
	v51 =	vmul.f32 v52, v56;
	v53 =	vadd.f32 $9.999999970e-07, v58  }
0x265: {  	v55 =	vsub.f32 $1.500000000e+00, v29;
	v45 =	vmul.f32 v49, v45;
	v29 =	vsel vm0, v48, v50  }
0x266: {  	v48 =	vsub.f32 $1.500000000e+00, v51;
	v50 =	vshra.s32 v53, $0x1;
	v51 =	vmul.f32 $5.000000000e-01, v53  }
0x267: {  	v47 =	vmul.f32 v55, v47;
	v45 =	vmul.f32 v45, v49;
	v50 =	vsub.s32 $0x5F3759DF, v50  }
0x268: {  	v46 =	vadd.f32 v46, v54;
	v48 =	vmul.f32 v52, v48;
	v52 =	vmul.f32 v50, v51  }
0x269: {  	v42 =	vmul.f32 v47, v42;
	v43 =	vmul.f32 v47, v43;
	v45 =	vsub.f32 $1.500000000e+00, v45  }
0x26a: {  	v40 =	vmul.f32 v47, v40;
	v44 =	vmul.f32 v47, v44  }
0x26b: {  	[tilespmem:s25+$0x18800] =	vst v42;
	v42 =	vmul.f32 v45, v49;
	v45 =	vmul.f32 v48, v57  }
0x26c: {  	v47 =	vperm.xlane v46, v3;
	[tilespmem:s25+$0x18810] =	vst v43;
	v43 =	vmul.f32 v50, v52  }
0x26d: {  	[tilespmem:s25+$0x18820] =	vst v40;
	v39 =	vmul.f32 v42, v39;
	v40 =	vmul.f32 v42, v41;
	v41 =	vld [tilespmem:s25+$0x10B40]  }
0x26e: {  	v37 =	vmul.f32 v42, v37;
	v38 =	vmul.f32 v42, v38;
	[tilespmem:s25+$0x18830] =	vst v44;
	v42 =	vsub.f32 $1.500000000e+00, v43;
	v43 =	vld [tilespmem:s25+$0x10B00]  }
0x26f: {  	v44 =	vadd.f32 v46, v47;
	[tilespmem:s25+$0x18880] =	vst v39;
	v39 =	vmul.f32 v45, v48;
	v45 =	vmul.f32 v26, v26;
	v46 =	vld [tilespmem:s25+$0x10B50]  }
0x270: {  	[tilespmem:s25+$0x18890] =	vst v40;
	v40 =	vmul.f32 v50, v42;
	v42 =	vmul.f32 v27, v27;
	v47 =	vld [tilespmem:s25+$0x10B10]  }
0x271: {  	v49 =	vmul.f32 v28, v28;
	[tilespmem:s25+$0x188A0] =	vst v37;
	v37 =	vsub.f32 $1.500000000e+00, v39;
	v39 =	vperm.xlane v44, v4;
	v50 =	vld [tilespmem:s25+$0x10B60]  }
0x272: {  	[tilespmem:s25+$0x188B0] =	vst v38;
	v38 =	vmul.f32 v40, v51;
	v42 =	vadd.f32 v42, v45;
	v45 =	vmul.f32 v29, v29;
	v51 =	vld [tilespmem:s25+$0x10B20]  }
0x273: {  	v37 =	vmul.f32 v37, v48;
	v44 =	vadd.f32 v44, v39;
	v39 =	vperm.xlane v20, v10;
	v48 =	vld [tilespmem:s25+$0x10B70]  }
0x274: {  	v52 =	vperm.xlane v20, v11;
	v38 =	vmul.f32 v38, v40;
	v45 =	vadd.f32 v45, v49;
	v49 =	vld [tilespmem:s25+$0x10B30]  }
0x275: {  	v30 =	vmul.f32 v37, v30;
	v35 =	vmul.f32 v37, v35;
	vm0 =	vgt.s32 v39, $0x0;
	v53 =	vld [tilespmem:s25+$0x10BC0]  }
0x276: {  	v31 =	vmul.f32 v37, v31;
	v36 =	vmul.f32 v37, v36;
	v37 =	vsub.f32 $1.500000000e+00, v38;
	v38 =	vld [tilespmem:s25+$0x10B80]  }
0x277: {  	v45 =	vadd.f32 v45, v42;
	v39 =	vsel vm0, v41, v43;
	[tilespmem:s25+$0x18900] =	vst v30;
	v30 =	vperm.xlane v44, v5;
	v54 =	vld [tilespmem:s25+$0x10BD0]  }
0x278: {  	v42 =	vsel vm0, v46, v47;
	v41 =	vsel vm0, v50, v51;
	[tilespmem:s25+$0x18910] =	vst v35;
	v35 =	vmul.f32 v37, v40;
	v37 =	vld [tilespmem:s25+$0x10B90]  }
0x279: {  	[tilespmem:s25+$0x18920] =	vst v31;
	v30 =	vadd.f32 v44, v30;
	v31 =	vperm.xlane v45, v2;
	v43 =	vsel vm0, v48, v49;
	v40 =	vld [tilespmem:s25+$0x10BE0]  }
0x27a: {  	vm0 =	vgt.s32 v52, $0x0;
	[tilespmem:s25+$0x18930] =	vst v36;
	v25 =	vmul.f32 v35, v25;
	v32 =	vmul.f32 v35, v32;
	v36 =	vld [tilespmem:s25+$0x10BA0]  }
0x27b: {  	v33 =	vmul.f32 v35, v33;
	v44 =	vmul.f32 v35, v34;
	v31 =	vadd.f32 v45, v31;
	v45 =	vld [tilespmem:s25+$0x10BF0]  }
0x27c: {  	v34 =	vsel vm0, v53, v38;
	[tilespmem:s25+$0x18980] =	vst v25;
	v25 =	vmul.f32 $1.562500000e-02, v30;
	v30 =	vmul.f32 v39, v39;
	v38 =	vld [tilespmem:s25+$0x10BB0]  }
0x27d: {  	v46 =	vmul.f32 v42, v42;
	[tilespmem:s25+$0x18990] =	vst v32;
	v32 =	vperm.xlane v31, v3;
	v35 =	vsel vm0, v54, v37  }
0x27e: {  	v37 =	vmul.f32 v43, v43;
	[tilespmem:s25+$0x189A0] =	vst v33;
	v25 =	vadd.f32 $9.999999970e-07, v25;
	v33 =	vmul.f32 v41, v41  }
0x27f: {  	v30 =	vadd.f32 v46, v30;
	[tilespmem:s25+$0x189B0] =	vst v44;
	v31 =	vadd.f32 v31, v32;
	v36 =	vsel vm0, v40, v36  }
0x280: {  	v32 =	vshra.s32 v25, $0x1;
	v25 =	vmul.f32 $5.000000000e-01, v25;
	v33 =	vadd.f32 v37, v33;
	v37 =	vld [tilespmem:s25+$0x10C40]  }
0x281: {  	v32 =	vsub.s32 $0x5F3759DF, v32;
	v44 =	vperm.xlane v31, v4;
	v40 =	vsel vm0, v45, v38;
	v38 =	vld [tilespmem:s25+$0x10C00]  }
0x282: {  	v45 =	vmul.f32 v32, v25;
	v30 =	vadd.f32 v33, v30;
	v33 =	vmul.f32 v34, v34;
	v46 =	vld [tilespmem:s25+$0x10C50]  }
0x283: {  	v47 =	vmul.f32 v36, v36;
	v31 =	vadd.f32 v31, v44;
	v44 =	vmul.f32 v35, v35;
	v48 =	vld [tilespmem:s25+$0x10C10]  }
0x284: {  	v45 =	vmul.f32 v32, v45;
	v49 =	vperm.xlane v30, v2;
	v50 =	vld [tilespmem:s25+$0x10C60]  }
0x285: {  	v51 =	vperm.xlane v31, v5;
	v33 =	vadd.f32 v44, v33;
	v44 =	vmul.f32 v40, v40;
	v52 =	vld [tilespmem:s25+$0x10C20]  }
0x286: {  	v45 =	vsub.f32 $1.500000000e+00, v45;
	v49 =	vadd.f32 v30, v49;
	v30 =	vperm.xlane v20, v12;
	v53 =	vld [tilespmem:s25+$0x10C70]  }
0x287: {  	v31 =	vadd.f32 v31, v51;
	v44 =	vadd.f32 v44, v47;
	v47 =	vld [tilespmem:s25+$0x10C30];
	v51 =	vperm.xlane v20, v13  }
0x288: {  	v45 =	vmul.f32 v32, v45;
	v32 =	vperm.xlane v49, v3;
	vm0 =	vgt.s32 v30, $0x0  }
0x289: {  	v54 =	vmul.f32 $1.562500000e-02, v31;
	v44 =	vadd.f32 v44, v33;
	v30 =	vsel vm0, v37, v38  }
0x28a: {  	v31 =	vsel vm0, v46, v48;
	v25 =	vmul.f32 v45, v25;
	v37 =	vadd.f32 v49, v32;
	v38 =	vld [tilespmem:s25+$0x10CC0]  }
0x28b: {  	v32 =	vsel vm0, v50, v52;
	v46 =	vadd.f32 $9.999999970e-07, v54;
	v48 =	vperm.xlane v44, v2;
	v49 =	vld [tilespmem:s25+$0x10C80]  }
0x28c: {  	v25 =	vmul.f32 v25, v45;
	v50 =	vperm.xlane v37, v4;
	v33 =	vsel vm0, v53, v47  }
0x28d: {  	v47 =	vshra.s32 v46, $0x1;
	v46 =	vmul.f32 $5.000000000e-01, v46;
	v44 =	vadd.f32 v44, v48;
	v48 =	vld [tilespmem:s25+$0x10CD0]  }
0x28e: {  	v25 =	vsub.f32 $1.500000000e+00, v25;
	v47 =	vsub.s32 $0x5F3759DF, v47;
	v37 =	vadd.f32 v37, v50;
	v50 =	vld [tilespmem:s25+$0x10C90]  }
0x28f: {  	vm0 =	vgt.s32 v51, $0x0;
	v52 =	vmul.f32 v47, v46;
	v53 =	vperm.xlane v44, v3;
	v51 =	vld [tilespmem:s25+$0x10CE0]  }
0x290: {  	v45 =	vmul.f32 v25, v45;
	v54 =	vperm.xlane v37, v5;
	v25 =	vsel vm0, v38, v49;
	v38 =	vld [tilespmem:s25+$0x10CA0]  }
0x291: {  	v49 =	vmul.f32 v47, v52;
	v44 =	vadd.f32 v44, v53;
	v52 =	vmul.f32 v30, v30  }
0x292: {  	v21 =	vmul.f32 v45, v21;
	v22 =	vmul.f32 v45, v22;
	v37 =	vadd.f32 v37, v54  }
0x293: {  	v23 =	vmul.f32 v45, v23;
	v24 =	vmul.f32 v45, v24;
	v45 =	vsub.f32 $1.500000000e+00, v49  }
0x294: {  	v49 =	vperm.xlane v44, v4;
	[tilespmem:s25+$0x18A00] =	vst v21;
	v37 =	vmul.f32 $1.562500000e-02, v37;
	v21 =	vsel vm0, v48, v50;
	v48 =	vld [tilespmem:s25+$0x10CF0]  }
0x295: {  	[tilespmem:s25+$0x18A10] =	vst v22;
	v45 =	vmul.f32 v47, v45;
	v47 =	vmul.f32 v31, v31;
	v22 =	vsel vm0, v51, v38;
	v38 =	vld [tilespmem:s25+$0x10CB0]  }
0x296: {  	[tilespmem:s25+$0x18A20] =	vst v23;
	v23 =	vadd.f32 $9.999999970e-07, v37;
	v37 =	vadd.f32 v44, v49;
	v44 =	vmul.f32 v32, v32  }
0x297: {  	[tilespmem:s25+$0x18A30] =	vst v24;
	v24 =	vmul.f32 v45, v46;
	v46 =	vadd.f32 v47, v52;
	v47 =	vmul.f32 v33, v33  }
0x298: {  	v49 =	vshra.s32 v23, $0x1;
	v50 =	vmul.f32 $5.000000000e-01, v23;
	v23 =	vperm.xlane v37, v5  }
0x299: {  	v24 =	vmul.f32 v24, v45;
	v49 =	vsub.s32 $0x5F3759DF, v49;
	v44 =	vadd.f32 v47, v44  }
0x29a: {  	v47 =	vmul.f32 v49, v50;
	v37 =	vadd.f32 v37, v23;
	v23 =	vsel vm0, v48, v38  }
0x29b: {  	v24 =	vsub.f32 $1.500000000e+00, v24;
	v38 =	vadd.f32 v44, v46;
	v44 =	vmul.f32 v25, v25  }
0x29c: {  	v46 =	vmul.f32 v49, v47;
	v37 =	vmul.f32 $1.562500000e-02, v37  }
0x29d: {  	v24 =	vmul.f32 v24, v45;
	v45 =	vperm.xlane v38, v2  }
0x29e: {  	v47 =	vmul.f32 v21, v21;
	v46 =	vsub.f32 $1.500000000e+00, v46;
	v37 =	vadd.f32 $9.999999970e-07, v37;
	v48 =	vld [tilespmem:s25+$0x10D40]  }
0x29f: {  	v26 =	vmul.f32 v24, v26;
	v27 =	vmul.f32 v24, v27;
	v38 =	vadd.f32 v38, v45;
	v45 =	vld [tilespmem:s25+$0x10D00]  }
0x2a0: {  	v28 =	vmul.f32 v24, v28;
	v24 =	vmul.f32 v24, v29;
	v29 =	vshra.s32 v37, $0x1;
	v51 =	vld [tilespmem:s25+$0x10D50]  }
0x2a1: {  	[tilespmem:s25+$0x18A80] =	vst v26;
	v26 =	vmul.f32 v49, v46;
	v46 =	vsub.s32 $0x5F3759DF, v29;
	v49 =	vmul.f32 $5.000000000e-01, v37;
	v29 =	vld [tilespmem:s25+$0x10D10]  }
0x2a2: {  	v37 =	vadd.f32 v47, v44;
	v44 =	vmul.f32 v22, v22;
	[tilespmem:s25+$0x18A90] =	vst v27;
	v27 =	vperm.xlane v38, v3;
	v47 =	vld [tilespmem:s25+$0x10D60]  }
0x2a3: {  	[tilespmem:s25+$0x18AA0] =	vst v28;
	v28 =	vmul.f32 v26, v50;
	v50 =	vmul.f32 v46, v49;
	v52 =	vld [tilespmem:s25+$0x10D20]  }
0x2a4: {  	[tilespmem:s25+$0x18AB0] =	vst v24;
	v27 =	vadd.f32 v38, v27;
	v24 =	vmul.f32 v23, v23;
	v38 =	vperm.xlane v20, v14;
	v53 =	vld [tilespmem:s25+$0x10D70]  }
0x2a5: {  	v28 =	vmul.f32 v28, v26;
	v50 =	vmul.f32 v46, v50;
	v54 =	vld [tilespmem:s25+$0x10D30]  }
0x2a6: {  	v55 =	vperm.xlane v27, v4;
	v44 =	vadd.f32 v24, v44;
	vm0 =	vgt.s32 v38, $0x0  }
0x2a7: {  	v28 =	vsub.f32 $1.500000000e+00, v28;
	v38 =	vsub.f32 $1.500000000e+00, v50;
	v24 =	vsel vm0, v48, v45  }
0x2a8: {  	v29 =	vsel vm0, v51, v29;
	v27 =	vadd.f32 v27, v55;
	v44 =	vadd.f32 v44, v37  }
0x2a9: {  	v37 =	vsel vm0, v47, v52;
	v26 =	vmul.f32 v28, v26;
	v28 =	vmul.f32 v46, v38  }
0x2aa: {  	v45 =	vperm.xlane v27, v5;
	v46 =	vperm.xlane v44, v2;
	v38 =	vsel vm0, v53, v54  }
0x2ab: {  	v39 =	vmul.f32 v26, v39;
	v42 =	vmul.f32 v26, v42  }
0x2ac: {  	v41 =	vmul.f32 v26, v41;
	v26 =	vmul.f32 v26, v43;
	v27 =	vadd.f32 v27, v45  }
0x2ad: {  	v43 =	vadd.f32 v44, v46;
	v44 =	vmul.f32 v24, v24;
	[tilespmem:s25+$0x18B00] =	vst v39;
	v39 =	vmul.f32 v28, v49;
	v45 =	vld [tilespmem:s25+$0x10DC0]  }
0x2ae: {  	[tilespmem:s25+$0x18B10] =	vst v42;
	v27 =	vmul.f32 $1.562500000e-02, v27;
	v42 =	vmul.f32 v29, v29;
	v46 =	vld [tilespmem:s25+$0x10D80]  }
0x2af: {  	[tilespmem:s25+$0x18B20] =	vst v41;
	v39 =	vmul.f32 v39, v28;
	v41 =	vperm.xlane v43, v3;
	v47 =	vld [tilespmem:s25+$0x10DD0]  }
0x2b0: {  	v48 =	vmul.f32 v38, v38;
	[tilespmem:s25+$0x18B30] =	vst v26;
	v26 =	vadd.f32 $9.999999970e-07, v27;
	v27 =	vmul.f32 v37, v37;
	v49 =	vld [tilespmem:s25+$0x10D90]  }
0x2b1: {  	v39 =	vsub.f32 $1.500000000e+00, v39;
	v41 =	vadd.f32 v43, v41;
	v43 =	vperm.xlane v20, v15;
	v50 =	vld [tilespmem:s25+$0x10DE0]  }
0x2b2: {  	v51 =	vshra.s32 v26, $0x1;
	v52 =	vmul.f32 $5.000000000e-01, v26;
	v26 =	vadd.f32 v42, v44;
	v42 =	vld [tilespmem:s25+$0x10DA0]  }
0x2b3: {  	v28 =	vmul.f32 v39, v28;
	v39 =	vsub.s32 $0x5F3759DF, v51;
	v44 =	vperm.xlane v41, v4;
	v51 =	vld [tilespmem:s25+$0x10DF0]  }
0x2b4: {  	v27 =	vadd.f32 v48, v27;
	vm0 =	vgt.s32 v43, $0x0;
	v53 =	vmul.f32 v39, v52;
	v43 =	vld [tilespmem:s25+$0x10DB0]  }
0x2b5: {  	v34 =	vmul.f32 v28, v34;
	v35 =	vmul.f32 v28, v35;
	v41 =	vadd.f32 v41, v44  }
0x2b6: {  	v36 =	vmul.f32 v28, v36;
	v28 =	vmul.f32 v28, v40;
	v40 =	vadd.f32 v27, v26  }
0x2b7: {  	v26 =	vsel vm0, v45, v46;
	v44 =	vmul.f32 v39, v53;
	[tilespmem:s25+$0x18B80] =	vst v34;
	v48 =	vperm.xlane v41, v5  }
0x2b8: {  	v45 =	vperm.xlane v40, v2;
	v34 =	vsel vm0, v47, v49;
	v27 =	vsel vm0, v50, v42;
	[tilespmem:s25+$0x18B90] =	vst v35  }
0x2b9: {  	[tilespmem:s25+$0x18BA0] =	vst v36;
	v36 =	vsub.f32 $1.500000000e+00, v44;
	v41 =	vadd.f32 v41, v48;
	v35 =	vsel vm0, v51, v43  }
0x2ba: {  	v42 =	vmul.f32 v34, v34;
	[tilespmem:s25+$0x18BB0] =	vst v28;
	v28 =	vadd.f32 v40, v45;
	v40 =	vmul.f32 v26, v26;
	v43 =	vld [tilespmem:s25+$0x10E40]  }
0x2bb: {  	v39 =	vmul.f32 v39, v36;
	v36 =	vmul.f32 $1.562500000e-02, v41;
	v41 =	vld [tilespmem:s25+$0x10E00]  }
0x2bc: {  	v44 =	vperm.xlane v28, v3;
	v40 =	vadd.f32 v42, v40;
	v42 =	vmul.f32 v27, v27;
	v45 =	vld [tilespmem:s25+$0x10E50]  }
0x2bd: {  	v47 =	vmul.f32 v35, v35;
	v46 =	vmul.f32 v39, v52;
	v36 =	vadd.f32 $9.999999970e-07, v36;
	v48 =	vld [tilespmem:s25+$0x10E10]  }
0x2be: {  	v50 =	vperm.xlane v20, v17;
	v28 =	vadd.f32 v28, v44;
	v44 =	vperm.xlane v20, v16;
	v49 =	vld [tilespmem:s25+$0x10E60]  }
0x2bf: {  	v46 =	vmul.f32 v46, v39;
	v51 =	vshra.s32 v36, $0x1;
	v52 =	vmul.f32 $5.000000000e-01, v36;
	v53 =	vld [tilespmem:s25+$0x10E20]  }
0x2c0: {  	v42 =	vadd.f32 v47, v42;
	v51 =	vsub.s32 $0x5F3759DF, v51;
	v36 =	vperm.xlane v28, v4  }
0x2c1: {  	vm0 =	vgt.s32 v44, $0x0;
	v46 =	vsub.f32 $1.500000000e+00, v46;
	v47 =	vmul.f32 v51, v52;
	v44 =	vld [tilespmem:s25+$0x10E70]  }
0x2c2: {  	v42 =	vadd.f32 v42, v40;
	v28 =	vadd.f32 v28, v36;
	v36 =	vsel vm0, v43, v41;
	v41 =	vld [tilespmem:s25+$0x10E30]  }
0x2c3: {  	v43 =	vmul.f32 v46, v39;
	v46 =	vmul.f32 v51, v47;
	v39 =	vsel vm0, v45, v48;
	v45 =	vld [tilespmem:s25+$0x10EC0]  }
0x2c4: {  	v48 =	vperm.xlane v42, v2;
	v47 =	vperm.xlane v28, v5;
	v40 =	vsel vm0, v49, v53;
	v49 =	vld [tilespmem:s25+$0x10E80]  }
0x2c5: {  	v30 =	vmul.f32 v43, v30;
	v53 =	vmul.f32 v43, v31;
	v31 =	vsub.f32 $1.500000000e+00, v46  }
0x2c6: {  	v32 =	vmul.f32 v43, v32;
	v33 =	vmul.f32 v43, v33;
	v28 =	vadd.f32 v28, v47;
	v43 =	vld [tilespmem:s25+$0x10ED0]  }
0x2c7: {  	[tilespmem:s25+$0x18C00] =	vst v30;
	v46 =	vmul.f32 v51, v31;
	v30 =	vadd.f32 v42, v48;
	v31 =	vsel vm0, v44, v41;
	v41 =	vld [tilespmem:s25+$0x10E90]  }
0x2c8: {  	v44 =	vmul.f32 v36, v36;
	vm0 =	vgt.s32 v50, $0x0;
	[tilespmem:s25+$0x18C10] =	vst v53;
	v42 =	vmul.f32 $1.562500000e-02, v28;
	v47 =	vld [tilespmem:s25+$0x10EE0]  }
0x2c9: {  	[tilespmem:s25+$0x18C20] =	vst v32;
	v32 =	vmul.f32 v46, v52;
	v48 =	vperm.xlane v30, v3;
	v28 =	vsel vm0, v45, v49;
	v45 =	vld [tilespmem:s25+$0x10EA0]  }
0x2ca: {  	v49 =	vmul.f32 v40, v40;
	[tilespmem:s25+$0x18C30] =	vst v33;
	v33 =	vadd.f32 $9.999999970e-07, v42;
	v42 =	vmul.f32 v39, v39;
	v50 =	vld [tilespmem:s25+$0x10EF0]  }
0x2cb: {  	v32 =	vmul.f32 v32, v46;
	v48 =	vadd.f32 v30, v48;
	v30 =	vmul.f32 v31, v31;
	v51 =	vld [tilespmem:s25+$0x10EB0]  }
0x2cc: {  	v52 =	vshra.s32 v33, $0x1;
	v53 =	vmul.f32 $5.000000000e-01, v33;
	v33 =	vadd.f32 v42, v44  }
0x2cd: {  	v32 =	vsub.f32 $1.500000000e+00, v32;
	v42 =	vsub.s32 $0x5F3759DF, v52;
	v44 =	vperm.xlane v48, v4  }
0x2ce: {  	v49 =	vadd.f32 v30, v49;
	v30 =	vsel vm0, v43, v41;
	v52 =	vmul.f32 v42, v53  }
0x2cf: {  	v41 =	vmul.f32 v32, v46;
	v43 =	vadd.f32 v48, v44;
	v32 =	vsel vm0, v47, v45  }
0x2d0: {  	v45 =	vadd.f32 v49, v33;
	v44 =	vmul.f32 v42, v52;
	v33 =	vsel vm0, v50, v51  }
0x2d1: {  	v25 =	vmul.f32 v41, v25;
	v21 =	vmul.f32 v41, v21  }
0x2d2: {  	v22 =	vmul.f32 v41, v22;
	v23 =	vmul.f32 v41, v23;
	v41 =	vsub.f32 $1.500000000e+00, v44  }
0x2d3: {  	v44 =	vperm.xlane v45, v2;
	[tilespmem:s25+$0x18C80] =	vst v25;
	v25 =	vperm.xlane v43, v5  }
0x2d4: {  	[tilespmem:s25+$0x18C90] =	vst v21;
	v21 =	vmul.f32 v42, v41;
	v41 =	vmul.f32 v28, v28  }
0x2d5: {  	v42 =	vmul.f32 v30, v30;
	[tilespmem:s25+$0x18CA0] =	vst v22;
	v22 =	vadd.f32 v43, v25;
	v25 =	vadd.f32 v45, v44;
	v43 =	vld [tilespmem:s25+$0x10F40]  }
0x2d6: {  	v44 =	vmul.f32 v32, v32;
	[tilespmem:s25+$0x18CB0] =	vst v23;
	v23 =	vmul.f32 v21, v53;
	v45 =	vld [tilespmem:s25+$0x10F00]  }
0x2d7: {  	v41 =	vadd.f32 v42, v41;
	v22 =	vmul.f32 $1.562500000e-02, v22;
	v46 =	vperm.xlane v25, v3;
	v42 =	vld [tilespmem:s25+$0x10F50]  }
0x2d8: {  	v47 =	vmul.f32 v33, v33;
	v23 =	vmul.f32 v23, v21;
	v48 =	vld [tilespmem:s25+$0x10F10]  }
0x2d9: {  	v22 =	vadd.f32 $9.999999970e-07, v22;
	v25 =	vadd.f32 v25, v46;
	v46 =	vperm.xlane v20, v18;
	v49 =	vld [tilespmem:s25+$0x10F60]  }
0x2da: {  	v50 =	vperm.xlane v20, v19;
	v44 =	vadd.f32 v47, v44;
	v23 =	vsub.f32 $1.500000000e+00, v23;
	v47 =	vld [tilespmem:s25+$0x10F20]  }
0x2db: {  	v20 =	vshra.s32 v22, $0x1;
	v22 =	vmul.f32 $5.000000000e-01, v22;
	v51 =	vperm.xlane v25, v4;
	v52 =	vld [tilespmem:s25+$0x10F70]  }
0x2dc: {  	v41 =	vadd.f32 v44, v41;
	v21 =	vmul.f32 v23, v21;
	v53 =	vsub.s32 $0x5F3759DF, v20;
	v44 =	vld [tilespmem:s25+$0x10F30]  }
0x2dd: {  	vm0 =	vgt.s32 v46, $0x0;
	v23 =	vmul.f32 v53, v22;
	v51 =	vadd.f32 v25, v51  }
0x2de: {  	v20 =	vsel vm0, v43, v45;
	v24 =	vmul.f32 v21, v24;
	v25 =	vmul.f32 v21, v29  }
0x2df: {  	v29 =	vmul.f32 v21, v37;
	v37 =	vmul.f32 v21, v38;
	v21 =	vsel vm0, v42, v48;
	v38 =	vld [tilespmem:s25+$0x10FC0]  }
0x2e0: {  	v42 =	vperm.xlane v51, v5;
	[tilespmem:s25+$0x18D00] =	vst v24;
	v24 =	vmul.f32 v53, v23;
	v23 =	vsel vm0, v49, v47;
	v43 =	vld [tilespmem:s25+$0x10F80]  }
0x2e1: {  	v45 =	vperm.xlane v41, v2;
	[tilespmem:s25+$0x18D10] =	vst v25;
	v25 =	vsel vm0, v52, v44;
	v44 =	vmul.f32 v20, v20;
	v46 =	vld [tilespmem:s25+$0x10FD0]  }
0x2e2: {  	[tilespmem:s25+$0x18D20] =	vst v29;
	v24 =	vsub.f32 $1.500000000e+00, v24;
	v29 =	vadd.f32 v51, v42;
	v42 =	vmul.f32 v21, v21;
	v47 =	vld [tilespmem:s25+$0x10F90]  }
0x2e3: {  	[tilespmem:s25+$0x18D30] =	vst v37;
	v37 =	vadd.f32 v41, v45;
	v41 =	vmul.f32 v23, v23;
	v45 =	vmul.f32 v25, v25;
	v48 =	vld [tilespmem:s25+$0x10FE0]  }
0x2e4: {  	v49 =	vmul.f32 v53, v24;
	v24 =	vmul.f32 $1.562500000e-02, v29;
	v29 =	vadd.f32 v42, v44;
	v42 =	vld [tilespmem:s25+$0x10FA0]  }
0x2e5: {  	vm0 =	vgt.s32 v50, $0x0;
	v44 =	vperm.xlane v37, v3;
	v41 =	vadd.f32 v45, v41;
	v45 =	vld [tilespmem:s25+$0x10FF0]  }
0x2e6: {  	v50 =	vmul.f32 v49, v22;
	v51 =	vadd.f32 $9.999999970e-07, v24;
	v22 =	vsel vm0, v38, v43;
	v38 =	vld [tilespmem:s25+$0x10FB0]  }
0x2e7: {  	v37 =	vadd.f32 v37, v44;
	v41 =	vadd.f32 v41, v29;
	v24 =	vsel vm0, v46, v47  }
0x2e8: {  	v29 =	vmul.f32 v50, v49;
	v43 =	vshra.s32 v51, $0x1;
	v44 =	vmul.f32 $5.000000000e-01, v51  }
0x2e9: {  	v43 =	vsub.s32 $0x5F3759DF, v43;
	v46 =	vperm.xlane v37, v4;
	v47 =	vperm.xlane v41, v2  }
0x2ea: {  	v50 =	vsub.f32 $1.500000000e+00, v29;
	v51 =	vmul.f32 v43, v44;
	v29 =	vsel vm0, v48, v42  }
0x2eb: {  	v42 =	vadd.f32 v37, v46;
	v41 =	vadd.f32 v41, v47;
	v37 =	vsel vm0, v45, v38  }
0x2ec: {  	v38 =	vmul.f32 v50, v49;
	v45 =	vmul.f32 v43, v51  }
0x2ed: {  	v46 =	vperm.xlane v42, v5;
	v47 =	vperm.xlane v41, v3  }
0x2ee: {  	v26 =	vmul.f32 v38, v26;
	v34 =	vmul.f32 v38, v34;
	v45 =	vsub.f32 $1.500000000e+00, v45  }
0x2ef: {  	v27 =	vmul.f32 v38, v27;
	v35 =	vmul.f32 v38, v35;
	v38 =	vadd.f32 v42, v46  }
0x2f0: {  	v41 =	vadd.f32 v41, v47;
	v42 =	vmul.f32 v22, v22;
	[tilespmem:s25+$0x18D80] =	vst v26;
	v26 =	vmul.f32 v43, v45  }
0x2f1: {  	[tilespmem:s25+$0x18D90] =	vst v34;
	v34 =	vmul.f32 $1.562500000e-02, v38;
	v38 =	vmul.f32 v24, v24  }
0x2f2: {  	v43 =	vperm.xlane v41, v4;
	[tilespmem:s25+$0x18DA0] =	vst v27;
	v27 =	vmul.f32 v26, v44  }
0x2f3: {  	v44 =	vmul.f32 v37, v37;
	[tilespmem:s25+$0x18DB0] =	vst v35;
	v34 =	vadd.f32 $9.999999970e-07, v34;
	v35 =	vmul.f32 v29, v29  }
0x2f4: {  	v41 =	vadd.f32 v41, v43;
	v38 =	vadd.f32 v38, v42;
	v27 =	vmul.f32 v27, v26  }
0x2f5: {  	v42 =	vshra.s32 v34, $0x1;
	v34 =	vmul.f32 $5.000000000e-01, v34;
	v35 =	vadd.f32 v44, v35  }
0x2f6: {  	v43 =	vperm.xlane v41, v5;
	v27 =	vsub.f32 $1.500000000e+00, v27;
	v42 =	vsub.s32 $0x5F3759DF, v42  }
0x2f7: {  	v44 =	vmul.f32 v42, v34;
	v35 =	vadd.f32 v35, v38  }
0x2f8: {  	v26 =	vmul.f32 v27, v26;
	v27 =	vadd.f32 v41, v43  }
0x2f9: {  	v38 =	vmul.f32 v42, v44;
	v41 =	vperm.xlane v35, v2  }
0x2fa: {  	v36 =	vmul.f32 v26, v36;
	v39 =	vmul.f32 v26, v39  }
0x2fb: {  	v40 =	vmul.f32 v26, v40;
	v26 =	vmul.f32 v26, v31;
	v31 =	vsub.f32 $1.500000000e+00, v38  }
0x2fc: {  	v27 =	vmul.f32 $1.562500000e-02, v27;
	v35 =	vadd.f32 v35, v41;
	[tilespmem:s25+$0x18E00] =	vst v36  }
0x2fd: {  	[tilespmem:s25+$0x18E10] =	vst v39;
	v31 =	vmul.f32 v42, v31  }
0x2fe: {  	v27 =	vadd.f32 $9.999999970e-07, v27;
	v36 =	vperm.xlane v35, v3;
	[tilespmem:s25+$0x18E20] =	vst v40  }
0x2ff: {  	[tilespmem:s25+$0x18E30] =	vst v26;
	v26 =	vmul.f32 v31, v34  }
0x300: {  	v34 =	vshra.s32 v27, $0x1;
	v27 =	vmul.f32 $5.000000000e-01, v27;
	v35 =	vadd.f32 v35, v36  }
0x301: {  	v34 =	vsub.s32 $0x5F3759DF, v34;
	v26 =	vmul.f32 v26, v31  }
0x302: {  	v36 =	vmul.f32 v34, v27;
	v38 =	vperm.xlane v35, v4  }
0x303: {  	v26 =	vsub.f32 $1.500000000e+00, v26  }
0x304: {  	v36 =	vmul.f32 v34, v36;
	v35 =	vadd.f32 v35, v38  }
0x305: {  	v26 =	vmul.f32 v26, v31  }
0x306: {  	v31 =	vsub.f32 $1.500000000e+00, v36;
	v36 =	vperm.xlane v35, v5  }
0x307: {  	v28 =	vmul.f32 v26, v28;
	v30 =	vmul.f32 v26, v30  }
0x308: {  	v32 =	vmul.f32 v26, v32;
	v26 =	vmul.f32 v26, v33;
	v33 =	vadd.f32 v35, v36  }
0x309: {  	[tilespmem:s25+$0x18E80] =	vst v28;
	v28 =	vmul.f32 v34, v31  }
0x30a: {  	[tilespmem:s25+$0x18E90] =	vst v30;
	v30 =	vmul.f32 $1.562500000e-02, v33  }
0x30b: {  	[tilespmem:s25+$0x18EA0] =	vst v32;
	v27 =	vmul.f32 v28, v27  }
0x30c: {  	[tilespmem:s25+$0x18EB0] =	vst v26;
	v26 =	vadd.f32 $9.999999970e-07, v30  }
0x30d: {  	v27 =	vmul.f32 v27, v28  }
0x30e: {  	v30 =	vshra.s32 v26, $0x1;
	v26 =	vmul.f32 $5.000000000e-01, v26  }
0x30f: {  	v27 =	vsub.f32 $1.500000000e+00, v27;
	v30 =	vsub.s32 $0x5F3759DF, v30  }
0x310: {  	v31 =	vmul.f32 v30, v26  }
0x311: {  	v27 =	vmul.f32 v27, v28  }
0x312: {  	v28 =	vmul.f32 v30, v31  }
0x313: {  	v20 =	vmul.f32 v27, v20;
	v21 =	vmul.f32 v27, v21  }
0x314: {  	v23 =	vmul.f32 v27, v23;
	v27 =	vmul.f32 v27, v25;
	v25 =	vsub.f32 $1.500000000e+00, v28  }
0x315: {  	[tilespmem:s25+$0x18F00] =	vst v20  }
0x316: {  	s29 =	sshra.s32 s26, $0x2;
	[tilespmem:s25+$0x18F10] =	vst v21;
	v20 =	vmul.f32 v30, v25  }
0x317: {  	v21 =	vld [tilespmem:s29+$0x10840];
	[tilespmem:s25+$0x18F20] =	vst v23  }
0x318: {  	v25 =	vld [tilespmem:s29+$0x10800];
	[tilespmem:s25+$0x18F30] =	vst v27;
	v23 =	vmul.f32 v20, v26  }
0x319: {  	v27 =	vld [tilespmem:s29+$0x10850]  }
0x31a: {  	v28 =	vld [tilespmem:s29+$0x10810];
	v23 =	vmul.f32 v23, v20  }
0x31b: {  	v30 =	vld [tilespmem:s29+$0x10860]  }
0x31c: {  	v31 =	vld [tilespmem:s29+$0x10820];
	v23 =	vsub.f32 $1.500000000e+00, v23  }
0x31d: {  	v32 =	vld [tilespmem:s29+$0x10870]  }
0x31e: {  	v35 =	vld [tilespmem:s29+$0x10830];
	v20 =	vmul.f32 v23, v20  }
0x31f: {  	v23 =	vld [tilespmem:s29+$0x108C0]  }
0x320: {  	v26 =	vld [tilespmem:s29+$0x10880];
	v33 =	vmul.f32 v20, v22;
	v34 =	vmul.f32 v20, v24  }
0x321: {  	v36 =	vmul.f32 v20, v29;
	v20 =	vmul.f32 v20, v37;
	v22 =	vld [tilespmem:s29+$0x108D0]  }
0x322: {  	v24 =	vld [tilespmem:s29+$0x10890];
	[tilespmem:s25+$0x18F80] =	vst v33  }
.Ltmp1:
0x323: {  	v29 =	vld [tilespmem:s29+$0x108E0];
	[tilespmem:s25+$0x18F90] =	vst v34;
	(pc) =	sbr.rel @p0 .LBB2_5-.Ltmp1, $4  }
0x324: {  	v34 =	vld [tilespmem:s29+$0x108A0];
	[tilespmem:s25+$0x18FA0] =	vst v36  }
0x325: {  	s28 =	sadd.s32 $0x10, s28;
	v33 =	vld [tilespmem:s29+$0x108F0];
	[tilespmem:s25+$0x18FB0] =	vst v20;
	s25 =	smov.u32 s29  }
0x326: {  	v20 =	vld [tilespmem:s28+$0x0]  }
0x327: {  	s26 =	sadd.s32 $0x2000, s26;
	v45 =	vld [tilespmem:s25+$0x108B0]  }
0x328: {  	_ =	sdelay $0x2  }
0x329: {  	v20 =	vand.u32 $0x1, v20  }
0x32a: {  	v36 =	vperm.xlane v20, v1  }
0x32b: {  	v37 =	vperm.xlane v20, v0  }
0x32c: {  	v48 =	vld [tilespmem:s25+$0x10940];
	vm0 =	vgt.s32 v36, $0x0  }
0x32d: {  	v51 =	vld [tilespmem:s25+$0x10900];
	vm13 =	vgt.s32 v37, $0x0;
	v40 =	vsel vm0, v21, v25  }
0x32e: {  	v41 =	vld [tilespmem:s25+$0x10950];
	v39 =	vsel vm0, v27, v28;
	v38 =	vsel vm0, v30, v31;
	v36 =	vsel vm0, v32, v35  }
0x32f: {  	v53 =	vld [tilespmem:s25+$0x10910];
	v37 =	vsel vm13, v23, v26;
	v21 =	vmul.f32 v40, v40;
	v47 =	vmul.f32 v39, v39  }
0x330: {  	v54 =	vld [tilespmem:s25+$0x10960];
	v35 =	vsel vm13, v22, v24;
	v49 =	vmul.f32 v38, v38;
	v50 =	vmul.f32 v36, v36  }
0x331: {  	v55 =	vld [tilespmem:s25+$0x10920];
	v34 =	vsel vm13, v29, v34;
	v33 =	vsel vm13, v33, v45;
	v23 =	vmul.f32 v37, v37  }
0x332: {  	v58 =	vld [tilespmem:s25+$0x10970];
	v56 =	vmul.f32 v35, v35;
	v21 =	vadd.f32 v47, v21;
	v52 =	vadd.f32 v50, v49  }
0x333: {  	v42 =	vld [tilespmem:s25+$0x10930];
	v57 =	vmul.f32 v34, v34;
	v59 =	vmul.f32 v33, v33  }
0x334: {  	v43 =	vld [tilespmem:s25+$0x109D0];
	v61 =	vperm.xlane v20, v6;
	v21 =	vadd.f32 v52, v21  }
0x335: {  	v44 =	vld [tilespmem:s25+$0x10990];
	v23 =	vadd.f32 v56, v23;
	v26 =	vadd.f32 v59, v57  }
0x336: {  	v63 =	vld [tilespmem:s25+$0x109E0];
	vm14 =	vgt.s32 v61, $0x0;
	v60 =	vperm.xlane v21, v2  }
0x337: {  	v25 =	vld [tilespmem:s25+$0x109C0];
	v32 =	vsel vm14, v48, v51;
	v23 =	vadd.f32 v26, v23  }
0x338: {  	v30 =	vld [tilespmem:s25+$0x10980];
	v27 =	vsel vm14, v54, v55;
	v55 =	vmul.f32 v32, v32;
	v21 =	vadd.f32 v21, v60  }
0x339: {  	v48 =	vld [tilespmem:s25+$0x109A0];
	v31 =	vsel vm14, v41, v53;
	v47 =	vperm.xlane v20, v7;
	v46 =	vperm.xlane v23, v2  }
0x33a: {  	v56 =	vmul.f32 v31, v31;
	v26 =	vsel vm14, v58, v42;
	v62 =	vperm.xlane v21, v3  }
0x33b: {  	v54 =	vld [tilespmem:s25+$0x109B0];
	v58 =	vmul.f32 v27, v27;
	v23 =	vadd.f32 v23, v46;
	v60 =	vmul.f32 v26, v26  }
0x33c: {  	v52 =	vld [tilespmem:s25+$0x109F0];
	vm15 =	vgt.s32 v47, $0x0;
	v59 =	vadd.f32 v56, v55;
	v21 =	vadd.f32 v21, v62  }
0x33d: {  	v28 =	vsel vm15, v25, v30;
	v57 =	vperm.xlane v23, v3;
	v24 =	vadd.f32 v60, v58  }
0x33e: {  	v29 =	vsel vm15, v43, v44;
	v30 =	vsel vm15, v63, v48;
	v53 =	vperm.xlane v21, v4  }
0x33f: {  	v63 =	vmul.f32 v28, v28;
	v23 =	vadd.f32 v23, v57;
	v24 =	vadd.f32 v24, v59  }
0x340: {  	v48 =	vmul.f32 v29, v29;
	v49 =	vmul.f32 v30, v30;
	v21 =	vadd.f32 v21, v53  }
0x341: {  	v25 =	vsel vm15, v52, v54;
	v62 =	vperm.xlane v23, v4;
	v50 =	vperm.xlane v24, v2  }
0x342: {  	v41 =	vadd.f32 v48, v63;
	v51 =	vmul.f32 v25, v25;
	v61 =	vperm.xlane v21, v5  }
0x343: {  	v22 =	vadd.f32 v23, v62;
	v23 =	vadd.f32 v24, v50  }
0x344: {  	v53 =	vadd.f32 v51, v49;
	v21 =	vadd.f32 v21, v61  }
0x345: {  	v52 =	vperm.xlane v22, v5;
	v55 =	vperm.xlane v23, v3  }
0x346: {  	v24 =	vadd.f32 v53, v41;
	v21 =	vmul.f32 $1.562500000e-02, v21  }
0x347: {  	v45 =	vld [tilespmem:s25+$0x10A40];
	v22 =	vadd.f32 v22, v52;
	v23 =	vadd.f32 v23, v55  }
0x348: {  	v42 =	vld [tilespmem:s25+$0x10A10];
	v57 =	vperm.xlane v20, v8;
	v58 =	vperm.xlane v24, v2;
	v21 =	vadd.f32 $9.999999970e-07, v21  }
0x349: {  	v43 =	vld [tilespmem:s25+$0x10A00];
	v22 =	vmul.f32 $1.562500000e-02, v22;
	v59 =	vperm.xlane v23, v4  }
0x34a: {  	v44 =	vld [tilespmem:s25+$0x10A50];
	v46 =	vadd.f32 v24, v58;
	v54 =	vshra.s32 v21, $0x1;
	v21 =	vmul.f32 $5.000000000e-01, v21  }
0x34b: {  	v49 =	vld [tilespmem:s25+$0x10A60];
	v22 =	vadd.f32 $9.999999970e-07, v22;
	v62 =	vadd.f32 v23, v59;
	v41 =	vsub.s32 $0x5F3759DF, v54  }
0x34c: {  	vm4 =	vgt.s32 v57, $0x0;
	v50 =	vld [tilespmem:s25+$0x10A20];
	v63 =	vperm.xlane v46, v3;
	v56 =	vmul.f32 v41, v21  }
0x34d: {  	v60 =	vshra.s32 v22, $0x1;
	v53 =	vmul.f32 $5.000000000e-01, v22;
	v57 =	vperm.xlane v62, v5  }
0x34e: {  	v58 =	vadd.f32 v46, v63;
	v54 =	vsub.s32 $0x5F3759DF, v60;
	v47 =	vmul.f32 v41, v56  }
0x34f: {  	v51 =	vld [tilespmem:s25+$0x10A70];
	v23 =	vsel vm4, v44, v42;
	v56 =	vmul.f32 v54, v53  }
0x350: {  	v52 =	vld [tilespmem:s25+$0x10A30];
	v42 =	vadd.f32 v62, v57;
	v46 =	vperm.xlane v58, v4;
	v61 =	vsub.f32 $1.500000000e+00, v47  }
0x351: {  	v24 =	vsel vm4, v45, v43;
	v22 =	vsel vm4, v49, v50;
	v43 =	vmul.f32 v54, v56  }
0x352: {  	v42 =	vmul.f32 $1.562500000e-02, v42;
	v44 =	vadd.f32 v58, v46;
	v41 =	vmul.f32 v41, v61  }
0x353: {  	v60 =	vmul.f32 v23, v23;
	v47 =	vmul.f32 v24, v24;
	v43 =	vsub.f32 $1.500000000e+00, v43  }
0x354: {  	v42 =	vadd.f32 $9.999999970e-07, v42;
	v55 =	vperm.xlane v44, v5;
	v59 =	vmul.f32 v41, v21  }
0x355: {  	v61 =	vmul.f32 v22, v22;
	v21 =	vsel vm4, v51, v52;
	v43 =	vmul.f32 v54, v43  }
0x356: {  	v57 =	vshra.s32 v42, $0x1;
	v52 =	vmul.f32 v21, v21;
	v45 =	vmul.f32 v59, v41  }
0x357: {  	v42 =	vmul.f32 $5.000000000e-01, v42;
	v47 =	vadd.f32 v60, v47;
	v53 =	vmul.f32 v43, v53  }
0x358: {  	v57 =	vsub.s32 $0x5F3759DF, v57;
	v46 =	vadd.f32 v52, v61;
	v45 =	vsub.f32 $1.500000000e+00, v45  }
0x359: {  	v44 =	vadd.f32 v44, v55;
	v59 =	vmul.f32 v57, v42;
	v53 =	vmul.f32 v53, v43  }
0x35a: {  	v61 =	vadd.f32 v46, v47;
	v41 =	vmul.f32 v45, v41  }
0x35b: {  	v62 =	vmul.f32 $1.562500000e-02, v44;
	v63 =	vsub.f32 $1.500000000e+00, v53;
	v53 =	vmul.f32 v57, v59  }
0x35c: {  	v48 =	vld [tilespmem:s25+$0x10AC0];
	v49 =	vperm.xlane v61, v2;
	v40 =	vmul.f32 v41, v40  }
0x35d: {  	v51 =	vld [tilespmem:s25+$0x10AD0];
	v59 =	vadd.f32 $9.999999970e-07, v62;
	v39 =	vmul.f32 v41, v39;
	v38 =	vmul.f32 v41, v38  }
0x35e: {  	v54 =	vld [tilespmem:s25+$0x10A90];
	v36 =	vmul.f32 v41, v36;
	v60 =	vmul.f32 v63, v43;
	v62 =	vsub.f32 $1.500000000e+00, v53  }
0x35f: {  	v50 =	vld [tilespmem:s25+$0x10A80];
	v63 =	vshra.s32 v59, $0x1;
	v53 =	vperm.xlane v20, v9;
	[tilespmem:s25+$0x18810] =	vst v39;
	v39 =	vmul.f32 $5.000000000e-01, v59  }
0x360: {  	v58 =	vld [tilespmem:s25+$0x10AB0];
	v44 =	vsub.s32 $0x5F3759DF, v63;
	v37 =	vmul.f32 v60, v37;
	v46 =	vmul.f32 v57, v62  }
0x361: {  	v55 =	vld [tilespmem:s25+$0x10AF0];
	[tilespmem:s25+$0x18820] =	vst v38;
	v35 =	vmul.f32 v60, v35;
	v38 =	vadd.f32 v61, v49;
	v34 =	vmul.f32 v60, v34  }
0x362: {  	v56 =	vld [tilespmem:s25+$0x10AE0];
	vm5 =	vgt.s32 v53, $0x0;
	v52 =	vmul.f32 v44, v39;
	v57 =	vmul.f32 v46, v42  }
0x363: {  	v45 =	vld [tilespmem:s25+$0x10AA0];
	[tilespmem:s25+$0x18830] =	vst v36;
	v33 =	vmul.f32 v60, v33;
	v36 =	vsel vm5, v51, v54;
	v59 =	vperm.xlane v38, v3  }
0x364: {  	v47 =	vld [tilespmem:s25+$0x10B00];
	[tilespmem:s25+$0x18880] =	vst v37;
	v37 =	vsel vm5, v48, v50;
	v41 =	vmul.f32 v44, v52;
	v61 =	vmul.f32 v57, v46  }
0x365: {  	v43 =	vld [tilespmem:s25+$0x10B40];
	v63 =	vmul.f32 v37, v37;
	v62 =	vadd.f32 v38, v59;
	v57 =	vmul.f32 v36, v36  }
0x366: {  	[tilespmem:s25+$0x188B0] =	vst v33;
	v50 =	vld [tilespmem:s25+$0x10B20];
	v33 =	vsel vm5, v55, v58;
	v60 =	vsub.f32 $1.500000000e+00, v41;
	v54 =	vsub.f32 $1.500000000e+00, v61  }
0x367: {  	[tilespmem:s25+$0x18890] =	vst v35;
	v38 =	vld [tilespmem:s25+$0x10B60];
	v59 =	vperm.xlane v62, v4;
	v35 =	vadd.f32 v57, v63;
	v63 =	vperm.xlane v20, v10  }
0x368: {  	[tilespmem:s25+$0x18800] =	vst v40;
	v49 =	vld [tilespmem:s25+$0x10B10];
	v41 =	vsel vm5, v56, v45;
	v40 =	vmul.f32 v44, v60;
	v44 =	vmul.f32 v54, v46  }
0x369: {  	v53 =	vld [tilespmem:s25+$0x10B30];
	v61 =	vmul.f32 v33, v33;
	v60 =	vmul.f32 v41, v41;
	v48 =	vadd.f32 v62, v59  }
0x36a: {  	v42 =	vld [tilespmem:s25+$0x10B50];
	vm6 =	vgt.s32 v63, $0x0;
	v39 =	vmul.f32 v40, v39;
	v32 =	vmul.f32 v44, v32  }
0x36b: {  	[tilespmem:s25+$0x188A0] =	vst v34;
	v46 =	vld [tilespmem:s25+$0x10B70];
	v34 =	vsel vm6, v43, v47;
	v31 =	vmul.f32 v44, v31;
	v27 =	vmul.f32 v44, v27  }
0x36c: {  	v38 =	vsel vm6, v38, v50;
	v58 =	vperm.xlane v48, v5;
	v26 =	vmul.f32 v44, v26  }
0x36d: {  	v43 =	vld [tilespmem:s25+$0x10BE0];
	v62 =	vadd.f32 v61, v60;
	v63 =	vmul.f32 v34, v34;
	v54 =	vmul.f32 v38, v38  }
0x36e: {  	v44 =	vld [tilespmem:s25+$0x10BA0];
	v39 =	vmul.f32 v39, v40;
	[tilespmem:s25+$0x18900] =	vst v32;
	v32 =	vperm.xlane v20, v11  }
0x36f: {  	v57 =	vadd.f32 v62, v35;
	v35 =	vsel vm6, v42, v49;
	v61 =	vadd.f32 v48, v58  }
0x370: {  	v42 =	vsel vm6, v46, v53;
	v53 =	vmul.f32 v35, v35;
	v39 =	vsub.f32 $1.500000000e+00, v39  }
0x371: {  	v51 =	vld [tilespmem:s25+$0x10B80];
	v60 =	vperm.xlane v57, v2;
	v62 =	vmul.f32 $1.562500000e-02, v61  }
0x372: {  	v55 =	vld [tilespmem:s25+$0x10BD0];
	[tilespmem:s25+$0x18910] =	vst v31;
	vm7 =	vgt.s32 v32, $0x0;
	v56 =	vmul.f32 v42, v42;
	v59 =	vmul.f32 v39, v40  }
0x373: {  	v45 =	vld [tilespmem:s25+$0x10BC0];
	[tilespmem:s25+$0x18920] =	vst v27;
	v27 =	vadd.f32 v53, v63;
	v31 =	vsel vm7, v43, v44;
	v40 =	vadd.f32 v57, v60  }
0x374: {  	v39 =	vld [tilespmem:s25+$0x10B90];
	v57 =	vadd.f32 $9.999999970e-07, v62;
	v28 =	vmul.f32 v59, v28;
	v29 =	vmul.f32 v59, v29  }
0x375: {  	v32 =	vld [tilespmem:s25+$0x10BF0];
	v60 =	vadd.f32 v56, v54;
	v30 =	vmul.f32 v59, v30;
	v52 =	vperm.xlane v40, v3  }
0x376: {  	v25 =	vmul.f32 v59, v25;
	v59 =	vld [tilespmem:s25+$0x10BB0];
	v61 =	vshra.s32 v57, $0x1;
	v47 =	vmul.f32 $5.000000000e-01, v57  }
0x377: {  	v27 =	vadd.f32 v60, v27;
	v63 =	vsub.s32 $0x5F3759DF, v61;
	v58 =	vadd.f32 v40, v52  }
0x378: {  	[tilespmem:s25+$0x18930] =	vst v26;
	v26 =	vsel vm7, v45, v51;
	v44 =	vmul.f32 v31, v31;
	v51 =	vmul.f32 v63, v47  }
0x379: {  	[tilespmem:s25+$0x18980] =	vst v28;
	v28 =	vsel vm7, v55, v39;
	v55 =	vperm.xlane v27, v2;
	v62 =	vperm.xlane v58, v4  }
0x37a: {  	v52 =	vmul.f32 v26, v26;
	v56 =	vmul.f32 v63, v51  }
0x37b: {  	v32 =	vsel vm7, v32, v59;
	v27 =	vadd.f32 v27, v55;
	v53 =	vadd.f32 v58, v62  }
0x37c: {  	[tilespmem:s25+$0x189B0] =	vst v25;
	v54 =	vmul.f32 v28, v28;
	v58 =	vmul.f32 v32, v32;
	v25 =	vsub.f32 $1.500000000e+00, v56  }
0x37d: {  	v46 =	vld [tilespmem:s25+$0x10C50];
	v60 =	vperm.xlane v27, v3;
	v57 =	vperm.xlane v53, v5  }
0x37e: {  	[tilespmem:s25+$0x189A0] =	vst v30;
	v40 =	vld [tilespmem:s25+$0x10C40];
	v30 =	vadd.f32 v54, v52;
	v44 =	vadd.f32 v58, v44;
	v25 =	vmul.f32 v63, v25  }
0x37f: {  	v45 =	vperm.xlane v20, v13;
	[tilespmem:s25+$0x18990] =	vst v29;
	v59 =	vld [tilespmem:s25+$0x10C00];
	v27 =	vadd.f32 v27, v60;
	v29 =	vadd.f32 v53, v57  }
0x380: {  	v39 =	vld [tilespmem:s25+$0x10C60];
	v62 =	vperm.xlane v20, v12;
	v30 =	vadd.f32 v44, v30;
	v47 =	vmul.f32 v25, v47  }
0x381: {  	v44 =	vld [tilespmem:s25+$0x10C20];
	v57 =	vperm.xlane v27, v4;
	v29 =	vmul.f32 $1.562500000e-02, v29  }
0x382: {  	vm9 =	vgt.s32 v45, $0x0;
	v61 =	vld [tilespmem:s25+$0x10C10];
	v63 =	vperm.xlane v30, v2;
	v47 =	vmul.f32 v47, v25  }
0x383: {  	vm8 =	vgt.s32 v62, $0x0;
	v51 =	vadd.f32 v27, v57;
	v29 =	vadd.f32 $9.999999970e-07, v29  }
0x384: {  	v50 =	vld [tilespmem:s25+$0x10C70];
	v49 =	vadd.f32 v30, v63;
	v30 =	vsel vm8, v40, v59;
	v59 =	vsub.f32 $1.500000000e+00, v47  }
0x385: {  	v52 =	vld [tilespmem:s25+$0x10C30];
	v63 =	vperm.xlane v51, v5;
	v58 =	vshra.s32 v29, $0x1;
	v54 =	vmul.f32 $5.000000000e-01, v29  }
0x386: {  	v40 =	vld [tilespmem:s25+$0x10CC0];
	v27 =	vsel vm8, v39, v44;
	v62 =	vperm.xlane v49, v3;
	v53 =	vsub.s32 $0x5F3759DF, v58  }
0x387: {  	v29 =	vsel vm8, v46, v61;
	v61 =	vld [tilespmem:s25+$0x10C80];
	v39 =	vmul.f32 v59, v25;
	v60 =	vmul.f32 v53, v54  }
0x388: {  	v48 =	vmul.f32 v30, v30;
	v44 =	vmul.f32 v27, v27;
	v58 =	vadd.f32 v49, v62  }
0x389: {  	v59 =	vadd.f32 v51, v63;
	v24 =	vmul.f32 v39, v24;
	v57 =	vmul.f32 v53, v60  }
0x38a: {  	v25 =	vsel vm8, v50, v52;
	v45 =	vmul.f32 v39, v23;
	v60 =	vperm.xlane v58, v4  }
0x38b: {  	v22 =	vmul.f32 v39, v22;
	v47 =	vmul.f32 $1.562500000e-02, v59;
	v43 =	vsub.f32 $1.500000000e+00, v57  }
0x38c: {  	v50 =	vld [tilespmem:s25+$0x10C90];
	v62 =	vmul.f32 v25, v25;
	v23 =	vsel vm9, v40, v61;
	v40 =	vadd.f32 v58, v60  }
0x38d: {  	v49 =	vld [tilespmem:s25+$0x10CD0];
	v21 =	vmul.f32 v39, v21;
	v47 =	vadd.f32 $9.999999970e-07, v47;
	v43 =	vmul.f32 v53, v43  }
0x38e: {  	[tilespmem:s25+$0x18A00] =	vst v24;
	v24 =	vadd.f32 v62, v44;
	v61 =	vmul.f32 v29, v29;
	v60 =	vperm.xlane v40, v5  }
0x38f: {  	v46 =	vld [tilespmem:s25+$0x10CE0];
	v63 =	vshra.s32 v47, $0x1;
	v47 =	vmul.f32 $5.000000000e-01, v47;
	v53 =	vmul.f32 v43, v54  }
0x390: {  	v52 =	vld [tilespmem:s25+$0x10CA0];
	v61 =	vadd.f32 v61, v48;
	v54 =	vsub.s32 $0x5F3759DF, v63;
	v57 =	vadd.f32 v40, v60  }
0x391: {  	v62 =	vmul.f32 v54, v47;
	v53 =	vmul.f32 v53, v43  }
0x392: {  	v39 =	vsel vm9, v49, v50;
	v58 =	vadd.f32 v24, v61;
	v60 =	vmul.f32 $1.562500000e-02, v57  }
0x393: {  	v55 =	vld [tilespmem:s25+$0x10CF0];
	[tilespmem:s25+$0x18A10] =	vst v45;
	v49 =	vmul.f32 v39, v39;
	v59 =	vmul.f32 v54, v62;
	v53 =	vsub.f32 $1.500000000e+00, v53  }
0x394: {  	[tilespmem:s25+$0x18A30] =	vst v21;
	v61 =	vmul.f32 v23, v23;
	v63 =	vld [tilespmem:s25+$0x10CB0];
	v45 =	vperm.xlane v58, v2;
	v21 =	vadd.f32 $9.999999970e-07, v60  }
0x395: {  	v40 =	vsel vm9, v46, v52;
	v24 =	vsub.f32 $1.500000000e+00, v59;
	v43 =	vmul.f32 v53, v43  }
0x396: {  	[tilespmem:s25+$0x18A20] =	vst v22;
	v56 =	vmul.f32 v40, v40;
	v22 =	vadd.f32 v58, v45;
	v48 =	vmul.f32 $5.000000000e-01, v21  }
0x397: {  	v51 =	vld [tilespmem:s25+$0x10D00];
	v21 =	vshra.s32 v21, $0x1;
	v24 =	vmul.f32 v54, v24;
	v62 =	vmul.f32 v43, v37  }
0x398: {  	v44 =	vld [tilespmem:s25+$0x10D60];
	v21 =	vsub.s32 $0x5F3759DF, v21;
	v36 =	vmul.f32 v43, v36;
	v41 =	vmul.f32 v43, v41  }
0x399: {  	v46 =	vld [tilespmem:s25+$0x10D40];
	v37 =	vsel vm9, v55, v63;
	v63 =	vperm.xlane v22, v3;
	v60 =	vmul.f32 v21, v48  }
0x39a: {  	v50 =	vld [tilespmem:s25+$0x10D10];
	v59 =	vadd.f32 v49, v61;
	v57 =	vmul.f32 v24, v47;
	v58 =	vmul.f32 v37, v37  }
0x39b: {  	v45 =	vld [tilespmem:s25+$0x10D50];
	[tilespmem:s25+$0x18A80] =	vst v62;
	v22 =	vadd.f32 v22, v63;
	v63 =	vperm.xlane v20, v14;
	v49 =	vmul.f32 v21, v60  }
0x39c: {  	v33 =	vmul.f32 v43, v33;
	[tilespmem:s25+$0x18A90] =	vst v36;
	v62 =	vld [tilespmem:s25+$0x10D20];
	v36 =	vmul.f32 v57, v24;
	v61 =	vadd.f32 v58, v56  }
0x39d: {  	v56 =	vperm.xlane v22, v4;
	vm10 =	vgt.s32 v63, $0x0;
	v49 =	vsub.f32 $1.500000000e+00, v49  }
0x39e: {  	[tilespmem:s25+$0x18AA0] =	vst v41;
	v36 =	vsub.f32 $1.500000000e+00, v36;
	v43 =	vadd.f32 v61, v59;
	v41 =	vsel vm10, v46, v51  }
0x39f: {  	v57 =	vld [tilespmem:s25+$0x10D70];
	v22 =	vadd.f32 v22, v56;
	v21 =	vmul.f32 v21, v49;
	v63 =	vmul.f32 v41, v41  }
0x3a0: {  	v58 =	vld [tilespmem:s25+$0x10D30];
	v24 =	vmul.f32 v36, v24;
	v59 =	vperm.xlane v43, v2  }
0x3a1: {  	[tilespmem:s25+$0x18AB0] =	vst v33;
	v36 =	vsel vm10, v45, v50;
	v33 =	vsel vm10, v44, v62;
	v60 =	vperm.xlane v22, v5  }
0x3a2: {  	v62 =	vmul.f32 v21, v48;
	v52 =	vmul.f32 v36, v36;
	v43 =	vadd.f32 v43, v59  }
0x3a3: {  	v47 =	vmul.f32 v33, v33;
	v34 =	vmul.f32 v24, v34;
	v22 =	vadd.f32 v22, v60  }
0x3a4: {  	v35 =	vmul.f32 v24, v35;
	v61 =	vperm.xlane v43, v3  }
0x3a5: {  	v38 =	vmul.f32 v24, v38;
	[tilespmem:s25+$0x18B00] =	vst v34;
	v34 =	vsel vm10, v57, v58;
	v22 =	vmul.f32 $1.562500000e-02, v22  }
0x3a6: {  	v24 =	vmul.f32 v24, v42;
	v53 =	vmul.f32 v34, v34;
	v42 =	vadd.f32 v43, v61  }
0x3a7: {  	v54 =	vmul.f32 v62, v21;
	v22 =	vadd.f32 $9.999999970e-07, v22  }
0x3a8: {  	[tilespmem:s25+$0x18B10] =	vst v35;
	v35 =	vadd.f32 v52, v63;
	v56 =	vadd.f32 v53, v47;
	v55 =	vperm.xlane v42, v4  }
0x3a9: {  	v57 =	vsub.f32 $1.500000000e+00, v54;
	v59 =	vshra.s32 v22, $0x1;
	v22 =	vmul.f32 $5.000000000e-01, v22  }
0x3aa: {  	v35 =	vadd.f32 v56, v35;
	v58 =	vadd.f32 v42, v55;
	v60 =	vsub.s32 $0x5F3759DF, v59  }
0x3ab: {  	v21 =	vmul.f32 v57, v21;
	v62 =	vmul.f32 v60, v22  }
0x3ac: {  	v63 =	vperm.xlane v35, v2;
	v61 =	vperm.xlane v58, v5  }
0x3ad: {  	v26 =	vmul.f32 v21, v26;
	v48 =	vmul.f32 v60, v62  }
0x3ae: {  	[tilespmem:s25+$0x18B20] =	vst v38;
	v28 =	vmul.f32 v21, v28;
	v35 =	vadd.f32 v35, v63;
	v38 =	vadd.f32 v58, v61  }
0x3af: {  	v31 =	vmul.f32 v21, v31;
	v21 =	vmul.f32 v21, v32;
	v54 =	vsub.f32 $1.500000000e+00, v48  }
0x3b0: {  	v55 =	vperm.xlane v35, v3;
	v53 =	vmul.f32 $1.562500000e-02, v38  }
0x3b1: {  	[tilespmem:s25+$0x18BB0] =	vst v21;
	v21 =	vmul.f32 v60, v54  }
0x3b2: {  	v46 =	vld [tilespmem:s25+$0x10DC0];
	[tilespmem:s25+$0x18B80] =	vst v26;
	v56 =	vadd.f32 v35, v55;
	v26 =	vadd.f32 $9.999999970e-07, v53  }
0x3b3: {  	v49 =	vld [tilespmem:s25+$0x10DD0];
	v22 =	vmul.f32 v21, v22  }
0x3b4: {  	v45 =	vld [tilespmem:s25+$0x10DE0];
	v58 =	vperm.xlane v56, v4;
	v57 =	vshra.s32 v26, $0x1;
	v32 =	vmul.f32 $5.000000000e-01, v26  }
0x3b5: {  	v43 =	vld [tilespmem:s25+$0x10D80];
	[tilespmem:s25+$0x18BA0] =	vst v31;
	v31 =	vsub.s32 $0x5F3759DF, v57;
	v22 =	vmul.f32 v22, v21  }
0x3b6: {  	[tilespmem:s25+$0x18B30] =	vst v24;
	v47 =	vld [tilespmem:s25+$0x10DA0];
	v24 =	vadd.f32 v56, v58;
	v59 =	vmul.f32 v31, v32  }
0x3b7: {  	v42 =	vld [tilespmem:s25+$0x10D90];
	v61 =	vperm.xlane v20, v15;
	v22 =	vsub.f32 $1.500000000e+00, v22  }
0x3b8: {  	v51 =	vld [tilespmem:s25+$0x10DF0];
	v62 =	vperm.xlane v24, v5;
	v60 =	vmul.f32 v31, v59  }
0x3b9: {  	v44 =	vld [tilespmem:s25+$0x10DB0];
	vm11 =	vgt.s32 v61, $0x0;
	v57 =	vmul.f32 v22, v21  }
0x3ba: {  	v26 =	vsel vm11, v46, v43;
	v63 =	vsub.f32 $1.500000000e+00, v60;
	v60 =	vadd.f32 v24, v62  }
0x3bb: {  	v21 =	vsel vm11, v45, v47;
	v62 =	vmul.f32 v26, v26;
	v22 =	vmul.f32 v57, v30  }
0x3bc: {  	v50 =	vld [tilespmem:s25+$0x10E10];
	v24 =	vsel vm11, v49, v42;
	v31 =	vmul.f32 v31, v63;
	v61 =	vmul.f32 $1.562500000e-02, v60  }
0x3bd: {  	v52 =	vld [tilespmem:s25+$0x10E60];
	[tilespmem:s25+$0x18B90] =	vst v28;
	v58 =	vmul.f32 v21, v21;
	v63 =	vmul.f32 v24, v24  }
0x3be: {  	v28 =	vld [tilespmem:s25+$0x10E40];
	[tilespmem:s25+$0x18C00] =	vst v22;
	v22 =	vsel vm11, v51, v44;
	v32 =	vmul.f32 v31, v32;
	v30 =	vadd.f32 $9.999999970e-07, v61  }
0x3bf: {  	v35 =	vld [tilespmem:s25+$0x10E00];
	v29 =	vmul.f32 v57, v29;
	v51 =	vmul.f32 v22, v22;
	v45 =	vadd.f32 v63, v62  }
0x3c0: {  	v38 =	vld [tilespmem:s25+$0x10E50];
	v32 =	vmul.f32 v32, v31;
	v59 =	vshra.s32 v30, $0x1;
	v30 =	vmul.f32 $5.000000000e-01, v30  }
0x3c1: {  	v48 =	vld [tilespmem:s25+$0x10E30];
	[tilespmem:s25+$0x18C10] =	vst v29;
	v44 =	vadd.f32 v51, v58;
	v51 =	vperm.xlane v20, v16;
	v29 =	vsub.s32 $0x5F3759DF, v59  }
0x3c2: {  	v55 =	vld [tilespmem:s25+$0x10E70];
	v27 =	vmul.f32 v57, v27;
	v60 =	vmul.f32 v29, v30  }
0x3c3: {  	v54 =	vld [tilespmem:s25+$0x10EE0];
	v32 =	vsub.f32 $1.500000000e+00, v32;
	v62 =	vadd.f32 v44, v45;
	vm12 =	vgt.s32 v51, $0x0  }
0x3c4: {  	v53 =	vld [tilespmem:s25+$0x10E20];
	v25 =	vmul.f32 v57, v25;
	v28 =	vsel vm12, v28, v35;
	v61 =	vmul.f32 v29, v60  }
0x3c5: {  	v43 =	vld [tilespmem:s25+$0x10EC0];
	[tilespmem:s25+$0x18C20] =	vst v27;
	v27 =	vsel vm12, v38, v50;
	v31 =	vmul.f32 v32, v31;
	v63 =	vperm.xlane v62, v2  }
0x3c6: {  	v46 =	vld [tilespmem:s25+$0x10ED0];
	[tilespmem:s25+$0x18C30] =	vst v25;
	v59 =	vmul.f32 v28, v28;
	v60 =	vmul.f32 v27, v27;
	v25 =	vsub.f32 $1.500000000e+00, v61  }
0x3c7: {  	v47 =	vld [tilespmem:s25+$0x10EA0];
	v23 =	vmul.f32 v31, v23;
	v32 =	vmul.f32 v31, v39;
	v56 =	vadd.f32 v62, v63  }
0x3c8: {  	v42 =	vld [tilespmem:s25+$0x10E80];
	v40 =	vmul.f32 v31, v40;
	v29 =	vmul.f32 v29, v25  }
0x3c9: {  	v49 =	vld [tilespmem:s25+$0x10E90];
	[tilespmem:s25+$0x18C80] =	vst v23;
	v58 =	vperm.xlane v56, v3;
	v25 =	vsel vm12, v52, v53;
	v23 =	vsel vm12, v55, v48  }
0x3ca: {  	v44 =	vld [tilespmem:s25+$0x10EF0];
	v61 =	vmul.f32 v25, v25;
	v48 =	vmul.f32 v23, v23  }
0x3cb: {  	v45 =	vld [tilespmem:s25+$0x10EB0];
	v57 =	vmul.f32 v31, v37;
	v30 =	vmul.f32 v29, v30;
	v31 =	vadd.f32 v56, v58  }
0x3cc: {  	v51 =	vld [tilespmem:s25+$0x10FA0];
	v62 =	vperm.xlane v20, v17;
	v38 =	vadd.f32 v60, v59;
	[tilespmem:s25+$0x18C90] =	vst v32;
	v32 =	vadd.f32 v48, v61  }
0x3cd: {  	v35 =	vld [tilespmem:s25+$0x10F00];
	v30 =	vmul.f32 v30, v29;
	v63 =	vperm.xlane v31, v4  }
0x3ce: {  	v50 =	vld [tilespmem:s25+$0x10F10];
	vm13 =	vgt.s32 v62, $0x0;
	v38 =	vadd.f32 v32, v38  }
0x3cf: {  	v37 =	vld [tilespmem:s25+$0x10F40];
	[tilespmem:s25+$0x18CB0] =	vst v57;
	v32 =	vsel vm13, v54, v47;
	v30 =	vsub.f32 $1.500000000e+00, v30;
	v57 =	vadd.f32 v31, v63  }
0x3d0: {  	v39 =	vld [tilespmem:s25+$0x10F20];
	v31 =	vsel vm13, v46, v49;
	v62 =	vmul.f32 v32, v32;
	v59 =	vperm.xlane v38, v2  }
0x3d1: {  	v53 =	vld [tilespmem:s25+$0x10F60];
	v61 =	vmul.f32 v31, v31;
	v56 =	vmul.f32 v30, v29;
	v30 =	vsel vm13, v43, v42  }
0x3d2: {  	v52 =	vld [tilespmem:s25+$0x10F70];
	v58 =	vperm.xlane v57, v5;
	v29 =	vsel vm13, v44, v45;
	v60 =	vmul.f32 v30, v30  }
0x3d3: {  	v42 =	vld [tilespmem:s25+$0x10F30];
	v38 =	vadd.f32 v38, v59;
	v54 =	vmul.f32 v29, v29;
	v41 =	vmul.f32 v56, v41  }
0x3d4: {  	[tilespmem:s25+$0x18CA0] =	vst v40;
	v40 =	vld [tilespmem:s25+$0x10F50];
	v36 =	vmul.f32 v56, v36;
	v43 =	vadd.f32 v57, v58;
	v33 =	vmul.f32 v56, v33  }
0x3d5: {  	v47 =	vld [tilespmem:s25+$0x10F80];
	v57 =	vperm.xlane v20, v18;
	v55 =	vperm.xlane v38, v3  }
0x3d6: {  	v46 =	vld [tilespmem:s25+$0x10FC0];
	v34 =	vmul.f32 v56, v34;
	v56 =	vadd.f32 v61, v60;
	[tilespmem:s25+$0x18D00] =	vst v41;
	v63 =	vmul.f32 $1.562500000e-02, v43  }
0x3d7: {  	v49 =	vld [tilespmem:s25+$0x10FD0];
	[tilespmem:s25+$0x18D20] =	vst v33;
	v43 =	vadd.f32 v54, v62;
	vm14 =	vgt.s32 v57, $0x0;
	v45 =	vadd.f32 v38, v55  }
0x3d8: {  	v44 =	vld [tilespmem:s25+$0x10F90];
	[tilespmem:s25+$0x18D30] =	vst v34;
	v35 =	vsel vm14, v37, v35;
	v33 =	vsel vm14, v53, v39;
	v34 =	vsel vm14, v52, v42  }
0x3d9: {  	[tilespmem:s25+$0x18D10] =	vst v36;
	v41 =	vld [tilespmem:s25+$0x10FE0];
	v36 =	vadd.f32 $9.999999970e-07, v63;
	v58 =	vadd.f32 v43, v56;
	v43 =	vperm.xlane v20, v19  }
0x3da: {  	v39 =	vld [tilespmem:s25+$0x10FF0];
	v20 =	vsel vm14, v40, v50;
	v40 =	vmul.f32 v35, v35;
	v62 =	vmul.f32 v33, v33  }
0x3db: {  	v50 =	vld [tilespmem:s25+$0x10FB0];
	v63 =	vmul.f32 v34, v34;
	v61 =	vmul.f32 v20, v20  }
0x3dc: {  	v60 =	vperm.xlane v45, v4;
	v48 =	vmul.f32 $5.000000000e-01, v36;
	v36 =	vshra.s32 v36, $0x1  }
0x3dd: {  	v59 =	vperm.xlane v58, v2;
	vm15 =	vgt.s32 v43, $0x0;
	v55 =	vsub.s32 $0x5F3759DF, v36  }
0x3de: {  	v40 =	vadd.f32 v61, v40;
	v61 =	vadd.f32 v63, v62;
	v43 =	vsel vm15, v46, v47  }
0x3df: {  	v37 =	vsel vm15, v49, v44;
	v38 =	vsel vm15, v41, v51;
	v56 =	vadd.f32 v58, v59  }
0x3e0: {  	v62 =	vmul.f32 v43, v43;
	v63 =	vmul.f32 v37, v37;
	v36 =	vsel vm15, v39, v50  }
0x3e1: {  	v52 =	vmul.f32 v38, v38;
	v40 =	vadd.f32 v61, v40;
	v53 =	vmul.f32 v36, v36  }
0x3e2: {  	v45 =	vadd.f32 v45, v60;
	v57 =	vmul.f32 v55, v48;
	v58 =	vperm.xlane v56, v3  }
0x3e3: {  	v39 =	vadd.f32 v63, v62;
	v59 =	vperm.xlane v40, v2;
	v60 =	vadd.f32 v53, v52  }
0x3e4: {  	v61 =	vmul.f32 v55, v57;
	v62 =	vadd.f32 v56, v58  }
0x3e5: {  	v63 =	vperm.xlane v45, v5;
	v40 =	vadd.f32 v40, v59;
	v39 =	vadd.f32 v60, v39  }
0x3e6: {  	v50 =	vsub.f32 $1.500000000e+00, v61;
	v51 =	vperm.xlane v62, v4  }
0x3e7: {  	v45 =	vadd.f32 v45, v63;
	v52 =	vperm.xlane v40, v3;
	v53 =	vperm.xlane v39, v2  }
0x3e8: {  	v41 =	vmul.f32 v55, v50;
	v42 =	vadd.f32 v62, v51  }
0x3e9: {  	v54 =	vmul.f32 $1.562500000e-02, v45;
	v40 =	vadd.f32 v40, v52;
	v39 =	vadd.f32 v39, v53  }
0x3ea: {  	v55 =	vmul.f32 v41, v48;
	v56 =	vperm.xlane v42, v5  }
0x3eb: {  	v44 =	vadd.f32 $9.999999970e-07, v54;
	v57 =	vperm.xlane v40, v4;
	v58 =	vperm.xlane v39, v3  }
0x3ec: {  	v45 =	vmul.f32 v55, v41;
	v42 =	vadd.f32 v42, v56  }
0x3ed: {  	v59 =	vshra.s32 v44, $0x1;
	v40 =	vadd.f32 v40, v57;
	v39 =	vadd.f32 v39, v58  }
0x3ee: {  	v44 =	vmul.f32 $5.000000000e-01, v44;
	v46 =	vsub.s32 $0x5F3759DF, v59;
	v42 =	vmul.f32 $1.562500000e-02, v42  }
0x3ef: {  	v45 =	vsub.f32 $1.500000000e+00, v45;
	v47 =	vperm.xlane v40, v5;
	v48 =	vperm.xlane v39, v4  }
0x3f0: {  	v60 =	vmul.f32 v46, v44;
	v42 =	vadd.f32 $9.999999970e-07, v42  }
0x3f1: {  	v41 =	vmul.f32 v45, v41;
	v40 =	vadd.f32 v40, v47;
	v39 =	vadd.f32 v39, v48  }
0x3f2: {  	v61 =	vmul.f32 v46, v60;
	v62 =	vshra.s32 v42, $0x1;
	v42 =	vmul.f32 $5.000000000e-01, v42  }
0x3f3: {  	v47 =	vsub.s32 $0x5F3759DF, v62;
	v40 =	vmul.f32 $1.562500000e-02, v40;
	v48 =	vperm.xlane v39, v5  }
0x3f4: {  	v45 =	vsub.f32 $1.500000000e+00, v61;
	v63 =	vmul.f32 v47, v42  }
0x3f5: {  	v26 =	vmul.f32 v41, v26;
	v40 =	vadd.f32 $9.999999970e-07, v40;
	v39 =	vadd.f32 v39, v48  }
0x3f6: {  	v45 =	vmul.f32 v46, v45;
	v52 =	vmul.f32 v47, v63  }
0x3f7: {  	v53 =	vshra.s32 v40, $0x1;
	v40 =	vmul.f32 $5.000000000e-01, v40;
	v39 =	vmul.f32 $1.562500000e-02, v39  }
0x3f8: {  	v44 =	vmul.f32 v45, v44;
	v46 =	vsub.f32 $1.500000000e+00, v52;
	v48 =	vsub.s32 $0x5F3759DF, v53  }
0x3f9: {  	v24 =	vmul.f32 v41, v24;
	v54 =	vmul.f32 v48, v40;
	v39 =	vadd.f32 $9.999999970e-07, v39  }
0x3fa: {  	v44 =	vmul.f32 v44, v45;
	v46 =	vmul.f32 v47, v46  }
0x3fb: {  	v55 =	vmul.f32 v48, v54;
	v56 =	vshra.s32 v39, $0x1;
	v39 =	vmul.f32 $5.000000000e-01, v39  }
0x3fc: {  	v44 =	vsub.f32 $1.500000000e+00, v44;
	v42 =	vmul.f32 v46, v42;
	v49 =	vsub.s32 $0x5F3759DF, v56  }
0x3fd: {  	v21 =	vmul.f32 v41, v21;
	v47 =	vsub.f32 $1.500000000e+00, v55;
	v57 =	vmul.f32 v49, v39  }
0x3fe: {  	v44 =	vmul.f32 v44, v45;
	v42 =	vmul.f32 v42, v46  }
0x3ff: {  	[tilespmem:s25+$0x18D80] =	vst v26;
	v58 =	vmul.f32 v48, v47;
	v59 =	vmul.f32 v49, v57  }
0x400: {  	v22 =	vmul.f32 v41, v22;
	[tilespmem:s25+$0x18D90] =	vst v24;
	v60 =	vmul.f32 v44, v28;
	v61 =	vsub.f32 $1.500000000e+00, v42  }
0x401: {  	[tilespmem:s25+$0x18DA0] =	vst v21;
	v62 =	vmul.f32 v44, v27;
	v63 =	vmul.f32 v58, v40;
	v47 =	vsub.f32 $1.500000000e+00, v59  }
0x402: {  	[tilespmem:s25+$0x18DB0] =	vst v22;
	v23 =	vmul.f32 v44, v23;
	v50 =	vmul.f32 v61, v46  }
0x403: {  	[tilespmem:s25+$0x18E00] =	vst v60;
	v51 =	vmul.f32 v63, v58;
	v52 =	vmul.f32 v49, v47  }
0x404: {  	[tilespmem:s25+$0x18E10] =	vst v62;
	v48 =	vmul.f32 v44, v25  }
0x405: {  	[tilespmem:s25+$0x18E30] =	vst v23;
	v53 =	vmul.f32 v50, v30;
	v54 =	vsub.f32 $1.500000000e+00, v51;
	v55 =	vmul.f32 v52, v39  }
0x406: {  	[tilespmem:s25+$0x18E20] =	vst v48;
	v56 =	vmul.f32 v50, v31;
	v28 =	vmul.f32 v50, v32  }
0x407: {  	[tilespmem:s25+$0x18E80] =	vst v53;
	v57 =	vmul.f32 v54, v58;
	v58 =	vmul.f32 v55, v52  }
0x408: {  	v59 =	vmul.f32 v50, v29;
	[tilespmem:s25+$0x18E90] =	vst v56  }
0x409: {  	[tilespmem:s25+$0x18EA0] =	vst v28;
	v60 =	vmul.f32 v57, v35;
	v22 =	vsub.f32 $1.500000000e+00, v58  }
0x40a: {  	[tilespmem:s25+$0x18EB0] =	vst v59;
	v20 =	vmul.f32 v57, v20  }
0x40b: {  	v61 =	vmul.f32 v57, v33;
	[tilespmem:s25+$0x18F00] =	vst v60;
	v22 =	vmul.f32 v22, v52  }
0x40c: {  	v21 =	vmul.f32 v57, v34;
	[tilespmem:s25+$0x18F10] =	vst v20  }
0x40d: {  	s23 =	sadd.s32 $0x1, s23;
	[tilespmem:s25+$0x18F20] =	vst v61;
	v20 =	vmul.f32 v22, v43  }
0x40e: {  	p0 =	sne.s32 s23, $0x64;
	[tilespmem:s25+$0x18F30] =	vst v21;
	v62 =	vmul.f32 v22, v37  }
.Ltmp2:
0x40f: {  	s24 =	sshll.u32 s24, $0xE;
	v63 =	vmul.f32 v22, v38;
	[tilespmem:s25+$0x18F80] =	vst v20;
	(pc) =	sbr.rel @p0 .LBB2_2-.Ltmp2, $4  }
0x410: {  	s24 =	sadd.s32 s7, s24;
	v20 =	vmul.f32 v22, v36;
	[tilespmem:s25+$0x18F90] =	vst v62  }
0x411: {  	s24 =	sshrl.u32 s24, $0x3;
	[tilespmem:s25+$0x18FA0] =	vst v63  }
0x412: {  	s22 =	sadd.s32 $0x100, s22;
	s21 =	sadd.s32 $0x100, s21;
	s24 =	sadd.s32 s4, s24;
	[tilespmem:s25+$0x18FB0] =	vst v20  }
0x413: {  	[hbm4b:s24+s3] =	stream.linear.scatter [tilespmem:s17], [sflag:$0x4], $0x4000, $0x38;
	[tilespmem:$0x1C800] =	vst v63  }
0x414: {  	_ =	swait.ge [sflag:s18], $0x4000  }
0x415: {  	[sflag:s18] =	ssyncset.done $0x0  }
0x416: {  	s20 =	sadd.s32 $0x1, s20;
	[sflag:s18] =	ssyncadd.s32 $0xFFFFC000  }
0x417: {  	p0 =	sne.s32 s20, s8;
	_ =	swait.ge [sflag:s19], $0x4000  }
.Ltmp3:
0x418: {  	[sflag:s19] =	ssyncset.done $0x0;
	(pc) =	sbr.rel @p0 .LBB2_1-.Ltmp3, $4  }
0x419: {  	[sflag:s19] =	ssyncadd.s32 $0xFFFFC000  }
0x41a: {  	_ =	swait.ge [sflag:s14], $0x4000  }
0x41b: {  	[sflag:s14] =	ssyncset.done $0x0  }
0x41c: {  	[sflag:s14] =	ssyncadd.s32 $0xFFFFC000  }
0x41d: {  	_ =	sfence.sel $0x180000  }
0x41e: {  	[bflag:$0x0] =	sbarrier.arrive $0xFFFF  }
0x41f: {  	p0 =	sne.s32 s1, $0x0;
	_ =	strace $0x90000047  }
0x420: {  	s0 =	sadd.s32 @!p0 $0x100000, s2;
	[bflag:$0x2] =	sbarrier.arrive $0xFFFF  }
0x421: {  	[sflag:s0] =	ssyncadd.tile.s32 @!p0 $0x1;
	_ =	shalt  }
.Lfunc_end2:
_tile_overlayer_lowered:
.L_overlay_start_2:
0x422: {  	(tag) =	ssettag $0x2  }
0x423: {  	s0 =	rddreg [dreg:$0x0];
	s2 =	stileid.u32  }
0x424: {  	s1 =	rddreg [dreg:$0x1];
	p0 =	sne.s32 s2, $0x0  }
0x425: {  	s3 =	rddreg [dreg:$0x2];
	[bflag:$0x3] =	sbarrier.arrive $0xFFFF;
	s2 =	simm.s32 @!p0 $0x1C05  }
0x426: {  	[timem:s3], [sflag:s2] =	dma.local @!p0 [hbm:s0], s1  }
0x427: {  	s0 =	simm.s32 @!p0 $0x5  }
0x428: {  	_ =	swait.ge @!p0 [sflag:s0], s1  }
0x429: {  	s1 =	ssub.s32 @!p0 $0x0, s1;
	[sflag:s0] =	ssyncset.done @!p0 $0x0  }
0x42a: {  	[sflag:s0] =	ssyncadd.s32 @!p0 s1  }
0x42b: {  	[bflag:$0x3] =	sbarrier.arrive $0xFFFF  }
0x42c: {  	_ =	shalt  }

</sc_bundles>
